<compile_context>
chip_gen: v7x
topology: tpu7x:2x2x1
jax: 0.10.2.dev20260603
libtpu: 0.0.44.dev20260713+nightly
codegen_flags: <defaults>
</compile_context>

<pallas_src>
import functools

import jax
import jax.numpy as jnp
from jax import lax
from jax.experimental import pallas as pl
from jax.experimental.pallas import tpu as pltpu
from jax.experimental.pallas import tpu_sc as plsc

ROWS = 128
COLS = 32768
LANES = 16
GROUP = LANES * LANES
TCB = 2048
SEG = COLS // 2
SEGS_PER_ROW = COLS // SEG
NUM_CORES = 2
NUM_SUBCORES = 16
NUM_WORKERS = NUM_CORES * NUM_SUBCORES
ROWS_PER_WORKER = ROWS // NUM_WORKERS
NSEG = ROWS_PER_WORKER * SEGS_PER_ROW

_mesh = plsc.VectorSubcoreMesh(core_axis_name="c", subcore_axis_name="s")


def _mask_body(x_ref, m_ref, o_ref):
    o_ref[...] = jnp.where(m_ref[...] != 0, x_ref[...], 0.0)


_premask = pl.pallas_call(
    _mask_body,
    out_shape=jax.ShapeDtypeStruct((ROWS, COLS), jnp.float32),
    grid=(COLS // TCB,),
    in_specs=[
        pl.BlockSpec((ROWS, TCB), lambda j: (0, j)),
        pl.BlockSpec((ROWS, TCB), lambda j: (0, j)),
    ],
    out_specs=pl.BlockSpec((ROWS, TCB), lambda j: (0, j)),
)


@functools.partial(
    pl.kernel,
    mesh=_mesh,
    compiler_params=pltpu.CompilerParams(needs_layout_passes=False),
    out_type=jax.ShapeDtypeStruct((ROWS, COLS), jnp.float32),
    scratch_types=[
        pltpu.VMEM((SEG,), jnp.float32),
        pltpu.VMEM((SEG,), jnp.float32),
        pltpu.SemaphoreType.DMA,
        pltpu.SemaphoreType.DMA,
        pltpu.SemaphoreType.DMA,
        pltpu.SemaphoreType.DMA,
    ],
)
def _cumsum_sc(x_hbm, out_hbm, xb0, xb1, sx0, sx1, so0, so1):
    wid = lax.axis_index("s") * NUM_CORES + lax.axis_index("c")
    base16 = lax.iota(jnp.int32, LANES) * LANES
    xb, sx, so = [xb0, xb1], [sx0, sx1], [so0, so1]
    row0 = wid * ROWS_PER_WORKER

    def seg_slice(s):
        return (row0 + s // SEGS_PER_ROW, pl.ds((s % SEGS_PER_ROW) * SEG, SEG))

    cx, cout = {}, {}
    cx[0] = pltpu.async_copy(x_hbm.at[seg_slice(0)], xb[0], sx[0])
    carry = jnp.float32(0.0)
    for s in range(NSEG):
        p = s & 1
        cx[s].wait()
        xvb = xb[p]
        if s % SEGS_PER_ROW == 0:
            carry = jnp.float32(0.0)

        def group_body(g, carry, xvb=xvb):
            goff = g * GROUP
            idx = [base16 + (goff + j) for j in range(LANES)]
            cols = [plsc.load_gather(xvb, [idx[j]]) for j in range(LANES)]
            partial = cols[0]
            sums = [partial]
            for j in range(1, LANES):
                partial = partial + cols[j]
                sums.append(partial)
            lane_tot = sums[-1]
            incl = plsc.cumsum(lane_tot)
            excl_pc = incl - lane_tot + carry
            for j in range(LANES):
                plsc.store_scatter(xvb, [idx[j]], sums[j] + excl_pc)
            return carry + jnp.sum(lane_tot)

        half = SEG // GROUP // 2
        carry = lax.fori_loop(0, half, group_body, carry)
        if s + 1 < NSEG:
            if s >= 1:
                cout[s - 1].wait()
            cx[s + 1] = pltpu.async_copy(x_hbm.at[seg_slice(s + 1)], xb[1 - p], sx[1 - p])
        carry = lax.fori_loop(half, SEG // GROUP, group_body, carry)
        cout[s] = pltpu.async_copy(xb[p], out_hbm.at[seg_slice(s)], so[p])
    cout[NSEG - 2].wait()
    cout[NSEG - 1].wait()


def kernel(x, mask):
    return _cumsum_sc(_premask(x, mask.astype(jnp.int8)))

# --- scband reference (transcript-rebuilt; emitter-appended) ---
"""Pipeline reference for scband-model-new-10548439679732 (READ-ONLY COPY).

The authoritative reference and input builder live on the scoring server;
editing this copy changes nothing except your own understanding.
"""

import jax, jax.numpy as jnp
import numpy as np

def setup_inputs(seed: int = 0) -> dict:
    key = jax.random.key(seed)
    k1, k2 = jax.random.split(key)
    x = jax.random.normal(k1, (128, 32768), dtype=jnp.float32)
    mask = jax.random.randint(k2, (128, 32768), 0, 2).astype(jnp.bool_)
    return {"x": x, "mask": mask}

def reference(x, mask):
    # Masked cumulative sum along dim=1: elements where mask is False contribute 0.
    masked = jnp.where(mask, x, jnp.zeros_like(x))
    return jnp.cumsum(masked, axis=1)

if __name__ == "__main__":
    import jax
    _d = setup_inputs()
    print(jax.jit(kernel)(*tuple(_d.values())))

</pallas_src>

<mosaic_0001>
#map = affine_map<(d0, d1) -> (0, 0)>
module attributes {stable_mosaic.version = 14 : i64} {
  func.func @_cumsum_sc(%arg0: i32, %arg1: i32, %arg2: memref<128x32768xf32, #tpu.memory_space<hbm>>, %arg3: memref<128x32768xf32, #tpu.memory_space<hbm>>, %arg4: memref<16384xf32, #tpu.memory_space<vmem>>, %arg5: memref<16384xf32, #tpu.memory_space<vmem>>, %arg6: memref<!tpu.dma_semaphore, #tpu.memory_space<semaphore_mem>>, %arg7: memref<!tpu.dma_semaphore, #tpu.memory_space<semaphore_mem>>, %arg8: memref<!tpu.dma_semaphore, #tpu.memory_space<semaphore_mem>>, %arg9: memref<!tpu.dma_semaphore, #tpu.memory_space<semaphore_mem>>) attributes {dimension_semantics = [#tpu.dimension_semantics<core_parallel>, #tpu.dimension_semantics<subcore_parallel>], iteration_bounds = array<i64: 2, 16>, scalar_prefetch = 0 : i64, scratch_operands = 6 : i64, tpu.core_type = #tpu.core_type<sc_vector_subcore>, window_params = [{transform_indices = #map}, {transform_indices = #map}]} {
    %mul3A = arith.constant 2 : i32
    %mul3A_0 = arith.muli %arg1, %mul3A : i32
    %add3A = arith.addi %mul3A_0, %arg0 : i32
    %iota3A = tpu.iota {dimensions = array<i32: 0>} : vector<16xi32>
    %mul3A_1 = arith.constant 16 : i32
    %mul3A_2 = vector.broadcast %mul3A_1 : i32 to vector<16xi32>
    %mul3A_3 = arith.muli %iota3A, %mul3A_2 : vector<16xi32>
    %mul3A_4 = arith.constant 4 : i32
    %mul3A_5 = arith.muli %add3A, %mul3A_4 : i32
    %add3A_6 = arith.constant 0 : i32
    %add3A_7 = arith.addi %mul3A_5, %add3A_6 : i32
    %dma_start3A = arith.constant 0 : i32
    %dma_start3A_8 = tpu.memref_slice %arg2[%add3A_7, %dma_start3A] : memref<128x32768xf32, #tpu.memory_space<hbm>> -> memref<1x16384xf32, #tpu.memory_space<hbm>>
    %dma_start3A_9 = tpu.memref_squeeze %dma_start3A_8 : memref<1x16384xf32, #tpu.memory_space<hbm>> -> memref<16384xf32, #tpu.memory_space<hbm>>
    %dma_start3A_10 = arith.constant 0 : i32
    %dma_start3A_11 = tpu.memref_slice %arg2[%add3A_7, %dma_start3A_10] : memref<128x32768xf32, #tpu.memory_space<hbm>> -> memref<1x16384xf32, #tpu.memory_space<hbm>>
    %dma_start3A_12 = tpu.memref_squeeze %dma_start3A_11 : memref<1x16384xf32, #tpu.memory_space<hbm>> -> memref<16384xf32, #tpu.memory_space<hbm>>
    tpu.enqueue_dma source(%dma_start3A_12 : memref<16384xf32, #tpu.memory_space<hbm>>) target(%arg4 : memref<16384xf32, #tpu.memory_space<vmem>>) target_semaphore(%arg6 : memref<!tpu.dma_semaphore, #tpu.memory_space<semaphore_mem>>)
    %dma_wait3A = arith.constant 0 : i32
    %dma_wait3A_13 = tpu.memref_slice %arg2[%add3A_7, %dma_wait3A] : memref<128x32768xf32, #tpu.memory_space<hbm>> -> memref<1x16384xf32, #tpu.memory_space<hbm>>
    %dma_wait3A_14 = tpu.memref_squeeze %dma_wait3A_13 : memref<1x16384xf32, #tpu.memory_space<hbm>> -> memref<16384xf32, #tpu.memory_space<hbm>>
    %dma_wait3A_15 = arith.constant 0 : i32
    %dma_wait3A_16 = tpu.memref_slice %arg2[%add3A_7, %dma_wait3A_15] : memref<128x32768xf32, #tpu.memory_space<hbm>> -> memref<1x16384xf32, #tpu.memory_space<hbm>>
    %dma_wait3A_17 = tpu.memref_squeeze %dma_wait3A_16 : memref<1x16384xf32, #tpu.memory_space<hbm>> -> memref<16384xf32, #tpu.memory_space<hbm>>
    tpu.wait_dma2 semaphore(%arg6 : memref<!tpu.dma_semaphore, #tpu.memory_space<semaphore_mem>>) src(%dma_wait3A_17 : memref<16384xf32, #tpu.memory_space<hbm>>) dst(%arg4 : memref<16384xf32, #tpu.memory_space<vmem>>)
    %scan3A = arith.constant 0.000000e+00 : f32
    %scan3A_18 = arith.constant 0 : i32
    %scan3A_19 = arith.constant 32 : i32
    %scan3A_20 = arith.addi %scan3A_18, %scan3A_19 : i32
    %scan3A_21 = arith.constant 1 : i32
    %scan3A_22 = scf.for %scan3A_327 = %scan3A_18 to %scan3A_20 step %scan3A_21 iter_args(%scan3A_328 = %scan3A) -> (f32)  : i32 {
      %mul3A_329 = arith.constant 256 : i32
      %mul3A_330 = arith.muli %scan3A_327, %mul3A_329 : i32
      %add3A_331 = arith.constant 0 : i32
      %add3A_332 = arith.addi %mul3A_330, %add3A_331 : i32
      %add3A_333 = vector.broadcast %add3A_332 : i32 to vector<16xi32>
      %add3A_334 = arith.addi %mul3A_3, %add3A_333 : vector<16xi32>
      %add3A_335 = arith.constant 1 : i32
      %add3A_336 = arith.addi %mul3A_330, %add3A_335 : i32
      %add3A_337 = vector.broadcast %add3A_336 : i32 to vector<16xi32>
      %add3A_338 = arith.addi %mul3A_3, %add3A_337 : vector<16xi32>
      %add3A_339 = arith.constant 2 : i32
      %add3A_340 = arith.addi %mul3A_330, %add3A_339 : i32
      %add3A_341 = vector.broadcast %add3A_340 : i32 to vector<16xi32>
      %add3A_342 = arith.addi %mul3A_3, %add3A_341 : vector<16xi32>
      %add3A_343 = arith.constant 3 : i32
      %add3A_344 = arith.addi %mul3A_330, %add3A_343 : i32
      %add3A_345 = vector.broadcast %add3A_344 : i32 to vector<16xi32>
      %add3A_346 = arith.addi %mul3A_3, %add3A_345 : vector<16xi32>
      %add3A_347 = arith.constant 4 : i32
      %add3A_348 = arith.addi %mul3A_330, %add3A_347 : i32
      %add3A_349 = vector.broadcast %add3A_348 : i32 to vector<16xi32>
      %add3A_350 = arith.addi %mul3A_3, %add3A_349 : vector<16xi32>
      %add3A_351 = arith.constant 5 : i32
      %add3A_352 = arith.addi %mul3A_330, %add3A_351 : i32
      %add3A_353 = vector.broadcast %add3A_352 : i32 to vector<16xi32>
      %add3A_354 = arith.addi %mul3A_3, %add3A_353 : vector<16xi32>
      %add3A_355 = arith.constant 6 : i32
      %add3A_356 = arith.addi %mul3A_330, %add3A_355 : i32
      %add3A_357 = vector.broadcast %add3A_356 : i32 to vector<16xi32>
      %add3A_358 = arith.addi %mul3A_3, %add3A_357 : vector<16xi32>
      %add3A_359 = arith.constant 7 : i32
      %add3A_360 = arith.addi %mul3A_330, %add3A_359 : i32
      %add3A_361 = vector.broadcast %add3A_360 : i32 to vector<16xi32>
      %add3A_362 = arith.addi %mul3A_3, %add3A_361 : vector<16xi32>
      %add3A_363 = arith.constant 8 : i32
      %add3A_364 = arith.addi %mul3A_330, %add3A_363 : i32
      %add3A_365 = vector.broadcast %add3A_364 : i32 to vector<16xi32>
      %add3A_366 = arith.addi %mul3A_3, %add3A_365 : vector<16xi32>
      %add3A_367 = arith.constant 9 : i32
      %add3A_368 = arith.addi %mul3A_330, %add3A_367 : i32
      %add3A_369 = vector.broadcast %add3A_368 : i32 to vector<16xi32>
      %add3A_370 = arith.addi %mul3A_3, %add3A_369 : vector<16xi32>
      %add3A_371 = arith.constant 10 : i32
      %add3A_372 = arith.addi %mul3A_330, %add3A_371 : i32
      %add3A_373 = vector.broadcast %add3A_372 : i32 to vector<16xi32>
      %add3A_374 = arith.addi %mul3A_3, %add3A_373 : vector<16xi32>
      %add3A_375 = arith.constant 11 : i32
      %add3A_376 = arith.addi %mul3A_330, %add3A_375 : i32
      %add3A_377 = vector.broadcast %add3A_376 : i32 to vector<16xi32>
      %add3A_378 = arith.addi %mul3A_3, %add3A_377 : vector<16xi32>
      %add3A_379 = arith.constant 12 : i32
      %add3A_380 = arith.addi %mul3A_330, %add3A_379 : i32
      %add3A_381 = vector.broadcast %add3A_380 : i32 to vector<16xi32>
      %add3A_382 = arith.addi %mul3A_3, %add3A_381 : vector<16xi32>
      %add3A_383 = arith.constant 13 : i32
      %add3A_384 = arith.addi %mul3A_330, %add3A_383 : i32
      %add3A_385 = vector.broadcast %add3A_384 : i32 to vector<16xi32>
      %add3A_386 = arith.addi %mul3A_3, %add3A_385 : vector<16xi32>
      %add3A_387 = arith.constant 14 : i32
      %add3A_388 = arith.addi %mul3A_330, %add3A_387 : i32
      %add3A_389 = vector.broadcast %add3A_388 : i32 to vector<16xi32>
      %add3A_390 = arith.addi %mul3A_3, %add3A_389 : vector<16xi32>
      %add3A_391 = arith.constant 15 : i32
      %add3A_392 = arith.addi %mul3A_330, %add3A_391 : i32
      %add3A_393 = vector.broadcast %add3A_392 : i32 to vector<16xi32>
      %add3A_394 = arith.addi %mul3A_3, %add3A_393 : vector<16xi32>
      %gather3A = tpu.vector_load_idx %arg4[%add3A_334] : memref<16384xf32, #tpu.memory_space<vmem>>[vector<16xi32>], vector<16xf32>,
      %gather3A_395 = tpu.vector_load_idx %arg4[%add3A_338] : memref<16384xf32, #tpu.memory_space<vmem>>[vector<16xi32>], vector<16xf32>,
      %gather3A_396 = tpu.vector_load_idx %arg4[%add3A_342] : memref<16384xf32, #tpu.memory_space<vmem>>[vector<16xi32>], vector<16xf32>,
      %gather3A_397 = tpu.vector_load_idx %arg4[%add3A_346] : memref<16384xf32, #tpu.memory_space<vmem>>[vector<16xi32>], vector<16xf32>,
      %gather3A_398 = tpu.vector_load_idx %arg4[%add3A_350] : memref<16384xf32, #tpu.memory_space<vmem>>[vector<16xi32>], vector<16xf32>,
      %gather3A_399 = tpu.vector_load_idx %arg4[%add3A_354] : memref<16384xf32, #tpu.memory_space<vmem>>[vector<16xi32>], vector<16xf32>,
      %gather3A_400 = tpu.vector_load_idx %arg4[%add3A_358] : memref<16384xf32, #tpu.memory_space<vmem>>[vector<16xi32>], vector<16xf32>,
      %gather3A_401 = tpu.vector_load_idx %arg4[%add3A_362] : memref<16384xf32, #tpu.memory_space<vmem>>[vector<16xi32>], vector<16xf32>,
      %gather3A_402 = tpu.vector_load_idx %arg4[%add3A_366] : memref<16384xf32, #tpu.memory_space<vmem>>[vector<16xi32>], vector<16xf32>,
      %gather3A_403 = tpu.vector_load_idx %arg4[%add3A_370] : memref<16384xf32, #tpu.memory_space<vmem>>[vector<16xi32>], vector<16xf32>,
      %gather3A_404 = tpu.vector_load_idx %arg4[%add3A_374] : memref<16384xf32, #tpu.memory_space<vmem>>[vector<16xi32>], vector<16xf32>,
      %gather3A_405 = tpu.vector_load_idx %arg4[%add3A_378] : memref<16384xf32, #tpu.memory_space<vmem>>[vector<16xi32>], vector<16xf32>,
      %gather3A_406 = tpu.vector_load_idx %arg4[%add3A_382] : memref<16384xf32, #tpu.memory_space<vmem>>[vector<16xi32>], vector<16xf32>,
      %gather3A_407 = tpu.vector_load_idx %arg4[%add3A_386] : memref<16384xf32, #tpu.memory_space<vmem>>[vector<16xi32>], vector<16xf32>,
      %gather3A_408 = tpu.vector_load_idx %arg4[%add3A_390] : memref<16384xf32, #tpu.memory_space<vmem>>[vector<16xi32>], vector<16xf32>,
      %gather3A_409 = tpu.vector_load_idx %arg4[%add3A_394] : memref<16384xf32, #tpu.memory_space<vmem>>[vector<16xi32>], vector<16xf32>,
      %add3A_410 = arith.addf %gather3A, %gather3A_395 : vector<16xf32>
      %add3A_411 = arith.addf %add3A_410, %gather3A_396 : vector<16xf32>
      %add3A_412 = arith.addf %add3A_411, %gather3A_397 : vector<16xf32>
      %add3A_413 = arith.addf %add3A_412, %gather3A_398 : vector<16xf32>
      %add3A_414 = arith.addf %add3A_413, %gather3A_399 : vector<16xf32>
      %add3A_415 = arith.addf %add3A_414, %gather3A_400 : vector<16xf32>
      %add3A_416 = arith.addf %add3A_415, %gather3A_401 : vector<16xf32>
      %add3A_417 = arith.addf %add3A_416, %gather3A_402 : vector<16xf32>
      %add3A_418 = arith.addf %add3A_417, %gather3A_403 : vector<16xf32>
      %add3A_419 = arith.addf %add3A_418, %gather3A_404 : vector<16xf32>
      %add3A_420 = arith.addf %add3A_419, %gather3A_405 : vector<16xf32>
      %add3A_421 = arith.addf %add3A_420, %gather3A_406 : vector<16xf32>
      %add3A_422 = arith.addf %add3A_421, %gather3A_407 : vector<16xf32>
      %add3A_423 = arith.addf %add3A_422, %gather3A_408 : vector<16xf32>
      %add3A_424 = arith.addf %add3A_423, %gather3A_409 : vector<16xf32>
      %broadcast_in_dim3A = arith.constant true
      %broadcast_in_dim3A_425 = vector.broadcast %broadcast_in_dim3A : i1 to vector<16xi1>
      %masked_cumsum3A = tpu.scan <sum>, %add3A_424 masked %broadcast_in_dim3A_425 : vector<16xf32>, vector<16xi1> -> vector<16xf32>
      %sub3A = arith.subf %masked_cumsum3A, %add3A_424 : vector<16xf32>
      %add3A_426 = vector.broadcast %scan3A_328 : f32 to vector<16xf32>
      %add3A_427 = arith.addf %sub3A, %add3A_426 : vector<16xf32>
      %add3A_428 = arith.addf %gather3A, %add3A_427 : vector<16xf32>
      tpu.vector_store_idx %arg4[%add3A_334], %add3A_428 : memref<16384xf32, #tpu.memory_space<vmem>>[vector<16xi32>], vector<16xf32>,
      %add3A_429 = arith.addf %add3A_410, %add3A_427 : vector<16xf32>
      tpu.vector_store_idx %arg4[%add3A_338], %add3A_429 : memref<16384xf32, #tpu.memory_space<vmem>>[vector<16xi32>], vector<16xf32>,
      %add3A_430 = arith.addf %add3A_411, %add3A_427 : vector<16xf32>
      tpu.vector_store_idx %arg4[%add3A_342], %add3A_430 : memref<16384xf32, #tpu.memory_space<vmem>>[vector<16xi32>], vector<16xf32>,
      %add3A_431 = arith.addf %add3A_412, %add3A_427 : vector<16xf32>
      tpu.vector_store_idx %arg4[%add3A_346], %add3A_431 : memref<16384xf32, #tpu.memory_space<vmem>>[vector<16xi32>], vector<16xf32>,
      %add3A_432 = arith.addf %add3A_413, %add3A_427 : vector<16xf32>
      tpu.vector_store_idx %arg4[%add3A_350], %add3A_432 : memref<16384xf32, #tpu.memory_space<vmem>>[vector<16xi32>], vector<16xf32>,
      %add3A_433 = arith.addf %add3A_414, %add3A_427 : vector<16xf32>
      tpu.vector_store_idx %arg4[%add3A_354], %add3A_433 : memref<16384xf32, #tpu.memory_space<vmem>>[vector<16xi32>], vector<16xf32>,
      %add3A_434 = arith.addf %add3A_415, %add3A_427 : vector<16xf32>
      tpu.vector_store_idx %arg4[%add3A_358], %add3A_434 : memref<16384xf32, #tpu.memory_space<vmem>>[vector<16xi32>], vector<16xf32>,
      %add3A_435 = arith.addf %add3A_416, %add3A_427 : vector<16xf32>
      tpu.vector_store_idx %arg4[%add3A_362], %add3A_435 : memref<16384xf32, #tpu.memory_space<vmem>>[vector<16xi32>], vector<16xf32>,
      %add3A_436 = arith.addf %add3A_417, %add3A_427 : vector<16xf32>
      tpu.vector_store_idx %arg4[%add3A_366], %add3A_436 : memref<16384xf32, #tpu.memory_space<vmem>>[vector<16xi32>], vector<16xf32>,
      %add3A_437 = arith.addf %add3A_418, %add3A_427 : vector<16xf32>
      tpu.vector_store_idx %arg4[%add3A_370], %add3A_437 : memref<16384xf32, #tpu.memory_space<vmem>>[vector<16xi32>], vector<16xf32>,
      %add3A_438 = arith.addf %add3A_419, %add3A_427 : vector<16xf32>
      tpu.vector_store_idx %arg4[%add3A_374], %add3A_438 : memref<16384xf32, #tpu.memory_space<vmem>>[vector<16xi32>], vector<16xf32>,
      %add3A_439 = arith.addf %add3A_420, %add3A_427 : vector<16xf32>
      tpu.vector_store_idx %arg4[%add3A_378], %add3A_439 : memref<16384xf32, #tpu.memory_space<vmem>>[vector<16xi32>], vector<16xf32>,
      %add3A_440 = arith.addf %add3A_421, %add3A_427 : vector<16xf32>
      tpu.vector_store_idx %arg4[%add3A_382], %add3A_440 : memref<16384xf32, #tpu.memory_space<vmem>>[vector<16xi32>], vector<16xf32>,
      %add3A_441 = arith.addf %add3A_422, %add3A_427 : vector<16xf32>
      tpu.vector_store_idx %arg4[%add3A_386], %add3A_441 : memref<16384xf32, #tpu.memory_space<vmem>>[vector<16xi32>], vector<16xf32>,
      %add3A_442 = arith.addf %add3A_423, %add3A_427 : vector<16xf32>
      tpu.vector_store_idx %arg4[%add3A_390], %add3A_442 : memref<16384xf32, #tpu.memory_space<vmem>>[vector<16xi32>], vector<16xf32>,
      %add3A_443 = arith.addf %add3A_424, %add3A_427 : vector<16xf32>
      tpu.vector_store_idx %arg4[%add3A_394], %add3A_443 : memref<16384xf32, #tpu.memory_space<vmem>>[vector<16xi32>], vector<16xf32>,
      %reduce_sum3A = arith.constant true
      %reduce_sum3A_444 = vector.broadcast %reduce_sum3A : i1 to vector<16xi1>
      %reduce_sum3A_445 = tpu.scan <sum>, %add3A_424 masked %reduce_sum3A_444 : vector<16xf32>, vector<16xi1> -> vector<16xf32>
      %reduce_sum3A_446 = vector.extract %reduce_sum3A_445[15] : f32 from vector<16xf32>
      %add3A_447 = arith.addf %scan3A_328, %reduce_sum3A_446 : f32
      scf.yield %add3A_447 : f32
    }
    %scan3A_23 = arith.constant 32 : i32
    %add3A_24 = arith.constant 0 : i32
    %add3A_25 = arith.addi %mul3A_5, %add3A_24 : i32
    %dma_start3A_26 = arith.constant 16384 : i32
    %dma_start3A_27 = tpu.memref_slice %arg2[%add3A_25, %dma_start3A_26] : memref<128x32768xf32, #tpu.memory_space<hbm>> -> memref<1x16384xf32, #tpu.memory_space<hbm>>
    %dma_start3A_28 = tpu.memref_squeeze %dma_start3A_27 : memref<1x16384xf32, #tpu.memory_space<hbm>> -> memref<16384xf32, #tpu.memory_space<hbm>>
    %dma_start3A_29 = arith.constant 16384 : i32
    %dma_start3A_30 = tpu.memref_slice %arg2[%add3A_25, %dma_start3A_29] : memref<128x32768xf32, #tpu.memory_space<hbm>> -> memref<1x16384xf32, #tpu.memory_space<hbm>>
    %dma_start3A_31 = tpu.memref_squeeze %dma_start3A_30 : memref<1x16384xf32, #tpu.memory_space<hbm>> -> memref<16384xf32, #tpu.memory_space<hbm>>
    tpu.enqueue_dma source(%dma_start3A_31 : memref<16384xf32, #tpu.memory_space<hbm>>) target(%arg5 : memref<16384xf32, #tpu.memory_space<vmem>>) target_semaphore(%arg7 : memref<!tpu.dma_semaphore, #tpu.memory_space<semaphore_mem>>)
    %scan3A_32 = arith.constant 32 : i32
    %scan3A_33 = arith.constant 32 : i32
    %scan3A_34 = arith.addi %scan3A_32, %scan3A_33 : i32
    %scan3A_35 = arith.constant 1 : i32
    %scan3A_36 = scf.for %scan3A_327 = %scan3A_32 to %scan3A_34 step %scan3A_35 iter_args(%scan3A_328 = %scan3A_22) -> (f32)  : i32 {
      %mul3A_329 = arith.constant 256 : i32
      %mul3A_330 = arith.muli %scan3A_327, %mul3A_329 : i32
      %add3A_331 = arith.constant 0 : i32
      %add3A_332 = arith.addi %mul3A_330, %add3A_331 : i32
      %add3A_333 = vector.broadcast %add3A_332 : i32 to vector<16xi32>
      %add3A_334 = arith.addi %mul3A_3, %add3A_333 : vector<16xi32>
      %add3A_335 = arith.constant 1 : i32
      %add3A_336 = arith.addi %mul3A_330, %add3A_335 : i32
      %add3A_337 = vector.broadcast %add3A_336 : i32 to vector<16xi32>
      %add3A_338 = arith.addi %mul3A_3, %add3A_337 : vector<16xi32>
      %add3A_339 = arith.constant 2 : i32
      %add3A_340 = arith.addi %mul3A_330, %add3A_339 : i32
      %add3A_341 = vector.broadcast %add3A_340 : i32 to vector<16xi32>
      %add3A_342 = arith.addi %mul3A_3, %add3A_341 : vector<16xi32>
      %add3A_343 = arith.constant 3 : i32
      %add3A_344 = arith.addi %mul3A_330, %add3A_343 : i32
      %add3A_345 = vector.broadcast %add3A_344 : i32 to vector<16xi32>
      %add3A_346 = arith.addi %mul3A_3, %add3A_345 : vector<16xi32>
      %add3A_347 = arith.constant 4 : i32
      %add3A_348 = arith.addi %mul3A_330, %add3A_347 : i32
      %add3A_349 = vector.broadcast %add3A_348 : i32 to vector<16xi32>
      %add3A_350 = arith.addi %mul3A_3, %add3A_349 : vector<16xi32>
      %add3A_351 = arith.constant 5 : i32
      %add3A_352 = arith.addi %mul3A_330, %add3A_351 : i32
      %add3A_353 = vector.broadcast %add3A_352 : i32 to vector<16xi32>
      %add3A_354 = arith.addi %mul3A_3, %add3A_353 : vector<16xi32>
      %add3A_355 = arith.constant 6 : i32
      %add3A_356 = arith.addi %mul3A_330, %add3A_355 : i32
      %add3A_357 = vector.broadcast %add3A_356 : i32 to vector<16xi32>
      %add3A_358 = arith.addi %mul3A_3, %add3A_357 : vector<16xi32>
      %add3A_359 = arith.constant 7 : i32
      %add3A_360 = arith.addi %mul3A_330, %add3A_359 : i32
      %add3A_361 = vector.broadcast %add3A_360 : i32 to vector<16xi32>
      %add3A_362 = arith.addi %mul3A_3, %add3A_361 : vector<16xi32>
      %add3A_363 = arith.constant 8 : i32
      %add3A_364 = arith.addi %mul3A_330, %add3A_363 : i32
      %add3A_365 = vector.broadcast %add3A_364 : i32 to vector<16xi32>
      %add3A_366 = arith.addi %mul3A_3, %add3A_365 : vector<16xi32>
      %add3A_367 = arith.constant 9 : i32
      %add3A_368 = arith.addi %mul3A_330, %add3A_367 : i32
      %add3A_369 = vector.broadcast %add3A_368 : i32 to vector<16xi32>
      %add3A_370 = arith.addi %mul3A_3, %add3A_369 : vector<16xi32>
      %add3A_371 = arith.constant 10 : i32
      %add3A_372 = arith.addi %mul3A_330, %add3A_371 : i32
      %add3A_373 = vector.broadcast %add3A_372 : i32 to vector<16xi32>
      %add3A_374 = arith.addi %mul3A_3, %add3A_373 : vector<16xi32>
      %add3A_375 = arith.constant 11 : i32
      %add3A_376 = arith.addi %mul3A_330, %add3A_375 : i32
      %add3A_377 = vector.broadcast %add3A_376 : i32 to vector<16xi32>
      %add3A_378 = arith.addi %mul3A_3, %add3A_377 : vector<16xi32>
      %add3A_379 = arith.constant 12 : i32
      %add3A_380 = arith.addi %mul3A_330, %add3A_379 : i32
      %add3A_381 = vector.broadcast %add3A_380 : i32 to vector<16xi32>
      %add3A_382 = arith.addi %mul3A_3, %add3A_381 : vector<16xi32>
      %add3A_383 = arith.constant 13 : i32
      %add3A_384 = arith.addi %mul3A_330, %add3A_383 : i32
      %add3A_385 = vector.broadcast %add3A_384 : i32 to vector<16xi32>
      %add3A_386 = arith.addi %mul3A_3, %add3A_385 : vector<16xi32>
      %add3A_387 = arith.constant 14 : i32
      %add3A_388 = arith.addi %mul3A_330, %add3A_387 : i32
      %add3A_389 = vector.broadcast %add3A_388 : i32 to vector<16xi32>
      %add3A_390 = arith.addi %mul3A_3, %add3A_389 : vector<16xi32>
      %add3A_391 = arith.constant 15 : i32
      %add3A_392 = arith.addi %mul3A_330, %add3A_391 : i32
      %add3A_393 = vector.broadcast %add3A_392 : i32 to vector<16xi32>
      %add3A_394 = arith.addi %mul3A_3, %add3A_393 : vector<16xi32>
      %gather3A = tpu.vector_load_idx %arg4[%add3A_334] : memref<16384xf32, #tpu.memory_space<vmem>>[vector<16xi32>], vector<16xf32>,
      %gather3A_395 = tpu.vector_load_idx %arg4[%add3A_338] : memref<16384xf32, #tpu.memory_space<vmem>>[vector<16xi32>], vector<16xf32>,
      %gather3A_396 = tpu.vector_load_idx %arg4[%add3A_342] : memref<16384xf32, #tpu.memory_space<vmem>>[vector<16xi32>], vector<16xf32>,
      %gather3A_397 = tpu.vector_load_idx %arg4[%add3A_346] : memref<16384xf32, #tpu.memory_space<vmem>>[vector<16xi32>], vector<16xf32>,
      %gather3A_398 = tpu.vector_load_idx %arg4[%add3A_350] : memref<16384xf32, #tpu.memory_space<vmem>>[vector<16xi32>], vector<16xf32>,
      %gather3A_399 = tpu.vector_load_idx %arg4[%add3A_354] : memref<16384xf32, #tpu.memory_space<vmem>>[vector<16xi32>], vector<16xf32>,
      %gather3A_400 = tpu.vector_load_idx %arg4[%add3A_358] : memref<16384xf32, #tpu.memory_space<vmem>>[vector<16xi32>], vector<16xf32>,
      %gather3A_401 = tpu.vector_load_idx %arg4[%add3A_362] : memref<16384xf32, #tpu.memory_space<vmem>>[vector<16xi32>], vector<16xf32>,
      %gather3A_402 = tpu.vector_load_idx %arg4[%add3A_366] : memref<16384xf32, #tpu.memory_space<vmem>>[vector<16xi32>], vector<16xf32>,
      %gather3A_403 = tpu.vector_load_idx %arg4[%add3A_370] : memref<16384xf32, #tpu.memory_space<vmem>>[vector<16xi32>], vector<16xf32>,
      %gather3A_404 = tpu.vector_load_idx %arg4[%add3A_374] : memref<16384xf32, #tpu.memory_space<vmem>>[vector<16xi32>], vector<16xf32>,
      %gather3A_405 = tpu.vector_load_idx %arg4[%add3A_378] : memref<16384xf32, #tpu.memory_space<vmem>>[vector<16xi32>], vector<16xf32>,
      %gather3A_406 = tpu.vector_load_idx %arg4[%add3A_382] : memref<16384xf32, #tpu.memory_space<vmem>>[vector<16xi32>], vector<16xf32>,
      %gather3A_407 = tpu.vector_load_idx %arg4[%add3A_386] : memref<16384xf32, #tpu.memory_space<vmem>>[vector<16xi32>], vector<16xf32>,
      %gather3A_408 = tpu.vector_load_idx %arg4[%add3A_390] : memref<16384xf32, #tpu.memory_space<vmem>>[vector<16xi32>], vector<16xf32>,
      %gather3A_409 = tpu.vector_load_idx %arg4[%add3A_394] : memref<16384xf32, #tpu.memory_space<vmem>>[vector<16xi32>], vector<16xf32>,
      %add3A_410 = arith.addf %gather3A, %gather3A_395 : vector<16xf32>
      %add3A_411 = arith.addf %add3A_410, %gather3A_396 : vector<16xf32>
      %add3A_412 = arith.addf %add3A_411, %gather3A_397 : vector<16xf32>
      %add3A_413 = arith.addf %add3A_412, %gather3A_398 : vector<16xf32>
      %add3A_414 = arith.addf %add3A_413, %gather3A_399 : vector<16xf32>
      %add3A_415 = arith.addf %add3A_414, %gather3A_400 : vector<16xf32>
      %add3A_416 = arith.addf %add3A_415, %gather3A_401 : vector<16xf32>
      %add3A_417 = arith.addf %add3A_416, %gather3A_402 : vector<16xf32>
      %add3A_418 = arith.addf %add3A_417, %gather3A_403 : vector<16xf32>
      %add3A_419 = arith.addf %add3A_418, %gather3A_404 : vector<16xf32>
      %add3A_420 = arith.addf %add3A_419, %gather3A_405 : vector<16xf32>
      %add3A_421 = arith.addf %add3A_420, %gather3A_406 : vector<16xf32>
      %add3A_422 = arith.addf %add3A_421, %gather3A_407 : vector<16xf32>
      %add3A_423 = arith.addf %add3A_422, %gather3A_408 : vector<16xf32>
      %add3A_424 = arith.addf %add3A_423, %gather3A_409 : vector<16xf32>
      %broadcast_in_dim3A = arith.constant true
      %broadcast_in_dim3A_425 = vector.broadcast %broadcast_in_dim3A : i1 to vector<16xi1>
      %masked_cumsum3A = tpu.scan <sum>, %add3A_424 masked %broadcast_in_dim3A_425 : vector<16xf32>, vector<16xi1> -> vector<16xf32>
      %sub3A = arith.subf %masked_cumsum3A, %add3A_424 : vector<16xf32>
      %add3A_426 = vector.broadcast %scan3A_328 : f32 to vector<16xf32>
      %add3A_427 = arith.addf %sub3A, %add3A_426 : vector<16xf32>
      %add3A_428 = arith.addf %gather3A, %add3A_427 : vector<16xf32>
      tpu.vector_store_idx %arg4[%add3A_334], %add3A_428 : memref<16384xf32, #tpu.memory_space<vmem>>[vector<16xi32>], vector<16xf32>,
      %add3A_429 = arith.addf %add3A_410, %add3A_427 : vector<16xf32>
      tpu.vector_store_idx %arg4[%add3A_338], %add3A_429 : memref<16384xf32, #tpu.memory_space<vmem>>[vector<16xi32>], vector<16xf32>,
      %add3A_430 = arith.addf %add3A_411, %add3A_427 : vector<16xf32>
      tpu.vector_store_idx %arg4[%add3A_342], %add3A_430 : memref<16384xf32, #tpu.memory_space<vmem>>[vector<16xi32>], vector<16xf32>,
      %add3A_431 = arith.addf %add3A_412, %add3A_427 : vector<16xf32>
      tpu.vector_store_idx %arg4[%add3A_346], %add3A_431 : memref<16384xf32, #tpu.memory_space<vmem>>[vector<16xi32>], vector<16xf32>,
      %add3A_432 = arith.addf %add3A_413, %add3A_427 : vector<16xf32>
      tpu.vector_store_idx %arg4[%add3A_350], %add3A_432 : memref<16384xf32, #tpu.memory_space<vmem>>[vector<16xi32>], vector<16xf32>,
      %add3A_433 = arith.addf %add3A_414, %add3A_427 : vector<16xf32>
      tpu.vector_store_idx %arg4[%add3A_354], %add3A_433 : memref<16384xf32, #tpu.memory_space<vmem>>[vector<16xi32>], vector<16xf32>,
      %add3A_434 = arith.addf %add3A_415, %add3A_427 : vector<16xf32>
      tpu.vector_store_idx %arg4[%add3A_358], %add3A_434 : memref<16384xf32, #tpu.memory_space<vmem>>[vector<16xi32>], vector<16xf32>,
      %add3A_435 = arith.addf %add3A_416, %add3A_427 : vector<16xf32>
      tpu.vector_store_idx %arg4[%add3A_362], %add3A_435 : memref<16384xf32, #tpu.memory_space<vmem>>[vector<16xi32>], vector<16xf32>,
      %add3A_436 = arith.addf %add3A_417, %add3A_427 : vector<16xf32>
      tpu.vector_store_idx %arg4[%add3A_366], %add3A_436 : memref<16384xf32, #tpu.memory_space<vmem>>[vector<16xi32>], vector<16xf32>,
      %add3A_437 = arith.addf %add3A_418, %add3A_427 : vector<16xf32>
      tpu.vector_store_idx %arg4[%add3A_370], %add3A_437 : memref<16384xf32, #tpu.memory_space<vmem>>[vector<16xi32>], vector<16xf32>,
      %add3A_438 = arith.addf %add3A_419, %add3A_427 : vector<16xf32>
      tpu.vector_store_idx %arg4[%add3A_374], %add3A_438 : memref<16384xf32, #tpu.memory_space<vmem>>[vector<16xi32>], vector<16xf32>,
      %add3A_439 = arith.addf %add3A_420, %add3A_427 : vector<16xf32>
      tpu.vector_store_idx %arg4[%add3A_378], %add3A_439 : memref<16384xf32, #tpu.memory_space<vmem>>[vector<16xi32>], vector<16xf32>,
      %add3A_440 = arith.addf %add3A_421, %add3A_427 : vector<16xf32>
      tpu.vector_store_idx %arg4[%add3A_382], %add3A_440 : memref<16384xf32, #tpu.memory_space<vmem>>[vector<16xi32>], vector<16xf32>,
      %add3A_441 = arith.addf %add3A_422, %add3A_427 : vector<16xf32>
      tpu.vector_store_idx %arg4[%add3A_386], %add3A_441 : memref<16384xf32, #tpu.memory_space<vmem>>[vector<16xi32>], vector<16xf32>,
      %add3A_442 = arith.addf %add3A_423, %add3A_427 : vector<16xf32>
      tpu.vector_store_idx %arg4[%add3A_390], %add3A_442 : memref<16384xf32, #tpu.memory_space<vmem>>[vector<16xi32>], vector<16xf32>,
      %add3A_443 = arith.addf %add3A_424, %add3A_427 : vector<16xf32>
      tpu.vector_store_idx %arg4[%add3A_394], %add3A_443 : memref<16384xf32, #tpu.memory_space<vmem>>[vector<16xi32>], vector<16xf32>,
      %reduce_sum3A = arith.constant true
      %reduce_sum3A_444 = vector.broadcast %reduce_sum3A : i1 to vector<16xi1>
      %reduce_sum3A_445 = tpu.scan <sum>, %add3A_424 masked %reduce_sum3A_444 : vector<16xf32>, vector<16xi1> -> vector<16xf32>
      %reduce_sum3A_446 = vector.extract %reduce_sum3A_445[15] : f32 from vector<16xf32>
      %add3A_447 = arith.addf %scan3A_328, %reduce_sum3A_446 : f32
      scf.yield %add3A_447 : f32
    }
    %scan3A_37 = arith.constant 32 : i32
    %add3A_38 = arith.constant 0 : i32
    %add3A_39 = arith.addi %mul3A_5, %add3A_38 : i32
    %dma_start3A_40 = arith.constant 0 : i32
    %dma_start3A_41 = tpu.memref_slice %arg3[%add3A_39, %dma_start3A_40] : memref<128x32768xf32, #tpu.memory_space<hbm>> -> memref<1x16384xf32, #tpu.memory_space<hbm>>
    %dma_start3A_42 = tpu.memref_squeeze %dma_start3A_41 : memref<1x16384xf32, #tpu.memory_space<hbm>> -> memref<16384xf32, #tpu.memory_space<hbm>>
    %dma_start3A_43 = arith.constant 0 : i32
    %dma_start3A_44 = tpu.memref_slice %arg3[%add3A_39, %dma_start3A_43] : memref<128x32768xf32, #tpu.memory_space<hbm>> -> memref<1x16384xf32, #tpu.memory_space<hbm>>
    %dma_start3A_45 = tpu.memref_squeeze %dma_start3A_44 : memref<1x16384xf32, #tpu.memory_space<hbm>> -> memref<16384xf32, #tpu.memory_space<hbm>>
    tpu.enqueue_dma source(%arg4 : memref<16384xf32, #tpu.memory_space<vmem>>) target(%dma_start3A_45 : memref<16384xf32, #tpu.memory_space<hbm>>) target_semaphore(%arg8 : memref<!tpu.dma_semaphore, #tpu.memory_space<semaphore_mem>>)
    %dma_wait3A_46 = arith.constant 16384 : i32
    %dma_wait3A_47 = tpu.memref_slice %arg2[%add3A_25, %dma_wait3A_46] : memref<128x32768xf32, #tpu.memory_space<hbm>> -> memref<1x16384xf32, #tpu.memory_space<hbm>>
    %dma_wait3A_48 = tpu.memref_squeeze %dma_wait3A_47 : memref<1x16384xf32, #tpu.memory_space<hbm>> -> memref<16384xf32, #tpu.memory_space<hbm>>
    %dma_wait3A_49 = arith.constant 16384 : i32
    %dma_wait3A_50 = tpu.memref_slice %arg2[%add3A_25, %dma_wait3A_49] : memref<128x32768xf32, #tpu.memory_space<hbm>> -> memref<1x16384xf32, #tpu.memory_space<hbm>>
    %dma_wait3A_51 = tpu.memref_squeeze %dma_wait3A_50 : memref<1x16384xf32, #tpu.memory_space<hbm>> -> memref<16384xf32, #tpu.memory_space<hbm>>
    tpu.wait_dma2 semaphore(%arg7 : memref<!tpu.dma_semaphore, #tpu.memory_space<semaphore_mem>>) src(%dma_wait3A_51 : memref<16384xf32, #tpu.memory_space<hbm>>) dst(%arg5 : memref<16384xf32, #tpu.memory_space<vmem>>)
    %scan3A_52 = arith.constant 0 : i32
    %scan3A_53 = arith.constant 32 : i32
    %scan3A_54 = arith.addi %scan3A_52, %scan3A_53 : i32
    %scan3A_55 = arith.constant 1 : i32
    %scan3A_56 = scf.for %scan3A_327 = %scan3A_52 to %scan3A_54 step %scan3A_55 iter_args(%scan3A_328 = %scan3A_36) -> (f32)  : i32 {
      %mul3A_329 = arith.constant 256 : i32
      %mul3A_330 = arith.muli %scan3A_327, %mul3A_329 : i32
      %add3A_331 = arith.constant 0 : i32
      %add3A_332 = arith.addi %mul3A_330, %add3A_331 : i32
      %add3A_333 = vector.broadcast %add3A_332 : i32 to vector<16xi32>
      %add3A_334 = arith.addi %mul3A_3, %add3A_333 : vector<16xi32>
      %add3A_335 = arith.constant 1 : i32
      %add3A_336 = arith.addi %mul3A_330, %add3A_335 : i32
      %add3A_337 = vector.broadcast %add3A_336 : i32 to vector<16xi32>
      %add3A_338 = arith.addi %mul3A_3, %add3A_337 : vector<16xi32>
      %add3A_339 = arith.constant 2 : i32
      %add3A_340 = arith.addi %mul3A_330, %add3A_339 : i32
      %add3A_341 = vector.broadcast %add3A_340 : i32 to vector<16xi32>
      %add3A_342 = arith.addi %mul3A_3, %add3A_341 : vector<16xi32>
      %add3A_343 = arith.constant 3 : i32
      %add3A_344 = arith.addi %mul3A_330, %add3A_343 : i32
      %add3A_345 = vector.broadcast %add3A_344 : i32 to vector<16xi32>
      %add3A_346 = arith.addi %mul3A_3, %add3A_345 : vector<16xi32>
      %add3A_347 = arith.constant 4 : i32
      %add3A_348 = arith.addi %mul3A_330, %add3A_347 : i32
      %add3A_349 = vector.broadcast %add3A_348 : i32 to vector<16xi32>
      %add3A_350 = arith.addi %mul3A_3, %add3A_349 : vector<16xi32>
      %add3A_351 = arith.constant 5 : i32
      %add3A_352 = arith.addi %mul3A_330, %add3A_351 : i32
      %add3A_353 = vector.broadcast %add3A_352 : i32 to vector<16xi32>
      %add3A_354 = arith.addi %mul3A_3, %add3A_353 : vector<16xi32>
      %add3A_355 = arith.constant 6 : i32
      %add3A_356 = arith.addi %mul3A_330, %add3A_355 : i32
      %add3A_357 = vector.broadcast %add3A_356 : i32 to vector<16xi32>
      %add3A_358 = arith.addi %mul3A_3, %add3A_357 : vector<16xi32>
      %add3A_359 = arith.constant 7 : i32
      %add3A_360 = arith.addi %mul3A_330, %add3A_359 : i32
      %add3A_361 = vector.broadcast %add3A_360 : i32 to vector<16xi32>
      %add3A_362 = arith.addi %mul3A_3, %add3A_361 : vector<16xi32>
      %add3A_363 = arith.constant 8 : i32
      %add3A_364 = arith.addi %mul3A_330, %add3A_363 : i32
      %add3A_365 = vector.broadcast %add3A_364 : i32 to vector<16xi32>
      %add3A_366 = arith.addi %mul3A_3, %add3A_365 : vector<16xi32>
      %add3A_367 = arith.constant 9 : i32
      %add3A_368 = arith.addi %mul3A_330, %add3A_367 : i32
      %add3A_369 = vector.broadcast %add3A_368 : i32 to vector<16xi32>
      %add3A_370 = arith.addi %mul3A_3, %add3A_369 : vector<16xi32>
      %add3A_371 = arith.constant 10 : i32
      %add3A_372 = arith.addi %mul3A_330, %add3A_371 : i32
      %add3A_373 = vector.broadcast %add3A_372 : i32 to vector<16xi32>
      %add3A_374 = arith.addi %mul3A_3, %add3A_373 : vector<16xi32>
      %add3A_375 = arith.constant 11 : i32
      %add3A_376 = arith.addi %mul3A_330, %add3A_375 : i32
      %add3A_377 = vector.broadcast %add3A_376 : i32 to vector<16xi32>
      %add3A_378 = arith.addi %mul3A_3, %add3A_377 : vector<16xi32>
      %add3A_379 = arith.constant 12 : i32
      %add3A_380 = arith.addi %mul3A_330, %add3A_379 : i32
      %add3A_381 = vector.broadcast %add3A_380 : i32 to vector<16xi32>
      %add3A_382 = arith.addi %mul3A_3, %add3A_381 : vector<16xi32>
      %add3A_383 = arith.constant 13 : i32
      %add3A_384 = arith.addi %mul3A_330, %add3A_383 : i32
      %add3A_385 = vector.broadcast %add3A_384 : i32 to vector<16xi32>
      %add3A_386 = arith.addi %mul3A_3, %add3A_385 : vector<16xi32>
      %add3A_387 = arith.constant 14 : i32
      %add3A_388 = arith.addi %mul3A_330, %add3A_387 : i32
      %add3A_389 = vector.broadcast %add3A_388 : i32 to vector<16xi32>
      %add3A_390 = arith.addi %mul3A_3, %add3A_389 : vector<16xi32>
      %add3A_391 = arith.constant 15 : i32
      %add3A_392 = arith.addi %mul3A_330, %add3A_391 : i32
      %add3A_393 = vector.broadcast %add3A_392 : i32 to vector<16xi32>
      %add3A_394 = arith.addi %mul3A_3, %add3A_393 : vector<16xi32>
      %gather3A = tpu.vector_load_idx %arg5[%add3A_334] : memref<16384xf32, #tpu.memory_space<vmem>>[vector<16xi32>], vector<16xf32>,
      %gather3A_395 = tpu.vector_load_idx %arg5[%add3A_338] : memref<16384xf32, #tpu.memory_space<vmem>>[vector<16xi32>], vector<16xf32>,
      %gather3A_396 = tpu.vector_load_idx %arg5[%add3A_342] : memref<16384xf32, #tpu.memory_space<vmem>>[vector<16xi32>], vector<16xf32>,
      %gather3A_397 = tpu.vector_load_idx %arg5[%add3A_346] : memref<16384xf32, #tpu.memory_space<vmem>>[vector<16xi32>], vector<16xf32>,
      %gather3A_398 = tpu.vector_load_idx %arg5[%add3A_350] : memref<16384xf32, #tpu.memory_space<vmem>>[vector<16xi32>], vector<16xf32>,
      %gather3A_399 = tpu.vector_load_idx %arg5[%add3A_354] : memref<16384xf32, #tpu.memory_space<vmem>>[vector<16xi32>], vector<16xf32>,
      %gather3A_400 = tpu.vector_load_idx %arg5[%add3A_358] : memref<16384xf32, #tpu.memory_space<vmem>>[vector<16xi32>], vector<16xf32>,
      %gather3A_401 = tpu.vector_load_idx %arg5[%add3A_362] : memref<16384xf32, #tpu.memory_space<vmem>>[vector<16xi32>], vector<16xf32>,
      %gather3A_402 = tpu.vector_load_idx %arg5[%add3A_366] : memref<16384xf32, #tpu.memory_space<vmem>>[vector<16xi32>], vector<16xf32>,
      %gather3A_403 = tpu.vector_load_idx %arg5[%add3A_370] : memref<16384xf32, #tpu.memory_space<vmem>>[vector<16xi32>], vector<16xf32>,
      %gather3A_404 = tpu.vector_load_idx %arg5[%add3A_374] : memref<16384xf32, #tpu.memory_space<vmem>>[vector<16xi32>], vector<16xf32>,
      %gather3A_405 = tpu.vector_load_idx %arg5[%add3A_378] : memref<16384xf32, #tpu.memory_space<vmem>>[vector<16xi32>], vector<16xf32>,
      %gather3A_406 = tpu.vector_load_idx %arg5[%add3A_382] : memref<16384xf32, #tpu.memory_space<vmem>>[vector<16xi32>], vector<16xf32>,
      %gather3A_407 = tpu.vector_load_idx %arg5[%add3A_386] : memref<16384xf32, #tpu.memory_space<vmem>>[vector<16xi32>], vector<16xf32>,
      %gather3A_408 = tpu.vector_load_idx %arg5[%add3A_390] : memref<16384xf32, #tpu.memory_space<vmem>>[vector<16xi32>], vector<16xf32>,
      %gather3A_409 = tpu.vector_load_idx %arg5[%add3A_394] : memref<16384xf32, #tpu.memory_space<vmem>>[vector<16xi32>], vector<16xf32>,
      %add3A_410 = arith.addf %gather3A, %gather3A_395 : vector<16xf32>
      %add3A_411 = arith.addf %add3A_410, %gather3A_396 : vector<16xf32>
      %add3A_412 = arith.addf %add3A_411, %gather3A_397 : vector<16xf32>
      %add3A_413 = arith.addf %add3A_412, %gather3A_398 : vector<16xf32>
      %add3A_414 = arith.addf %add3A_413, %gather3A_399 : vector<16xf32>
      %add3A_415 = arith.addf %add3A_414, %gather3A_400 : vector<16xf32>
      %add3A_416 = arith.addf %add3A_415, %gather3A_401 : vector<16xf32>
      %add3A_417 = arith.addf %add3A_416, %gather3A_402 : vector<16xf32>
      %add3A_418 = arith.addf %add3A_417, %gather3A_403 : vector<16xf32>
      %add3A_419 = arith.addf %add3A_418, %gather3A_404 : vector<16xf32>
      %add3A_420 = arith.addf %add3A_419, %gather3A_405 : vector<16xf32>
      %add3A_421 = arith.addf %add3A_420, %gather3A_406 : vector<16xf32>
      %add3A_422 = arith.addf %add3A_421, %gather3A_407 : vector<16xf32>
      %add3A_423 = arith.addf %add3A_422, %gather3A_408 : vector<16xf32>
      %add3A_424 = arith.addf %add3A_423, %gather3A_409 : vector<16xf32>
      %broadcast_in_dim3A = arith.constant true
      %broadcast_in_dim3A_425 = vector.broadcast %broadcast_in_dim3A : i1 to vector<16xi1>
      %masked_cumsum3A = tpu.scan <sum>, %add3A_424 masked %broadcast_in_dim3A_425 : vector<16xf32>, vector<16xi1> -> vector<16xf32>
      %sub3A = arith.subf %masked_cumsum3A, %add3A_424 : vector<16xf32>
      %add3A_426 = vector.broadcast %scan3A_328 : f32 to vector<16xf32>
      %add3A_427 = arith.addf %sub3A, %add3A_426 : vector<16xf32>
      %add3A_428 = arith.addf %gather3A, %add3A_427 : vector<16xf32>
      tpu.vector_store_idx %arg5[%add3A_334], %add3A_428 : memref<16384xf32, #tpu.memory_space<vmem>>[vector<16xi32>], vector<16xf32>,
      %add3A_429 = arith.addf %add3A_410, %add3A_427 : vector<16xf32>
      tpu.vector_store_idx %arg5[%add3A_338], %add3A_429 : memref<16384xf32, #tpu.memory_space<vmem>>[vector<16xi32>], vector<16xf32>,
      %add3A_430 = arith.addf %add3A_411, %add3A_427 : vector<16xf32>
      tpu.vector_store_idx %arg5[%add3A_342], %add3A_430 : memref<16384xf32, #tpu.memory_space<vmem>>[vector<16xi32>], vector<16xf32>,
      %add3A_431 = arith.addf %add3A_412, %add3A_427 : vector<16xf32>
      tpu.vector_store_idx %arg5[%add3A_346], %add3A_431 : memref<16384xf32, #tpu.memory_space<vmem>>[vector<16xi32>], vector<16xf32>,
      %add3A_432 = arith.addf %add3A_413, %add3A_427 : vector<16xf32>
      tpu.vector_store_idx %arg5[%add3A_350], %add3A_432 : memref<16384xf32, #tpu.memory_space<vmem>>[vector<16xi32>], vector<16xf32>,
      %add3A_433 = arith.addf %add3A_414, %add3A_427 : vector<16xf32>
      tpu.vector_store_idx %arg5[%add3A_354], %add3A_433 : memref<16384xf32, #tpu.memory_space<vmem>>[vector<16xi32>], vector<16xf32>,
      %add3A_434 = arith.addf %add3A_415, %add3A_427 : vector<16xf32>
      tpu.vector_store_idx %arg5[%add3A_358], %add3A_434 : memref<16384xf32, #tpu.memory_space<vmem>>[vector<16xi32>], vector<16xf32>,
      %add3A_435 = arith.addf %add3A_416, %add3A_427 : vector<16xf32>
      tpu.vector_store_idx %arg5[%add3A_362], %add3A_435 : memref<16384xf32, #tpu.memory_space<vmem>>[vector<16xi32>], vector<16xf32>,
      %add3A_436 = arith.addf %add3A_417, %add3A_427 : vector<16xf32>
      tpu.vector_store_idx %arg5[%add3A_366], %add3A_436 : memref<16384xf32, #tpu.memory_space<vmem>>[vector<16xi32>], vector<16xf32>,
      %add3A_437 = arith.addf %add3A_418, %add3A_427 : vector<16xf32>
      tpu.vector_store_idx %arg5[%add3A_370], %add3A_437 : memref<16384xf32, #tpu.memory_space<vmem>>[vector<16xi32>], vector<16xf32>,
      %add3A_438 = arith.addf %add3A_419, %add3A_427 : vector<16xf32>
      tpu.vector_store_idx %arg5[%add3A_374], %add3A_438 : memref<16384xf32, #tpu.memory_space<vmem>>[vector<16xi32>], vector<16xf32>,
      %add3A_439 = arith.addf %add3A_420, %add3A_427 : vector<16xf32>
      tpu.vector_store_idx %arg5[%add3A_378], %add3A_439 : memref<16384xf32, #tpu.memory_space<vmem>>[vector<16xi32>], vector<16xf32>,
      %add3A_440 = arith.addf %add3A_421, %add3A_427 : vector<16xf32>
      tpu.vector_store_idx %arg5[%add3A_382], %add3A_440 : memref<16384xf32, #tpu.memory_space<vmem>>[vector<16xi32>], vector<16xf32>,
      %add3A_441 = arith.addf %add3A_422, %add3A_427 : vector<16xf32>
      tpu.vector_store_idx %arg5[%add3A_386], %add3A_441 : memref<16384xf32, #tpu.memory_space<vmem>>[vector<16xi32>], vector<16xf32>,
      %add3A_442 = arith.addf %add3A_423, %add3A_427 : vector<16xf32>
      tpu.vector_store_idx %arg5[%add3A_390], %add3A_442 : memref<16384xf32, #tpu.memory_space<vmem>>[vector<16xi32>], vector<16xf32>,
      %add3A_443 = arith.addf %add3A_424, %add3A_427 : vector<16xf32>
      tpu.vector_store_idx %arg5[%add3A_394], %add3A_443 : memref<16384xf32, #tpu.memory_space<vmem>>[vector<16xi32>], vector<16xf32>,
      %reduce_sum3A = arith.constant true
      %reduce_sum3A_444 = vector.broadcast %reduce_sum3A : i1 to vector<16xi1>
      %reduce_sum3A_445 = tpu.scan <sum>, %add3A_424 masked %reduce_sum3A_444 : vector<16xf32>, vector<16xi1> -> vector<16xf32>
      %reduce_sum3A_446 = vector.extract %reduce_sum3A_445[15] : f32 from vector<16xf32>
      %add3A_447 = arith.addf %scan3A_328, %reduce_sum3A_446 : f32
      scf.yield %add3A_447 : f32
    }
    %scan3A_57 = arith.constant 32 : i32
    %dma_wait3A_58 = arith.constant 0 : i32
    %dma_wait3A_59 = tpu.memref_slice %arg3[%add3A_39, %dma_wait3A_58] : memref<128x32768xf32, #tpu.memory_space<hbm>> -> memref<1x16384xf32, #tpu.memory_space<hbm>>
    %dma_wait3A_60 = tpu.memref_squeeze %dma_wait3A_59 : memref<1x16384xf32, #tpu.memory_space<hbm>> -> memref<16384xf32, #tpu.memory_space<hbm>>
    %dma_wait3A_61 = arith.constant 0 : i32
    %dma_wait3A_62 = tpu.memref_slice %arg3[%add3A_39, %dma_wait3A_61] : memref<128x32768xf32, #tpu.memory_space<hbm>> -> memref<1x16384xf32, #tpu.memory_space<hbm>>
    %dma_wait3A_63 = tpu.memref_squeeze %dma_wait3A_62 : memref<1x16384xf32, #tpu.memory_space<hbm>> -> memref<16384xf32, #tpu.memory_space<hbm>>
    tpu.wait_dma2 semaphore(%arg8 : memref<!tpu.dma_semaphore, #tpu.memory_space<semaphore_mem>>) src(%arg4 : memref<16384xf32, #tpu.memory_space<vmem>>) dst(%dma_wait3A_63 : memref<16384xf32, #tpu.memory_space<hbm>>)
    %add3A_64 = arith.constant 1 : i32
    %add3A_65 = arith.addi %mul3A_5, %add3A_64 : i32
    %dma_start3A_66 = arith.constant 0 : i32
    %dma_start3A_67 = tpu.memref_slice %arg2[%add3A_65, %dma_start3A_66] : memref<128x32768xf32, #tpu.memory_space<hbm>> -> memref<1x16384xf32, #tpu.memory_space<hbm>>
    %dma_start3A_68 = tpu.memref_squeeze %dma_start3A_67 : memref<1x16384xf32, #tpu.memory_space<hbm>> -> memref<16384xf32, #tpu.memory_space<hbm>>
    %dma_start3A_69 = arith.constant 0 : i32
    %dma_start3A_70 = tpu.memref_slice %arg2[%add3A_65, %dma_start3A_69] : memref<128x32768xf32, #tpu.memory_space<hbm>> -> memref<1x16384xf32, #tpu.memory_space<hbm>>
    %dma_start3A_71 = tpu.memref_squeeze %dma_start3A_70 : memref<1x16384xf32, #tpu.memory_space<hbm>> -> memref<16384xf32, #tpu.memory_space<hbm>>
    tpu.enqueue_dma source(%dma_start3A_71 : memref<16384xf32, #tpu.memory_space<hbm>>) target(%arg4 : memref<16384xf32, #tpu.memory_space<vmem>>) target_semaphore(%arg6 : memref<!tpu.dma_semaphore, #tpu.memory_space<semaphore_mem>>)
    %scan3A_72 = arith.constant 32 : i32
    %scan3A_73 = arith.constant 32 : i32
    %scan3A_74 = arith.addi %scan3A_72, %scan3A_73 : i32
    %scan3A_75 = arith.constant 1 : i32
    %scan3A_76 = scf.for %scan3A_327 = %scan3A_72 to %scan3A_74 step %scan3A_75 iter_args(%scan3A_328 = %scan3A_56) -> (f32)  : i32 {
      %mul3A_329 = arith.constant 256 : i32
      %mul3A_330 = arith.muli %scan3A_327, %mul3A_329 : i32
      %add3A_331 = arith.constant 0 : i32
      %add3A_332 = arith.addi %mul3A_330, %add3A_331 : i32
      %add3A_333 = vector.broadcast %add3A_332 : i32 to vector<16xi32>
      %add3A_334 = arith.addi %mul3A_3, %add3A_333 : vector<16xi32>
      %add3A_335 = arith.constant 1 : i32
      %add3A_336 = arith.addi %mul3A_330, %add3A_335 : i32
      %add3A_337 = vector.broadcast %add3A_336 : i32 to vector<16xi32>
      %add3A_338 = arith.addi %mul3A_3, %add3A_337 : vector<16xi32>
      %add3A_339 = arith.constant 2 : i32
      %add3A_340 = arith.addi %mul3A_330, %add3A_339 : i32
      %add3A_341 = vector.broadcast %add3A_340 : i32 to vector<16xi32>
      %add3A_342 = arith.addi %mul3A_3, %add3A_341 : vector<16xi32>
      %add3A_343 = arith.constant 3 : i32
      %add3A_344 = arith.addi %mul3A_330, %add3A_343 : i32
      %add3A_345 = vector.broadcast %add3A_344 : i32 to vector<16xi32>
      %add3A_346 = arith.addi %mul3A_3, %add3A_345 : vector<16xi32>
      %add3A_347 = arith.constant 4 : i32
      %add3A_348 = arith.addi %mul3A_330, %add3A_347 : i32
      %add3A_349 = vector.broadcast %add3A_348 : i32 to vector<16xi32>
      %add3A_350 = arith.addi %mul3A_3, %add3A_349 : vector<16xi32>
      %add3A_351 = arith.constant 5 : i32
      %add3A_352 = arith.addi %mul3A_330, %add3A_351 : i32
      %add3A_353 = vector.broadcast %add3A_352 : i32 to vector<16xi32>
      %add3A_354 = arith.addi %mul3A_3, %add3A_353 : vector<16xi32>
      %add3A_355 = arith.constant 6 : i32
      %add3A_356 = arith.addi %mul3A_330, %add3A_355 : i32
      %add3A_357 = vector.broadcast %add3A_356 : i32 to vector<16xi32>
      %add3A_358 = arith.addi %mul3A_3, %add3A_357 : vector<16xi32>
      %add3A_359 = arith.constant 7 : i32
      %add3A_360 = arith.addi %mul3A_330, %add3A_359 : i32
      %add3A_361 = vector.broadcast %add3A_360 : i32 to vector<16xi32>
      %add3A_362 = arith.addi %mul3A_3, %add3A_361 : vector<16xi32>
      %add3A_363 = arith.constant 8 : i32
      %add3A_364 = arith.addi %mul3A_330, %add3A_363 : i32
      %add3A_365 = vector.broadcast %add3A_364 : i32 to vector<16xi32>
      %add3A_366 = arith.addi %mul3A_3, %add3A_365 : vector<16xi32>
      %add3A_367 = arith.constant 9 : i32
      %add3A_368 = arith.addi %mul3A_330, %add3A_367 : i32
      %add3A_369 = vector.broadcast %add3A_368 : i32 to vector<16xi32>
      %add3A_370 = arith.addi %mul3A_3, %add3A_369 : vector<16xi32>
      %add3A_371 = arith.constant 10 : i32
      %add3A_372 = arith.addi %mul3A_330, %add3A_371 : i32
      %add3A_373 = vector.broadcast %add3A_372 : i32 to vector<16xi32>
      %add3A_374 = arith.addi %mul3A_3, %add3A_373 : vector<16xi32>
      %add3A_375 = arith.constant 11 : i32
      %add3A_376 = arith.addi %mul3A_330, %add3A_375 : i32
      %add3A_377 = vector.broadcast %add3A_376 : i32 to vector<16xi32>
      %add3A_378 = arith.addi %mul3A_3, %add3A_377 : vector<16xi32>
      %add3A_379 = arith.constant 12 : i32
      %add3A_380 = arith.addi %mul3A_330, %add3A_379 : i32
      %add3A_381 = vector.broadcast %add3A_380 : i32 to vector<16xi32>
      %add3A_382 = arith.addi %mul3A_3, %add3A_381 : vector<16xi32>
      %add3A_383 = arith.constant 13 : i32
      %add3A_384 = arith.addi %mul3A_330, %add3A_383 : i32
      %add3A_385 = vector.broadcast %add3A_384 : i32 to vector<16xi32>
      %add3A_386 = arith.addi %mul3A_3, %add3A_385 : vector<16xi32>
      %add3A_387 = arith.constant 14 : i32
      %add3A_388 = arith.addi %mul3A_330, %add3A_387 : i32
      %add3A_389 = vector.broadcast %add3A_388 : i32 to vector<16xi32>
      %add3A_390 = arith.addi %mul3A_3, %add3A_389 : vector<16xi32>
      %add3A_391 = arith.constant 15 : i32
      %add3A_392 = arith.addi %mul3A_330, %add3A_391 : i32
      %add3A_393 = vector.broadcast %add3A_392 : i32 to vector<16xi32>
      %add3A_394 = arith.addi %mul3A_3, %add3A_393 : vector<16xi32>
      %gather3A = tpu.vector_load_idx %arg5[%add3A_334] : memref<16384xf32, #tpu.memory_space<vmem>>[vector<16xi32>], vector<16xf32>,
      %gather3A_395 = tpu.vector_load_idx %arg5[%add3A_338] : memref<16384xf32, #tpu.memory_space<vmem>>[vector<16xi32>], vector<16xf32>,
      %gather3A_396 = tpu.vector_load_idx %arg5[%add3A_342] : memref<16384xf32, #tpu.memory_space<vmem>>[vector<16xi32>], vector<16xf32>,
      %gather3A_397 = tpu.vector_load_idx %arg5[%add3A_346] : memref<16384xf32, #tpu.memory_space<vmem>>[vector<16xi32>], vector<16xf32>,
      %gather3A_398 = tpu.vector_load_idx %arg5[%add3A_350] : memref<16384xf32, #tpu.memory_space<vmem>>[vector<16xi32>], vector<16xf32>,
      %gather3A_399 = tpu.vector_load_idx %arg5[%add3A_354] : memref<16384xf32, #tpu.memory_space<vmem>>[vector<16xi32>], vector<16xf32>,
      %gather3A_400 = tpu.vector_load_idx %arg5[%add3A_358] : memref<16384xf32, #tpu.memory_space<vmem>>[vector<16xi32>], vector<16xf32>,
      %gather3A_401 = tpu.vector_load_idx %arg5[%add3A_362] : memref<16384xf32, #tpu.memory_space<vmem>>[vector<16xi32>], vector<16xf32>,
      %gather3A_402 = tpu.vector_load_idx %arg5[%add3A_366] : memref<16384xf32, #tpu.memory_space<vmem>>[vector<16xi32>], vector<16xf32>,
      %gather3A_403 = tpu.vector_load_idx %arg5[%add3A_370] : memref<16384xf32, #tpu.memory_space<vmem>>[vector<16xi32>], vector<16xf32>,
      %gather3A_404 = tpu.vector_load_idx %arg5[%add3A_374] : memref<16384xf32, #tpu.memory_space<vmem>>[vector<16xi32>], vector<16xf32>,
      %gather3A_405 = tpu.vector_load_idx %arg5[%add3A_378] : memref<16384xf32, #tpu.memory_space<vmem>>[vector<16xi32>], vector<16xf32>,
      %gather3A_406 = tpu.vector_load_idx %arg5[%add3A_382] : memref<16384xf32, #tpu.memory_space<vmem>>[vector<16xi32>], vector<16xf32>,
      %gather3A_407 = tpu.vector_load_idx %arg5[%add3A_386] : memref<16384xf32, #tpu.memory_space<vmem>>[vector<16xi32>], vector<16xf32>,
      %gather3A_408 = tpu.vector_load_idx %arg5[%add3A_390] : memref<16384xf32, #tpu.memory_space<vmem>>[vector<16xi32>], vector<16xf32>,
      %gather3A_409 = tpu.vector_load_idx %arg5[%add3A_394] : memref<16384xf32, #tpu.memory_space<vmem>>[vector<16xi32>], vector<16xf32>,
      %add3A_410 = arith.addf %gather3A, %gather3A_395 : vector<16xf32>
      %add3A_411 = arith.addf %add3A_410, %gather3A_396 : vector<16xf32>
      %add3A_412 = arith.addf %add3A_411, %gather3A_397 : vector<16xf32>
      %add3A_413 = arith.addf %add3A_412, %gather3A_398 : vector<16xf32>
      %add3A_414 = arith.addf %add3A_413, %gather3A_399 : vector<16xf32>
      %add3A_415 = arith.addf %add3A_414, %gather3A_400 : vector<16xf32>
      %add3A_416 = arith.addf %add3A_415, %gather3A_401 : vector<16xf32>
      %add3A_417 = arith.addf %add3A_416, %gather3A_402 : vector<16xf32>
      %add3A_418 = arith.addf %add3A_417, %gather3A_403 : vector<16xf32>
      %add3A_419 = arith.addf %add3A_418, %gather3A_404 : vector<16xf32>
      %add3A_420 = arith.addf %add3A_419, %gather3A_405 : vector<16xf32>
      %add3A_421 = arith.addf %add3A_420, %gather3A_406 : vector<16xf32>
      %add3A_422 = arith.addf %add3A_421, %gather3A_407 : vector<16xf32>
      %add3A_423 = arith.addf %add3A_422, %gather3A_408 : vector<16xf32>
      %add3A_424 = arith.addf %add3A_423, %gather3A_409 : vector<16xf32>
      %broadcast_in_dim3A = arith.constant true
      %broadcast_in_dim3A_425 = vector.broadcast %broadcast_in_dim3A : i1 to vector<16xi1>
      %masked_cumsum3A = tpu.scan <sum>, %add3A_424 masked %broadcast_in_dim3A_425 : vector<16xf32>, vector<16xi1> -> vector<16xf32>
      %sub3A = arith.subf %masked_cumsum3A, %add3A_424 : vector<16xf32>
      %add3A_426 = vector.broadcast %scan3A_328 : f32 to vector<16xf32>
      %add3A_427 = arith.addf %sub3A, %add3A_426 : vector<16xf32>
      %add3A_428 = arith.addf %gather3A, %add3A_427 : vector<16xf32>
      tpu.vector_store_idx %arg5[%add3A_334], %add3A_428 : memref<16384xf32, #tpu.memory_space<vmem>>[vector<16xi32>], vector<16xf32>,
      %add3A_429 = arith.addf %add3A_410, %add3A_427 : vector<16xf32>
      tpu.vector_store_idx %arg5[%add3A_338], %add3A_429 : memref<16384xf32, #tpu.memory_space<vmem>>[vector<16xi32>], vector<16xf32>,
      %add3A_430 = arith.addf %add3A_411, %add3A_427 : vector<16xf32>
      tpu.vector_store_idx %arg5[%add3A_342], %add3A_430 : memref<16384xf32, #tpu.memory_space<vmem>>[vector<16xi32>], vector<16xf32>,
      %add3A_431 = arith.addf %add3A_412, %add3A_427 : vector<16xf32>
      tpu.vector_store_idx %arg5[%add3A_346], %add3A_431 : memref<16384xf32, #tpu.memory_space<vmem>>[vector<16xi32>], vector<16xf32>,
      %add3A_432 = arith.addf %add3A_413, %add3A_427 : vector<16xf32>
      tpu.vector_store_idx %arg5[%add3A_350], %add3A_432 : memref<16384xf32, #tpu.memory_space<vmem>>[vector<16xi32>], vector<16xf32>,
      %add3A_433 = arith.addf %add3A_414, %add3A_427 : vector<16xf32>
      tpu.vector_store_idx %arg5[%add3A_354], %add3A_433 : memref<16384xf32, #tpu.memory_space<vmem>>[vector<16xi32>], vector<16xf32>,
      %add3A_434 = arith.addf %add3A_415, %add3A_427 : vector<16xf32>
      tpu.vector_store_idx %arg5[%add3A_358], %add3A_434 : memref<16384xf32, #tpu.memory_space<vmem>>[vector<16xi32>], vector<16xf32>,
      %add3A_435 = arith.addf %add3A_416, %add3A_427 : vector<16xf32>
      tpu.vector_store_idx %arg5[%add3A_362], %add3A_435 : memref<16384xf32, #tpu.memory_space<vmem>>[vector<16xi32>], vector<16xf32>,
      %add3A_436 = arith.addf %add3A_417, %add3A_427 : vector<16xf32>
      tpu.vector_store_idx %arg5[%add3A_366], %add3A_436 : memref<16384xf32, #tpu.memory_space<vmem>>[vector<16xi32>], vector<16xf32>,
      %add3A_437 = arith.addf %add3A_418, %add3A_427 : vector<16xf32>
      tpu.vector_store_idx %arg5[%add3A_370], %add3A_437 : memref<16384xf32, #tpu.memory_space<vmem>>[vector<16xi32>], vector<16xf32>,
      %add3A_438 = arith.addf %add3A_419, %add3A_427 : vector<16xf32>
      tpu.vector_store_idx %arg5[%add3A_374], %add3A_438 : memref<16384xf32, #tpu.memory_space<vmem>>[vector<16xi32>], vector<16xf32>,
      %add3A_439 = arith.addf %add3A_420, %add3A_427 : vector<16xf32>
      tpu.vector_store_idx %arg5[%add3A_378], %add3A_439 : memref<16384xf32, #tpu.memory_space<vmem>>[vector<16xi32>], vector<16xf32>,
      %add3A_440 = arith.addf %add3A_421, %add3A_427 : vector<16xf32>
      tpu.vector_store_idx %arg5[%add3A_382], %add3A_440 : memref<16384xf32, #tpu.memory_space<vmem>>[vector<16xi32>], vector<16xf32>,
      %add3A_441 = arith.addf %add3A_422, %add3A_427 : vector<16xf32>
      tpu.vector_store_idx %arg5[%add3A_386], %add3A_441 : memref<16384xf32, #tpu.memory_space<vmem>>[vector<16xi32>], vector<16xf32>,
      %add3A_442 = arith.addf %add3A_423, %add3A_427 : vector<16xf32>
      tpu.vector_store_idx %arg5[%add3A_390], %add3A_442 : memref<16384xf32, #tpu.memory_space<vmem>>[vector<16xi32>], vector<16xf32>,
      %add3A_443 = arith.addf %add3A_424, %add3A_427 : vector<16xf32>
      tpu.vector_store_idx %arg5[%add3A_394], %add3A_443 : memref<16384xf32, #tpu.memory_space<vmem>>[vector<16xi32>], vector<16xf32>,
      %reduce_sum3A = arith.constant true
      %reduce_sum3A_444 = vector.broadcast %reduce_sum3A : i1 to vector<16xi1>
      %reduce_sum3A_445 = tpu.scan <sum>, %add3A_424 masked %reduce_sum3A_444 : vector<16xf32>, vector<16xi1> -> vector<16xf32>
      %reduce_sum3A_446 = vector.extract %reduce_sum3A_445[15] : f32 from vector<16xf32>
      %add3A_447 = arith.addf %scan3A_328, %reduce_sum3A_446 : f32
      scf.yield %add3A_447 : f32
    }
    %scan3A_77 = arith.constant 32 : i32
    %add3A_78 = arith.constant 0 : i32
    %add3A_79 = arith.addi %mul3A_5, %add3A_78 : i32
    %dma_start3A_80 = arith.constant 16384 : i32
    %dma_start3A_81 = tpu.memref_slice %arg3[%add3A_79, %dma_start3A_80] : memref<128x32768xf32, #tpu.memory_space<hbm>> -> memref<1x16384xf32, #tpu.memory_space<hbm>>
    %dma_start3A_82 = tpu.memref_squeeze %dma_start3A_81 : memref<1x16384xf32, #tpu.memory_space<hbm>> -> memref<16384xf32, #tpu.memory_space<hbm>>
    %dma_start3A_83 = arith.constant 16384 : i32
    %dma_start3A_84 = tpu.memref_slice %arg3[%add3A_79, %dma_start3A_83] : memref<128x32768xf32, #tpu.memory_space<hbm>> -> memref<1x16384xf32, #tpu.memory_space<hbm>>
    %dma_start3A_85 = tpu.memref_squeeze %dma_start3A_84 : memref<1x16384xf32, #tpu.memory_space<hbm>> -> memref<16384xf32, #tpu.memory_space<hbm>>
    tpu.enqueue_dma source(%arg5 : memref<16384xf32, #tpu.memory_space<vmem>>) target(%dma_start3A_85 : memref<16384xf32, #tpu.memory_space<hbm>>) target_semaphore(%arg9 : memref<!tpu.dma_semaphore, #tpu.memory_space<semaphore_mem>>)
    %dma_wait3A_86 = arith.constant 0 : i32
    %dma_wait3A_87 = tpu.memref_slice %arg2[%add3A_65, %dma_wait3A_86] : memref<128x32768xf32, #tpu.memory_space<hbm>> -> memref<1x16384xf32, #tpu.memory_space<hbm>>
    %dma_wait3A_88 = tpu.memref_squeeze %dma_wait3A_87 : memref<1x16384xf32, #tpu.memory_space<hbm>> -> memref<16384xf32, #tpu.memory_space<hbm>>
    %dma_wait3A_89 = arith.constant 0 : i32
    %dma_wait3A_90 = tpu.memref_slice %arg2[%add3A_65, %dma_wait3A_89] : memref<128x32768xf32, #tpu.memory_space<hbm>> -> memref<1x16384xf32, #tpu.memory_space<hbm>>
    %dma_wait3A_91 = tpu.memref_squeeze %dma_wait3A_90 : memref<1x16384xf32, #tpu.memory_space<hbm>> -> memref<16384xf32, #tpu.memory_space<hbm>>
    tpu.wait_dma2 semaphore(%arg6 : memref<!tpu.dma_semaphore, #tpu.memory_space<semaphore_mem>>) src(%dma_wait3A_91 : memref<16384xf32, #tpu.memory_space<hbm>>) dst(%arg4 : memref<16384xf32, #tpu.memory_space<vmem>>)
    %scan3A_92 = arith.constant 0.000000e+00 : f32
    %scan3A_93 = arith.constant 0 : i32
    %scan3A_94 = arith.constant 32 : i32
    %scan3A_95 = arith.addi %scan3A_93, %scan3A_94 : i32
    %scan3A_96 = arith.constant 1 : i32
    %scan3A_97 = scf.for %scan3A_327 = %scan3A_93 to %scan3A_95 step %scan3A_96 iter_args(%scan3A_328 = %scan3A_92) -> (f32)  : i32 {
      %mul3A_329 = arith.constant 256 : i32
      %mul3A_330 = arith.muli %scan3A_327, %mul3A_329 : i32
      %add3A_331 = arith.constant 0 : i32
      %add3A_332 = arith.addi %mul3A_330, %add3A_331 : i32
      %add3A_333 = vector.broadcast %add3A_332 : i32 to vector<16xi32>
      %add3A_334 = arith.addi %mul3A_3, %add3A_333 : vector<16xi32>
      %add3A_335 = arith.constant 1 : i32
      %add3A_336 = arith.addi %mul3A_330, %add3A_335 : i32
      %add3A_337 = vector.broadcast %add3A_336 : i32 to vector<16xi32>
      %add3A_338 = arith.addi %mul3A_3, %add3A_337 : vector<16xi32>
      %add3A_339 = arith.constant 2 : i32
      %add3A_340 = arith.addi %mul3A_330, %add3A_339 : i32
      %add3A_341 = vector.broadcast %add3A_340 : i32 to vector<16xi32>
      %add3A_342 = arith.addi %mul3A_3, %add3A_341 : vector<16xi32>
      %add3A_343 = arith.constant 3 : i32
      %add3A_344 = arith.addi %mul3A_330, %add3A_343 : i32
      %add3A_345 = vector.broadcast %add3A_344 : i32 to vector<16xi32>
      %add3A_346 = arith.addi %mul3A_3, %add3A_345 : vector<16xi32>
      %add3A_347 = arith.constant 4 : i32
      %add3A_348 = arith.addi %mul3A_330, %add3A_347 : i32
      %add3A_349 = vector.broadcast %add3A_348 : i32 to vector<16xi32>
      %add3A_350 = arith.addi %mul3A_3, %add3A_349 : vector<16xi32>
      %add3A_351 = arith.constant 5 : i32
      %add3A_352 = arith.addi %mul3A_330, %add3A_351 : i32
      %add3A_353 = vector.broadcast %add3A_352 : i32 to vector<16xi32>
      %add3A_354 = arith.addi %mul3A_3, %add3A_353 : vector<16xi32>
      %add3A_355 = arith.constant 6 : i32
      %add3A_356 = arith.addi %mul3A_330, %add3A_355 : i32
      %add3A_357 = vector.broadcast %add3A_356 : i32 to vector<16xi32>
      %add3A_358 = arith.addi %mul3A_3, %add3A_357 : vector<16xi32>
      %add3A_359 = arith.constant 7 : i32
      %add3A_360 = arith.addi %mul3A_330, %add3A_359 : i32
      %add3A_361 = vector.broadcast %add3A_360 : i32 to vector<16xi32>
      %add3A_362 = arith.addi %mul3A_3, %add3A_361 : vector<16xi32>
      %add3A_363 = arith.constant 8 : i32
      %add3A_364 = arith.addi %mul3A_330, %add3A_363 : i32
      %add3A_365 = vector.broadcast %add3A_364 : i32 to vector<16xi32>
      %add3A_366 = arith.addi %mul3A_3, %add3A_365 : vector<16xi32>
      %add3A_367 = arith.constant 9 : i32
      %add3A_368 = arith.addi %mul3A_330, %add3A_367 : i32
      %add3A_369 = vector.broadcast %add3A_368 : i32 to vector<16xi32>
      %add3A_370 = arith.addi %mul3A_3, %add3A_369 : vector<16xi32>
      %add3A_371 = arith.constant 10 : i32
      %add3A_372 = arith.addi %mul3A_330, %add3A_371 : i32
      %add3A_373 = vector.broadcast %add3A_372 : i32 to vector<16xi32>
      %add3A_374 = arith.addi %mul3A_3, %add3A_373 : vector<16xi32>
      %add3A_375 = arith.constant 11 : i32
      %add3A_376 = arith.addi %mul3A_330, %add3A_375 : i32
      %add3A_377 = vector.broadcast %add3A_376 : i32 to vector<16xi32>
      %add3A_378 = arith.addi %mul3A_3, %add3A_377 : vector<16xi32>
      %add3A_379 = arith.constant 12 : i32
      %add3A_380 = arith.addi %mul3A_330, %add3A_379 : i32
      %add3A_381 = vector.broadcast %add3A_380 : i32 to vector<16xi32>
      %add3A_382 = arith.addi %mul3A_3, %add3A_381 : vector<16xi32>
      %add3A_383 = arith.constant 13 : i32
      %add3A_384 = arith.addi %mul3A_330, %add3A_383 : i32
      %add3A_385 = vector.broadcast %add3A_384 : i32 to vector<16xi32>
      %add3A_386 = arith.addi %mul3A_3, %add3A_385 : vector<16xi32>
      %add3A_387 = arith.constant 14 : i32
      %add3A_388 = arith.addi %mul3A_330, %add3A_387 : i32
      %add3A_389 = vector.broadcast %add3A_388 : i32 to vector<16xi32>
      %add3A_390 = arith.addi %mul3A_3, %add3A_389 : vector<16xi32>
      %add3A_391 = arith.constant 15 : i32
      %add3A_392 = arith.addi %mul3A_330, %add3A_391 : i32
      %add3A_393 = vector.broadcast %add3A_392 : i32 to vector<16xi32>
      %add3A_394 = arith.addi %mul3A_3, %add3A_393 : vector<16xi32>
      %gather3A = tpu.vector_load_idx %arg4[%add3A_334] : memref<16384xf32, #tpu.memory_space<vmem>>[vector<16xi32>], vector<16xf32>,
      %gather3A_395 = tpu.vector_load_idx %arg4[%add3A_338] : memref<16384xf32, #tpu.memory_space<vmem>>[vector<16xi32>], vector<16xf32>,
      %gather3A_396 = tpu.vector_load_idx %arg4[%add3A_342] : memref<16384xf32, #tpu.memory_space<vmem>>[vector<16xi32>], vector<16xf32>,
      %gather3A_397 = tpu.vector_load_idx %arg4[%add3A_346] : memref<16384xf32, #tpu.memory_space<vmem>>[vector<16xi32>], vector<16xf32>,
      %gather3A_398 = tpu.vector_load_idx %arg4[%add3A_350] : memref<16384xf32, #tpu.memory_space<vmem>>[vector<16xi32>], vector<16xf32>,
      %gather3A_399 = tpu.vector_load_idx %arg4[%add3A_354] : memref<16384xf32, #tpu.memory_space<vmem>>[vector<16xi32>], vector<16xf32>,
      %gather3A_400 = tpu.vector_load_idx %arg4[%add3A_358] : memref<16384xf32, #tpu.memory_space<vmem>>[vector<16xi32>], vector<16xf32>,
      %gather3A_401 = tpu.vector_load_idx %arg4[%add3A_362] : memref<16384xf32, #tpu.memory_space<vmem>>[vector<16xi32>], vector<16xf32>,
      %gather3A_402 = tpu.vector_load_idx %arg4[%add3A_366] : memref<16384xf32, #tpu.memory_space<vmem>>[vector<16xi32>], vector<16xf32>,
      %gather3A_403 = tpu.vector_load_idx %arg4[%add3A_370] : memref<16384xf32, #tpu.memory_space<vmem>>[vector<16xi32>], vector<16xf32>,
      %gather3A_404 = tpu.vector_load_idx %arg4[%add3A_374] : memref<16384xf32, #tpu.memory_space<vmem>>[vector<16xi32>], vector<16xf32>,
      %gather3A_405 = tpu.vector_load_idx %arg4[%add3A_378] : memref<16384xf32, #tpu.memory_space<vmem>>[vector<16xi32>], vector<16xf32>,
      %gather3A_406 = tpu.vector_load_idx %arg4[%add3A_382] : memref<16384xf32, #tpu.memory_space<vmem>>[vector<16xi32>], vector<16xf32>,
      %gather3A_407 = tpu.vector_load_idx %arg4[%add3A_386] : memref<16384xf32, #tpu.memory_space<vmem>>[vector<16xi32>], vector<16xf32>,
      %gather3A_408 = tpu.vector_load_idx %arg4[%add3A_390] : memref<16384xf32, #tpu.memory_space<vmem>>[vector<16xi32>], vector<16xf32>,
      %gather3A_409 = tpu.vector_load_idx %arg4[%add3A_394] : memref<16384xf32, #tpu.memory_space<vmem>>[vector<16xi32>], vector<16xf32>,
      %add3A_410 = arith.addf %gather3A, %gather3A_395 : vector<16xf32>
      %add3A_411 = arith.addf %add3A_410, %gather3A_396 : vector<16xf32>
      %add3A_412 = arith.addf %add3A_411, %gather3A_397 : vector<16xf32>
      %add3A_413 = arith.addf %add3A_412, %gather3A_398 : vector<16xf32>
      %add3A_414 = arith.addf %add3A_413, %gather3A_399 : vector<16xf32>
      %add3A_415 = arith.addf %add3A_414, %gather3A_400 : vector<16xf32>
      %add3A_416 = arith.addf %add3A_415, %gather3A_401 : vector<16xf32>
      %add3A_417 = arith.addf %add3A_416, %gather3A_402 : vector<16xf32>
      %add3A_418 = arith.addf %add3A_417, %gather3A_403 : vector<16xf32>
      %add3A_419 = arith.addf %add3A_418, %gather3A_404 : vector<16xf32>
      %add3A_420 = arith.addf %add3A_419, %gather3A_405 : vector<16xf32>
      %add3A_421 = arith.addf %add3A_420, %gather3A_406 : vector<16xf32>
      %add3A_422 = arith.addf %add3A_421, %gather3A_407 : vector<16xf32>
      %add3A_423 = arith.addf %add3A_422, %gather3A_408 : vector<16xf32>
      %add3A_424 = arith.addf %add3A_423, %gather3A_409 : vector<16xf32>
      %broadcast_in_dim3A = arith.constant true
      %broadcast_in_dim3A_425 = vector.broadcast %broadcast_in_dim3A : i1 to vector<16xi1>
      %masked_cumsum3A = tpu.scan <sum>, %add3A_424 masked %broadcast_in_dim3A_425 : vector<16xf32>, vector<16xi1> -> vector<16xf32>
      %sub3A = arith.subf %masked_cumsum3A, %add3A_424 : vector<16xf32>
      %add3A_426 = vector.broadcast %scan3A_328 : f32 to vector<16xf32>
      %add3A_427 = arith.addf %sub3A, %add3A_426 : vector<16xf32>
      %add3A_428 = arith.addf %gather3A, %add3A_427 : vector<16xf32>
      tpu.vector_store_idx %arg4[%add3A_334], %add3A_428 : memref<16384xf32, #tpu.memory_space<vmem>>[vector<16xi32>], vector<16xf32>,
      %add3A_429 = arith.addf %add3A_410, %add3A_427 : vector<16xf32>
      tpu.vector_store_idx %arg4[%add3A_338], %add3A_429 : memref<16384xf32, #tpu.memory_space<vmem>>[vector<16xi32>], vector<16xf32>,
      %add3A_430 = arith.addf %add3A_411, %add3A_427 : vector<16xf32>
      tpu.vector_store_idx %arg4[%add3A_342], %add3A_430 : memref<16384xf32, #tpu.memory_space<vmem>>[vector<16xi32>], vector<16xf32>,
      %add3A_431 = arith.addf %add3A_412, %add3A_427 : vector<16xf32>
      tpu.vector_store_idx %arg4[%add3A_346], %add3A_431 : memref<16384xf32, #tpu.memory_space<vmem>>[vector<16xi32>], vector<16xf32>,
      %add3A_432 = arith.addf %add3A_413, %add3A_427 : vector<16xf32>
      tpu.vector_store_idx %arg4[%add3A_350], %add3A_432 : memref<16384xf32, #tpu.memory_space<vmem>>[vector<16xi32>], vector<16xf32>,
      %add3A_433 = arith.addf %add3A_414, %add3A_427 : vector<16xf32>
      tpu.vector_store_idx %arg4[%add3A_354], %add3A_433 : memref<16384xf32, #tpu.memory_space<vmem>>[vector<16xi32>], vector<16xf32>,
      %add3A_434 = arith.addf %add3A_415, %add3A_427 : vector<16xf32>
      tpu.vector_store_idx %arg4[%add3A_358], %add3A_434 : memref<16384xf32, #tpu.memory_space<vmem>>[vector<16xi32>], vector<16xf32>,
      %add3A_435 = arith.addf %add3A_416, %add3A_427 : vector<16xf32>
      tpu.vector_store_idx %arg4[%add3A_362], %add3A_435 : memref<16384xf32, #tpu.memory_space<vmem>>[vector<16xi32>], vector<16xf32>,
      %add3A_436 = arith.addf %add3A_417, %add3A_427 : vector<16xf32>
      tpu.vector_store_idx %arg4[%add3A_366], %add3A_436 : memref<16384xf32, #tpu.memory_space<vmem>>[vector<16xi32>], vector<16xf32>,
      %add3A_437 = arith.addf %add3A_418, %add3A_427 : vector<16xf32>
      tpu.vector_store_idx %arg4[%add3A_370], %add3A_437 : memref<16384xf32, #tpu.memory_space<vmem>>[vector<16xi32>], vector<16xf32>,
      %add3A_438 = arith.addf %add3A_419, %add3A_427 : vector<16xf32>
      tpu.vector_store_idx %arg4[%add3A_374], %add3A_438 : memref<16384xf32, #tpu.memory_space<vmem>>[vector<16xi32>], vector<16xf32>,
      %add3A_439 = arith.addf %add3A_420, %add3A_427 : vector<16xf32>
      tpu.vector_store_idx %arg4[%add3A_378], %add3A_439 : memref<16384xf32, #tpu.memory_space<vmem>>[vector<16xi32>], vector<16xf32>,
      %add3A_440 = arith.addf %add3A_421, %add3A_427 : vector<16xf32>
      tpu.vector_store_idx %arg4[%add3A_382], %add3A_440 : memref<16384xf32, #tpu.memory_space<vmem>>[vector<16xi32>], vector<16xf32>,
      %add3A_441 = arith.addf %add3A_422, %add3A_427 : vector<16xf32>
      tpu.vector_store_idx %arg4[%add3A_386], %add3A_441 : memref<16384xf32, #tpu.memory_space<vmem>>[vector<16xi32>], vector<16xf32>,
      %add3A_442 = arith.addf %add3A_423, %add3A_427 : vector<16xf32>
      tpu.vector_store_idx %arg4[%add3A_390], %add3A_442 : memref<16384xf32, #tpu.memory_space<vmem>>[vector<16xi32>], vector<16xf32>,
      %add3A_443 = arith.addf %add3A_424, %add3A_427 : vector<16xf32>
      tpu.vector_store_idx %arg4[%add3A_394], %add3A_443 : memref<16384xf32, #tpu.memory_space<vmem>>[vector<16xi32>], vector<16xf32>,
      %reduce_sum3A = arith.constant true
      %reduce_sum3A_444 = vector.broadcast %reduce_sum3A : i1 to vector<16xi1>
      %reduce_sum3A_445 = tpu.scan <sum>, %add3A_424 masked %reduce_sum3A_444 : vector<16xf32>, vector<16xi1> -> vector<16xf32>
      %reduce_sum3A_446 = vector.extract %reduce_sum3A_445[15] : f32 from vector<16xf32>
      %add3A_447 = arith.addf %scan3A_328, %reduce_sum3A_446 : f32
      scf.yield %add3A_447 : f32
    }
    %scan3A_98 = arith.constant 32 : i32
    %dma_wait3A_99 = arith.constant 16384 : i32
    %dma_wait3A_100 = tpu.memref_slice %arg3[%add3A_79, %dma_wait3A_99] : memref<128x32768xf32, #tpu.memory_space<hbm>> -> memref<1x16384xf32, #tpu.memory_space<hbm>>
    %dma_wait3A_101 = tpu.memref_squeeze %dma_wait3A_100 : memref<1x16384xf32, #tpu.memory_space<hbm>> -> memref<16384xf32, #tpu.memory_space<hbm>>
    %dma_wait3A_102 = arith.constant 16384 : i32
    %dma_wait3A_103 = tpu.memref_slice %arg3[%add3A_79, %dma_wait3A_102] : memref<128x32768xf32, #tpu.memory_space<hbm>> -> memref<1x16384xf32, #tpu.memory_space<hbm>>
    %dma_wait3A_104 = tpu.memref_squeeze %dma_wait3A_103 : memref<1x16384xf32, #tpu.memory_space<hbm>> -> memref<16384xf32, #tpu.memory_space<hbm>>
    tpu.wait_dma2 semaphore(%arg9 : memref<!tpu.dma_semaphore, #tpu.memory_space<semaphore_mem>>) src(%arg5 : memref<16384xf32, #tpu.memory_space<vmem>>) dst(%dma_wait3A_104 : memref<16384xf32, #tpu.memory_space<hbm>>)
    %add3A_105 = arith.constant 1 : i32
    %add3A_106 = arith.addi %mul3A_5, %add3A_105 : i32
    %dma_start3A_107 = arith.constant 16384 : i32
    %dma_start3A_108 = tpu.memref_slice %arg2[%add3A_106, %dma_start3A_107] : memref<128x32768xf32, #tpu.memory_space<hbm>> -> memref<1x16384xf32, #tpu.memory_space<hbm>>
    %dma_start3A_109 = tpu.memref_squeeze %dma_start3A_108 : memref<1x16384xf32, #tpu.memory_space<hbm>> -> memref<16384xf32, #tpu.memory_space<hbm>>
    %dma_start3A_110 = arith.constant 16384 : i32
    %dma_start3A_111 = tpu.memref_slice %arg2[%add3A_106, %dma_start3A_110] : memref<128x32768xf32, #tpu.memory_space<hbm>> -> memref<1x16384xf32, #tpu.memory_space<hbm>>
    %dma_start3A_112 = tpu.memref_squeeze %dma_start3A_111 : memref<1x16384xf32, #tpu.memory_space<hbm>> -> memref<16384xf32, #tpu.memory_space<hbm>>
    tpu.enqueue_dma source(%dma_start3A_112 : memref<16384xf32, #tpu.memory_space<hbm>>) target(%arg5 : memref<16384xf32, #tpu.memory_space<vmem>>) target_semaphore(%arg7 : memref<!tpu.dma_semaphore, #tpu.memory_space<semaphore_mem>>)
    %scan3A_113 = arith.constant 32 : i32
    %scan3A_114 = arith.constant 32 : i32
    %scan3A_115 = arith.addi %scan3A_113, %scan3A_114 : i32
    %scan3A_116 = arith.constant 1 : i32
    %scan3A_117 = scf.for %scan3A_327 = %scan3A_113 to %scan3A_115 step %scan3A_116 iter_args(%scan3A_328 = %scan3A_97) -> (f32)  : i32 {
      %mul3A_329 = arith.constant 256 : i32
      %mul3A_330 = arith.muli %scan3A_327, %mul3A_329 : i32
      %add3A_331 = arith.constant 0 : i32
      %add3A_332 = arith.addi %mul3A_330, %add3A_331 : i32
      %add3A_333 = vector.broadcast %add3A_332 : i32 to vector<16xi32>
      %add3A_334 = arith.addi %mul3A_3, %add3A_333 : vector<16xi32>
      %add3A_335 = arith.constant 1 : i32
      %add3A_336 = arith.addi %mul3A_330, %add3A_335 : i32
      %add3A_337 = vector.broadcast %add3A_336 : i32 to vector<16xi32>
      %add3A_338 = arith.addi %mul3A_3, %add3A_337 : vector<16xi32>
      %add3A_339 = arith.constant 2 : i32
      %add3A_340 = arith.addi %mul3A_330, %add3A_339 : i32
      %add3A_341 = vector.broadcast %add3A_340 : i32 to vector<16xi32>
      %add3A_342 = arith.addi %mul3A_3, %add3A_341 : vector<16xi32>
      %add3A_343 = arith.constant 3 : i32
      %add3A_344 = arith.addi %mul3A_330, %add3A_343 : i32
      %add3A_345 = vector.broadcast %add3A_344 : i32 to vector<16xi32>
      %add3A_346 = arith.addi %mul3A_3, %add3A_345 : vector<16xi32>
      %add3A_347 = arith.constant 4 : i32
      %add3A_348 = arith.addi %mul3A_330, %add3A_347 : i32
      %add3A_349 = vector.broadcast %add3A_348 : i32 to vector<16xi32>
      %add3A_350 = arith.addi %mul3A_3, %add3A_349 : vector<16xi32>
      %add3A_351 = arith.constant 5 : i32
      %add3A_352 = arith.addi %mul3A_330, %add3A_351 : i32
      %add3A_353 = vector.broadcast %add3A_352 : i32 to vector<16xi32>
      %add3A_354 = arith.addi %mul3A_3, %add3A_353 : vector<16xi32>
      %add3A_355 = arith.constant 6 : i32
      %add3A_356 = arith.addi %mul3A_330, %add3A_355 : i32
      %add3A_357 = vector.broadcast %add3A_356 : i32 to vector<16xi32>
      %add3A_358 = arith.addi %mul3A_3, %add3A_357 : vector<16xi32>
      %add3A_359 = arith.constant 7 : i32
      %add3A_360 = arith.addi %mul3A_330, %add3A_359 : i32
      %add3A_361 = vector.broadcast %add3A_360 : i32 to vector<16xi32>
      %add3A_362 = arith.addi %mul3A_3, %add3A_361 : vector<16xi32>
      %add3A_363 = arith.constant 8 : i32
      %add3A_364 = arith.addi %mul3A_330, %add3A_363 : i32
      %add3A_365 = vector.broadcast %add3A_364 : i32 to vector<16xi32>
      %add3A_366 = arith.addi %mul3A_3, %add3A_365 : vector<16xi32>
      %add3A_367 = arith.constant 9 : i32
      %add3A_368 = arith.addi %mul3A_330, %add3A_367 : i32
      %add3A_369 = vector.broadcast %add3A_368 : i32 to vector<16xi32>
      %add3A_370 = arith.addi %mul3A_3, %add3A_369 : vector<16xi32>
      %add3A_371 = arith.constant 10 : i32
      %add3A_372 = arith.addi %mul3A_330, %add3A_371 : i32
      %add3A_373 = vector.broadcast %add3A_372 : i32 to vector<16xi32>
      %add3A_374 = arith.addi %mul3A_3, %add3A_373 : vector<16xi32>
      %add3A_375 = arith.constant 11 : i32
      %add3A_376 = arith.addi %mul3A_330, %add3A_375 : i32
      %add3A_377 = vector.broadcast %add3A_376 : i32 to vector<16xi32>
      %add3A_378 = arith.addi %mul3A_3, %add3A_377 : vector<16xi32>
      %add3A_379 = arith.constant 12 : i32
      %add3A_380 = arith.addi %mul3A_330, %add3A_379 : i32
      %add3A_381 = vector.broadcast %add3A_380 : i32 to vector<16xi32>
      %add3A_382 = arith.addi %mul3A_3, %add3A_381 : vector<16xi32>
      %add3A_383 = arith.constant 13 : i32
      %add3A_384 = arith.addi %mul3A_330, %add3A_383 : i32
      %add3A_385 = vector.broadcast %add3A_384 : i32 to vector<16xi32>
      %add3A_386 = arith.addi %mul3A_3, %add3A_385 : vector<16xi32>
      %add3A_387 = arith.constant 14 : i32
      %add3A_388 = arith.addi %mul3A_330, %add3A_387 : i32
      %add3A_389 = vector.broadcast %add3A_388 : i32 to vector<16xi32>
      %add3A_390 = arith.addi %mul3A_3, %add3A_389 : vector<16xi32>
      %add3A_391 = arith.constant 15 : i32
      %add3A_392 = arith.addi %mul3A_330, %add3A_391 : i32
      %add3A_393 = vector.broadcast %add3A_392 : i32 to vector<16xi32>
      %add3A_394 = arith.addi %mul3A_3, %add3A_393 : vector<16xi32>
      %gather3A = tpu.vector_load_idx %arg4[%add3A_334] : memref<16384xf32, #tpu.memory_space<vmem>>[vector<16xi32>], vector<16xf32>,
      %gather3A_395 = tpu.vector_load_idx %arg4[%add3A_338] : memref<16384xf32, #tpu.memory_space<vmem>>[vector<16xi32>], vector<16xf32>,
      %gather3A_396 = tpu.vector_load_idx %arg4[%add3A_342] : memref<16384xf32, #tpu.memory_space<vmem>>[vector<16xi32>], vector<16xf32>,
      %gather3A_397 = tpu.vector_load_idx %arg4[%add3A_346] : memref<16384xf32, #tpu.memory_space<vmem>>[vector<16xi32>], vector<16xf32>,
      %gather3A_398 = tpu.vector_load_idx %arg4[%add3A_350] : memref<16384xf32, #tpu.memory_space<vmem>>[vector<16xi32>], vector<16xf32>,
      %gather3A_399 = tpu.vector_load_idx %arg4[%add3A_354] : memref<16384xf32, #tpu.memory_space<vmem>>[vector<16xi32>], vector<16xf32>,
      %gather3A_400 = tpu.vector_load_idx %arg4[%add3A_358] : memref<16384xf32, #tpu.memory_space<vmem>>[vector<16xi32>], vector<16xf32>,
      %gather3A_401 = tpu.vector_load_idx %arg4[%add3A_362] : memref<16384xf32, #tpu.memory_space<vmem>>[vector<16xi32>], vector<16xf32>,
      %gather3A_402 = tpu.vector_load_idx %arg4[%add3A_366] : memref<16384xf32, #tpu.memory_space<vmem>>[vector<16xi32>], vector<16xf32>,
      %gather3A_403 = tpu.vector_load_idx %arg4[%add3A_370] : memref<16384xf32, #tpu.memory_space<vmem>>[vector<16xi32>], vector<16xf32>,
      %gather3A_404 = tpu.vector_load_idx %arg4[%add3A_374] : memref<16384xf32, #tpu.memory_space<vmem>>[vector<16xi32>], vector<16xf32>,
      %gather3A_405 = tpu.vector_load_idx %arg4[%add3A_378] : memref<16384xf32, #tpu.memory_space<vmem>>[vector<16xi32>], vector<16xf32>,
      %gather3A_406 = tpu.vector_load_idx %arg4[%add3A_382] : memref<16384xf32, #tpu.memory_space<vmem>>[vector<16xi32>], vector<16xf32>,
      %gather3A_407 = tpu.vector_load_idx %arg4[%add3A_386] : memref<16384xf32, #tpu.memory_space<vmem>>[vector<16xi32>], vector<16xf32>,
      %gather3A_408 = tpu.vector_load_idx %arg4[%add3A_390] : memref<16384xf32, #tpu.memory_space<vmem>>[vector<16xi32>], vector<16xf32>,
      %gather3A_409 = tpu.vector_load_idx %arg4[%add3A_394] : memref<16384xf32, #tpu.memory_space<vmem>>[vector<16xi32>], vector<16xf32>,
      %add3A_410 = arith.addf %gather3A, %gather3A_395 : vector<16xf32>
      %add3A_411 = arith.addf %add3A_410, %gather3A_396 : vector<16xf32>
      %add3A_412 = arith.addf %add3A_411, %gather3A_397 : vector<16xf32>
      %add3A_413 = arith.addf %add3A_412, %gather3A_398 : vector<16xf32>
      %add3A_414 = arith.addf %add3A_413, %gather3A_399 : vector<16xf32>
      %add3A_415 = arith.addf %add3A_414, %gather3A_400 : vector<16xf32>
      %add3A_416 = arith.addf %add3A_415, %gather3A_401 : vector<16xf32>
      %add3A_417 = arith.addf %add3A_416, %gather3A_402 : vector<16xf32>
      %add3A_418 = arith.addf %add3A_417, %gather3A_403 : vector<16xf32>
      %add3A_419 = arith.addf %add3A_418, %gather3A_404 : vector<16xf32>
      %add3A_420 = arith.addf %add3A_419, %gather3A_405 : vector<16xf32>
      %add3A_421 = arith.addf %add3A_420, %gather3A_406 : vector<16xf32>
      %add3A_422 = arith.addf %add3A_421, %gather3A_407 : vector<16xf32>
      %add3A_423 = arith.addf %add3A_422, %gather3A_408 : vector<16xf32>
      %add3A_424 = arith.addf %add3A_423, %gather3A_409 : vector<16xf32>
      %broadcast_in_dim3A = arith.constant true
      %broadcast_in_dim3A_425 = vector.broadcast %broadcast_in_dim3A : i1 to vector<16xi1>
      %masked_cumsum3A = tpu.scan <sum>, %add3A_424 masked %broadcast_in_dim3A_425 : vector<16xf32>, vector<16xi1> -> vector<16xf32>
      %sub3A = arith.subf %masked_cumsum3A, %add3A_424 : vector<16xf32>
      %add3A_426 = vector.broadcast %scan3A_328 : f32 to vector<16xf32>
      %add3A_427 = arith.addf %sub3A, %add3A_426 : vector<16xf32>
      %add3A_428 = arith.addf %gather3A, %add3A_427 : vector<16xf32>
      tpu.vector_store_idx %arg4[%add3A_334], %add3A_428 : memref<16384xf32, #tpu.memory_space<vmem>>[vector<16xi32>], vector<16xf32>,
      %add3A_429 = arith.addf %add3A_410, %add3A_427 : vector<16xf32>
      tpu.vector_store_idx %arg4[%add3A_338], %add3A_429 : memref<16384xf32, #tpu.memory_space<vmem>>[vector<16xi32>], vector<16xf32>,
      %add3A_430 = arith.addf %add3A_411, %add3A_427 : vector<16xf32>
      tpu.vector_store_idx %arg4[%add3A_342], %add3A_430 : memref<16384xf32, #tpu.memory_space<vmem>>[vector<16xi32>], vector<16xf32>,
      %add3A_431 = arith.addf %add3A_412, %add3A_427 : vector<16xf32>
      tpu.vector_store_idx %arg4[%add3A_346], %add3A_431 : memref<16384xf32, #tpu.memory_space<vmem>>[vector<16xi32>], vector<16xf32>,
      %add3A_432 = arith.addf %add3A_413, %add3A_427 : vector<16xf32>
      tpu.vector_store_idx %arg4[%add3A_350], %add3A_432 : memref<16384xf32, #tpu.memory_space<vmem>>[vector<16xi32>], vector<16xf32>,
      %add3A_433 = arith.addf %add3A_414, %add3A_427 : vector<16xf32>
      tpu.vector_store_idx %arg4[%add3A_354], %add3A_433 : memref<16384xf32, #tpu.memory_space<vmem>>[vector<16xi32>], vector<16xf32>,
      %add3A_434 = arith.addf %add3A_415, %add3A_427 : vector<16xf32>
      tpu.vector_store_idx %arg4[%add3A_358], %add3A_434 : memref<16384xf32, #tpu.memory_space<vmem>>[vector<16xi32>], vector<16xf32>,
      %add3A_435 = arith.addf %add3A_416, %add3A_427 : vector<16xf32>
      tpu.vector_store_idx %arg4[%add3A_362], %add3A_435 : memref<16384xf32, #tpu.memory_space<vmem>>[vector<16xi32>], vector<16xf32>,
      %add3A_436 = arith.addf %add3A_417, %add3A_427 : vector<16xf32>
      tpu.vector_store_idx %arg4[%add3A_366], %add3A_436 : memref<16384xf32, #tpu.memory_space<vmem>>[vector<16xi32>], vector<16xf32>,
      %add3A_437 = arith.addf %add3A_418, %add3A_427 : vector<16xf32>
      tpu.vector_store_idx %arg4[%add3A_370], %add3A_437 : memref<16384xf32, #tpu.memory_space<vmem>>[vector<16xi32>], vector<16xf32>,
      %add3A_438 = arith.addf %add3A_419, %add3A_427 : vector<16xf32>
      tpu.vector_store_idx %arg4[%add3A_374], %add3A_438 : memref<16384xf32, #tpu.memory_space<vmem>>[vector<16xi32>], vector<16xf32>,
      %add3A_439 = arith.addf %add3A_420, %add3A_427 : vector<16xf32>
      tpu.vector_store_idx %arg4[%add3A_378], %add3A_439 : memref<16384xf32, #tpu.memory_space<vmem>>[vector<16xi32>], vector<16xf32>,
      %add3A_440 = arith.addf %add3A_421, %add3A_427 : vector<16xf32>
      tpu.vector_store_idx %arg4[%add3A_382], %add3A_440 : memref<16384xf32, #tpu.memory_space<vmem>>[vector<16xi32>], vector<16xf32>,
      %add3A_441 = arith.addf %add3A_422, %add3A_427 : vector<16xf32>
      tpu.vector_store_idx %arg4[%add3A_386], %add3A_441 : memref<16384xf32, #tpu.memory_space<vmem>>[vector<16xi32>], vector<16xf32>,
      %add3A_442 = arith.addf %add3A_423, %add3A_427 : vector<16xf32>
      tpu.vector_store_idx %arg4[%add3A_390], %add3A_442 : memref<16384xf32, #tpu.memory_space<vmem>>[vector<16xi32>], vector<16xf32>,
      %add3A_443 = arith.addf %add3A_424, %add3A_427 : vector<16xf32>
      tpu.vector_store_idx %arg4[%add3A_394], %add3A_443 : memref<16384xf32, #tpu.memory_space<vmem>>[vector<16xi32>], vector<16xf32>,
      %reduce_sum3A = arith.constant true
      %reduce_sum3A_444 = vector.broadcast %reduce_sum3A : i1 to vector<16xi1>
      %reduce_sum3A_445 = tpu.scan <sum>, %add3A_424 masked %reduce_sum3A_444 : vector<16xf32>, vector<16xi1> -> vector<16xf32>
      %reduce_sum3A_446 = vector.extract %reduce_sum3A_445[15] : f32 from vector<16xf32>
      %add3A_447 = arith.addf %scan3A_328, %reduce_sum3A_446 : f32
      scf.yield %add3A_447 : f32
    }
    %scan3A_118 = arith.constant 32 : i32
    %add3A_119 = arith.constant 1 : i32
    %add3A_120 = arith.addi %mul3A_5, %add3A_119 : i32
    %dma_start3A_121 = arith.constant 0 : i32
    %dma_start3A_122 = tpu.memref_slice %arg3[%add3A_120, %dma_start3A_121] : memref<128x32768xf32, #tpu.memory_space<hbm>> -> memref<1x16384xf32, #tpu.memory_space<hbm>>
    %dma_start3A_123 = tpu.memref_squeeze %dma_start3A_122 : memref<1x16384xf32, #tpu.memory_space<hbm>> -> memref<16384xf32, #tpu.memory_space<hbm>>
    %dma_start3A_124 = arith.constant 0 : i32
    %dma_start3A_125 = tpu.memref_slice %arg3[%add3A_120, %dma_start3A_124] : memref<128x32768xf32, #tpu.memory_space<hbm>> -> memref<1x16384xf32, #tpu.memory_space<hbm>>
    %dma_start3A_126 = tpu.memref_squeeze %dma_start3A_125 : memref<1x16384xf32, #tpu.memory_space<hbm>> -> memref<16384xf32, #tpu.memory_space<hbm>>
    tpu.enqueue_dma source(%arg4 : memref<16384xf32, #tpu.memory_space<vmem>>) target(%dma_start3A_126 : memref<16384xf32, #tpu.memory_space<hbm>>) target_semaphore(%arg8 : memref<!tpu.dma_semaphore, #tpu.memory_space<semaphore_mem>>)
    %dma_wait3A_127 = arith.constant 16384 : i32
    %dma_wait3A_128 = tpu.memref_slice %arg2[%add3A_106, %dma_wait3A_127] : memref<128x32768xf32, #tpu.memory_space<hbm>> -> memref<1x16384xf32, #tpu.memory_space<hbm>>
    %dma_wait3A_129 = tpu.memref_squeeze %dma_wait3A_128 : memref<1x16384xf32, #tpu.memory_space<hbm>> -> memref<16384xf32, #tpu.memory_space<hbm>>
    %dma_wait3A_130 = arith.constant 16384 : i32
    %dma_wait3A_131 = tpu.memref_slice %arg2[%add3A_106, %dma_wait3A_130] : memref<128x32768xf32, #tpu.memory_space<hbm>> -> memref<1x16384xf32, #tpu.memory_space<hbm>>
    %dma_wait3A_132 = tpu.memref_squeeze %dma_wait3A_131 : memref<1x16384xf32, #tpu.memory_space<hbm>> -> memref<16384xf32, #tpu.memory_space<hbm>>
    tpu.wait_dma2 semaphore(%arg7 : memref<!tpu.dma_semaphore, #tpu.memory_space<semaphore_mem>>) src(%dma_wait3A_132 : memref<16384xf32, #tpu.memory_space<hbm>>) dst(%arg5 : memref<16384xf32, #tpu.memory_space<vmem>>)
    %scan3A_133 = arith.constant 0 : i32
    %scan3A_134 = arith.constant 32 : i32
    %scan3A_135 = arith.addi %scan3A_133, %scan3A_134 : i32
    %scan3A_136 = arith.constant 1 : i32
    %scan3A_137 = scf.for %scan3A_327 = %scan3A_133 to %scan3A_135 step %scan3A_136 iter_args(%scan3A_328 = %scan3A_117) -> (f32)  : i32 {
      %mul3A_329 = arith.constant 256 : i32
      %mul3A_330 = arith.muli %scan3A_327, %mul3A_329 : i32
      %add3A_331 = arith.constant 0 : i32
      %add3A_332 = arith.addi %mul3A_330, %add3A_331 : i32
      %add3A_333 = vector.broadcast %add3A_332 : i32 to vector<16xi32>
      %add3A_334 = arith.addi %mul3A_3, %add3A_333 : vector<16xi32>
      %add3A_335 = arith.constant 1 : i32
      %add3A_336 = arith.addi %mul3A_330, %add3A_335 : i32
      %add3A_337 = vector.broadcast %add3A_336 : i32 to vector<16xi32>
      %add3A_338 = arith.addi %mul3A_3, %add3A_337 : vector<16xi32>
      %add3A_339 = arith.constant 2 : i32
      %add3A_340 = arith.addi %mul3A_330, %add3A_339 : i32
      %add3A_341 = vector.broadcast %add3A_340 : i32 to vector<16xi32>
      %add3A_342 = arith.addi %mul3A_3, %add3A_341 : vector<16xi32>
      %add3A_343 = arith.constant 3 : i32
      %add3A_344 = arith.addi %mul3A_330, %add3A_343 : i32
      %add3A_345 = vector.broadcast %add3A_344 : i32 to vector<16xi32>
      %add3A_346 = arith.addi %mul3A_3, %add3A_345 : vector<16xi32>
      %add3A_347 = arith.constant 4 : i32
      %add3A_348 = arith.addi %mul3A_330, %add3A_347 : i32
      %add3A_349 = vector.broadcast %add3A_348 : i32 to vector<16xi32>
      %add3A_350 = arith.addi %mul3A_3, %add3A_349 : vector<16xi32>
      %add3A_351 = arith.constant 5 : i32
      %add3A_352 = arith.addi %mul3A_330, %add3A_351 : i32
      %add3A_353 = vector.broadcast %add3A_352 : i32 to vector<16xi32>
      %add3A_354 = arith.addi %mul3A_3, %add3A_353 : vector<16xi32>
      %add3A_355 = arith.constant 6 : i32
      %add3A_356 = arith.addi %mul3A_330, %add3A_355 : i32
      %add3A_357 = vector.broadcast %add3A_356 : i32 to vector<16xi32>
      %add3A_358 = arith.addi %mul3A_3, %add3A_357 : vector<16xi32>
      %add3A_359 = arith.constant 7 : i32
      %add3A_360 = arith.addi %mul3A_330, %add3A_359 : i32
      %add3A_361 = vector.broadcast %add3A_360 : i32 to vector<16xi32>
      %add3A_362 = arith.addi %mul3A_3, %add3A_361 : vector<16xi32>
      %add3A_363 = arith.constant 8 : i32
      %add3A_364 = arith.addi %mul3A_330, %add3A_363 : i32
      %add3A_365 = vector.broadcast %add3A_364 : i32 to vector<16xi32>
      %add3A_366 = arith.addi %mul3A_3, %add3A_365 : vector<16xi32>
      %add3A_367 = arith.constant 9 : i32
      %add3A_368 = arith.addi %mul3A_330, %add3A_367 : i32
      %add3A_369 = vector.broadcast %add3A_368 : i32 to vector<16xi32>
      %add3A_370 = arith.addi %mul3A_3, %add3A_369 : vector<16xi32>
      %add3A_371 = arith.constant 10 : i32
      %add3A_372 = arith.addi %mul3A_330, %add3A_371 : i32
      %add3A_373 = vector.broadcast %add3A_372 : i32 to vector<16xi32>
      %add3A_374 = arith.addi %mul3A_3, %add3A_373 : vector<16xi32>
      %add3A_375 = arith.constant 11 : i32
      %add3A_376 = arith.addi %mul3A_330, %add3A_375 : i32
      %add3A_377 = vector.broadcast %add3A_376 : i32 to vector<16xi32>
      %add3A_378 = arith.addi %mul3A_3, %add3A_377 : vector<16xi32>
      %add3A_379 = arith.constant 12 : i32
      %add3A_380 = arith.addi %mul3A_330, %add3A_379 : i32
      %add3A_381 = vector.broadcast %add3A_380 : i32 to vector<16xi32>
      %add3A_382 = arith.addi %mul3A_3, %add3A_381 : vector<16xi32>
      %add3A_383 = arith.constant 13 : i32
      %add3A_384 = arith.addi %mul3A_330, %add3A_383 : i32
      %add3A_385 = vector.broadcast %add3A_384 : i32 to vector<16xi32>
      %add3A_386 = arith.addi %mul3A_3, %add3A_385 : vector<16xi32>
      %add3A_387 = arith.constant 14 : i32
      %add3A_388 = arith.addi %mul3A_330, %add3A_387 : i32
      %add3A_389 = vector.broadcast %add3A_388 : i32 to vector<16xi32>
      %add3A_390 = arith.addi %mul3A_3, %add3A_389 : vector<16xi32>
      %add3A_391 = arith.constant 15 : i32
      %add3A_392 = arith.addi %mul3A_330, %add3A_391 : i32
      %add3A_393 = vector.broadcast %add3A_392 : i32 to vector<16xi32>
      %add3A_394 = arith.addi %mul3A_3, %add3A_393 : vector<16xi32>
      %gather3A = tpu.vector_load_idx %arg5[%add3A_334] : memref<16384xf32, #tpu.memory_space<vmem>>[vector<16xi32>], vector<16xf32>,
      %gather3A_395 = tpu.vector_load_idx %arg5[%add3A_338] : memref<16384xf32, #tpu.memory_space<vmem>>[vector<16xi32>], vector<16xf32>,
      %gather3A_396 = tpu.vector_load_idx %arg5[%add3A_342] : memref<16384xf32, #tpu.memory_space<vmem>>[vector<16xi32>], vector<16xf32>,
      %gather3A_397 = tpu.vector_load_idx %arg5[%add3A_346] : memref<16384xf32, #tpu.memory_space<vmem>>[vector<16xi32>], vector<16xf32>,
      %gather3A_398 = tpu.vector_load_idx %arg5[%add3A_350] : memref<16384xf32, #tpu.memory_space<vmem>>[vector<16xi32>], vector<16xf32>,
      %gather3A_399 = tpu.vector_load_idx %arg5[%add3A_354] : memref<16384xf32, #tpu.memory_space<vmem>>[vector<16xi32>], vector<16xf32>,
      %gather3A_400 = tpu.vector_load_idx %arg5[%add3A_358] : memref<16384xf32, #tpu.memory_space<vmem>>[vector<16xi32>], vector<16xf32>,
      %gather3A_401 = tpu.vector_load_idx %arg5[%add3A_362] : memref<16384xf32, #tpu.memory_space<vmem>>[vector<16xi32>], vector<16xf32>,
      %gather3A_402 = tpu.vector_load_idx %arg5[%add3A_366] : memref<16384xf32, #tpu.memory_space<vmem>>[vector<16xi32>], vector<16xf32>,
      %gather3A_403 = tpu.vector_load_idx %arg5[%add3A_370] : memref<16384xf32, #tpu.memory_space<vmem>>[vector<16xi32>], vector<16xf32>,
      %gather3A_404 = tpu.vector_load_idx %arg5[%add3A_374] : memref<16384xf32, #tpu.memory_space<vmem>>[vector<16xi32>], vector<16xf32>,
      %gather3A_405 = tpu.vector_load_idx %arg5[%add3A_378] : memref<16384xf32, #tpu.memory_space<vmem>>[vector<16xi32>], vector<16xf32>,
      %gather3A_406 = tpu.vector_load_idx %arg5[%add3A_382] : memref<16384xf32, #tpu.memory_space<vmem>>[vector<16xi32>], vector<16xf32>,
      %gather3A_407 = tpu.vector_load_idx %arg5[%add3A_386] : memref<16384xf32, #tpu.memory_space<vmem>>[vector<16xi32>], vector<16xf32>,
      %gather3A_408 = tpu.vector_load_idx %arg5[%add3A_390] : memref<16384xf32, #tpu.memory_space<vmem>>[vector<16xi32>], vector<16xf32>,
      %gather3A_409 = tpu.vector_load_idx %arg5[%add3A_394] : memref<16384xf32, #tpu.memory_space<vmem>>[vector<16xi32>], vector<16xf32>,
      %add3A_410 = arith.addf %gather3A, %gather3A_395 : vector<16xf32>
      %add3A_411 = arith.addf %add3A_410, %gather3A_396 : vector<16xf32>
      %add3A_412 = arith.addf %add3A_411, %gather3A_397 : vector<16xf32>
      %add3A_413 = arith.addf %add3A_412, %gather3A_398 : vector<16xf32>
      %add3A_414 = arith.addf %add3A_413, %gather3A_399 : vector<16xf32>
      %add3A_415 = arith.addf %add3A_414, %gather3A_400 : vector<16xf32>
      %add3A_416 = arith.addf %add3A_415, %gather3A_401 : vector<16xf32>
      %add3A_417 = arith.addf %add3A_416, %gather3A_402 : vector<16xf32>
      %add3A_418 = arith.addf %add3A_417, %gather3A_403 : vector<16xf32>
      %add3A_419 = arith.addf %add3A_418, %gather3A_404 : vector<16xf32>
      %add3A_420 = arith.addf %add3A_419, %gather3A_405 : vector<16xf32>
      %add3A_421 = arith.addf %add3A_420, %gather3A_406 : vector<16xf32>
      %add3A_422 = arith.addf %add3A_421, %gather3A_407 : vector<16xf32>
      %add3A_423 = arith.addf %add3A_422, %gather3A_408 : vector<16xf32>
      %add3A_424 = arith.addf %add3A_423, %gather3A_409 : vector<16xf32>
      %broadcast_in_dim3A = arith.constant true
      %broadcast_in_dim3A_425 = vector.broadcast %broadcast_in_dim3A : i1 to vector<16xi1>
      %masked_cumsum3A = tpu.scan <sum>, %add3A_424 masked %broadcast_in_dim3A_425 : vector<16xf32>, vector<16xi1> -> vector<16xf32>
      %sub3A = arith.subf %masked_cumsum3A, %add3A_424 : vector<16xf32>
      %add3A_426 = vector.broadcast %scan3A_328 : f32 to vector<16xf32>
      %add3A_427 = arith.addf %sub3A, %add3A_426 : vector<16xf32>
      %add3A_428 = arith.addf %gather3A, %add3A_427 : vector<16xf32>
      tpu.vector_store_idx %arg5[%add3A_334], %add3A_428 : memref<16384xf32, #tpu.memory_space<vmem>>[vector<16xi32>], vector<16xf32>,
      %add3A_429 = arith.addf %add3A_410, %add3A_427 : vector<16xf32>
      tpu.vector_store_idx %arg5[%add3A_338], %add3A_429 : memref<16384xf32, #tpu.memory_space<vmem>>[vector<16xi32>], vector<16xf32>,
      %add3A_430 = arith.addf %add3A_411, %add3A_427 : vector<16xf32>
      tpu.vector_store_idx %arg5[%add3A_342], %add3A_430 : memref<16384xf32, #tpu.memory_space<vmem>>[vector<16xi32>], vector<16xf32>,
      %add3A_431 = arith.addf %add3A_412, %add3A_427 : vector<16xf32>
      tpu.vector_store_idx %arg5[%add3A_346], %add3A_431 : memref<16384xf32, #tpu.memory_space<vmem>>[vector<16xi32>], vector<16xf32>,
      %add3A_432 = arith.addf %add3A_413, %add3A_427 : vector<16xf32>
      tpu.vector_store_idx %arg5[%add3A_350], %add3A_432 : memref<16384xf32, #tpu.memory_space<vmem>>[vector<16xi32>], vector<16xf32>,
      %add3A_433 = arith.addf %add3A_414, %add3A_427 : vector<16xf32>
      tpu.vector_store_idx %arg5[%add3A_354], %add3A_433 : memref<16384xf32, #tpu.memory_space<vmem>>[vector<16xi32>], vector<16xf32>,
      %add3A_434 = arith.addf %add3A_415, %add3A_427 : vector<16xf32>
      tpu.vector_store_idx %arg5[%add3A_358], %add3A_434 : memref<16384xf32, #tpu.memory_space<vmem>>[vector<16xi32>], vector<16xf32>,
      %add3A_435 = arith.addf %add3A_416, %add3A_427 : vector<16xf32>
      tpu.vector_store_idx %arg5[%add3A_362], %add3A_435 : memref<16384xf32, #tpu.memory_space<vmem>>[vector<16xi32>], vector<16xf32>,
      %add3A_436 = arith.addf %add3A_417, %add3A_427 : vector<16xf32>
      tpu.vector_store_idx %arg5[%add3A_366], %add3A_436 : memref<16384xf32, #tpu.memory_space<vmem>>[vector<16xi32>], vector<16xf32>,
      %add3A_437 = arith.addf %add3A_418, %add3A_427 : vector<16xf32>
      tpu.vector_store_idx %arg5[%add3A_370], %add3A_437 : memref<16384xf32, #tpu.memory_space<vmem>>[vector<16xi32>], vector<16xf32>,
      %add3A_438 = arith.addf %add3A_419, %add3A_427 : vector<16xf32>
      tpu.vector_store_idx %arg5[%add3A_374], %add3A_438 : memref<16384xf32, #tpu.memory_space<vmem>>[vector<16xi32>], vector<16xf32>,
      %add3A_439 = arith.addf %add3A_420, %add3A_427 : vector<16xf32>
      tpu.vector_store_idx %arg5[%add3A_378], %add3A_439 : memref<16384xf32, #tpu.memory_space<vmem>>[vector<16xi32>], vector<16xf32>,
      %add3A_440 = arith.addf %add3A_421, %add3A_427 : vector<16xf32>
      tpu.vector_store_idx %arg5[%add3A_382], %add3A_440 : memref<16384xf32, #tpu.memory_space<vmem>>[vector<16xi32>], vector<16xf32>,
      %add3A_441 = arith.addf %add3A_422, %add3A_427 : vector<16xf32>
      tpu.vector_store_idx %arg5[%add3A_386], %add3A_441 : memref<16384xf32, #tpu.memory_space<vmem>>[vector<16xi32>], vector<16xf32>,
      %add3A_442 = arith.addf %add3A_423, %add3A_427 : vector<16xf32>
      tpu.vector_store_idx %arg5[%add3A_390], %add3A_442 : memref<16384xf32, #tpu.memory_space<vmem>>[vector<16xi32>], vector<16xf32>,
      %add3A_443 = arith.addf %add3A_424, %add3A_427 : vector<16xf32>
      tpu.vector_store_idx %arg5[%add3A_394], %add3A_443 : memref<16384xf32, #tpu.memory_space<vmem>>[vector<16xi32>], vector<16xf32>,
      %reduce_sum3A = arith.constant true
      %reduce_sum3A_444 = vector.broadcast %reduce_sum3A : i1 to vector<16xi1>
      %reduce_sum3A_445 = tpu.scan <sum>, %add3A_424 masked %reduce_sum3A_444 : vector<16xf32>, vector<16xi1> -> vector<16xf32>
      %reduce_sum3A_446 = vector.extract %reduce_sum3A_445[15] : f32 from vector<16xf32>
      %add3A_447 = arith.addf %scan3A_328, %reduce_sum3A_446 : f32
      scf.yield %add3A_447 : f32
    }
    %scan3A_138 = arith.constant 32 : i32
    %dma_wait3A_139 = arith.constant 0 : i32
    %dma_wait3A_140 = tpu.memref_slice %arg3[%add3A_120, %dma_wait3A_139] : memref<128x32768xf32, #tpu.memory_space<hbm>> -> memref<1x16384xf32, #tpu.memory_space<hbm>>
    %dma_wait3A_141 = tpu.memref_squeeze %dma_wait3A_140 : memref<1x16384xf32, #tpu.memory_space<hbm>> -> memref<16384xf32, #tpu.memory_space<hbm>>
    %dma_wait3A_142 = arith.constant 0 : i32
    %dma_wait3A_143 = tpu.memref_slice %arg3[%add3A_120, %dma_wait3A_142] : memref<128x32768xf32, #tpu.memory_space<hbm>> -> memref<1x16384xf32, #tpu.memory_space<hbm>>
    %dma_wait3A_144 = tpu.memref_squeeze %dma_wait3A_143 : memref<1x16384xf32, #tpu.memory_space<hbm>> -> memref<16384xf32, #tpu.memory_space<hbm>>
    tpu.wait_dma2 semaphore(%arg8 : memref<!tpu.dma_semaphore, #tpu.memory_space<semaphore_mem>>) src(%arg4 : memref<16384xf32, #tpu.memory_space<vmem>>) dst(%dma_wait3A_144 : memref<16384xf32, #tpu.memory_space<hbm>>)
    %add3A_145 = arith.constant 2 : i32
    %add3A_146 = arith.addi %mul3A_5, %add3A_145 : i32
    %dma_start3A_147 = arith.constant 0 : i32
    %dma_start3A_148 = tpu.memref_slice %arg2[%add3A_146, %dma_start3A_147] : memref<128x32768xf32, #tpu.memory_space<hbm>> -> memref<1x16384xf32, #tpu.memory_space<hbm>>
    %dma_start3A_149 = tpu.memref_squeeze %dma_start3A_148 : memref<1x16384xf32, #tpu.memory_space<hbm>> -> memref<16384xf32, #tpu.memory_space<hbm>>
    %dma_start3A_150 = arith.constant 0 : i32
    %dma_start3A_151 = tpu.memref_slice %arg2[%add3A_146, %dma_start3A_150] : memref<128x32768xf32, #tpu.memory_space<hbm>> -> memref<1x16384xf32, #tpu.memory_space<hbm>>
    %dma_start3A_152 = tpu.memref_squeeze %dma_start3A_151 : memref<1x16384xf32, #tpu.memory_space<hbm>> -> memref<16384xf32, #tpu.memory_space<hbm>>
    tpu.enqueue_dma source(%dma_start3A_152 : memref<16384xf32, #tpu.memory_space<hbm>>) target(%arg4 : memref<16384xf32, #tpu.memory_space<vmem>>) target_semaphore(%arg6 : memref<!tpu.dma_semaphore, #tpu.memory_space<semaphore_mem>>)
    %scan3A_153 = arith.constant 32 : i32
    %scan3A_154 = arith.constant 32 : i32
    %scan3A_155 = arith.addi %scan3A_153, %scan3A_154 : i32
    %scan3A_156 = arith.constant 1 : i32
    %scan3A_157 = scf.for %scan3A_327 = %scan3A_153 to %scan3A_155 step %scan3A_156 iter_args(%scan3A_328 = %scan3A_137) -> (f32)  : i32 {
      %mul3A_329 = arith.constant 256 : i32
      %mul3A_330 = arith.muli %scan3A_327, %mul3A_329 : i32
      %add3A_331 = arith.constant 0 : i32
      %add3A_332 = arith.addi %mul3A_330, %add3A_331 : i32
      %add3A_333 = vector.broadcast %add3A_332 : i32 to vector<16xi32>
      %add3A_334 = arith.addi %mul3A_3, %add3A_333 : vector<16xi32>
      %add3A_335 = arith.constant 1 : i32
      %add3A_336 = arith.addi %mul3A_330, %add3A_335 : i32
      %add3A_337 = vector.broadcast %add3A_336 : i32 to vector<16xi32>
      %add3A_338 = arith.addi %mul3A_3, %add3A_337 : vector<16xi32>
      %add3A_339 = arith.constant 2 : i32
      %add3A_340 = arith.addi %mul3A_330, %add3A_339 : i32
      %add3A_341 = vector.broadcast %add3A_340 : i32 to vector<16xi32>
      %add3A_342 = arith.addi %mul3A_3, %add3A_341 : vector<16xi32>
      %add3A_343 = arith.constant 3 : i32
      %add3A_344 = arith.addi %mul3A_330, %add3A_343 : i32
      %add3A_345 = vector.broadcast %add3A_344 : i32 to vector<16xi32>
      %add3A_346 = arith.addi %mul3A_3, %add3A_345 : vector<16xi32>
      %add3A_347 = arith.constant 4 : i32
      %add3A_348 = arith.addi %mul3A_330, %add3A_347 : i32
      %add3A_349 = vector.broadcast %add3A_348 : i32 to vector<16xi32>
      %add3A_350 = arith.addi %mul3A_3, %add3A_349 : vector<16xi32>
      %add3A_351 = arith.constant 5 : i32
      %add3A_352 = arith.addi %mul3A_330, %add3A_351 : i32
      %add3A_353 = vector.broadcast %add3A_352 : i32 to vector<16xi32>
      %add3A_354 = arith.addi %mul3A_3, %add3A_353 : vector<16xi32>
      %add3A_355 = arith.constant 6 : i32
      %add3A_356 = arith.addi %mul3A_330, %add3A_355 : i32
      %add3A_357 = vector.broadcast %add3A_356 : i32 to vector<16xi32>
      %add3A_358 = arith.addi %mul3A_3, %add3A_357 : vector<16xi32>
      %add3A_359 = arith.constant 7 : i32
      %add3A_360 = arith.addi %mul3A_330, %add3A_359 : i32
      %add3A_361 = vector.broadcast %add3A_360 : i32 to vector<16xi32>
      %add3A_362 = arith.addi %mul3A_3, %add3A_361 : vector<16xi32>
      %add3A_363 = arith.constant 8 : i32
      %add3A_364 = arith.addi %mul3A_330, %add3A_363 : i32
      %add3A_365 = vector.broadcast %add3A_364 : i32 to vector<16xi32>
      %add3A_366 = arith.addi %mul3A_3, %add3A_365 : vector<16xi32>
      %add3A_367 = arith.constant 9 : i32
      %add3A_368 = arith.addi %mul3A_330, %add3A_367 : i32
      %add3A_369 = vector.broadcast %add3A_368 : i32 to vector<16xi32>
      %add3A_370 = arith.addi %mul3A_3, %add3A_369 : vector<16xi32>
      %add3A_371 = arith.constant 10 : i32
      %add3A_372 = arith.addi %mul3A_330, %add3A_371 : i32
      %add3A_373 = vector.broadcast %add3A_372 : i32 to vector<16xi32>
      %add3A_374 = arith.addi %mul3A_3, %add3A_373 : vector<16xi32>
      %add3A_375 = arith.constant 11 : i32
      %add3A_376 = arith.addi %mul3A_330, %add3A_375 : i32
      %add3A_377 = vector.broadcast %add3A_376 : i32 to vector<16xi32>
      %add3A_378 = arith.addi %mul3A_3, %add3A_377 : vector<16xi32>
      %add3A_379 = arith.constant 12 : i32
      %add3A_380 = arith.addi %mul3A_330, %add3A_379 : i32
      %add3A_381 = vector.broadcast %add3A_380 : i32 to vector<16xi32>
      %add3A_382 = arith.addi %mul3A_3, %add3A_381 : vector<16xi32>
      %add3A_383 = arith.constant 13 : i32
      %add3A_384 = arith.addi %mul3A_330, %add3A_383 : i32
      %add3A_385 = vector.broadcast %add3A_384 : i32 to vector<16xi32>
      %add3A_386 = arith.addi %mul3A_3, %add3A_385 : vector<16xi32>
      %add3A_387 = arith.constant 14 : i32
      %add3A_388 = arith.addi %mul3A_330, %add3A_387 : i32
      %add3A_389 = vector.broadcast %add3A_388 : i32 to vector<16xi32>
      %add3A_390 = arith.addi %mul3A_3, %add3A_389 : vector<16xi32>
      %add3A_391 = arith.constant 15 : i32
      %add3A_392 = arith.addi %mul3A_330, %add3A_391 : i32
      %add3A_393 = vector.broadcast %add3A_392 : i32 to vector<16xi32>
      %add3A_394 = arith.addi %mul3A_3, %add3A_393 : vector<16xi32>
      %gather3A = tpu.vector_load_idx %arg5[%add3A_334] : memref<16384xf32, #tpu.memory_space<vmem>>[vector<16xi32>], vector<16xf32>,
      %gather3A_395 = tpu.vector_load_idx %arg5[%add3A_338] : memref<16384xf32, #tpu.memory_space<vmem>>[vector<16xi32>], vector<16xf32>,
      %gather3A_396 = tpu.vector_load_idx %arg5[%add3A_342] : memref<16384xf32, #tpu.memory_space<vmem>>[vector<16xi32>], vector<16xf32>,
      %gather3A_397 = tpu.vector_load_idx %arg5[%add3A_346] : memref<16384xf32, #tpu.memory_space<vmem>>[vector<16xi32>], vector<16xf32>,
      %gather3A_398 = tpu.vector_load_idx %arg5[%add3A_350] : memref<16384xf32, #tpu.memory_space<vmem>>[vector<16xi32>], vector<16xf32>,
      %gather3A_399 = tpu.vector_load_idx %arg5[%add3A_354] : memref<16384xf32, #tpu.memory_space<vmem>>[vector<16xi32>], vector<16xf32>,
      %gather3A_400 = tpu.vector_load_idx %arg5[%add3A_358] : memref<16384xf32, #tpu.memory_space<vmem>>[vector<16xi32>], vector<16xf32>,
      %gather3A_401 = tpu.vector_load_idx %arg5[%add3A_362] : memref<16384xf32, #tpu.memory_space<vmem>>[vector<16xi32>], vector<16xf32>,
      %gather3A_402 = tpu.vector_load_idx %arg5[%add3A_366] : memref<16384xf32, #tpu.memory_space<vmem>>[vector<16xi32>], vector<16xf32>,
      %gather3A_403 = tpu.vector_load_idx %arg5[%add3A_370] : memref<16384xf32, #tpu.memory_space<vmem>>[vector<16xi32>], vector<16xf32>,
      %gather3A_404 = tpu.vector_load_idx %arg5[%add3A_374] : memref<16384xf32, #tpu.memory_space<vmem>>[vector<16xi32>], vector<16xf32>,
      %gather3A_405 = tpu.vector_load_idx %arg5[%add3A_378] : memref<16384xf32, #tpu.memory_space<vmem>>[vector<16xi32>], vector<16xf32>,
      %gather3A_406 = tpu.vector_load_idx %arg5[%add3A_382] : memref<16384xf32, #tpu.memory_space<vmem>>[vector<16xi32>], vector<16xf32>,
      %gather3A_407 = tpu.vector_load_idx %arg5[%add3A_386] : memref<16384xf32, #tpu.memory_space<vmem>>[vector<16xi32>], vector<16xf32>,
      %gather3A_408 = tpu.vector_load_idx %arg5[%add3A_390] : memref<16384xf32, #tpu.memory_space<vmem>>[vector<16xi32>], vector<16xf32>,
      %gather3A_409 = tpu.vector_load_idx %arg5[%add3A_394] : memref<16384xf32, #tpu.memory_space<vmem>>[vector<16xi32>], vector<16xf32>,
      %add3A_410 = arith.addf %gather3A, %gather3A_395 : vector<16xf32>
      %add3A_411 = arith.addf %add3A_410, %gather3A_396 : vector<16xf32>
      %add3A_412 = arith.addf %add3A_411, %gather3A_397 : vector<16xf32>
      %add3A_413 = arith.addf %add3A_412, %gather3A_398 : vector<16xf32>
      %add3A_414 = arith.addf %add3A_413, %gather3A_399 : vector<16xf32>
      %add3A_415 = arith.addf %add3A_414, %gather3A_400 : vector<16xf32>
      %add3A_416 = arith.addf %add3A_415, %gather3A_401 : vector<16xf32>
      %add3A_417 = arith.addf %add3A_416, %gather3A_402 : vector<16xf32>
      %add3A_418 = arith.addf %add3A_417, %gather3A_403 : vector<16xf32>
      %add3A_419 = arith.addf %add3A_418, %gather3A_404 : vector<16xf32>
      %add3A_420 = arith.addf %add3A_419, %gather3A_405 : vector<16xf32>
      %add3A_421 = arith.addf %add3A_420, %gather3A_406 : vector<16xf32>
      %add3A_422 = arith.addf %add3A_421, %gather3A_407 : vector<16xf32>
      %add3A_423 = arith.addf %add3A_422, %gather3A_408 : vector<16xf32>
      %add3A_424 = arith.addf %add3A_423, %gather3A_409 : vector<16xf32>
      %broadcast_in_dim3A = arith.constant true
      %broadcast_in_dim3A_425 = vector.broadcast %broadcast_in_dim3A : i1 to vector<16xi1>
      %masked_cumsum3A = tpu.scan <sum>, %add3A_424 masked %broadcast_in_dim3A_425 : vector<16xf32>, vector<16xi1> -> vector<16xf32>
      %sub3A = arith.subf %masked_cumsum3A, %add3A_424 : vector<16xf32>
      %add3A_426 = vector.broadcast %scan3A_328 : f32 to vector<16xf32>
      %add3A_427 = arith.addf %sub3A, %add3A_426 : vector<16xf32>
      %add3A_428 = arith.addf %gather3A, %add3A_427 : vector<16xf32>
      tpu.vector_store_idx %arg5[%add3A_334], %add3A_428 : memref<16384xf32, #tpu.memory_space<vmem>>[vector<16xi32>], vector<16xf32>,
      %add3A_429 = arith.addf %add3A_410, %add3A_427 : vector<16xf32>
      tpu.vector_store_idx %arg5[%add3A_338], %add3A_429 : memref<16384xf32, #tpu.memory_space<vmem>>[vector<16xi32>], vector<16xf32>,
      %add3A_430 = arith.addf %add3A_411, %add3A_427 : vector<16xf32>
      tpu.vector_store_idx %arg5[%add3A_342], %add3A_430 : memref<16384xf32, #tpu.memory_space<vmem>>[vector<16xi32>], vector<16xf32>,
      %add3A_431 = arith.addf %add3A_412, %add3A_427 : vector<16xf32>
      tpu.vector_store_idx %arg5[%add3A_346], %add3A_431 : memref<16384xf32, #tpu.memory_space<vmem>>[vector<16xi32>], vector<16xf32>,
      %add3A_432 = arith.addf %add3A_413, %add3A_427 : vector<16xf32>
      tpu.vector_store_idx %arg5[%add3A_350], %add3A_432 : memref<16384xf32, #tpu.memory_space<vmem>>[vector<16xi32>], vector<16xf32>,
      %add3A_433 = arith.addf %add3A_414, %add3A_427 : vector<16xf32>
      tpu.vector_store_idx %arg5[%add3A_354], %add3A_433 : memref<16384xf32, #tpu.memory_space<vmem>>[vector<16xi32>], vector<16xf32>,
      %add3A_434 = arith.addf %add3A_415, %add3A_427 : vector<16xf32>
      tpu.vector_store_idx %arg5[%add3A_358], %add3A_434 : memref<16384xf32, #tpu.memory_space<vmem>>[vector<16xi32>], vector<16xf32>,
      %add3A_435 = arith.addf %add3A_416, %add3A_427 : vector<16xf32>
      tpu.vector_store_idx %arg5[%add3A_362], %add3A_435 : memref<16384xf32, #tpu.memory_space<vmem>>[vector<16xi32>], vector<16xf32>,
      %add3A_436 = arith.addf %add3A_417, %add3A_427 : vector<16xf32>
      tpu.vector_store_idx %arg5[%add3A_366], %add3A_436 : memref<16384xf32, #tpu.memory_space<vmem>>[vector<16xi32>], vector<16xf32>,
      %add3A_437 = arith.addf %add3A_418, %add3A_427 : vector<16xf32>
      tpu.vector_store_idx %arg5[%add3A_370], %add3A_437 : memref<16384xf32, #tpu.memory_space<vmem>>[vector<16xi32>], vector<16xf32>,
      %add3A_438 = arith.addf %add3A_419, %add3A_427 : vector<16xf32>
      tpu.vector_store_idx %arg5[%add3A_374], %add3A_438 : memref<16384xf32, #tpu.memory_space<vmem>>[vector<16xi32>], vector<16xf32>,
      %add3A_439 = arith.addf %add3A_420, %add3A_427 : vector<16xf32>
      tpu.vector_store_idx %arg5[%add3A_378], %add3A_439 : memref<16384xf32, #tpu.memory_space<vmem>>[vector<16xi32>], vector<16xf32>,
      %add3A_440 = arith.addf %add3A_421, %add3A_427 : vector<16xf32>
      tpu.vector_store_idx %arg5[%add3A_382], %add3A_440 : memref<16384xf32, #tpu.memory_space<vmem>>[vector<16xi32>], vector<16xf32>,
      %add3A_441 = arith.addf %add3A_422, %add3A_427 : vector<16xf32>
      tpu.vector_store_idx %arg5[%add3A_386], %add3A_441 : memref<16384xf32, #tpu.memory_space<vmem>>[vector<16xi32>], vector<16xf32>,
      %add3A_442 = arith.addf %add3A_423, %add3A_427 : vector<16xf32>
      tpu.vector_store_idx %arg5[%add3A_390], %add3A_442 : memref<16384xf32, #tpu.memory_space<vmem>>[vector<16xi32>], vector<16xf32>,
      %add3A_443 = arith.addf %add3A_424, %add3A_427 : vector<16xf32>
      tpu.vector_store_idx %arg5[%add3A_394], %add3A_443 : memref<16384xf32, #tpu.memory_space<vmem>>[vector<16xi32>], vector<16xf32>,
      %reduce_sum3A = arith.constant true
      %reduce_sum3A_444 = vector.broadcast %reduce_sum3A : i1 to vector<16xi1>
      %reduce_sum3A_445 = tpu.scan <sum>, %add3A_424 masked %reduce_sum3A_444 : vector<16xf32>, vector<16xi1> -> vector<16xf32>
      %reduce_sum3A_446 = vector.extract %reduce_sum3A_445[15] : f32 from vector<16xf32>
      %add3A_447 = arith.addf %scan3A_328, %reduce_sum3A_446 : f32
      scf.yield %add3A_447 : f32
    }
    %scan3A_158 = arith.constant 32 : i32
    %add3A_159 = arith.constant 1 : i32
    %add3A_160 = arith.addi %mul3A_5, %add3A_159 : i32
    %dma_start3A_161 = arith.constant 16384 : i32
    %dma_start3A_162 = tpu.memref_slice %arg3[%add3A_160, %dma_start3A_161] : memref<128x32768xf32, #tpu.memory_space<hbm>> -> memref<1x16384xf32, #tpu.memory_space<hbm>>
    %dma_start3A_163 = tpu.memref_squeeze %dma_start3A_162 : memref<1x16384xf32, #tpu.memory_space<hbm>> -> memref<16384xf32, #tpu.memory_space<hbm>>
    %dma_start3A_164 = arith.constant 16384 : i32
    %dma_start3A_165 = tpu.memref_slice %arg3[%add3A_160, %dma_start3A_164] : memref<128x32768xf32, #tpu.memory_space<hbm>> -> memref<1x16384xf32, #tpu.memory_space<hbm>>
    %dma_start3A_166 = tpu.memref_squeeze %dma_start3A_165 : memref<1x16384xf32, #tpu.memory_space<hbm>> -> memref<16384xf32, #tpu.memory_space<hbm>>
    tpu.enqueue_dma source(%arg5 : memref<16384xf32, #tpu.memory_space<vmem>>) target(%dma_start3A_166 : memref<16384xf32, #tpu.memory_space<hbm>>) target_semaphore(%arg9 : memref<!tpu.dma_semaphore, #tpu.memory_space<semaphore_mem>>)
    %dma_wait3A_167 = arith.constant 0 : i32
    %dma_wait3A_168 = tpu.memref_slice %arg2[%add3A_146, %dma_wait3A_167] : memref<128x32768xf32, #tpu.memory_space<hbm>> -> memref<1x16384xf32, #tpu.memory_space<hbm>>
    %dma_wait3A_169 = tpu.memref_squeeze %dma_wait3A_168 : memref<1x16384xf32, #tpu.memory_space<hbm>> -> memref<16384xf32, #tpu.memory_space<hbm>>
    %dma_wait3A_170 = arith.constant 0 : i32
    %dma_wait3A_171 = tpu.memref_slice %arg2[%add3A_146, %dma_wait3A_170] : memref<128x32768xf32, #tpu.memory_space<hbm>> -> memref<1x16384xf32, #tpu.memory_space<hbm>>
    %dma_wait3A_172 = tpu.memref_squeeze %dma_wait3A_171 : memref<1x16384xf32, #tpu.memory_space<hbm>> -> memref<16384xf32, #tpu.memory_space<hbm>>
    tpu.wait_dma2 semaphore(%arg6 : memref<!tpu.dma_semaphore, #tpu.memory_space<semaphore_mem>>) src(%dma_wait3A_172 : memref<16384xf32, #tpu.memory_space<hbm>>) dst(%arg4 : memref<16384xf32, #tpu.memory_space<vmem>>)
    %scan3A_173 = arith.constant 0.000000e+00 : f32
    %scan3A_174 = arith.constant 0 : i32
    %scan3A_175 = arith.constant 32 : i32
    %scan3A_176 = arith.addi %scan3A_174, %scan3A_175 : i32
    %scan3A_177 = arith.constant 1 : i32
    %scan3A_178 = scf.for %scan3A_327 = %scan3A_174 to %scan3A_176 step %scan3A_177 iter_args(%scan3A_328 = %scan3A_173) -> (f32)  : i32 {
      %mul3A_329 = arith.constant 256 : i32
      %mul3A_330 = arith.muli %scan3A_327, %mul3A_329 : i32
      %add3A_331 = arith.constant 0 : i32
      %add3A_332 = arith.addi %mul3A_330, %add3A_331 : i32
      %add3A_333 = vector.broadcast %add3A_332 : i32 to vector<16xi32>
      %add3A_334 = arith.addi %mul3A_3, %add3A_333 : vector<16xi32>
      %add3A_335 = arith.constant 1 : i32
      %add3A_336 = arith.addi %mul3A_330, %add3A_335 : i32
      %add3A_337 = vector.broadcast %add3A_336 : i32 to vector<16xi32>
      %add3A_338 = arith.addi %mul3A_3, %add3A_337 : vector<16xi32>
      %add3A_339 = arith.constant 2 : i32
      %add3A_340 = arith.addi %mul3A_330, %add3A_339 : i32
      %add3A_341 = vector.broadcast %add3A_340 : i32 to vector<16xi32>
      %add3A_342 = arith.addi %mul3A_3, %add3A_341 : vector<16xi32>
      %add3A_343 = arith.constant 3 : i32
      %add3A_344 = arith.addi %mul3A_330, %add3A_343 : i32
      %add3A_345 = vector.broadcast %add3A_344 : i32 to vector<16xi32>
      %add3A_346 = arith.addi %mul3A_3, %add3A_345 : vector<16xi32>
      %add3A_347 = arith.constant 4 : i32
      %add3A_348 = arith.addi %mul3A_330, %add3A_347 : i32
      %add3A_349 = vector.broadcast %add3A_348 : i32 to vector<16xi32>
      %add3A_350 = arith.addi %mul3A_3, %add3A_349 : vector<16xi32>
      %add3A_351 = arith.constant 5 : i32
      %add3A_352 = arith.addi %mul3A_330, %add3A_351 : i32
      %add3A_353 = vector.broadcast %add3A_352 : i32 to vector<16xi32>
      %add3A_354 = arith.addi %mul3A_3, %add3A_353 : vector<16xi32>
      %add3A_355 = arith.constant 6 : i32
      %add3A_356 = arith.addi %mul3A_330, %add3A_355 : i32
      %add3A_357 = vector.broadcast %add3A_356 : i32 to vector<16xi32>
      %add3A_358 = arith.addi %mul3A_3, %add3A_357 : vector<16xi32>
      %add3A_359 = arith.constant 7 : i32
      %add3A_360 = arith.addi %mul3A_330, %add3A_359 : i32
      %add3A_361 = vector.broadcast %add3A_360 : i32 to vector<16xi32>
      %add3A_362 = arith.addi %mul3A_3, %add3A_361 : vector<16xi32>
      %add3A_363 = arith.constant 8 : i32
      %add3A_364 = arith.addi %mul3A_330, %add3A_363 : i32
      %add3A_365 = vector.broadcast %add3A_364 : i32 to vector<16xi32>
      %add3A_366 = arith.addi %mul3A_3, %add3A_365 : vector<16xi32>
      %add3A_367 = arith.constant 9 : i32
      %add3A_368 = arith.addi %mul3A_330, %add3A_367 : i32
      %add3A_369 = vector.broadcast %add3A_368 : i32 to vector<16xi32>
      %add3A_370 = arith.addi %mul3A_3, %add3A_369 : vector<16xi32>
      %add3A_371 = arith.constant 10 : i32
      %add3A_372 = arith.addi %mul3A_330, %add3A_371 : i32
      %add3A_373 = vector.broadcast %add3A_372 : i32 to vector<16xi32>
      %add3A_374 = arith.addi %mul3A_3, %add3A_373 : vector<16xi32>
      %add3A_375 = arith.constant 11 : i32
      %add3A_376 = arith.addi %mul3A_330, %add3A_375 : i32
      %add3A_377 = vector.broadcast %add3A_376 : i32 to vector<16xi32>
      %add3A_378 = arith.addi %mul3A_3, %add3A_377 : vector<16xi32>
      %add3A_379 = arith.constant 12 : i32
      %add3A_380 = arith.addi %mul3A_330, %add3A_379 : i32
      %add3A_381 = vector.broadcast %add3A_380 : i32 to vector<16xi32>
      %add3A_382 = arith.addi %mul3A_3, %add3A_381 : vector<16xi32>
      %add3A_383 = arith.constant 13 : i32
      %add3A_384 = arith.addi %mul3A_330, %add3A_383 : i32
      %add3A_385 = vector.broadcast %add3A_384 : i32 to vector<16xi32>
      %add3A_386 = arith.addi %mul3A_3, %add3A_385 : vector<16xi32>
      %add3A_387 = arith.constant 14 : i32
      %add3A_388 = arith.addi %mul3A_330, %add3A_387 : i32
      %add3A_389 = vector.broadcast %add3A_388 : i32 to vector<16xi32>
      %add3A_390 = arith.addi %mul3A_3, %add3A_389 : vector<16xi32>
      %add3A_391 = arith.constant 15 : i32
      %add3A_392 = arith.addi %mul3A_330, %add3A_391 : i32
      %add3A_393 = vector.broadcast %add3A_392 : i32 to vector<16xi32>
      %add3A_394 = arith.addi %mul3A_3, %add3A_393 : vector<16xi32>
      %gather3A = tpu.vector_load_idx %arg4[%add3A_334] : memref<16384xf32, #tpu.memory_space<vmem>>[vector<16xi32>], vector<16xf32>,
      %gather3A_395 = tpu.vector_load_idx %arg4[%add3A_338] : memref<16384xf32, #tpu.memory_space<vmem>>[vector<16xi32>], vector<16xf32>,
      %gather3A_396 = tpu.vector_load_idx %arg4[%add3A_342] : memref<16384xf32, #tpu.memory_space<vmem>>[vector<16xi32>], vector<16xf32>,
      %gather3A_397 = tpu.vector_load_idx %arg4[%add3A_346] : memref<16384xf32, #tpu.memory_space<vmem>>[vector<16xi32>], vector<16xf32>,
      %gather3A_398 = tpu.vector_load_idx %arg4[%add3A_350] : memref<16384xf32, #tpu.memory_space<vmem>>[vector<16xi32>], vector<16xf32>,
      %gather3A_399 = tpu.vector_load_idx %arg4[%add3A_354] : memref<16384xf32, #tpu.memory_space<vmem>>[vector<16xi32>], vector<16xf32>,
      %gather3A_400 = tpu.vector_load_idx %arg4[%add3A_358] : memref<16384xf32, #tpu.memory_space<vmem>>[vector<16xi32>], vector<16xf32>,
      %gather3A_401 = tpu.vector_load_idx %arg4[%add3A_362] : memref<16384xf32, #tpu.memory_space<vmem>>[vector<16xi32>], vector<16xf32>,
      %gather3A_402 = tpu.vector_load_idx %arg4[%add3A_366] : memref<16384xf32, #tpu.memory_space<vmem>>[vector<16xi32>], vector<16xf32>,
      %gather3A_403 = tpu.vector_load_idx %arg4[%add3A_370] : memref<16384xf32, #tpu.memory_space<vmem>>[vector<16xi32>], vector<16xf32>,
      %gather3A_404 = tpu.vector_load_idx %arg4[%add3A_374] : memref<16384xf32, #tpu.memory_space<vmem>>[vector<16xi32>], vector<16xf32>,
      %gather3A_405 = tpu.vector_load_idx %arg4[%add3A_378] : memref<16384xf32, #tpu.memory_space<vmem>>[vector<16xi32>], vector<16xf32>,
      %gather3A_406 = tpu.vector_load_idx %arg4[%add3A_382] : memref<16384xf32, #tpu.memory_space<vmem>>[vector<16xi32>], vector<16xf32>,
      %gather3A_407 = tpu.vector_load_idx %arg4[%add3A_386] : memref<16384xf32, #tpu.memory_space<vmem>>[vector<16xi32>], vector<16xf32>,
      %gather3A_408 = tpu.vector_load_idx %arg4[%add3A_390] : memref<16384xf32, #tpu.memory_space<vmem>>[vector<16xi32>], vector<16xf32>,
      %gather3A_409 = tpu.vector_load_idx %arg4[%add3A_394] : memref<16384xf32, #tpu.memory_space<vmem>>[vector<16xi32>], vector<16xf32>,
      %add3A_410 = arith.addf %gather3A, %gather3A_395 : vector<16xf32>
      %add3A_411 = arith.addf %add3A_410, %gather3A_396 : vector<16xf32>
      %add3A_412 = arith.addf %add3A_411, %gather3A_397 : vector<16xf32>
      %add3A_413 = arith.addf %add3A_412, %gather3A_398 : vector<16xf32>
      %add3A_414 = arith.addf %add3A_413, %gather3A_399 : vector<16xf32>
      %add3A_415 = arith.addf %add3A_414, %gather3A_400 : vector<16xf32>
      %add3A_416 = arith.addf %add3A_415, %gather3A_401 : vector<16xf32>
      %add3A_417 = arith.addf %add3A_416, %gather3A_402 : vector<16xf32>
      %add3A_418 = arith.addf %add3A_417, %gather3A_403 : vector<16xf32>
      %add3A_419 = arith.addf %add3A_418, %gather3A_404 : vector<16xf32>
      %add3A_420 = arith.addf %add3A_419, %gather3A_405 : vector<16xf32>
      %add3A_421 = arith.addf %add3A_420, %gather3A_406 : vector<16xf32>
      %add3A_422 = arith.addf %add3A_421, %gather3A_407 : vector<16xf32>
      %add3A_423 = arith.addf %add3A_422, %gather3A_408 : vector<16xf32>
      %add3A_424 = arith.addf %add3A_423, %gather3A_409 : vector<16xf32>
      %broadcast_in_dim3A = arith.constant true
      %broadcast_in_dim3A_425 = vector.broadcast %broadcast_in_dim3A : i1 to vector<16xi1>
      %masked_cumsum3A = tpu.scan <sum>, %add3A_424 masked %broadcast_in_dim3A_425 : vector<16xf32>, vector<16xi1> -> vector<16xf32>
      %sub3A = arith.subf %masked_cumsum3A, %add3A_424 : vector<16xf32>
      %add3A_426 = vector.broadcast %scan3A_328 : f32 to vector<16xf32>
      %add3A_427 = arith.addf %sub3A, %add3A_426 : vector<16xf32>
      %add3A_428 = arith.addf %gather3A, %add3A_427 : vector<16xf32>
      tpu.vector_store_idx %arg4[%add3A_334], %add3A_428 : memref<16384xf32, #tpu.memory_space<vmem>>[vector<16xi32>], vector<16xf32>,
      %add3A_429 = arith.addf %add3A_410, %add3A_427 : vector<16xf32>
      tpu.vector_store_idx %arg4[%add3A_338], %add3A_429 : memref<16384xf32, #tpu.memory_space<vmem>>[vector<16xi32>], vector<16xf32>,
      %add3A_430 = arith.addf %add3A_411, %add3A_427 : vector<16xf32>
      tpu.vector_store_idx %arg4[%add3A_342], %add3A_430 : memref<16384xf32, #tpu.memory_space<vmem>>[vector<16xi32>], vector<16xf32>,
      %add3A_431 = arith.addf %add3A_412, %add3A_427 : vector<16xf32>
      tpu.vector_store_idx %arg4[%add3A_346], %add3A_431 : memref<16384xf32, #tpu.memory_space<vmem>>[vector<16xi32>], vector<16xf32>,
      %add3A_432 = arith.addf %add3A_413, %add3A_427 : vector<16xf32>
      tpu.vector_store_idx %arg4[%add3A_350], %add3A_432 : memref<16384xf32, #tpu.memory_space<vmem>>[vector<16xi32>], vector<16xf32>,
      %add3A_433 = arith.addf %add3A_414, %add3A_427 : vector<16xf32>
      tpu.vector_store_idx %arg4[%add3A_354], %add3A_433 : memref<16384xf32, #tpu.memory_space<vmem>>[vector<16xi32>], vector<16xf32>,
      %add3A_434 = arith.addf %add3A_415, %add3A_427 : vector<16xf32>
      tpu.vector_store_idx %arg4[%add3A_358], %add3A_434 : memref<16384xf32, #tpu.memory_space<vmem>>[vector<16xi32>], vector<16xf32>,
      %add3A_435 = arith.addf %add3A_416, %add3A_427 : vector<16xf32>
      tpu.vector_store_idx %arg4[%add3A_362], %add3A_435 : memref<16384xf32, #tpu.memory_space<vmem>>[vector<16xi32>], vector<16xf32>,
      %add3A_436 = arith.addf %add3A_417, %add3A_427 : vector<16xf32>
      tpu.vector_store_idx %arg4[%add3A_366], %add3A_436 : memref<16384xf32, #tpu.memory_space<vmem>>[vector<16xi32>], vector<16xf32>,
      %add3A_437 = arith.addf %add3A_418, %add3A_427 : vector<16xf32>
      tpu.vector_store_idx %arg4[%add3A_370], %add3A_437 : memref<16384xf32, #tpu.memory_space<vmem>>[vector<16xi32>], vector<16xf32>,
      %add3A_438 = arith.addf %add3A_419, %add3A_427 : vector<16xf32>
      tpu.vector_store_idx %arg4[%add3A_374], %add3A_438 : memref<16384xf32, #tpu.memory_space<vmem>>[vector<16xi32>], vector<16xf32>,
      %add3A_439 = arith.addf %add3A_420, %add3A_427 : vector<16xf32>
      tpu.vector_store_idx %arg4[%add3A_378], %add3A_439 : memref<16384xf32, #tpu.memory_space<vmem>>[vector<16xi32>], vector<16xf32>,
      %add3A_440 = arith.addf %add3A_421, %add3A_427 : vector<16xf32>
      tpu.vector_store_idx %arg4[%add3A_382], %add3A_440 : memref<16384xf32, #tpu.memory_space<vmem>>[vector<16xi32>], vector<16xf32>,
      %add3A_441 = arith.addf %add3A_422, %add3A_427 : vector<16xf32>
      tpu.vector_store_idx %arg4[%add3A_386], %add3A_441 : memref<16384xf32, #tpu.memory_space<vmem>>[vector<16xi32>], vector<16xf32>,
      %add3A_442 = arith.addf %add3A_423, %add3A_427 : vector<16xf32>
      tpu.vector_store_idx %arg4[%add3A_390], %add3A_442 : memref<16384xf32, #tpu.memory_space<vmem>>[vector<16xi32>], vector<16xf32>,
      %add3A_443 = arith.addf %add3A_424, %add3A_427 : vector<16xf32>
      tpu.vector_store_idx %arg4[%add3A_394], %add3A_443 : memref<16384xf32, #tpu.memory_space<vmem>>[vector<16xi32>], vector<16xf32>,
      %reduce_sum3A = arith.constant true
      %reduce_sum3A_444 = vector.broadcast %reduce_sum3A : i1 to vector<16xi1>
      %reduce_sum3A_445 = tpu.scan <sum>, %add3A_424 masked %reduce_sum3A_444 : vector<16xf32>, vector<16xi1> -> vector<16xf32>
      %reduce_sum3A_446 = vector.extract %reduce_sum3A_445[15] : f32 from vector<16xf32>
      %add3A_447 = arith.addf %scan3A_328, %reduce_sum3A_446 : f32
      scf.yield %add3A_447 : f32
    }
    %scan3A_179 = arith.constant 32 : i32
    %dma_wait3A_180 = arith.constant 16384 : i32
    %dma_wait3A_181 = tpu.memref_slice %arg3[%add3A_160, %dma_wait3A_180] : memref<128x32768xf32, #tpu.memory_space<hbm>> -> memref<1x16384xf32, #tpu.memory_space<hbm>>
    %dma_wait3A_182 = tpu.memref_squeeze %dma_wait3A_181 : memref<1x16384xf32, #tpu.memory_space<hbm>> -> memref<16384xf32, #tpu.memory_space<hbm>>
    %dma_wait3A_183 = arith.constant 16384 : i32
    %dma_wait3A_184 = tpu.memref_slice %arg3[%add3A_160, %dma_wait3A_183] : memref<128x32768xf32, #tpu.memory_space<hbm>> -> memref<1x16384xf32, #tpu.memory_space<hbm>>
    %dma_wait3A_185 = tpu.memref_squeeze %dma_wait3A_184 : memref<1x16384xf32, #tpu.memory_space<hbm>> -> memref<16384xf32, #tpu.memory_space<hbm>>
    tpu.wait_dma2 semaphore(%arg9 : memref<!tpu.dma_semaphore, #tpu.memory_space<semaphore_mem>>) src(%arg5 : memref<16384xf32, #tpu.memory_space<vmem>>) dst(%dma_wait3A_185 : memref<16384xf32, #tpu.memory_space<hbm>>)
    %add3A_186 = arith.constant 2 : i32
    %add3A_187 = arith.addi %mul3A_5, %add3A_186 : i32
    %dma_start3A_188 = arith.constant 16384 : i32
    %dma_start3A_189 = tpu.memref_slice %arg2[%add3A_187, %dma_start3A_188] : memref<128x32768xf32, #tpu.memory_space<hbm>> -> memref<1x16384xf32, #tpu.memory_space<hbm>>
    %dma_start3A_190 = tpu.memref_squeeze %dma_start3A_189 : memref<1x16384xf32, #tpu.memory_space<hbm>> -> memref<16384xf32, #tpu.memory_space<hbm>>
    %dma_start3A_191 = arith.constant 16384 : i32
    %dma_start3A_192 = tpu.memref_slice %arg2[%add3A_187, %dma_start3A_191] : memref<128x32768xf32, #tpu.memory_space<hbm>> -> memref<1x16384xf32, #tpu.memory_space<hbm>>
    %dma_start3A_193 = tpu.memref_squeeze %dma_start3A_192 : memref<1x16384xf32, #tpu.memory_space<hbm>> -> memref<16384xf32, #tpu.memory_space<hbm>>
    tpu.enqueue_dma source(%dma_start3A_193 : memref<16384xf32, #tpu.memory_space<hbm>>) target(%arg5 : memref<16384xf32, #tpu.memory_space<vmem>>) target_semaphore(%arg7 : memref<!tpu.dma_semaphore, #tpu.memory_space<semaphore_mem>>)
    %scan3A_194 = arith.constant 32 : i32
    %scan3A_195 = arith.constant 32 : i32
    %scan3A_196 = arith.addi %scan3A_194, %scan3A_195 : i32
    %scan3A_197 = arith.constant 1 : i32
    %scan3A_198 = scf.for %scan3A_327 = %scan3A_194 to %scan3A_196 step %scan3A_197 iter_args(%scan3A_328 = %scan3A_178) -> (f32)  : i32 {
      %mul3A_329 = arith.constant 256 : i32
      %mul3A_330 = arith.muli %scan3A_327, %mul3A_329 : i32
      %add3A_331 = arith.constant 0 : i32
      %add3A_332 = arith.addi %mul3A_330, %add3A_331 : i32
      %add3A_333 = vector.broadcast %add3A_332 : i32 to vector<16xi32>
      %add3A_334 = arith.addi %mul3A_3, %add3A_333 : vector<16xi32>
      %add3A_335 = arith.constant 1 : i32
      %add3A_336 = arith.addi %mul3A_330, %add3A_335 : i32
      %add3A_337 = vector.broadcast %add3A_336 : i32 to vector<16xi32>
      %add3A_338 = arith.addi %mul3A_3, %add3A_337 : vector<16xi32>
      %add3A_339 = arith.constant 2 : i32
      %add3A_340 = arith.addi %mul3A_330, %add3A_339 : i32
      %add3A_341 = vector.broadcast %add3A_340 : i32 to vector<16xi32>
      %add3A_342 = arith.addi %mul3A_3, %add3A_341 : vector<16xi32>
      %add3A_343 = arith.constant 3 : i32
      %add3A_344 = arith.addi %mul3A_330, %add3A_343 : i32
      %add3A_345 = vector.broadcast %add3A_344 : i32 to vector<16xi32>
      %add3A_346 = arith.addi %mul3A_3, %add3A_345 : vector<16xi32>
      %add3A_347 = arith.constant 4 : i32
      %add3A_348 = arith.addi %mul3A_330, %add3A_347 : i32
      %add3A_349 = vector.broadcast %add3A_348 : i32 to vector<16xi32>
      %add3A_350 = arith.addi %mul3A_3, %add3A_349 : vector<16xi32>
      %add3A_351 = arith.constant 5 : i32
      %add3A_352 = arith.addi %mul3A_330, %add3A_351 : i32
      %add3A_353 = vector.broadcast %add3A_352 : i32 to vector<16xi32>
      %add3A_354 = arith.addi %mul3A_3, %add3A_353 : vector<16xi32>
      %add3A_355 = arith.constant 6 : i32
      %add3A_356 = arith.addi %mul3A_330, %add3A_355 : i32
      %add3A_357 = vector.broadcast %add3A_356 : i32 to vector<16xi32>
      %add3A_358 = arith.addi %mul3A_3, %add3A_357 : vector<16xi32>
      %add3A_359 = arith.constant 7 : i32
      %add3A_360 = arith.addi %mul3A_330, %add3A_359 : i32
      %add3A_361 = vector.broadcast %add3A_360 : i32 to vector<16xi32>
      %add3A_362 = arith.addi %mul3A_3, %add3A_361 : vector<16xi32>
      %add3A_363 = arith.constant 8 : i32
      %add3A_364 = arith.addi %mul3A_330, %add3A_363 : i32
      %add3A_365 = vector.broadcast %add3A_364 : i32 to vector<16xi32>
      %add3A_366 = arith.addi %mul3A_3, %add3A_365 : vector<16xi32>
      %add3A_367 = arith.constant 9 : i32
      %add3A_368 = arith.addi %mul3A_330, %add3A_367 : i32
      %add3A_369 = vector.broadcast %add3A_368 : i32 to vector<16xi32>
      %add3A_370 = arith.addi %mul3A_3, %add3A_369 : vector<16xi32>
      %add3A_371 = arith.constant 10 : i32
      %add3A_372 = arith.addi %mul3A_330, %add3A_371 : i32
      %add3A_373 = vector.broadcast %add3A_372 : i32 to vector<16xi32>
      %add3A_374 = arith.addi %mul3A_3, %add3A_373 : vector<16xi32>
      %add3A_375 = arith.constant 11 : i32
      %add3A_376 = arith.addi %mul3A_330, %add3A_375 : i32
      %add3A_377 = vector.broadcast %add3A_376 : i32 to vector<16xi32>
      %add3A_378 = arith.addi %mul3A_3, %add3A_377 : vector<16xi32>
      %add3A_379 = arith.constant 12 : i32
      %add3A_380 = arith.addi %mul3A_330, %add3A_379 : i32
      %add3A_381 = vector.broadcast %add3A_380 : i32 to vector<16xi32>
      %add3A_382 = arith.addi %mul3A_3, %add3A_381 : vector<16xi32>
      %add3A_383 = arith.constant 13 : i32
      %add3A_384 = arith.addi %mul3A_330, %add3A_383 : i32
      %add3A_385 = vector.broadcast %add3A_384 : i32 to vector<16xi32>
      %add3A_386 = arith.addi %mul3A_3, %add3A_385 : vector<16xi32>
      %add3A_387 = arith.constant 14 : i32
      %add3A_388 = arith.addi %mul3A_330, %add3A_387 : i32
      %add3A_389 = vector.broadcast %add3A_388 : i32 to vector<16xi32>
      %add3A_390 = arith.addi %mul3A_3, %add3A_389 : vector<16xi32>
      %add3A_391 = arith.constant 15 : i32
      %add3A_392 = arith.addi %mul3A_330, %add3A_391 : i32
      %add3A_393 = vector.broadcast %add3A_392 : i32 to vector<16xi32>
      %add3A_394 = arith.addi %mul3A_3, %add3A_393 : vector<16xi32>
      %gather3A = tpu.vector_load_idx %arg4[%add3A_334] : memref<16384xf32, #tpu.memory_space<vmem>>[vector<16xi32>], vector<16xf32>,
      %gather3A_395 = tpu.vector_load_idx %arg4[%add3A_338] : memref<16384xf32, #tpu.memory_space<vmem>>[vector<16xi32>], vector<16xf32>,
      %gather3A_396 = tpu.vector_load_idx %arg4[%add3A_342] : memref<16384xf32, #tpu.memory_space<vmem>>[vector<16xi32>], vector<16xf32>,
      %gather3A_397 = tpu.vector_load_idx %arg4[%add3A_346] : memref<16384xf32, #tpu.memory_space<vmem>>[vector<16xi32>], vector<16xf32>,
      %gather3A_398 = tpu.vector_load_idx %arg4[%add3A_350] : memref<16384xf32, #tpu.memory_space<vmem>>[vector<16xi32>], vector<16xf32>,
      %gather3A_399 = tpu.vector_load_idx %arg4[%add3A_354] : memref<16384xf32, #tpu.memory_space<vmem>>[vector<16xi32>], vector<16xf32>,
      %gather3A_400 = tpu.vector_load_idx %arg4[%add3A_358] : memref<16384xf32, #tpu.memory_space<vmem>>[vector<16xi32>], vector<16xf32>,
      %gather3A_401 = tpu.vector_load_idx %arg4[%add3A_362] : memref<16384xf32, #tpu.memory_space<vmem>>[vector<16xi32>], vector<16xf32>,
      %gather3A_402 = tpu.vector_load_idx %arg4[%add3A_366] : memref<16384xf32, #tpu.memory_space<vmem>>[vector<16xi32>], vector<16xf32>,
      %gather3A_403 = tpu.vector_load_idx %arg4[%add3A_370] : memref<16384xf32, #tpu.memory_space<vmem>>[vector<16xi32>], vector<16xf32>,
      %gather3A_404 = tpu.vector_load_idx %arg4[%add3A_374] : memref<16384xf32, #tpu.memory_space<vmem>>[vector<16xi32>], vector<16xf32>,
      %gather3A_405 = tpu.vector_load_idx %arg4[%add3A_378] : memref<16384xf32, #tpu.memory_space<vmem>>[vector<16xi32>], vector<16xf32>,
      %gather3A_406 = tpu.vector_load_idx %arg4[%add3A_382] : memref<16384xf32, #tpu.memory_space<vmem>>[vector<16xi32>], vector<16xf32>,
      %gather3A_407 = tpu.vector_load_idx %arg4[%add3A_386] : memref<16384xf32, #tpu.memory_space<vmem>>[vector<16xi32>], vector<16xf32>,
      %gather3A_408 = tpu.vector_load_idx %arg4[%add3A_390] : memref<16384xf32, #tpu.memory_space<vmem>>[vector<16xi32>], vector<16xf32>,
      %gather3A_409 = tpu.vector_load_idx %arg4[%add3A_394] : memref<16384xf32, #tpu.memory_space<vmem>>[vector<16xi32>], vector<16xf32>,
      %add3A_410 = arith.addf %gather3A, %gather3A_395 : vector<16xf32>
      %add3A_411 = arith.addf %add3A_410, %gather3A_396 : vector<16xf32>
      %add3A_412 = arith.addf %add3A_411, %gather3A_397 : vector<16xf32>
      %add3A_413 = arith.addf %add3A_412, %gather3A_398 : vector<16xf32>
      %add3A_414 = arith.addf %add3A_413, %gather3A_399 : vector<16xf32>
      %add3A_415 = arith.addf %add3A_414, %gather3A_400 : vector<16xf32>
      %add3A_416 = arith.addf %add3A_415, %gather3A_401 : vector<16xf32>
      %add3A_417 = arith.addf %add3A_416, %gather3A_402 : vector<16xf32>
      %add3A_418 = arith.addf %add3A_417, %gather3A_403 : vector<16xf32>
      %add3A_419 = arith.addf %add3A_418, %gather3A_404 : vector<16xf32>
      %add3A_420 = arith.addf %add3A_419, %gather3A_405 : vector<16xf32>
      %add3A_421 = arith.addf %add3A_420, %gather3A_406 : vector<16xf32>
      %add3A_422 = arith.addf %add3A_421, %gather3A_407 : vector<16xf32>
      %add3A_423 = arith.addf %add3A_422, %gather3A_408 : vector<16xf32>
      %add3A_424 = arith.addf %add3A_423, %gather3A_409 : vector<16xf32>
      %broadcast_in_dim3A = arith.constant true
      %broadcast_in_dim3A_425 = vector.broadcast %broadcast_in_dim3A : i1 to vector<16xi1>
      %masked_cumsum3A = tpu.scan <sum>, %add3A_424 masked %broadcast_in_dim3A_425 : vector<16xf32>, vector<16xi1> -> vector<16xf32>
      %sub3A = arith.subf %masked_cumsum3A, %add3A_424 : vector<16xf32>
      %add3A_426 = vector.broadcast %scan3A_328 : f32 to vector<16xf32>
      %add3A_427 = arith.addf %sub3A, %add3A_426 : vector<16xf32>
      %add3A_428 = arith.addf %gather3A, %add3A_427 : vector<16xf32>
      tpu.vector_store_idx %arg4[%add3A_334], %add3A_428 : memref<16384xf32, #tpu.memory_space<vmem>>[vector<16xi32>], vector<16xf32>,
      %add3A_429 = arith.addf %add3A_410, %add3A_427 : vector<16xf32>
      tpu.vector_store_idx %arg4[%add3A_338], %add3A_429 : memref<16384xf32, #tpu.memory_space<vmem>>[vector<16xi32>], vector<16xf32>,
      %add3A_430 = arith.addf %add3A_411, %add3A_427 : vector<16xf32>
      tpu.vector_store_idx %arg4[%add3A_342], %add3A_430 : memref<16384xf32, #tpu.memory_space<vmem>>[vector<16xi32>], vector<16xf32>,
      %add3A_431 = arith.addf %add3A_412, %add3A_427 : vector<16xf32>
      tpu.vector_store_idx %arg4[%add3A_346], %add3A_431 : memref<16384xf32, #tpu.memory_space<vmem>>[vector<16xi32>], vector<16xf32>,
      %add3A_432 = arith.addf %add3A_413, %add3A_427 : vector<16xf32>
      tpu.vector_store_idx %arg4[%add3A_350], %add3A_432 : memref<16384xf32, #tpu.memory_space<vmem>>[vector<16xi32>], vector<16xf32>,
      %add3A_433 = arith.addf %add3A_414, %add3A_427 : vector<16xf32>
      tpu.vector_store_idx %arg4[%add3A_354], %add3A_433 : memref<16384xf32, #tpu.memory_space<vmem>>[vector<16xi32>], vector<16xf32>,
      %add3A_434 = arith.addf %add3A_415, %add3A_427 : vector<16xf32>
      tpu.vector_store_idx %arg4[%add3A_358], %add3A_434 : memref<16384xf32, #tpu.memory_space<vmem>>[vector<16xi32>], vector<16xf32>,
      %add3A_435 = arith.addf %add3A_416, %add3A_427 : vector<16xf32>
      tpu.vector_store_idx %arg4[%add3A_362], %add3A_435 : memref<16384xf32, #tpu.memory_space<vmem>>[vector<16xi32>], vector<16xf32>,
      %add3A_436 = arith.addf %add3A_417, %add3A_427 : vector<16xf32>
      tpu.vector_store_idx %arg4[%add3A_366], %add3A_436 : memref<16384xf32, #tpu.memory_space<vmem>>[vector<16xi32>], vector<16xf32>,
      %add3A_437 = arith.addf %add3A_418, %add3A_427 : vector<16xf32>
      tpu.vector_store_idx %arg4[%add3A_370], %add3A_437 : memref<16384xf32, #tpu.memory_space<vmem>>[vector<16xi32>], vector<16xf32>,
      %add3A_438 = arith.addf %add3A_419, %add3A_427 : vector<16xf32>
      tpu.vector_store_idx %arg4[%add3A_374], %add3A_438 : memref<16384xf32, #tpu.memory_space<vmem>>[vector<16xi32>], vector<16xf32>,
      %add3A_439 = arith.addf %add3A_420, %add3A_427 : vector<16xf32>
      tpu.vector_store_idx %arg4[%add3A_378], %add3A_439 : memref<16384xf32, #tpu.memory_space<vmem>>[vector<16xi32>], vector<16xf32>,
      %add3A_440 = arith.addf %add3A_421, %add3A_427 : vector<16xf32>
      tpu.vector_store_idx %arg4[%add3A_382], %add3A_440 : memref<16384xf32, #tpu.memory_space<vmem>>[vector<16xi32>], vector<16xf32>,
      %add3A_441 = arith.addf %add3A_422, %add3A_427 : vector<16xf32>
      tpu.vector_store_idx %arg4[%add3A_386], %add3A_441 : memref<16384xf32, #tpu.memory_space<vmem>>[vector<16xi32>], vector<16xf32>,
      %add3A_442 = arith.addf %add3A_423, %add3A_427 : vector<16xf32>
      tpu.vector_store_idx %arg4[%add3A_390], %add3A_442 : memref<16384xf32, #tpu.memory_space<vmem>>[vector<16xi32>], vector<16xf32>,
      %add3A_443 = arith.addf %add3A_424, %add3A_427 : vector<16xf32>
      tpu.vector_store_idx %arg4[%add3A_394], %add3A_443 : memref<16384xf32, #tpu.memory_space<vmem>>[vector<16xi32>], vector<16xf32>,
      %reduce_sum3A = arith.constant true
      %reduce_sum3A_444 = vector.broadcast %reduce_sum3A : i1 to vector<16xi1>
      %reduce_sum3A_445 = tpu.scan <sum>, %add3A_424 masked %reduce_sum3A_444 : vector<16xf32>, vector<16xi1> -> vector<16xf32>
      %reduce_sum3A_446 = vector.extract %reduce_sum3A_445[15] : f32 from vector<16xf32>
      %add3A_447 = arith.addf %scan3A_328, %reduce_sum3A_446 : f32
      scf.yield %add3A_447 : f32
    }
    %scan3A_199 = arith.constant 32 : i32
    %add3A_200 = arith.constant 2 : i32
    %add3A_201 = arith.addi %mul3A_5, %add3A_200 : i32
    %dma_start3A_202 = arith.constant 0 : i32
    %dma_start3A_203 = tpu.memref_slice %arg3[%add3A_201, %dma_start3A_202] : memref<128x32768xf32, #tpu.memory_space<hbm>> -> memref<1x16384xf32, #tpu.memory_space<hbm>>
    %dma_start3A_204 = tpu.memref_squeeze %dma_start3A_203 : memref<1x16384xf32, #tpu.memory_space<hbm>> -> memref<16384xf32, #tpu.memory_space<hbm>>
    %dma_start3A_205 = arith.constant 0 : i32
    %dma_start3A_206 = tpu.memref_slice %arg3[%add3A_201, %dma_start3A_205] : memref<128x32768xf32, #tpu.memory_space<hbm>> -> memref<1x16384xf32, #tpu.memory_space<hbm>>
    %dma_start3A_207 = tpu.memref_squeeze %dma_start3A_206 : memref<1x16384xf32, #tpu.memory_space<hbm>> -> memref<16384xf32, #tpu.memory_space<hbm>>
    tpu.enqueue_dma source(%arg4 : memref<16384xf32, #tpu.memory_space<vmem>>) target(%dma_start3A_207 : memref<16384xf32, #tpu.memory_space<hbm>>) target_semaphore(%arg8 : memref<!tpu.dma_semaphore, #tpu.memory_space<semaphore_mem>>)
    %dma_wait3A_208 = arith.constant 16384 : i32
    %dma_wait3A_209 = tpu.memref_slice %arg2[%add3A_187, %dma_wait3A_208] : memref<128x32768xf32, #tpu.memory_space<hbm>> -> memref<1x16384xf32, #tpu.memory_space<hbm>>
    %dma_wait3A_210 = tpu.memref_squeeze %dma_wait3A_209 : memref<1x16384xf32, #tpu.memory_space<hbm>> -> memref<16384xf32, #tpu.memory_space<hbm>>
    %dma_wait3A_211 = arith.constant 16384 : i32
    %dma_wait3A_212 = tpu.memref_slice %arg2[%add3A_187, %dma_wait3A_211] : memref<128x32768xf32, #tpu.memory_space<hbm>> -> memref<1x16384xf32, #tpu.memory_space<hbm>>
    %dma_wait3A_213 = tpu.memref_squeeze %dma_wait3A_212 : memref<1x16384xf32, #tpu.memory_space<hbm>> -> memref<16384xf32, #tpu.memory_space<hbm>>
    tpu.wait_dma2 semaphore(%arg7 : memref<!tpu.dma_semaphore, #tpu.memory_space<semaphore_mem>>) src(%dma_wait3A_213 : memref<16384xf32, #tpu.memory_space<hbm>>) dst(%arg5 : memref<16384xf32, #tpu.memory_space<vmem>>)
    %scan3A_214 = arith.constant 0 : i32
    %scan3A_215 = arith.constant 32 : i32
    %scan3A_216 = arith.addi %scan3A_214, %scan3A_215 : i32
    %scan3A_217 = arith.constant 1 : i32
    %scan3A_218 = scf.for %scan3A_327 = %scan3A_214 to %scan3A_216 step %scan3A_217 iter_args(%scan3A_328 = %scan3A_198) -> (f32)  : i32 {
      %mul3A_329 = arith.constant 256 : i32
      %mul3A_330 = arith.muli %scan3A_327, %mul3A_329 : i32
      %add3A_331 = arith.constant 0 : i32
      %add3A_332 = arith.addi %mul3A_330, %add3A_331 : i32
      %add3A_333 = vector.broadcast %add3A_332 : i32 to vector<16xi32>
      %add3A_334 = arith.addi %mul3A_3, %add3A_333 : vector<16xi32>
      %add3A_335 = arith.constant 1 : i32
      %add3A_336 = arith.addi %mul3A_330, %add3A_335 : i32
      %add3A_337 = vector.broadcast %add3A_336 : i32 to vector<16xi32>
      %add3A_338 = arith.addi %mul3A_3, %add3A_337 : vector<16xi32>
      %add3A_339 = arith.constant 2 : i32
      %add3A_340 = arith.addi %mul3A_330, %add3A_339 : i32
      %add3A_341 = vector.broadcast %add3A_340 : i32 to vector<16xi32>
      %add3A_342 = arith.addi %mul3A_3, %add3A_341 : vector<16xi32>
      %add3A_343 = arith.constant 3 : i32
      %add3A_344 = arith.addi %mul3A_330, %add3A_343 : i32
      %add3A_345 = vector.broadcast %add3A_344 : i32 to vector<16xi32>
      %add3A_346 = arith.addi %mul3A_3, %add3A_345 : vector<16xi32>
      %add3A_347 = arith.constant 4 : i32
      %add3A_348 = arith.addi %mul3A_330, %add3A_347 : i32
      %add3A_349 = vector.broadcast %add3A_348 : i32 to vector<16xi32>
      %add3A_350 = arith.addi %mul3A_3, %add3A_349 : vector<16xi32>
      %add3A_351 = arith.constant 5 : i32
      %add3A_352 = arith.addi %mul3A_330, %add3A_351 : i32
      %add3A_353 = vector.broadcast %add3A_352 : i32 to vector<16xi32>
      %add3A_354 = arith.addi %mul3A_3, %add3A_353 : vector<16xi32>
      %add3A_355 = arith.constant 6 : i32
      %add3A_356 = arith.addi %mul3A_330, %add3A_355 : i32
      %add3A_357 = vector.broadcast %add3A_356 : i32 to vector<16xi32>
      %add3A_358 = arith.addi %mul3A_3, %add3A_357 : vector<16xi32>
      %add3A_359 = arith.constant 7 : i32
      %add3A_360 = arith.addi %mul3A_330, %add3A_359 : i32
      %add3A_361 = vector.broadcast %add3A_360 : i32 to vector<16xi32>
      %add3A_362 = arith.addi %mul3A_3, %add3A_361 : vector<16xi32>
      %add3A_363 = arith.constant 8 : i32
      %add3A_364 = arith.addi %mul3A_330, %add3A_363 : i32
      %add3A_365 = vector.broadcast %add3A_364 : i32 to vector<16xi32>
      %add3A_366 = arith.addi %mul3A_3, %add3A_365 : vector<16xi32>
      %add3A_367 = arith.constant 9 : i32
      %add3A_368 = arith.addi %mul3A_330, %add3A_367 : i32
      %add3A_369 = vector.broadcast %add3A_368 : i32 to vector<16xi32>
      %add3A_370 = arith.addi %mul3A_3, %add3A_369 : vector<16xi32>
      %add3A_371 = arith.constant 10 : i32
      %add3A_372 = arith.addi %mul3A_330, %add3A_371 : i32
      %add3A_373 = vector.broadcast %add3A_372 : i32 to vector<16xi32>
      %add3A_374 = arith.addi %mul3A_3, %add3A_373 : vector<16xi32>
      %add3A_375 = arith.constant 11 : i32
      %add3A_376 = arith.addi %mul3A_330, %add3A_375 : i32
      %add3A_377 = vector.broadcast %add3A_376 : i32 to vector<16xi32>
      %add3A_378 = arith.addi %mul3A_3, %add3A_377 : vector<16xi32>
      %add3A_379 = arith.constant 12 : i32
      %add3A_380 = arith.addi %mul3A_330, %add3A_379 : i32
      %add3A_381 = vector.broadcast %add3A_380 : i32 to vector<16xi32>
      %add3A_382 = arith.addi %mul3A_3, %add3A_381 : vector<16xi32>
      %add3A_383 = arith.constant 13 : i32
      %add3A_384 = arith.addi %mul3A_330, %add3A_383 : i32
      %add3A_385 = vector.broadcast %add3A_384 : i32 to vector<16xi32>
      %add3A_386 = arith.addi %mul3A_3, %add3A_385 : vector<16xi32>
      %add3A_387 = arith.constant 14 : i32
      %add3A_388 = arith.addi %mul3A_330, %add3A_387 : i32
      %add3A_389 = vector.broadcast %add3A_388 : i32 to vector<16xi32>
      %add3A_390 = arith.addi %mul3A_3, %add3A_389 : vector<16xi32>
      %add3A_391 = arith.constant 15 : i32
      %add3A_392 = arith.addi %mul3A_330, %add3A_391 : i32
      %add3A_393 = vector.broadcast %add3A_392 : i32 to vector<16xi32>
      %add3A_394 = arith.addi %mul3A_3, %add3A_393 : vector<16xi32>
      %gather3A = tpu.vector_load_idx %arg5[%add3A_334] : memref<16384xf32, #tpu.memory_space<vmem>>[vector<16xi32>], vector<16xf32>,
      %gather3A_395 = tpu.vector_load_idx %arg5[%add3A_338] : memref<16384xf32, #tpu.memory_space<vmem>>[vector<16xi32>], vector<16xf32>,
      %gather3A_396 = tpu.vector_load_idx %arg5[%add3A_342] : memref<16384xf32, #tpu.memory_space<vmem>>[vector<16xi32>], vector<16xf32>,
      %gather3A_397 = tpu.vector_load_idx %arg5[%add3A_346] : memref<16384xf32, #tpu.memory_space<vmem>>[vector<16xi32>], vector<16xf32>,
      %gather3A_398 = tpu.vector_load_idx %arg5[%add3A_350] : memref<16384xf32, #tpu.memory_space<vmem>>[vector<16xi32>], vector<16xf32>,
      %gather3A_399 = tpu.vector_load_idx %arg5[%add3A_354] : memref<16384xf32, #tpu.memory_space<vmem>>[vector<16xi32>], vector<16xf32>,
      %gather3A_400 = tpu.vector_load_idx %arg5[%add3A_358] : memref<16384xf32, #tpu.memory_space<vmem>>[vector<16xi32>], vector<16xf32>,
      %gather3A_401 = tpu.vector_load_idx %arg5[%add3A_362] : memref<16384xf32, #tpu.memory_space<vmem>>[vector<16xi32>], vector<16xf32>,
      %gather3A_402 = tpu.vector_load_idx %arg5[%add3A_366] : memref<16384xf32, #tpu.memory_space<vmem>>[vector<16xi32>], vector<16xf32>,
      %gather3A_403 = tpu.vector_load_idx %arg5[%add3A_370] : memref<16384xf32, #tpu.memory_space<vmem>>[vector<16xi32>], vector<16xf32>,
      %gather3A_404 = tpu.vector_load_idx %arg5[%add3A_374] : memref<16384xf32, #tpu.memory_space<vmem>>[vector<16xi32>], vector<16xf32>,
      %gather3A_405 = tpu.vector_load_idx %arg5[%add3A_378] : memref<16384xf32, #tpu.memory_space<vmem>>[vector<16xi32>], vector<16xf32>,
      %gather3A_406 = tpu.vector_load_idx %arg5[%add3A_382] : memref<16384xf32, #tpu.memory_space<vmem>>[vector<16xi32>], vector<16xf32>,
      %gather3A_407 = tpu.vector_load_idx %arg5[%add3A_386] : memref<16384xf32, #tpu.memory_space<vmem>>[vector<16xi32>], vector<16xf32>,
      %gather3A_408 = tpu.vector_load_idx %arg5[%add3A_390] : memref<16384xf32, #tpu.memory_space<vmem>>[vector<16xi32>], vector<16xf32>,
      %gather3A_409 = tpu.vector_load_idx %arg5[%add3A_394] : memref<16384xf32, #tpu.memory_space<vmem>>[vector<16xi32>], vector<16xf32>,
      %add3A_410 = arith.addf %gather3A, %gather3A_395 : vector<16xf32>
      %add3A_411 = arith.addf %add3A_410, %gather3A_396 : vector<16xf32>
      %add3A_412 = arith.addf %add3A_411, %gather3A_397 : vector<16xf32>
      %add3A_413 = arith.addf %add3A_412, %gather3A_398 : vector<16xf32>
      %add3A_414 = arith.addf %add3A_413, %gather3A_399 : vector<16xf32>
      %add3A_415 = arith.addf %add3A_414, %gather3A_400 : vector<16xf32>
      %add3A_416 = arith.addf %add3A_415, %gather3A_401 : vector<16xf32>
      %add3A_417 = arith.addf %add3A_416, %gather3A_402 : vector<16xf32>
      %add3A_418 = arith.addf %add3A_417, %gather3A_403 : vector<16xf32>
      %add3A_419 = arith.addf %add3A_418, %gather3A_404 : vector<16xf32>
      %add3A_420 = arith.addf %add3A_419, %gather3A_405 : vector<16xf32>
      %add3A_421 = arith.addf %add3A_420, %gather3A_406 : vector<16xf32>
      %add3A_422 = arith.addf %add3A_421, %gather3A_407 : vector<16xf32>
      %add3A_423 = arith.addf %add3A_422, %gather3A_408 : vector<16xf32>
      %add3A_424 = arith.addf %add3A_423, %gather3A_409 : vector<16xf32>
      %broadcast_in_dim3A = arith.constant true
      %broadcast_in_dim3A_425 = vector.broadcast %broadcast_in_dim3A : i1 to vector<16xi1>
      %masked_cumsum3A = tpu.scan <sum>, %add3A_424 masked %broadcast_in_dim3A_425 : vector<16xf32>, vector<16xi1> -> vector<16xf32>
      %sub3A = arith.subf %masked_cumsum3A, %add3A_424 : vector<16xf32>
      %add3A_426 = vector.broadcast %scan3A_328 : f32 to vector<16xf32>
      %add3A_427 = arith.addf %sub3A, %add3A_426 : vector<16xf32>
      %add3A_428 = arith.addf %gather3A, %add3A_427 : vector<16xf32>
      tpu.vector_store_idx %arg5[%add3A_334], %add3A_428 : memref<16384xf32, #tpu.memory_space<vmem>>[vector<16xi32>], vector<16xf32>,
      %add3A_429 = arith.addf %add3A_410, %add3A_427 : vector<16xf32>
      tpu.vector_store_idx %arg5[%add3A_338], %add3A_429 : memref<16384xf32, #tpu.memory_space<vmem>>[vector<16xi32>], vector<16xf32>,
      %add3A_430 = arith.addf %add3A_411, %add3A_427 : vector<16xf32>
      tpu.vector_store_idx %arg5[%add3A_342], %add3A_430 : memref<16384xf32, #tpu.memory_space<vmem>>[vector<16xi32>], vector<16xf32>,
      %add3A_431 = arith.addf %add3A_412, %add3A_427 : vector<16xf32>
      tpu.vector_store_idx %arg5[%add3A_346], %add3A_431 : memref<16384xf32, #tpu.memory_space<vmem>>[vector<16xi32>], vector<16xf32>,
      %add3A_432 = arith.addf %add3A_413, %add3A_427 : vector<16xf32>
      tpu.vector_store_idx %arg5[%add3A_350], %add3A_432 : memref<16384xf32, #tpu.memory_space<vmem>>[vector<16xi32>], vector<16xf32>,
      %add3A_433 = arith.addf %add3A_414, %add3A_427 : vector<16xf32>
      tpu.vector_store_idx %arg5[%add3A_354], %add3A_433 : memref<16384xf32, #tpu.memory_space<vmem>>[vector<16xi32>], vector<16xf32>,
      %add3A_434 = arith.addf %add3A_415, %add3A_427 : vector<16xf32>
      tpu.vector_store_idx %arg5[%add3A_358], %add3A_434 : memref<16384xf32, #tpu.memory_space<vmem>>[vector<16xi32>], vector<16xf32>,
      %add3A_435 = arith.addf %add3A_416, %add3A_427 : vector<16xf32>
      tpu.vector_store_idx %arg5[%add3A_362], %add3A_435 : memref<16384xf32, #tpu.memory_space<vmem>>[vector<16xi32>], vector<16xf32>,
      %add3A_436 = arith.addf %add3A_417, %add3A_427 : vector<16xf32>
      tpu.vector_store_idx %arg5[%add3A_366], %add3A_436 : memref<16384xf32, #tpu.memory_space<vmem>>[vector<16xi32>], vector<16xf32>,
      %add3A_437 = arith.addf %add3A_418, %add3A_427 : vector<16xf32>
      tpu.vector_store_idx %arg5[%add3A_370], %add3A_437 : memref<16384xf32, #tpu.memory_space<vmem>>[vector<16xi32>], vector<16xf32>,
      %add3A_438 = arith.addf %add3A_419, %add3A_427 : vector<16xf32>
      tpu.vector_store_idx %arg5[%add3A_374], %add3A_438 : memref<16384xf32, #tpu.memory_space<vmem>>[vector<16xi32>], vector<16xf32>,
      %add3A_439 = arith.addf %add3A_420, %add3A_427 : vector<16xf32>
      tpu.vector_store_idx %arg5[%add3A_378], %add3A_439 : memref<16384xf32, #tpu.memory_space<vmem>>[vector<16xi32>], vector<16xf32>,
      %add3A_440 = arith.addf %add3A_421, %add3A_427 : vector<16xf32>
      tpu.vector_store_idx %arg5[%add3A_382], %add3A_440 : memref<16384xf32, #tpu.memory_space<vmem>>[vector<16xi32>], vector<16xf32>,
      %add3A_441 = arith.addf %add3A_422, %add3A_427 : vector<16xf32>
      tpu.vector_store_idx %arg5[%add3A_386], %add3A_441 : memref<16384xf32, #tpu.memory_space<vmem>>[vector<16xi32>], vector<16xf32>,
      %add3A_442 = arith.addf %add3A_423, %add3A_427 : vector<16xf32>
      tpu.vector_store_idx %arg5[%add3A_390], %add3A_442 : memref<16384xf32, #tpu.memory_space<vmem>>[vector<16xi32>], vector<16xf32>,
      %add3A_443 = arith.addf %add3A_424, %add3A_427 : vector<16xf32>
      tpu.vector_store_idx %arg5[%add3A_394], %add3A_443 : memref<16384xf32, #tpu.memory_space<vmem>>[vector<16xi32>], vector<16xf32>,
      %reduce_sum3A = arith.constant true
      %reduce_sum3A_444 = vector.broadcast %reduce_sum3A : i1 to vector<16xi1>
      %reduce_sum3A_445 = tpu.scan <sum>, %add3A_424 masked %reduce_sum3A_444 : vector<16xf32>, vector<16xi1> -> vector<16xf32>
      %reduce_sum3A_446 = vector.extract %reduce_sum3A_445[15] : f32 from vector<16xf32>
      %add3A_447 = arith.addf %scan3A_328, %reduce_sum3A_446 : f32
      scf.yield %add3A_447 : f32
    }
    %scan3A_219 = arith.constant 32 : i32
    %dma_wait3A_220 = arith.constant 0 : i32
    %dma_wait3A_221 = tpu.memref_slice %arg3[%add3A_201, %dma_wait3A_220] : memref<128x32768xf32, #tpu.memory_space<hbm>> -> memref<1x16384xf32, #tpu.memory_space<hbm>>
    %dma_wait3A_222 = tpu.memref_squeeze %dma_wait3A_221 : memref<1x16384xf32, #tpu.memory_space<hbm>> -> memref<16384xf32, #tpu.memory_space<hbm>>
    %dma_wait3A_223 = arith.constant 0 : i32
    %dma_wait3A_224 = tpu.memref_slice %arg3[%add3A_201, %dma_wait3A_223] : memref<128x32768xf32, #tpu.memory_space<hbm>> -> memref<1x16384xf32, #tpu.memory_space<hbm>>
    %dma_wait3A_225 = tpu.memref_squeeze %dma_wait3A_224 : memref<1x16384xf32, #tpu.memory_space<hbm>> -> memref<16384xf32, #tpu.memory_space<hbm>>
    tpu.wait_dma2 semaphore(%arg8 : memref<!tpu.dma_semaphore, #tpu.memory_space<semaphore_mem>>) src(%arg4 : memref<16384xf32, #tpu.memory_space<vmem>>) dst(%dma_wait3A_225 : memref<16384xf32, #tpu.memory_space<hbm>>)
    %add3A_226 = arith.constant 3 : i32
    %add3A_227 = arith.addi %mul3A_5, %add3A_226 : i32
    %dma_start3A_228 = arith.constant 0 : i32
    %dma_start3A_229 = tpu.memref_slice %arg2[%add3A_227, %dma_start3A_228] : memref<128x32768xf32, #tpu.memory_space<hbm>> -> memref<1x16384xf32, #tpu.memory_space<hbm>>
    %dma_start3A_230 = tpu.memref_squeeze %dma_start3A_229 : memref<1x16384xf32, #tpu.memory_space<hbm>> -> memref<16384xf32, #tpu.memory_space<hbm>>
    %dma_start3A_231 = arith.constant 0 : i32
    %dma_start3A_232 = tpu.memref_slice %arg2[%add3A_227, %dma_start3A_231] : memref<128x32768xf32, #tpu.memory_space<hbm>> -> memref<1x16384xf32, #tpu.memory_space<hbm>>
    %dma_start3A_233 = tpu.memref_squeeze %dma_start3A_232 : memref<1x16384xf32, #tpu.memory_space<hbm>> -> memref<16384xf32, #tpu.memory_space<hbm>>
    tpu.enqueue_dma source(%dma_start3A_233 : memref<16384xf32, #tpu.memory_space<hbm>>) target(%arg4 : memref<16384xf32, #tpu.memory_space<vmem>>) target_semaphore(%arg6 : memref<!tpu.dma_semaphore, #tpu.memory_space<semaphore_mem>>)
    %scan3A_234 = arith.constant 32 : i32
    %scan3A_235 = arith.constant 32 : i32
    %scan3A_236 = arith.addi %scan3A_234, %scan3A_235 : i32
    %scan3A_237 = arith.constant 1 : i32
    %scan3A_238 = scf.for %scan3A_327 = %scan3A_234 to %scan3A_236 step %scan3A_237 iter_args(%scan3A_328 = %scan3A_218) -> (f32)  : i32 {
      %mul3A_329 = arith.constant 256 : i32
      %mul3A_330 = arith.muli %scan3A_327, %mul3A_329 : i32
      %add3A_331 = arith.constant 0 : i32
      %add3A_332 = arith.addi %mul3A_330, %add3A_331 : i32
      %add3A_333 = vector.broadcast %add3A_332 : i32 to vector<16xi32>
      %add3A_334 = arith.addi %mul3A_3, %add3A_333 : vector<16xi32>
      %add3A_335 = arith.constant 1 : i32
      %add3A_336 = arith.addi %mul3A_330, %add3A_335 : i32
      %add3A_337 = vector.broadcast %add3A_336 : i32 to vector<16xi32>
      %add3A_338 = arith.addi %mul3A_3, %add3A_337 : vector<16xi32>
      %add3A_339 = arith.constant 2 : i32
      %add3A_340 = arith.addi %mul3A_330, %add3A_339 : i32
      %add3A_341 = vector.broadcast %add3A_340 : i32 to vector<16xi32>
      %add3A_342 = arith.addi %mul3A_3, %add3A_341 : vector<16xi32>
      %add3A_343 = arith.constant 3 : i32
      %add3A_344 = arith.addi %mul3A_330, %add3A_343 : i32
      %add3A_345 = vector.broadcast %add3A_344 : i32 to vector<16xi32>
      %add3A_346 = arith.addi %mul3A_3, %add3A_345 : vector<16xi32>
      %add3A_347 = arith.constant 4 : i32
      %add3A_348 = arith.addi %mul3A_330, %add3A_347 : i32
      %add3A_349 = vector.broadcast %add3A_348 : i32 to vector<16xi32>
      %add3A_350 = arith.addi %mul3A_3, %add3A_349 : vector<16xi32>
      %add3A_351 = arith.constant 5 : i32
      %add3A_352 = arith.addi %mul3A_330, %add3A_351 : i32
      %add3A_353 = vector.broadcast %add3A_352 : i32 to vector<16xi32>
      %add3A_354 = arith.addi %mul3A_3, %add3A_353 : vector<16xi32>
      %add3A_355 = arith.constant 6 : i32
      %add3A_356 = arith.addi %mul3A_330, %add3A_355 : i32
      %add3A_357 = vector.broadcast %add3A_356 : i32 to vector<16xi32>
      %add3A_358 = arith.addi %mul3A_3, %add3A_357 : vector<16xi32>
      %add3A_359 = arith.constant 7 : i32
      %add3A_360 = arith.addi %mul3A_330, %add3A_359 : i32
      %add3A_361 = vector.broadcast %add3A_360 : i32 to vector<16xi32>
      %add3A_362 = arith.addi %mul3A_3, %add3A_361 : vector<16xi32>
      %add3A_363 = arith.constant 8 : i32
      %add3A_364 = arith.addi %mul3A_330, %add3A_363 : i32
      %add3A_365 = vector.broadcast %add3A_364 : i32 to vector<16xi32>
      %add3A_366 = arith.addi %mul3A_3, %add3A_365 : vector<16xi32>
      %add3A_367 = arith.constant 9 : i32
      %add3A_368 = arith.addi %mul3A_330, %add3A_367 : i32
      %add3A_369 = vector.broadcast %add3A_368 : i32 to vector<16xi32>
      %add3A_370 = arith.addi %mul3A_3, %add3A_369 : vector<16xi32>
      %add3A_371 = arith.constant 10 : i32
      %add3A_372 = arith.addi %mul3A_330, %add3A_371 : i32
      %add3A_373 = vector.broadcast %add3A_372 : i32 to vector<16xi32>
      %add3A_374 = arith.addi %mul3A_3, %add3A_373 : vector<16xi32>
      %add3A_375 = arith.constant 11 : i32
      %add3A_376 = arith.addi %mul3A_330, %add3A_375 : i32
      %add3A_377 = vector.broadcast %add3A_376 : i32 to vector<16xi32>
      %add3A_378 = arith.addi %mul3A_3, %add3A_377 : vector<16xi32>
      %add3A_379 = arith.constant 12 : i32
      %add3A_380 = arith.addi %mul3A_330, %add3A_379 : i32
      %add3A_381 = vector.broadcast %add3A_380 : i32 to vector<16xi32>
      %add3A_382 = arith.addi %mul3A_3, %add3A_381 : vector<16xi32>
      %add3A_383 = arith.constant 13 : i32
      %add3A_384 = arith.addi %mul3A_330, %add3A_383 : i32
      %add3A_385 = vector.broadcast %add3A_384 : i32 to vector<16xi32>
      %add3A_386 = arith.addi %mul3A_3, %add3A_385 : vector<16xi32>
      %add3A_387 = arith.constant 14 : i32
      %add3A_388 = arith.addi %mul3A_330, %add3A_387 : i32
      %add3A_389 = vector.broadcast %add3A_388 : i32 to vector<16xi32>
      %add3A_390 = arith.addi %mul3A_3, %add3A_389 : vector<16xi32>
      %add3A_391 = arith.constant 15 : i32
      %add3A_392 = arith.addi %mul3A_330, %add3A_391 : i32
      %add3A_393 = vector.broadcast %add3A_392 : i32 to vector<16xi32>
      %add3A_394 = arith.addi %mul3A_3, %add3A_393 : vector<16xi32>
      %gather3A = tpu.vector_load_idx %arg5[%add3A_334] : memref<16384xf32, #tpu.memory_space<vmem>>[vector<16xi32>], vector<16xf32>,
      %gather3A_395 = tpu.vector_load_idx %arg5[%add3A_338] : memref<16384xf32, #tpu.memory_space<vmem>>[vector<16xi32>], vector<16xf32>,
      %gather3A_396 = tpu.vector_load_idx %arg5[%add3A_342] : memref<16384xf32, #tpu.memory_space<vmem>>[vector<16xi32>], vector<16xf32>,
      %gather3A_397 = tpu.vector_load_idx %arg5[%add3A_346] : memref<16384xf32, #tpu.memory_space<vmem>>[vector<16xi32>], vector<16xf32>,
      %gather3A_398 = tpu.vector_load_idx %arg5[%add3A_350] : memref<16384xf32, #tpu.memory_space<vmem>>[vector<16xi32>], vector<16xf32>,
      %gather3A_399 = tpu.vector_load_idx %arg5[%add3A_354] : memref<16384xf32, #tpu.memory_space<vmem>>[vector<16xi32>], vector<16xf32>,
      %gather3A_400 = tpu.vector_load_idx %arg5[%add3A_358] : memref<16384xf32, #tpu.memory_space<vmem>>[vector<16xi32>], vector<16xf32>,
      %gather3A_401 = tpu.vector_load_idx %arg5[%add3A_362] : memref<16384xf32, #tpu.memory_space<vmem>>[vector<16xi32>], vector<16xf32>,
      %gather3A_402 = tpu.vector_load_idx %arg5[%add3A_366] : memref<16384xf32, #tpu.memory_space<vmem>>[vector<16xi32>], vector<16xf32>,
      %gather3A_403 = tpu.vector_load_idx %arg5[%add3A_370] : memref<16384xf32, #tpu.memory_space<vmem>>[vector<16xi32>], vector<16xf32>,
      %gather3A_404 = tpu.vector_load_idx %arg5[%add3A_374] : memref<16384xf32, #tpu.memory_space<vmem>>[vector<16xi32>], vector<16xf32>,
      %gather3A_405 = tpu.vector_load_idx %arg5[%add3A_378] : memref<16384xf32, #tpu.memory_space<vmem>>[vector<16xi32>], vector<16xf32>,
      %gather3A_406 = tpu.vector_load_idx %arg5[%add3A_382] : memref<16384xf32, #tpu.memory_space<vmem>>[vector<16xi32>], vector<16xf32>,
      %gather3A_407 = tpu.vector_load_idx %arg5[%add3A_386] : memref<16384xf32, #tpu.memory_space<vmem>>[vector<16xi32>], vector<16xf32>,
      %gather3A_408 = tpu.vector_load_idx %arg5[%add3A_390] : memref<16384xf32, #tpu.memory_space<vmem>>[vector<16xi32>], vector<16xf32>,
      %gather3A_409 = tpu.vector_load_idx %arg5[%add3A_394] : memref<16384xf32, #tpu.memory_space<vmem>>[vector<16xi32>], vector<16xf32>,
      %add3A_410 = arith.addf %gather3A, %gather3A_395 : vector<16xf32>
      %add3A_411 = arith.addf %add3A_410, %gather3A_396 : vector<16xf32>
      %add3A_412 = arith.addf %add3A_411, %gather3A_397 : vector<16xf32>
      %add3A_413 = arith.addf %add3A_412, %gather3A_398 : vector<16xf32>
      %add3A_414 = arith.addf %add3A_413, %gather3A_399 : vector<16xf32>
      %add3A_415 = arith.addf %add3A_414, %gather3A_400 : vector<16xf32>
      %add3A_416 = arith.addf %add3A_415, %gather3A_401 : vector<16xf32>
      %add3A_417 = arith.addf %add3A_416, %gather3A_402 : vector<16xf32>
      %add3A_418 = arith.addf %add3A_417, %gather3A_403 : vector<16xf32>
      %add3A_419 = arith.addf %add3A_418, %gather3A_404 : vector<16xf32>
      %add3A_420 = arith.addf %add3A_419, %gather3A_405 : vector<16xf32>
      %add3A_421 = arith.addf %add3A_420, %gather3A_406 : vector<16xf32>
      %add3A_422 = arith.addf %add3A_421, %gather3A_407 : vector<16xf32>
      %add3A_423 = arith.addf %add3A_422, %gather3A_408 : vector<16xf32>
      %add3A_424 = arith.addf %add3A_423, %gather3A_409 : vector<16xf32>
      %broadcast_in_dim3A = arith.constant true
      %broadcast_in_dim3A_425 = vector.broadcast %broadcast_in_dim3A : i1 to vector<16xi1>
      %masked_cumsum3A = tpu.scan <sum>, %add3A_424 masked %broadcast_in_dim3A_425 : vector<16xf32>, vector<16xi1> -> vector<16xf32>
      %sub3A = arith.subf %masked_cumsum3A, %add3A_424 : vector<16xf32>
      %add3A_426 = vector.broadcast %scan3A_328 : f32 to vector<16xf32>
      %add3A_427 = arith.addf %sub3A, %add3A_426 : vector<16xf32>
      %add3A_428 = arith.addf %gather3A, %add3A_427 : vector<16xf32>
      tpu.vector_store_idx %arg5[%add3A_334], %add3A_428 : memref<16384xf32, #tpu.memory_space<vmem>>[vector<16xi32>], vector<16xf32>,
      %add3A_429 = arith.addf %add3A_410, %add3A_427 : vector<16xf32>
      tpu.vector_store_idx %arg5[%add3A_338], %add3A_429 : memref<16384xf32, #tpu.memory_space<vmem>>[vector<16xi32>], vector<16xf32>,
      %add3A_430 = arith.addf %add3A_411, %add3A_427 : vector<16xf32>
      tpu.vector_store_idx %arg5[%add3A_342], %add3A_430 : memref<16384xf32, #tpu.memory_space<vmem>>[vector<16xi32>], vector<16xf32>,
      %add3A_431 = arith.addf %add3A_412, %add3A_427 : vector<16xf32>
      tpu.vector_store_idx %arg5[%add3A_346], %add3A_431 : memref<16384xf32, #tpu.memory_space<vmem>>[vector<16xi32>], vector<16xf32>,
      %add3A_432 = arith.addf %add3A_413, %add3A_427 : vector<16xf32>
      tpu.vector_store_idx %arg5[%add3A_350], %add3A_432 : memref<16384xf32, #tpu.memory_space<vmem>>[vector<16xi32>], vector<16xf32>,
      %add3A_433 = arith.addf %add3A_414, %add3A_427 : vector<16xf32>
      tpu.vector_store_idx %arg5[%add3A_354], %add3A_433 : memref<16384xf32, #tpu.memory_space<vmem>>[vector<16xi32>], vector<16xf32>,
      %add3A_434 = arith.addf %add3A_415, %add3A_427 : vector<16xf32>
      tpu.vector_store_idx %arg5[%add3A_358], %add3A_434 : memref<16384xf32, #tpu.memory_space<vmem>>[vector<16xi32>], vector<16xf32>,
      %add3A_435 = arith.addf %add3A_416, %add3A_427 : vector<16xf32>
      tpu.vector_store_idx %arg5[%add3A_362], %add3A_435 : memref<16384xf32, #tpu.memory_space<vmem>>[vector<16xi32>], vector<16xf32>,
      %add3A_436 = arith.addf %add3A_417, %add3A_427 : vector<16xf32>
      tpu.vector_store_idx %arg5[%add3A_366], %add3A_436 : memref<16384xf32, #tpu.memory_space<vmem>>[vector<16xi32>], vector<16xf32>,
      %add3A_437 = arith.addf %add3A_418, %add3A_427 : vector<16xf32>
      tpu.vector_store_idx %arg5[%add3A_370], %add3A_437 : memref<16384xf32, #tpu.memory_space<vmem>>[vector<16xi32>], vector<16xf32>,
      %add3A_438 = arith.addf %add3A_419, %add3A_427 : vector<16xf32>
      tpu.vector_store_idx %arg5[%add3A_374], %add3A_438 : memref<16384xf32, #tpu.memory_space<vmem>>[vector<16xi32>], vector<16xf32>,
      %add3A_439 = arith.addf %add3A_420, %add3A_427 : vector<16xf32>
      tpu.vector_store_idx %arg5[%add3A_378], %add3A_439 : memref<16384xf32, #tpu.memory_space<vmem>>[vector<16xi32>], vector<16xf32>,
      %add3A_440 = arith.addf %add3A_421, %add3A_427 : vector<16xf32>
      tpu.vector_store_idx %arg5[%add3A_382], %add3A_440 : memref<16384xf32, #tpu.memory_space<vmem>>[vector<16xi32>], vector<16xf32>,
      %add3A_441 = arith.addf %add3A_422, %add3A_427 : vector<16xf32>
      tpu.vector_store_idx %arg5[%add3A_386], %add3A_441 : memref<16384xf32, #tpu.memory_space<vmem>>[vector<16xi32>], vector<16xf32>,
      %add3A_442 = arith.addf %add3A_423, %add3A_427 : vector<16xf32>
      tpu.vector_store_idx %arg5[%add3A_390], %add3A_442 : memref<16384xf32, #tpu.memory_space<vmem>>[vector<16xi32>], vector<16xf32>,
      %add3A_443 = arith.addf %add3A_424, %add3A_427 : vector<16xf32>
      tpu.vector_store_idx %arg5[%add3A_394], %add3A_443 : memref<16384xf32, #tpu.memory_space<vmem>>[vector<16xi32>], vector<16xf32>,
      %reduce_sum3A = arith.constant true
      %reduce_sum3A_444 = vector.broadcast %reduce_sum3A : i1 to vector<16xi1>
      %reduce_sum3A_445 = tpu.scan <sum>, %add3A_424 masked %reduce_sum3A_444 : vector<16xf32>, vector<16xi1> -> vector<16xf32>
      %reduce_sum3A_446 = vector.extract %reduce_sum3A_445[15] : f32 from vector<16xf32>
      %add3A_447 = arith.addf %scan3A_328, %reduce_sum3A_446 : f32
      scf.yield %add3A_447 : f32
    }
    %scan3A_239 = arith.constant 32 : i32
    %add3A_240 = arith.constant 2 : i32
    %add3A_241 = arith.addi %mul3A_5, %add3A_240 : i32
    %dma_start3A_242 = arith.constant 16384 : i32
    %dma_start3A_243 = tpu.memref_slice %arg3[%add3A_241, %dma_start3A_242] : memref<128x32768xf32, #tpu.memory_space<hbm>> -> memref<1x16384xf32, #tpu.memory_space<hbm>>
    %dma_start3A_244 = tpu.memref_squeeze %dma_start3A_243 : memref<1x16384xf32, #tpu.memory_space<hbm>> -> memref<16384xf32, #tpu.memory_space<hbm>>
    %dma_start3A_245 = arith.constant 16384 : i32
    %dma_start3A_246 = tpu.memref_slice %arg3[%add3A_241, %dma_start3A_245] : memref<128x32768xf32, #tpu.memory_space<hbm>> -> memref<1x16384xf32, #tpu.memory_space<hbm>>
    %dma_start3A_247 = tpu.memref_squeeze %dma_start3A_246 : memref<1x16384xf32, #tpu.memory_space<hbm>> -> memref<16384xf32, #tpu.memory_space<hbm>>
    tpu.enqueue_dma source(%arg5 : memref<16384xf32, #tpu.memory_space<vmem>>) target(%dma_start3A_247 : memref<16384xf32, #tpu.memory_space<hbm>>) target_semaphore(%arg9 : memref<!tpu.dma_semaphore, #tpu.memory_space<semaphore_mem>>)
    %dma_wait3A_248 = arith.constant 0 : i32
    %dma_wait3A_249 = tpu.memref_slice %arg2[%add3A_227, %dma_wait3A_248] : memref<128x32768xf32, #tpu.memory_space<hbm>> -> memref<1x16384xf32, #tpu.memory_space<hbm>>
    %dma_wait3A_250 = tpu.memref_squeeze %dma_wait3A_249 : memref<1x16384xf32, #tpu.memory_space<hbm>> -> memref<16384xf32, #tpu.memory_space<hbm>>
    %dma_wait3A_251 = arith.constant 0 : i32
    %dma_wait3A_252 = tpu.memref_slice %arg2[%add3A_227, %dma_wait3A_251] : memref<128x32768xf32, #tpu.memory_space<hbm>> -> memref<1x16384xf32, #tpu.memory_space<hbm>>
    %dma_wait3A_253 = tpu.memref_squeeze %dma_wait3A_252 : memref<1x16384xf32, #tpu.memory_space<hbm>> -> memref<16384xf32, #tpu.memory_space<hbm>>
    tpu.wait_dma2 semaphore(%arg6 : memref<!tpu.dma_semaphore, #tpu.memory_space<semaphore_mem>>) src(%dma_wait3A_253 : memref<16384xf32, #tpu.memory_space<hbm>>) dst(%arg4 : memref<16384xf32, #tpu.memory_space<vmem>>)
    %scan3A_254 = arith.constant 0.000000e+00 : f32
    %scan3A_255 = arith.constant 0 : i32
    %scan3A_256 = arith.constant 32 : i32
    %scan3A_257 = arith.addi %scan3A_255, %scan3A_256 : i32
    %scan3A_258 = arith.constant 1 : i32
    %scan3A_259 = scf.for %scan3A_327 = %scan3A_255 to %scan3A_257 step %scan3A_258 iter_args(%scan3A_328 = %scan3A_254) -> (f32)  : i32 {
      %mul3A_329 = arith.constant 256 : i32
      %mul3A_330 = arith.muli %scan3A_327, %mul3A_329 : i32
      %add3A_331 = arith.constant 0 : i32
      %add3A_332 = arith.addi %mul3A_330, %add3A_331 : i32
      %add3A_333 = vector.broadcast %add3A_332 : i32 to vector<16xi32>
      %add3A_334 = arith.addi %mul3A_3, %add3A_333 : vector<16xi32>
      %add3A_335 = arith.constant 1 : i32
      %add3A_336 = arith.addi %mul3A_330, %add3A_335 : i32
      %add3A_337 = vector.broadcast %add3A_336 : i32 to vector<16xi32>
      %add3A_338 = arith.addi %mul3A_3, %add3A_337 : vector<16xi32>
      %add3A_339 = arith.constant 2 : i32
      %add3A_340 = arith.addi %mul3A_330, %add3A_339 : i32
      %add3A_341 = vector.broadcast %add3A_340 : i32 to vector<16xi32>
      %add3A_342 = arith.addi %mul3A_3, %add3A_341 : vector<16xi32>
      %add3A_343 = arith.constant 3 : i32
      %add3A_344 = arith.addi %mul3A_330, %add3A_343 : i32
      %add3A_345 = vector.broadcast %add3A_344 : i32 to vector<16xi32>
      %add3A_346 = arith.addi %mul3A_3, %add3A_345 : vector<16xi32>
      %add3A_347 = arith.constant 4 : i32
      %add3A_348 = arith.addi %mul3A_330, %add3A_347 : i32
      %add3A_349 = vector.broadcast %add3A_348 : i32 to vector<16xi32>
      %add3A_350 = arith.addi %mul3A_3, %add3A_349 : vector<16xi32>
      %add3A_351 = arith.constant 5 : i32
      %add3A_352 = arith.addi %mul3A_330, %add3A_351 : i32
      %add3A_353 = vector.broadcast %add3A_352 : i32 to vector<16xi32>
      %add3A_354 = arith.addi %mul3A_3, %add3A_353 : vector<16xi32>
      %add3A_355 = arith.constant 6 : i32
      %add3A_356 = arith.addi %mul3A_330, %add3A_355 : i32
      %add3A_357 = vector.broadcast %add3A_356 : i32 to vector<16xi32>
      %add3A_358 = arith.addi %mul3A_3, %add3A_357 : vector<16xi32>
      %add3A_359 = arith.constant 7 : i32
      %add3A_360 = arith.addi %mul3A_330, %add3A_359 : i32
      %add3A_361 = vector.broadcast %add3A_360 : i32 to vector<16xi32>
      %add3A_362 = arith.addi %mul3A_3, %add3A_361 : vector<16xi32>
      %add3A_363 = arith.constant 8 : i32
      %add3A_364 = arith.addi %mul3A_330, %add3A_363 : i32
      %add3A_365 = vector.broadcast %add3A_364 : i32 to vector<16xi32>
      %add3A_366 = arith.addi %mul3A_3, %add3A_365 : vector<16xi32>
      %add3A_367 = arith.constant 9 : i32
      %add3A_368 = arith.addi %mul3A_330, %add3A_367 : i32
      %add3A_369 = vector.broadcast %add3A_368 : i32 to vector<16xi32>
      %add3A_370 = arith.addi %mul3A_3, %add3A_369 : vector<16xi32>
      %add3A_371 = arith.constant 10 : i32
      %add3A_372 = arith.addi %mul3A_330, %add3A_371 : i32
      %add3A_373 = vector.broadcast %add3A_372 : i32 to vector<16xi32>
      %add3A_374 = arith.addi %mul3A_3, %add3A_373 : vector<16xi32>
      %add3A_375 = arith.constant 11 : i32
      %add3A_376 = arith.addi %mul3A_330, %add3A_375 : i32
      %add3A_377 = vector.broadcast %add3A_376 : i32 to vector<16xi32>
      %add3A_378 = arith.addi %mul3A_3, %add3A_377 : vector<16xi32>
      %add3A_379 = arith.constant 12 : i32
      %add3A_380 = arith.addi %mul3A_330, %add3A_379 : i32
      %add3A_381 = vector.broadcast %add3A_380 : i32 to vector<16xi32>
      %add3A_382 = arith.addi %mul3A_3, %add3A_381 : vector<16xi32>
      %add3A_383 = arith.constant 13 : i32
      %add3A_384 = arith.addi %mul3A_330, %add3A_383 : i32
      %add3A_385 = vector.broadcast %add3A_384 : i32 to vector<16xi32>
      %add3A_386 = arith.addi %mul3A_3, %add3A_385 : vector<16xi32>
      %add3A_387 = arith.constant 14 : i32
      %add3A_388 = arith.addi %mul3A_330, %add3A_387 : i32
      %add3A_389 = vector.broadcast %add3A_388 : i32 to vector<16xi32>
      %add3A_390 = arith.addi %mul3A_3, %add3A_389 : vector<16xi32>
      %add3A_391 = arith.constant 15 : i32
      %add3A_392 = arith.addi %mul3A_330, %add3A_391 : i32
      %add3A_393 = vector.broadcast %add3A_392 : i32 to vector<16xi32>
      %add3A_394 = arith.addi %mul3A_3, %add3A_393 : vector<16xi32>
      %gather3A = tpu.vector_load_idx %arg4[%add3A_334] : memref<16384xf32, #tpu.memory_space<vmem>>[vector<16xi32>], vector<16xf32>,
      %gather3A_395 = tpu.vector_load_idx %arg4[%add3A_338] : memref<16384xf32, #tpu.memory_space<vmem>>[vector<16xi32>], vector<16xf32>,
      %gather3A_396 = tpu.vector_load_idx %arg4[%add3A_342] : memref<16384xf32, #tpu.memory_space<vmem>>[vector<16xi32>], vector<16xf32>,
      %gather3A_397 = tpu.vector_load_idx %arg4[%add3A_346] : memref<16384xf32, #tpu.memory_space<vmem>>[vector<16xi32>], vector<16xf32>,
      %gather3A_398 = tpu.vector_load_idx %arg4[%add3A_350] : memref<16384xf32, #tpu.memory_space<vmem>>[vector<16xi32>], vector<16xf32>,
      %gather3A_399 = tpu.vector_load_idx %arg4[%add3A_354] : memref<16384xf32, #tpu.memory_space<vmem>>[vector<16xi32>], vector<16xf32>,
      %gather3A_400 = tpu.vector_load_idx %arg4[%add3A_358] : memref<16384xf32, #tpu.memory_space<vmem>>[vector<16xi32>], vector<16xf32>,
      %gather3A_401 = tpu.vector_load_idx %arg4[%add3A_362] : memref<16384xf32, #tpu.memory_space<vmem>>[vector<16xi32>], vector<16xf32>,
      %gather3A_402 = tpu.vector_load_idx %arg4[%add3A_366] : memref<16384xf32, #tpu.memory_space<vmem>>[vector<16xi32>], vector<16xf32>,
      %gather3A_403 = tpu.vector_load_idx %arg4[%add3A_370] : memref<16384xf32, #tpu.memory_space<vmem>>[vector<16xi32>], vector<16xf32>,
      %gather3A_404 = tpu.vector_load_idx %arg4[%add3A_374] : memref<16384xf32, #tpu.memory_space<vmem>>[vector<16xi32>], vector<16xf32>,
      %gather3A_405 = tpu.vector_load_idx %arg4[%add3A_378] : memref<16384xf32, #tpu.memory_space<vmem>>[vector<16xi32>], vector<16xf32>,
      %gather3A_406 = tpu.vector_load_idx %arg4[%add3A_382] : memref<16384xf32, #tpu.memory_space<vmem>>[vector<16xi32>], vector<16xf32>,
      %gather3A_407 = tpu.vector_load_idx %arg4[%add3A_386] : memref<16384xf32, #tpu.memory_space<vmem>>[vector<16xi32>], vector<16xf32>,
      %gather3A_408 = tpu.vector_load_idx %arg4[%add3A_390] : memref<16384xf32, #tpu.memory_space<vmem>>[vector<16xi32>], vector<16xf32>,
      %gather3A_409 = tpu.vector_load_idx %arg4[%add3A_394] : memref<16384xf32, #tpu.memory_space<vmem>>[vector<16xi32>], vector<16xf32>,
      %add3A_410 = arith.addf %gather3A, %gather3A_395 : vector<16xf32>
      %add3A_411 = arith.addf %add3A_410, %gather3A_396 : vector<16xf32>
      %add3A_412 = arith.addf %add3A_411, %gather3A_397 : vector<16xf32>
      %add3A_413 = arith.addf %add3A_412, %gather3A_398 : vector<16xf32>
      %add3A_414 = arith.addf %add3A_413, %gather3A_399 : vector<16xf32>
      %add3A_415 = arith.addf %add3A_414, %gather3A_400 : vector<16xf32>
      %add3A_416 = arith.addf %add3A_415, %gather3A_401 : vector<16xf32>
      %add3A_417 = arith.addf %add3A_416, %gather3A_402 : vector<16xf32>
      %add3A_418 = arith.addf %add3A_417, %gather3A_403 : vector<16xf32>
      %add3A_419 = arith.addf %add3A_418, %gather3A_404 : vector<16xf32>
      %add3A_420 = arith.addf %add3A_419, %gather3A_405 : vector<16xf32>
      %add3A_421 = arith.addf %add3A_420, %gather3A_406 : vector<16xf32>
      %add3A_422 = arith.addf %add3A_421, %gather3A_407 : vector<16xf32>
      %add3A_423 = arith.addf %add3A_422, %gather3A_408 : vector<16xf32>
      %add3A_424 = arith.addf %add3A_423, %gather3A_409 : vector<16xf32>
      %broadcast_in_dim3A = arith.constant true
      %broadcast_in_dim3A_425 = vector.broadcast %broadcast_in_dim3A : i1 to vector<16xi1>
      %masked_cumsum3A = tpu.scan <sum>, %add3A_424 masked %broadcast_in_dim3A_425 : vector<16xf32>, vector<16xi1> -> vector<16xf32>
      %sub3A = arith.subf %masked_cumsum3A, %add3A_424 : vector<16xf32>
      %add3A_426 = vector.broadcast %scan3A_328 : f32 to vector<16xf32>
      %add3A_427 = arith.addf %sub3A, %add3A_426 : vector<16xf32>
      %add3A_428 = arith.addf %gather3A, %add3A_427 : vector<16xf32>
      tpu.vector_store_idx %arg4[%add3A_334], %add3A_428 : memref<16384xf32, #tpu.memory_space<vmem>>[vector<16xi32>], vector<16xf32>,
      %add3A_429 = arith.addf %add3A_410, %add3A_427 : vector<16xf32>
      tpu.vector_store_idx %arg4[%add3A_338], %add3A_429 : memref<16384xf32, #tpu.memory_space<vmem>>[vector<16xi32>], vector<16xf32>,
      %add3A_430 = arith.addf %add3A_411, %add3A_427 : vector<16xf32>
      tpu.vector_store_idx %arg4[%add3A_342], %add3A_430 : memref<16384xf32, #tpu.memory_space<vmem>>[vector<16xi32>], vector<16xf32>,
      %add3A_431 = arith.addf %add3A_412, %add3A_427 : vector<16xf32>
      tpu.vector_store_idx %arg4[%add3A_346], %add3A_431 : memref<16384xf32, #tpu.memory_space<vmem>>[vector<16xi32>], vector<16xf32>,
      %add3A_432 = arith.addf %add3A_413, %add3A_427 : vector<16xf32>
      tpu.vector_store_idx %arg4[%add3A_350], %add3A_432 : memref<16384xf32, #tpu.memory_space<vmem>>[vector<16xi32>], vector<16xf32>,
      %add3A_433 = arith.addf %add3A_414, %add3A_427 : vector<16xf32>
      tpu.vector_store_idx %arg4[%add3A_354], %add3A_433 : memref<16384xf32, #tpu.memory_space<vmem>>[vector<16xi32>], vector<16xf32>,
      %add3A_434 = arith.addf %add3A_415, %add3A_427 : vector<16xf32>
      tpu.vector_store_idx %arg4[%add3A_358], %add3A_434 : memref<16384xf32, #tpu.memory_space<vmem>>[vector<16xi32>], vector<16xf32>,
      %add3A_435 = arith.addf %add3A_416, %add3A_427 : vector<16xf32>
      tpu.vector_store_idx %arg4[%add3A_362], %add3A_435 : memref<16384xf32, #tpu.memory_space<vmem>>[vector<16xi32>], vector<16xf32>,
      %add3A_436 = arith.addf %add3A_417, %add3A_427 : vector<16xf32>
      tpu.vector_store_idx %arg4[%add3A_366], %add3A_436 : memref<16384xf32, #tpu.memory_space<vmem>>[vector<16xi32>], vector<16xf32>,
      %add3A_437 = arith.addf %add3A_418, %add3A_427 : vector<16xf32>
      tpu.vector_store_idx %arg4[%add3A_370], %add3A_437 : memref<16384xf32, #tpu.memory_space<vmem>>[vector<16xi32>], vector<16xf32>,
      %add3A_438 = arith.addf %add3A_419, %add3A_427 : vector<16xf32>
      tpu.vector_store_idx %arg4[%add3A_374], %add3A_438 : memref<16384xf32, #tpu.memory_space<vmem>>[vector<16xi32>], vector<16xf32>,
      %add3A_439 = arith.addf %add3A_420, %add3A_427 : vector<16xf32>
      tpu.vector_store_idx %arg4[%add3A_378], %add3A_439 : memref<16384xf32, #tpu.memory_space<vmem>>[vector<16xi32>], vector<16xf32>,
      %add3A_440 = arith.addf %add3A_421, %add3A_427 : vector<16xf32>
      tpu.vector_store_idx %arg4[%add3A_382], %add3A_440 : memref<16384xf32, #tpu.memory_space<vmem>>[vector<16xi32>], vector<16xf32>,
      %add3A_441 = arith.addf %add3A_422, %add3A_427 : vector<16xf32>
      tpu.vector_store_idx %arg4[%add3A_386], %add3A_441 : memref<16384xf32, #tpu.memory_space<vmem>>[vector<16xi32>], vector<16xf32>,
      %add3A_442 = arith.addf %add3A_423, %add3A_427 : vector<16xf32>
      tpu.vector_store_idx %arg4[%add3A_390], %add3A_442 : memref<16384xf32, #tpu.memory_space<vmem>>[vector<16xi32>], vector<16xf32>,
      %add3A_443 = arith.addf %add3A_424, %add3A_427 : vector<16xf32>
      tpu.vector_store_idx %arg4[%add3A_394], %add3A_443 : memref<16384xf32, #tpu.memory_space<vmem>>[vector<16xi32>], vector<16xf32>,
      %reduce_sum3A = arith.constant true
      %reduce_sum3A_444 = vector.broadcast %reduce_sum3A : i1 to vector<16xi1>
      %reduce_sum3A_445 = tpu.scan <sum>, %add3A_424 masked %reduce_sum3A_444 : vector<16xf32>, vector<16xi1> -> vector<16xf32>
      %reduce_sum3A_446 = vector.extract %reduce_sum3A_445[15] : f32 from vector<16xf32>
      %add3A_447 = arith.addf %scan3A_328, %reduce_sum3A_446 : f32
      scf.yield %add3A_447 : f32
    }
    %scan3A_260 = arith.constant 32 : i32
    %dma_wait3A_261 = arith.constant 16384 : i32
    %dma_wait3A_262 = tpu.memref_slice %arg3[%add3A_241, %dma_wait3A_261] : memref<128x32768xf32, #tpu.memory_space<hbm>> -> memref<1x16384xf32, #tpu.memory_space<hbm>>
    %dma_wait3A_263 = tpu.memref_squeeze %dma_wait3A_262 : memref<1x16384xf32, #tpu.memory_space<hbm>> -> memref<16384xf32, #tpu.memory_space<hbm>>
    %dma_wait3A_264 = arith.constant 16384 : i32
    %dma_wait3A_265 = tpu.memref_slice %arg3[%add3A_241, %dma_wait3A_264] : memref<128x32768xf32, #tpu.memory_space<hbm>> -> memref<1x16384xf32, #tpu.memory_space<hbm>>
    %dma_wait3A_266 = tpu.memref_squeeze %dma_wait3A_265 : memref<1x16384xf32, #tpu.memory_space<hbm>> -> memref<16384xf32, #tpu.memory_space<hbm>>
    tpu.wait_dma2 semaphore(%arg9 : memref<!tpu.dma_semaphore, #tpu.memory_space<semaphore_mem>>) src(%arg5 : memref<16384xf32, #tpu.memory_space<vmem>>) dst(%dma_wait3A_266 : memref<16384xf32, #tpu.memory_space<hbm>>)
    %add3A_267 = arith.constant 3 : i32
    %add3A_268 = arith.addi %mul3A_5, %add3A_267 : i32
    %dma_start3A_269 = arith.constant 16384 : i32
    %dma_start3A_270 = tpu.memref_slice %arg2[%add3A_268, %dma_start3A_269] : memref<128x32768xf32, #tpu.memory_space<hbm>> -> memref<1x16384xf32, #tpu.memory_space<hbm>>
    %dma_start3A_271 = tpu.memref_squeeze %dma_start3A_270 : memref<1x16384xf32, #tpu.memory_space<hbm>> -> memref<16384xf32, #tpu.memory_space<hbm>>
    %dma_start3A_272 = arith.constant 16384 : i32
    %dma_start3A_273 = tpu.memref_slice %arg2[%add3A_268, %dma_start3A_272] : memref<128x32768xf32, #tpu.memory_space<hbm>> -> memref<1x16384xf32, #tpu.memory_space<hbm>>
    %dma_start3A_274 = tpu.memref_squeeze %dma_start3A_273 : memref<1x16384xf32, #tpu.memory_space<hbm>> -> memref<16384xf32, #tpu.memory_space<hbm>>
    tpu.enqueue_dma source(%dma_start3A_274 : memref<16384xf32, #tpu.memory_space<hbm>>) target(%arg5 : memref<16384xf32, #tpu.memory_space<vmem>>) target_semaphore(%arg7 : memref<!tpu.dma_semaphore, #tpu.memory_space<semaphore_mem>>)
    %scan3A_275 = arith.constant 32 : i32
    %scan3A_276 = arith.constant 32 : i32
    %scan3A_277 = arith.addi %scan3A_275, %scan3A_276 : i32
    %scan3A_278 = arith.constant 1 : i32
    %scan3A_279 = scf.for %scan3A_327 = %scan3A_275 to %scan3A_277 step %scan3A_278 iter_args(%scan3A_328 = %scan3A_259) -> (f32)  : i32 {
      %mul3A_329 = arith.constant 256 : i32
      %mul3A_330 = arith.muli %scan3A_327, %mul3A_329 : i32
      %add3A_331 = arith.constant 0 : i32
      %add3A_332 = arith.addi %mul3A_330, %add3A_331 : i32
      %add3A_333 = vector.broadcast %add3A_332 : i32 to vector<16xi32>
      %add3A_334 = arith.addi %mul3A_3, %add3A_333 : vector<16xi32>
      %add3A_335 = arith.constant 1 : i32
      %add3A_336 = arith.addi %mul3A_330, %add3A_335 : i32
      %add3A_337 = vector.broadcast %add3A_336 : i32 to vector<16xi32>
      %add3A_338 = arith.addi %mul3A_3, %add3A_337 : vector<16xi32>
      %add3A_339 = arith.constant 2 : i32
      %add3A_340 = arith.addi %mul3A_330, %add3A_339 : i32
      %add3A_341 = vector.broadcast %add3A_340 : i32 to vector<16xi32>
      %add3A_342 = arith.addi %mul3A_3, %add3A_341 : vector<16xi32>
      %add3A_343 = arith.constant 3 : i32
      %add3A_344 = arith.addi %mul3A_330, %add3A_343 : i32
      %add3A_345 = vector.broadcast %add3A_344 : i32 to vector<16xi32>
      %add3A_346 = arith.addi %mul3A_3, %add3A_345 : vector<16xi32>
      %add3A_347 = arith.constant 4 : i32
      %add3A_348 = arith.addi %mul3A_330, %add3A_347 : i32
      %add3A_349 = vector.broadcast %add3A_348 : i32 to vector<16xi32>
      %add3A_350 = arith.addi %mul3A_3, %add3A_349 : vector<16xi32>
      %add3A_351 = arith.constant 5 : i32
      %add3A_352 = arith.addi %mul3A_330, %add3A_351 : i32
      %add3A_353 = vector.broadcast %add3A_352 : i32 to vector<16xi32>
      %add3A_354 = arith.addi %mul3A_3, %add3A_353 : vector<16xi32>
      %add3A_355 = arith.constant 6 : i32
      %add3A_356 = arith.addi %mul3A_330, %add3A_355 : i32
      %add3A_357 = vector.broadcast %add3A_356 : i32 to vector<16xi32>
      %add3A_358 = arith.addi %mul3A_3, %add3A_357 : vector<16xi32>
      %add3A_359 = arith.constant 7 : i32
      %add3A_360 = arith.addi %mul3A_330, %add3A_359 : i32
      %add3A_361 = vector.broadcast %add3A_360 : i32 to vector<16xi32>
      %add3A_362 = arith.addi %mul3A_3, %add3A_361 : vector<16xi32>
      %add3A_363 = arith.constant 8 : i32
      %add3A_364 = arith.addi %mul3A_330, %add3A_363 : i32
      %add3A_365 = vector.broadcast %add3A_364 : i32 to vector<16xi32>
      %add3A_366 = arith.addi %mul3A_3, %add3A_365 : vector<16xi32>
      %add3A_367 = arith.constant 9 : i32
      %add3A_368 = arith.addi %mul3A_330, %add3A_367 : i32
      %add3A_369 = vector.broadcast %add3A_368 : i32 to vector<16xi32>
      %add3A_370 = arith.addi %mul3A_3, %add3A_369 : vector<16xi32>
      %add3A_371 = arith.constant 10 : i32
      %add3A_372 = arith.addi %mul3A_330, %add3A_371 : i32
      %add3A_373 = vector.broadcast %add3A_372 : i32 to vector<16xi32>
      %add3A_374 = arith.addi %mul3A_3, %add3A_373 : vector<16xi32>
      %add3A_375 = arith.constant 11 : i32
      %add3A_376 = arith.addi %mul3A_330, %add3A_375 : i32
      %add3A_377 = vector.broadcast %add3A_376 : i32 to vector<16xi32>
      %add3A_378 = arith.addi %mul3A_3, %add3A_377 : vector<16xi32>
      %add3A_379 = arith.constant 12 : i32
      %add3A_380 = arith.addi %mul3A_330, %add3A_379 : i32
      %add3A_381 = vector.broadcast %add3A_380 : i32 to vector<16xi32>
      %add3A_382 = arith.addi %mul3A_3, %add3A_381 : vector<16xi32>
      %add3A_383 = arith.constant 13 : i32
      %add3A_384 = arith.addi %mul3A_330, %add3A_383 : i32
      %add3A_385 = vector.broadcast %add3A_384 : i32 to vector<16xi32>
      %add3A_386 = arith.addi %mul3A_3, %add3A_385 : vector<16xi32>
      %add3A_387 = arith.constant 14 : i32
      %add3A_388 = arith.addi %mul3A_330, %add3A_387 : i32
      %add3A_389 = vector.broadcast %add3A_388 : i32 to vector<16xi32>
      %add3A_390 = arith.addi %mul3A_3, %add3A_389 : vector<16xi32>
      %add3A_391 = arith.constant 15 : i32
      %add3A_392 = arith.addi %mul3A_330, %add3A_391 : i32
      %add3A_393 = vector.broadcast %add3A_392 : i32 to vector<16xi32>
      %add3A_394 = arith.addi %mul3A_3, %add3A_393 : vector<16xi32>
      %gather3A = tpu.vector_load_idx %arg4[%add3A_334] : memref<16384xf32, #tpu.memory_space<vmem>>[vector<16xi32>], vector<16xf32>,
      %gather3A_395 = tpu.vector_load_idx %arg4[%add3A_338] : memref<16384xf32, #tpu.memory_space<vmem>>[vector<16xi32>], vector<16xf32>,
      %gather3A_396 = tpu.vector_load_idx %arg4[%add3A_342] : memref<16384xf32, #tpu.memory_space<vmem>>[vector<16xi32>], vector<16xf32>,
      %gather3A_397 = tpu.vector_load_idx %arg4[%add3A_346] : memref<16384xf32, #tpu.memory_space<vmem>>[vector<16xi32>], vector<16xf32>,
      %gather3A_398 = tpu.vector_load_idx %arg4[%add3A_350] : memref<16384xf32, #tpu.memory_space<vmem>>[vector<16xi32>], vector<16xf32>,
      %gather3A_399 = tpu.vector_load_idx %arg4[%add3A_354] : memref<16384xf32, #tpu.memory_space<vmem>>[vector<16xi32>], vector<16xf32>,
      %gather3A_400 = tpu.vector_load_idx %arg4[%add3A_358] : memref<16384xf32, #tpu.memory_space<vmem>>[vector<16xi32>], vector<16xf32>,
      %gather3A_401 = tpu.vector_load_idx %arg4[%add3A_362] : memref<16384xf32, #tpu.memory_space<vmem>>[vector<16xi32>], vector<16xf32>,
      %gather3A_402 = tpu.vector_load_idx %arg4[%add3A_366] : memref<16384xf32, #tpu.memory_space<vmem>>[vector<16xi32>], vector<16xf32>,
      %gather3A_403 = tpu.vector_load_idx %arg4[%add3A_370] : memref<16384xf32, #tpu.memory_space<vmem>>[vector<16xi32>], vector<16xf32>,
      %gather3A_404 = tpu.vector_load_idx %arg4[%add3A_374] : memref<16384xf32, #tpu.memory_space<vmem>>[vector<16xi32>], vector<16xf32>,
      %gather3A_405 = tpu.vector_load_idx %arg4[%add3A_378] : memref<16384xf32, #tpu.memory_space<vmem>>[vector<16xi32>], vector<16xf32>,
      %gather3A_406 = tpu.vector_load_idx %arg4[%add3A_382] : memref<16384xf32, #tpu.memory_space<vmem>>[vector<16xi32>], vector<16xf32>,
      %gather3A_407 = tpu.vector_load_idx %arg4[%add3A_386] : memref<16384xf32, #tpu.memory_space<vmem>>[vector<16xi32>], vector<16xf32>,
      %gather3A_408 = tpu.vector_load_idx %arg4[%add3A_390] : memref<16384xf32, #tpu.memory_space<vmem>>[vector<16xi32>], vector<16xf32>,
      %gather3A_409 = tpu.vector_load_idx %arg4[%add3A_394] : memref<16384xf32, #tpu.memory_space<vmem>>[vector<16xi32>], vector<16xf32>,
      %add3A_410 = arith.addf %gather3A, %gather3A_395 : vector<16xf32>
      %add3A_411 = arith.addf %add3A_410, %gather3A_396 : vector<16xf32>
      %add3A_412 = arith.addf %add3A_411, %gather3A_397 : vector<16xf32>
      %add3A_413 = arith.addf %add3A_412, %gather3A_398 : vector<16xf32>
      %add3A_414 = arith.addf %add3A_413, %gather3A_399 : vector<16xf32>
      %add3A_415 = arith.addf %add3A_414, %gather3A_400 : vector<16xf32>
      %add3A_416 = arith.addf %add3A_415, %gather3A_401 : vector<16xf32>
      %add3A_417 = arith.addf %add3A_416, %gather3A_402 : vector<16xf32>
      %add3A_418 = arith.addf %add3A_417, %gather3A_403 : vector<16xf32>
      %add3A_419 = arith.addf %add3A_418, %gather3A_404 : vector<16xf32>
      %add3A_420 = arith.addf %add3A_419, %gather3A_405 : vector<16xf32>
      %add3A_421 = arith.addf %add3A_420, %gather3A_406 : vector<16xf32>
      %add3A_422 = arith.addf %add3A_421, %gather3A_407 : vector<16xf32>
      %add3A_423 = arith.addf %add3A_422, %gather3A_408 : vector<16xf32>
      %add3A_424 = arith.addf %add3A_423, %gather3A_409 : vector<16xf32>
      %broadcast_in_dim3A = arith.constant true
      %broadcast_in_dim3A_425 = vector.broadcast %broadcast_in_dim3A : i1 to vector<16xi1>
      %masked_cumsum3A = tpu.scan <sum>, %add3A_424 masked %broadcast_in_dim3A_425 : vector<16xf32>, vector<16xi1> -> vector<16xf32>
      %sub3A = arith.subf %masked_cumsum3A, %add3A_424 : vector<16xf32>
      %add3A_426 = vector.broadcast %scan3A_328 : f32 to vector<16xf32>
      %add3A_427 = arith.addf %sub3A, %add3A_426 : vector<16xf32>
      %add3A_428 = arith.addf %gather3A, %add3A_427 : vector<16xf32>
      tpu.vector_store_idx %arg4[%add3A_334], %add3A_428 : memref<16384xf32, #tpu.memory_space<vmem>>[vector<16xi32>], vector<16xf32>,
      %add3A_429 = arith.addf %add3A_410, %add3A_427 : vector<16xf32>
      tpu.vector_store_idx %arg4[%add3A_338], %add3A_429 : memref<16384xf32, #tpu.memory_space<vmem>>[vector<16xi32>], vector<16xf32>,
      %add3A_430 = arith.addf %add3A_411, %add3A_427 : vector<16xf32>
      tpu.vector_store_idx %arg4[%add3A_342], %add3A_430 : memref<16384xf32, #tpu.memory_space<vmem>>[vector<16xi32>], vector<16xf32>,
      %add3A_431 = arith.addf %add3A_412, %add3A_427 : vector<16xf32>
      tpu.vector_store_idx %arg4[%add3A_346], %add3A_431 : memref<16384xf32, #tpu.memory_space<vmem>>[vector<16xi32>], vector<16xf32>,
      %add3A_432 = arith.addf %add3A_413, %add3A_427 : vector<16xf32>
      tpu.vector_store_idx %arg4[%add3A_350], %add3A_432 : memref<16384xf32, #tpu.memory_space<vmem>>[vector<16xi32>], vector<16xf32>,
      %add3A_433 = arith.addf %add3A_414, %add3A_427 : vector<16xf32>
      tpu.vector_store_idx %arg4[%add3A_354], %add3A_433 : memref<16384xf32, #tpu.memory_space<vmem>>[vector<16xi32>], vector<16xf32>,
      %add3A_434 = arith.addf %add3A_415, %add3A_427 : vector<16xf32>
      tpu.vector_store_idx %arg4[%add3A_358], %add3A_434 : memref<16384xf32, #tpu.memory_space<vmem>>[vector<16xi32>], vector<16xf32>,
      %add3A_435 = arith.addf %add3A_416, %add3A_427 : vector<16xf32>
      tpu.vector_store_idx %arg4[%add3A_362], %add3A_435 : memref<16384xf32, #tpu.memory_space<vmem>>[vector<16xi32>], vector<16xf32>,
      %add3A_436 = arith.addf %add3A_417, %add3A_427 : vector<16xf32>
      tpu.vector_store_idx %arg4[%add3A_366], %add3A_436 : memref<16384xf32, #tpu.memory_space<vmem>>[vector<16xi32>], vector<16xf32>,
      %add3A_437 = arith.addf %add3A_418, %add3A_427 : vector<16xf32>
      tpu.vector_store_idx %arg4[%add3A_370], %add3A_437 : memref<16384xf32, #tpu.memory_space<vmem>>[vector<16xi32>], vector<16xf32>,
      %add3A_438 = arith.addf %add3A_419, %add3A_427 : vector<16xf32>
      tpu.vector_store_idx %arg4[%add3A_374], %add3A_438 : memref<16384xf32, #tpu.memory_space<vmem>>[vector<16xi32>], vector<16xf32>,
      %add3A_439 = arith.addf %add3A_420, %add3A_427 : vector<16xf32>
      tpu.vector_store_idx %arg4[%add3A_378], %add3A_439 : memref<16384xf32, #tpu.memory_space<vmem>>[vector<16xi32>], vector<16xf32>,
      %add3A_440 = arith.addf %add3A_421, %add3A_427 : vector<16xf32>
      tpu.vector_store_idx %arg4[%add3A_382], %add3A_440 : memref<16384xf32, #tpu.memory_space<vmem>>[vector<16xi32>], vector<16xf32>,
      %add3A_441 = arith.addf %add3A_422, %add3A_427 : vector<16xf32>
      tpu.vector_store_idx %arg4[%add3A_386], %add3A_441 : memref<16384xf32, #tpu.memory_space<vmem>>[vector<16xi32>], vector<16xf32>,
      %add3A_442 = arith.addf %add3A_423, %add3A_427 : vector<16xf32>
      tpu.vector_store_idx %arg4[%add3A_390], %add3A_442 : memref<16384xf32, #tpu.memory_space<vmem>>[vector<16xi32>], vector<16xf32>,
      %add3A_443 = arith.addf %add3A_424, %add3A_427 : vector<16xf32>
      tpu.vector_store_idx %arg4[%add3A_394], %add3A_443 : memref<16384xf32, #tpu.memory_space<vmem>>[vector<16xi32>], vector<16xf32>,
      %reduce_sum3A = arith.constant true
      %reduce_sum3A_444 = vector.broadcast %reduce_sum3A : i1 to vector<16xi1>
      %reduce_sum3A_445 = tpu.scan <sum>, %add3A_424 masked %reduce_sum3A_444 : vector<16xf32>, vector<16xi1> -> vector<16xf32>
      %reduce_sum3A_446 = vector.extract %reduce_sum3A_445[15] : f32 from vector<16xf32>
      %add3A_447 = arith.addf %scan3A_328, %reduce_sum3A_446 : f32
      scf.yield %add3A_447 : f32
    }
    %scan3A_280 = arith.constant 32 : i32
    %add3A_281 = arith.constant 3 : i32
    %add3A_282 = arith.addi %mul3A_5, %add3A_281 : i32
    %dma_start3A_283 = arith.constant 0 : i32
    %dma_start3A_284 = tpu.memref_slice %arg3[%add3A_282, %dma_start3A_283] : memref<128x32768xf32, #tpu.memory_space<hbm>> -> memref<1x16384xf32, #tpu.memory_space<hbm>>
    %dma_start3A_285 = tpu.memref_squeeze %dma_start3A_284 : memref<1x16384xf32, #tpu.memory_space<hbm>> -> memref<16384xf32, #tpu.memory_space<hbm>>
    %dma_start3A_286 = arith.constant 0 : i32
    %dma_start3A_287 = tpu.memref_slice %arg3[%add3A_282, %dma_start3A_286] : memref<128x32768xf32, #tpu.memory_space<hbm>> -> memref<1x16384xf32, #tpu.memory_space<hbm>>
    %dma_start3A_288 = tpu.memref_squeeze %dma_start3A_287 : memref<1x16384xf32, #tpu.memory_space<hbm>> -> memref<16384xf32, #tpu.memory_space<hbm>>
    tpu.enqueue_dma source(%arg4 : memref<16384xf32, #tpu.memory_space<vmem>>) target(%dma_start3A_288 : memref<16384xf32, #tpu.memory_space<hbm>>) target_semaphore(%arg8 : memref<!tpu.dma_semaphore, #tpu.memory_space<semaphore_mem>>)
    %dma_wait3A_289 = arith.constant 16384 : i32
    %dma_wait3A_290 = tpu.memref_slice %arg2[%add3A_268, %dma_wait3A_289] : memref<128x32768xf32, #tpu.memory_space<hbm>> -> memref<1x16384xf32, #tpu.memory_space<hbm>>
    %dma_wait3A_291 = tpu.memref_squeeze %dma_wait3A_290 : memref<1x16384xf32, #tpu.memory_space<hbm>> -> memref<16384xf32, #tpu.memory_space<hbm>>
    %dma_wait3A_292 = arith.constant 16384 : i32
    %dma_wait3A_293 = tpu.memref_slice %arg2[%add3A_268, %dma_wait3A_292] : memref<128x32768xf32, #tpu.memory_space<hbm>> -> memref<1x16384xf32, #tpu.memory_space<hbm>>
    %dma_wait3A_294 = tpu.memref_squeeze %dma_wait3A_293 : memref<1x16384xf32, #tpu.memory_space<hbm>> -> memref<16384xf32, #tpu.memory_space<hbm>>
    tpu.wait_dma2 semaphore(%arg7 : memref<!tpu.dma_semaphore, #tpu.memory_space<semaphore_mem>>) src(%dma_wait3A_294 : memref<16384xf32, #tpu.memory_space<hbm>>) dst(%arg5 : memref<16384xf32, #tpu.memory_space<vmem>>)
    %scan3A_295 = arith.constant 0 : i32
    %scan3A_296 = arith.constant 32 : i32
    %scan3A_297 = arith.addi %scan3A_295, %scan3A_296 : i32
    %scan3A_298 = arith.constant 1 : i32
    %scan3A_299 = scf.for %scan3A_327 = %scan3A_295 to %scan3A_297 step %scan3A_298 iter_args(%scan3A_328 = %scan3A_279) -> (f32)  : i32 {
      %mul3A_329 = arith.constant 256 : i32
      %mul3A_330 = arith.muli %scan3A_327, %mul3A_329 : i32
      %add3A_331 = arith.constant 0 : i32
      %add3A_332 = arith.addi %mul3A_330, %add3A_331 : i32
      %add3A_333 = vector.broadcast %add3A_332 : i32 to vector<16xi32>
      %add3A_334 = arith.addi %mul3A_3, %add3A_333 : vector<16xi32>
      %add3A_335 = arith.constant 1 : i32
      %add3A_336 = arith.addi %mul3A_330, %add3A_335 : i32
      %add3A_337 = vector.broadcast %add3A_336 : i32 to vector<16xi32>
      %add3A_338 = arith.addi %mul3A_3, %add3A_337 : vector<16xi32>
      %add3A_339 = arith.constant 2 : i32
      %add3A_340 = arith.addi %mul3A_330, %add3A_339 : i32
      %add3A_341 = vector.broadcast %add3A_340 : i32 to vector<16xi32>
      %add3A_342 = arith.addi %mul3A_3, %add3A_341 : vector<16xi32>
      %add3A_343 = arith.constant 3 : i32
      %add3A_344 = arith.addi %mul3A_330, %add3A_343 : i32
      %add3A_345 = vector.broadcast %add3A_344 : i32 to vector<16xi32>
      %add3A_346 = arith.addi %mul3A_3, %add3A_345 : vector<16xi32>
      %add3A_347 = arith.constant 4 : i32
      %add3A_348 = arith.addi %mul3A_330, %add3A_347 : i32
      %add3A_349 = vector.broadcast %add3A_348 : i32 to vector<16xi32>
      %add3A_350 = arith.addi %mul3A_3, %add3A_349 : vector<16xi32>
      %add3A_351 = arith.constant 5 : i32
      %add3A_352 = arith.addi %mul3A_330, %add3A_351 : i32
      %add3A_353 = vector.broadcast %add3A_352 : i32 to vector<16xi32>
      %add3A_354 = arith.addi %mul3A_3, %add3A_353 : vector<16xi32>
      %add3A_355 = arith.constant 6 : i32
      %add3A_356 = arith.addi %mul3A_330, %add3A_355 : i32
      %add3A_357 = vector.broadcast %add3A_356 : i32 to vector<16xi32>
      %add3A_358 = arith.addi %mul3A_3, %add3A_357 : vector<16xi32>
      %add3A_359 = arith.constant 7 : i32
      %add3A_360 = arith.addi %mul3A_330, %add3A_359 : i32
      %add3A_361 = vector.broadcast %add3A_360 : i32 to vector<16xi32>
      %add3A_362 = arith.addi %mul3A_3, %add3A_361 : vector<16xi32>
      %add3A_363 = arith.constant 8 : i32
      %add3A_364 = arith.addi %mul3A_330, %add3A_363 : i32
      %add3A_365 = vector.broadcast %add3A_364 : i32 to vector<16xi32>
      %add3A_366 = arith.addi %mul3A_3, %add3A_365 : vector<16xi32>
      %add3A_367 = arith.constant 9 : i32
      %add3A_368 = arith.addi %mul3A_330, %add3A_367 : i32
      %add3A_369 = vector.broadcast %add3A_368 : i32 to vector<16xi32>
      %add3A_370 = arith.addi %mul3A_3, %add3A_369 : vector<16xi32>
      %add3A_371 = arith.constant 10 : i32
      %add3A_372 = arith.addi %mul3A_330, %add3A_371 : i32
      %add3A_373 = vector.broadcast %add3A_372 : i32 to vector<16xi32>
      %add3A_374 = arith.addi %mul3A_3, %add3A_373 : vector<16xi32>
      %add3A_375 = arith.constant 11 : i32
      %add3A_376 = arith.addi %mul3A_330, %add3A_375 : i32
      %add3A_377 = vector.broadcast %add3A_376 : i32 to vector<16xi32>
      %add3A_378 = arith.addi %mul3A_3, %add3A_377 : vector<16xi32>
      %add3A_379 = arith.constant 12 : i32
      %add3A_380 = arith.addi %mul3A_330, %add3A_379 : i32
      %add3A_381 = vector.broadcast %add3A_380 : i32 to vector<16xi32>
      %add3A_382 = arith.addi %mul3A_3, %add3A_381 : vector<16xi32>
      %add3A_383 = arith.constant 13 : i32
      %add3A_384 = arith.addi %mul3A_330, %add3A_383 : i32
      %add3A_385 = vector.broadcast %add3A_384 : i32 to vector<16xi32>
      %add3A_386 = arith.addi %mul3A_3, %add3A_385 : vector<16xi32>
      %add3A_387 = arith.constant 14 : i32
      %add3A_388 = arith.addi %mul3A_330, %add3A_387 : i32
      %add3A_389 = vector.broadcast %add3A_388 : i32 to vector<16xi32>
      %add3A_390 = arith.addi %mul3A_3, %add3A_389 : vector<16xi32>
      %add3A_391 = arith.constant 15 : i32
      %add3A_392 = arith.addi %mul3A_330, %add3A_391 : i32
      %add3A_393 = vector.broadcast %add3A_392 : i32 to vector<16xi32>
      %add3A_394 = arith.addi %mul3A_3, %add3A_393 : vector<16xi32>
      %gather3A = tpu.vector_load_idx %arg5[%add3A_334] : memref<16384xf32, #tpu.memory_space<vmem>>[vector<16xi32>], vector<16xf32>,
      %gather3A_395 = tpu.vector_load_idx %arg5[%add3A_338] : memref<16384xf32, #tpu.memory_space<vmem>>[vector<16xi32>], vector<16xf32>,
      %gather3A_396 = tpu.vector_load_idx %arg5[%add3A_342] : memref<16384xf32, #tpu.memory_space<vmem>>[vector<16xi32>], vector<16xf32>,
      %gather3A_397 = tpu.vector_load_idx %arg5[%add3A_346] : memref<16384xf32, #tpu.memory_space<vmem>>[vector<16xi32>], vector<16xf32>,
      %gather3A_398 = tpu.vector_load_idx %arg5[%add3A_350] : memref<16384xf32, #tpu.memory_space<vmem>>[vector<16xi32>], vector<16xf32>,
      %gather3A_399 = tpu.vector_load_idx %arg5[%add3A_354] : memref<16384xf32, #tpu.memory_space<vmem>>[vector<16xi32>], vector<16xf32>,
      %gather3A_400 = tpu.vector_load_idx %arg5[%add3A_358] : memref<16384xf32, #tpu.memory_space<vmem>>[vector<16xi32>], vector<16xf32>,
      %gather3A_401 = tpu.vector_load_idx %arg5[%add3A_362] : memref<16384xf32, #tpu.memory_space<vmem>>[vector<16xi32>], vector<16xf32>,
      %gather3A_402 = tpu.vector_load_idx %arg5[%add3A_366] : memref<16384xf32, #tpu.memory_space<vmem>>[vector<16xi32>], vector<16xf32>,
      %gather3A_403 = tpu.vector_load_idx %arg5[%add3A_370] : memref<16384xf32, #tpu.memory_space<vmem>>[vector<16xi32>], vector<16xf32>,
      %gather3A_404 = tpu.vector_load_idx %arg5[%add3A_374] : memref<16384xf32, #tpu.memory_space<vmem>>[vector<16xi32>], vector<16xf32>,
      %gather3A_405 = tpu.vector_load_idx %arg5[%add3A_378] : memref<16384xf32, #tpu.memory_space<vmem>>[vector<16xi32>], vector<16xf32>,
      %gather3A_406 = tpu.vector_load_idx %arg5[%add3A_382] : memref<16384xf32, #tpu.memory_space<vmem>>[vector<16xi32>], vector<16xf32>,
      %gather3A_407 = tpu.vector_load_idx %arg5[%add3A_386] : memref<16384xf32, #tpu.memory_space<vmem>>[vector<16xi32>], vector<16xf32>,
      %gather3A_408 = tpu.vector_load_idx %arg5[%add3A_390] : memref<16384xf32, #tpu.memory_space<vmem>>[vector<16xi32>], vector<16xf32>,
      %gather3A_409 = tpu.vector_load_idx %arg5[%add3A_394] : memref<16384xf32, #tpu.memory_space<vmem>>[vector<16xi32>], vector<16xf32>,
      %add3A_410 = arith.addf %gather3A, %gather3A_395 : vector<16xf32>
      %add3A_411 = arith.addf %add3A_410, %gather3A_396 : vector<16xf32>
      %add3A_412 = arith.addf %add3A_411, %gather3A_397 : vector<16xf32>
      %add3A_413 = arith.addf %add3A_412, %gather3A_398 : vector<16xf32>
      %add3A_414 = arith.addf %add3A_413, %gather3A_399 : vector<16xf32>
      %add3A_415 = arith.addf %add3A_414, %gather3A_400 : vector<16xf32>
      %add3A_416 = arith.addf %add3A_415, %gather3A_401 : vector<16xf32>
      %add3A_417 = arith.addf %add3A_416, %gather3A_402 : vector<16xf32>
      %add3A_418 = arith.addf %add3A_417, %gather3A_403 : vector<16xf32>
      %add3A_419 = arith.addf %add3A_418, %gather3A_404 : vector<16xf32>
      %add3A_420 = arith.addf %add3A_419, %gather3A_405 : vector<16xf32>
      %add3A_421 = arith.addf %add3A_420, %gather3A_406 : vector<16xf32>
      %add3A_422 = arith.addf %add3A_421, %gather3A_407 : vector<16xf32>
      %add3A_423 = arith.addf %add3A_422, %gather3A_408 : vector<16xf32>
      %add3A_424 = arith.addf %add3A_423, %gather3A_409 : vector<16xf32>
      %broadcast_in_dim3A = arith.constant true
      %broadcast_in_dim3A_425 = vector.broadcast %broadcast_in_dim3A : i1 to vector<16xi1>
      %masked_cumsum3A = tpu.scan <sum>, %add3A_424 masked %broadcast_in_dim3A_425 : vector<16xf32>, vector<16xi1> -> vector<16xf32>
      %sub3A = arith.subf %masked_cumsum3A, %add3A_424 : vector<16xf32>
      %add3A_426 = vector.broadcast %scan3A_328 : f32 to vector<16xf32>
      %add3A_427 = arith.addf %sub3A, %add3A_426 : vector<16xf32>
      %add3A_428 = arith.addf %gather3A, %add3A_427 : vector<16xf32>
      tpu.vector_store_idx %arg5[%add3A_334], %add3A_428 : memref<16384xf32, #tpu.memory_space<vmem>>[vector<16xi32>], vector<16xf32>,
      %add3A_429 = arith.addf %add3A_410, %add3A_427 : vector<16xf32>
      tpu.vector_store_idx %arg5[%add3A_338], %add3A_429 : memref<16384xf32, #tpu.memory_space<vmem>>[vector<16xi32>], vector<16xf32>,
      %add3A_430 = arith.addf %add3A_411, %add3A_427 : vector<16xf32>
      tpu.vector_store_idx %arg5[%add3A_342], %add3A_430 : memref<16384xf32, #tpu.memory_space<vmem>>[vector<16xi32>], vector<16xf32>,
      %add3A_431 = arith.addf %add3A_412, %add3A_427 : vector<16xf32>
      tpu.vector_store_idx %arg5[%add3A_346], %add3A_431 : memref<16384xf32, #tpu.memory_space<vmem>>[vector<16xi32>], vector<16xf32>,
      %add3A_432 = arith.addf %add3A_413, %add3A_427 : vector<16xf32>
      tpu.vector_store_idx %arg5[%add3A_350], %add3A_432 : memref<16384xf32, #tpu.memory_space<vmem>>[vector<16xi32>], vector<16xf32>,
      %add3A_433 = arith.addf %add3A_414, %add3A_427 : vector<16xf32>
      tpu.vector_store_idx %arg5[%add3A_354], %add3A_433 : memref<16384xf32, #tpu.memory_space<vmem>>[vector<16xi32>], vector<16xf32>,
      %add3A_434 = arith.addf %add3A_415, %add3A_427 : vector<16xf32>
      tpu.vector_store_idx %arg5[%add3A_358], %add3A_434 : memref<16384xf32, #tpu.memory_space<vmem>>[vector<16xi32>], vector<16xf32>,
      %add3A_435 = arith.addf %add3A_416, %add3A_427 : vector<16xf32>
      tpu.vector_store_idx %arg5[%add3A_362], %add3A_435 : memref<16384xf32, #tpu.memory_space<vmem>>[vector<16xi32>], vector<16xf32>,
      %add3A_436 = arith.addf %add3A_417, %add3A_427 : vector<16xf32>
      tpu.vector_store_idx %arg5[%add3A_366], %add3A_436 : memref<16384xf32, #tpu.memory_space<vmem>>[vector<16xi32>], vector<16xf32>,
      %add3A_437 = arith.addf %add3A_418, %add3A_427 : vector<16xf32>
      tpu.vector_store_idx %arg5[%add3A_370], %add3A_437 : memref<16384xf32, #tpu.memory_space<vmem>>[vector<16xi32>], vector<16xf32>,
      %add3A_438 = arith.addf %add3A_419, %add3A_427 : vector<16xf32>
      tpu.vector_store_idx %arg5[%add3A_374], %add3A_438 : memref<16384xf32, #tpu.memory_space<vmem>>[vector<16xi32>], vector<16xf32>,
      %add3A_439 = arith.addf %add3A_420, %add3A_427 : vector<16xf32>
      tpu.vector_store_idx %arg5[%add3A_378], %add3A_439 : memref<16384xf32, #tpu.memory_space<vmem>>[vector<16xi32>], vector<16xf32>,
      %add3A_440 = arith.addf %add3A_421, %add3A_427 : vector<16xf32>
      tpu.vector_store_idx %arg5[%add3A_382], %add3A_440 : memref<16384xf32, #tpu.memory_space<vmem>>[vector<16xi32>], vector<16xf32>,
      %add3A_441 = arith.addf %add3A_422, %add3A_427 : vector<16xf32>
      tpu.vector_store_idx %arg5[%add3A_386], %add3A_441 : memref<16384xf32, #tpu.memory_space<vmem>>[vector<16xi32>], vector<16xf32>,
      %add3A_442 = arith.addf %add3A_423, %add3A_427 : vector<16xf32>
      tpu.vector_store_idx %arg5[%add3A_390], %add3A_442 : memref<16384xf32, #tpu.memory_space<vmem>>[vector<16xi32>], vector<16xf32>,
      %add3A_443 = arith.addf %add3A_424, %add3A_427 : vector<16xf32>
      tpu.vector_store_idx %arg5[%add3A_394], %add3A_443 : memref<16384xf32, #tpu.memory_space<vmem>>[vector<16xi32>], vector<16xf32>,
      %reduce_sum3A = arith.constant true
      %reduce_sum3A_444 = vector.broadcast %reduce_sum3A : i1 to vector<16xi1>
      %reduce_sum3A_445 = tpu.scan <sum>, %add3A_424 masked %reduce_sum3A_444 : vector<16xf32>, vector<16xi1> -> vector<16xf32>
      %reduce_sum3A_446 = vector.extract %reduce_sum3A_445[15] : f32 from vector<16xf32>
      %add3A_447 = arith.addf %scan3A_328, %reduce_sum3A_446 : f32
      scf.yield %add3A_447 : f32
    }
    %scan3A_300 = arith.constant 32 : i32
    %scan3A_301 = arith.constant 32 : i32
    %scan3A_302 = arith.constant 32 : i32
    %scan3A_303 = arith.addi %scan3A_301, %scan3A_302 : i32
    %scan3A_304 = arith.constant 1 : i32
    %scan3A_305 = scf.for %scan3A_327 = %scan3A_301 to %scan3A_303 step %scan3A_304 iter_args(%scan3A_328 = %scan3A_299) -> (f32)  : i32 {
      %mul3A_329 = arith.constant 256 : i32
      %mul3A_330 = arith.muli %scan3A_327, %mul3A_329 : i32
      %add3A_331 = arith.constant 0 : i32
      %add3A_332 = arith.addi %mul3A_330, %add3A_331 : i32
      %add3A_333 = vector.broadcast %add3A_332 : i32 to vector<16xi32>
      %add3A_334 = arith.addi %mul3A_3, %add3A_333 : vector<16xi32>
      %add3A_335 = arith.constant 1 : i32
      %add3A_336 = arith.addi %mul3A_330, %add3A_335 : i32
      %add3A_337 = vector.broadcast %add3A_336 : i32 to vector<16xi32>
      %add3A_338 = arith.addi %mul3A_3, %add3A_337 : vector<16xi32>
      %add3A_339 = arith.constant 2 : i32
      %add3A_340 = arith.addi %mul3A_330, %add3A_339 : i32
      %add3A_341 = vector.broadcast %add3A_340 : i32 to vector<16xi32>
      %add3A_342 = arith.addi %mul3A_3, %add3A_341 : vector<16xi32>
      %add3A_343 = arith.constant 3 : i32
      %add3A_344 = arith.addi %mul3A_330, %add3A_343 : i32
      %add3A_345 = vector.broadcast %add3A_344 : i32 to vector<16xi32>
      %add3A_346 = arith.addi %mul3A_3, %add3A_345 : vector<16xi32>
      %add3A_347 = arith.constant 4 : i32
      %add3A_348 = arith.addi %mul3A_330, %add3A_347 : i32
      %add3A_349 = vector.broadcast %add3A_348 : i32 to vector<16xi32>
      %add3A_350 = arith.addi %mul3A_3, %add3A_349 : vector<16xi32>
      %add3A_351 = arith.constant 5 : i32
      %add3A_352 = arith.addi %mul3A_330, %add3A_351 : i32
      %add3A_353 = vector.broadcast %add3A_352 : i32 to vector<16xi32>
      %add3A_354 = arith.addi %mul3A_3, %add3A_353 : vector<16xi32>
      %add3A_355 = arith.constant 6 : i32
      %add3A_356 = arith.addi %mul3A_330, %add3A_355 : i32
      %add3A_357 = vector.broadcast %add3A_356 : i32 to vector<16xi32>
      %add3A_358 = arith.addi %mul3A_3, %add3A_357 : vector<16xi32>
      %add3A_359 = arith.constant 7 : i32
      %add3A_360 = arith.addi %mul3A_330, %add3A_359 : i32
      %add3A_361 = vector.broadcast %add3A_360 : i32 to vector<16xi32>
      %add3A_362 = arith.addi %mul3A_3, %add3A_361 : vector<16xi32>
      %add3A_363 = arith.constant 8 : i32
      %add3A_364 = arith.addi %mul3A_330, %add3A_363 : i32
      %add3A_365 = vector.broadcast %add3A_364 : i32 to vector<16xi32>
      %add3A_366 = arith.addi %mul3A_3, %add3A_365 : vector<16xi32>
      %add3A_367 = arith.constant 9 : i32
      %add3A_368 = arith.addi %mul3A_330, %add3A_367 : i32
      %add3A_369 = vector.broadcast %add3A_368 : i32 to vector<16xi32>
      %add3A_370 = arith.addi %mul3A_3, %add3A_369 : vector<16xi32>
      %add3A_371 = arith.constant 10 : i32
      %add3A_372 = arith.addi %mul3A_330, %add3A_371 : i32
      %add3A_373 = vector.broadcast %add3A_372 : i32 to vector<16xi32>
      %add3A_374 = arith.addi %mul3A_3, %add3A_373 : vector<16xi32>
      %add3A_375 = arith.constant 11 : i32
      %add3A_376 = arith.addi %mul3A_330, %add3A_375 : i32
      %add3A_377 = vector.broadcast %add3A_376 : i32 to vector<16xi32>
      %add3A_378 = arith.addi %mul3A_3, %add3A_377 : vector<16xi32>
      %add3A_379 = arith.constant 12 : i32
      %add3A_380 = arith.addi %mul3A_330, %add3A_379 : i32
      %add3A_381 = vector.broadcast %add3A_380 : i32 to vector<16xi32>
      %add3A_382 = arith.addi %mul3A_3, %add3A_381 : vector<16xi32>
      %add3A_383 = arith.constant 13 : i32
      %add3A_384 = arith.addi %mul3A_330, %add3A_383 : i32
      %add3A_385 = vector.broadcast %add3A_384 : i32 to vector<16xi32>
      %add3A_386 = arith.addi %mul3A_3, %add3A_385 : vector<16xi32>
      %add3A_387 = arith.constant 14 : i32
      %add3A_388 = arith.addi %mul3A_330, %add3A_387 : i32
      %add3A_389 = vector.broadcast %add3A_388 : i32 to vector<16xi32>
      %add3A_390 = arith.addi %mul3A_3, %add3A_389 : vector<16xi32>
      %add3A_391 = arith.constant 15 : i32
      %add3A_392 = arith.addi %mul3A_330, %add3A_391 : i32
      %add3A_393 = vector.broadcast %add3A_392 : i32 to vector<16xi32>
      %add3A_394 = arith.addi %mul3A_3, %add3A_393 : vector<16xi32>
      %gather3A = tpu.vector_load_idx %arg5[%add3A_334] : memref<16384xf32, #tpu.memory_space<vmem>>[vector<16xi32>], vector<16xf32>,
      %gather3A_395 = tpu.vector_load_idx %arg5[%add3A_338] : memref<16384xf32, #tpu.memory_space<vmem>>[vector<16xi32>], vector<16xf32>,
      %gather3A_396 = tpu.vector_load_idx %arg5[%add3A_342] : memref<16384xf32, #tpu.memory_space<vmem>>[vector<16xi32>], vector<16xf32>,
      %gather3A_397 = tpu.vector_load_idx %arg5[%add3A_346] : memref<16384xf32, #tpu.memory_space<vmem>>[vector<16xi32>], vector<16xf32>,
      %gather3A_398 = tpu.vector_load_idx %arg5[%add3A_350] : memref<16384xf32, #tpu.memory_space<vmem>>[vector<16xi32>], vector<16xf32>,
      %gather3A_399 = tpu.vector_load_idx %arg5[%add3A_354] : memref<16384xf32, #tpu.memory_space<vmem>>[vector<16xi32>], vector<16xf32>,
      %gather3A_400 = tpu.vector_load_idx %arg5[%add3A_358] : memref<16384xf32, #tpu.memory_space<vmem>>[vector<16xi32>], vector<16xf32>,
      %gather3A_401 = tpu.vector_load_idx %arg5[%add3A_362] : memref<16384xf32, #tpu.memory_space<vmem>>[vector<16xi32>], vector<16xf32>,
      %gather3A_402 = tpu.vector_load_idx %arg5[%add3A_366] : memref<16384xf32, #tpu.memory_space<vmem>>[vector<16xi32>], vector<16xf32>,
      %gather3A_403 = tpu.vector_load_idx %arg5[%add3A_370] : memref<16384xf32, #tpu.memory_space<vmem>>[vector<16xi32>], vector<16xf32>,
      %gather3A_404 = tpu.vector_load_idx %arg5[%add3A_374] : memref<16384xf32, #tpu.memory_space<vmem>>[vector<16xi32>], vector<16xf32>,
      %gather3A_405 = tpu.vector_load_idx %arg5[%add3A_378] : memref<16384xf32, #tpu.memory_space<vmem>>[vector<16xi32>], vector<16xf32>,
      %gather3A_406 = tpu.vector_load_idx %arg5[%add3A_382] : memref<16384xf32, #tpu.memory_space<vmem>>[vector<16xi32>], vector<16xf32>,
      %gather3A_407 = tpu.vector_load_idx %arg5[%add3A_386] : memref<16384xf32, #tpu.memory_space<vmem>>[vector<16xi32>], vector<16xf32>,
      %gather3A_408 = tpu.vector_load_idx %arg5[%add3A_390] : memref<16384xf32, #tpu.memory_space<vmem>>[vector<16xi32>], vector<16xf32>,
      %gather3A_409 = tpu.vector_load_idx %arg5[%add3A_394] : memref<16384xf32, #tpu.memory_space<vmem>>[vector<16xi32>], vector<16xf32>,
      %add3A_410 = arith.addf %gather3A, %gather3A_395 : vector<16xf32>
      %add3A_411 = arith.addf %add3A_410, %gather3A_396 : vector<16xf32>
      %add3A_412 = arith.addf %add3A_411, %gather3A_397 : vector<16xf32>
      %add3A_413 = arith.addf %add3A_412, %gather3A_398 : vector<16xf32>
      %add3A_414 = arith.addf %add3A_413, %gather3A_399 : vector<16xf32>
      %add3A_415 = arith.addf %add3A_414, %gather3A_400 : vector<16xf32>
      %add3A_416 = arith.addf %add3A_415, %gather3A_401 : vector<16xf32>
      %add3A_417 = arith.addf %add3A_416, %gather3A_402 : vector<16xf32>
      %add3A_418 = arith.addf %add3A_417, %gather3A_403 : vector<16xf32>
      %add3A_419 = arith.addf %add3A_418, %gather3A_404 : vector<16xf32>
      %add3A_420 = arith.addf %add3A_419, %gather3A_405 : vector<16xf32>
      %add3A_421 = arith.addf %add3A_420, %gather3A_406 : vector<16xf32>
      %add3A_422 = arith.addf %add3A_421, %gather3A_407 : vector<16xf32>
      %add3A_423 = arith.addf %add3A_422, %gather3A_408 : vector<16xf32>
      %add3A_424 = arith.addf %add3A_423, %gather3A_409 : vector<16xf32>
      %broadcast_in_dim3A = arith.constant true
      %broadcast_in_dim3A_425 = vector.broadcast %broadcast_in_dim3A : i1 to vector<16xi1>
      %masked_cumsum3A = tpu.scan <sum>, %add3A_424 masked %broadcast_in_dim3A_425 : vector<16xf32>, vector<16xi1> -> vector<16xf32>
      %sub3A = arith.subf %masked_cumsum3A, %add3A_424 : vector<16xf32>
      %add3A_426 = vector.broadcast %scan3A_328 : f32 to vector<16xf32>
      %add3A_427 = arith.addf %sub3A, %add3A_426 : vector<16xf32>
      %add3A_428 = arith.addf %gather3A, %add3A_427 : vector<16xf32>
      tpu.vector_store_idx %arg5[%add3A_334], %add3A_428 : memref<16384xf32, #tpu.memory_space<vmem>>[vector<16xi32>], vector<16xf32>,
      %add3A_429 = arith.addf %add3A_410, %add3A_427 : vector<16xf32>
      tpu.vector_store_idx %arg5[%add3A_338], %add3A_429 : memref<16384xf32, #tpu.memory_space<vmem>>[vector<16xi32>], vector<16xf32>,
      %add3A_430 = arith.addf %add3A_411, %add3A_427 : vector<16xf32>
      tpu.vector_store_idx %arg5[%add3A_342], %add3A_430 : memref<16384xf32, #tpu.memory_space<vmem>>[vector<16xi32>], vector<16xf32>,
      %add3A_431 = arith.addf %add3A_412, %add3A_427 : vector<16xf32>
      tpu.vector_store_idx %arg5[%add3A_346], %add3A_431 : memref<16384xf32, #tpu.memory_space<vmem>>[vector<16xi32>], vector<16xf32>,
      %add3A_432 = arith.addf %add3A_413, %add3A_427 : vector<16xf32>
      tpu.vector_store_idx %arg5[%add3A_350], %add3A_432 : memref<16384xf32, #tpu.memory_space<vmem>>[vector<16xi32>], vector<16xf32>,
      %add3A_433 = arith.addf %add3A_414, %add3A_427 : vector<16xf32>
      tpu.vector_store_idx %arg5[%add3A_354], %add3A_433 : memref<16384xf32, #tpu.memory_space<vmem>>[vector<16xi32>], vector<16xf32>,
      %add3A_434 = arith.addf %add3A_415, %add3A_427 : vector<16xf32>
      tpu.vector_store_idx %arg5[%add3A_358], %add3A_434 : memref<16384xf32, #tpu.memory_space<vmem>>[vector<16xi32>], vector<16xf32>,
      %add3A_435 = arith.addf %add3A_416, %add3A_427 : vector<16xf32>
      tpu.vector_store_idx %arg5[%add3A_362], %add3A_435 : memref<16384xf32, #tpu.memory_space<vmem>>[vector<16xi32>], vector<16xf32>,
      %add3A_436 = arith.addf %add3A_417, %add3A_427 : vector<16xf32>
      tpu.vector_store_idx %arg5[%add3A_366], %add3A_436 : memref<16384xf32, #tpu.memory_space<vmem>>[vector<16xi32>], vector<16xf32>,
      %add3A_437 = arith.addf %add3A_418, %add3A_427 : vector<16xf32>
      tpu.vector_store_idx %arg5[%add3A_370], %add3A_437 : memref<16384xf32, #tpu.memory_space<vmem>>[vector<16xi32>], vector<16xf32>,
      %add3A_438 = arith.addf %add3A_419, %add3A_427 : vector<16xf32>
      tpu.vector_store_idx %arg5[%add3A_374], %add3A_438 : memref<16384xf32, #tpu.memory_space<vmem>>[vector<16xi32>], vector<16xf32>,
      %add3A_439 = arith.addf %add3A_420, %add3A_427 : vector<16xf32>
      tpu.vector_store_idx %arg5[%add3A_378], %add3A_439 : memref<16384xf32, #tpu.memory_space<vmem>>[vector<16xi32>], vector<16xf32>,
      %add3A_440 = arith.addf %add3A_421, %add3A_427 : vector<16xf32>
      tpu.vector_store_idx %arg5[%add3A_382], %add3A_440 : memref<16384xf32, #tpu.memory_space<vmem>>[vector<16xi32>], vector<16xf32>,
      %add3A_441 = arith.addf %add3A_422, %add3A_427 : vector<16xf32>
      tpu.vector_store_idx %arg5[%add3A_386], %add3A_441 : memref<16384xf32, #tpu.memory_space<vmem>>[vector<16xi32>], vector<16xf32>,
      %add3A_442 = arith.addf %add3A_423, %add3A_427 : vector<16xf32>
      tpu.vector_store_idx %arg5[%add3A_390], %add3A_442 : memref<16384xf32, #tpu.memory_space<vmem>>[vector<16xi32>], vector<16xf32>,
      %add3A_443 = arith.addf %add3A_424, %add3A_427 : vector<16xf32>
      tpu.vector_store_idx %arg5[%add3A_394], %add3A_443 : memref<16384xf32, #tpu.memory_space<vmem>>[vector<16xi32>], vector<16xf32>,
      %reduce_sum3A = arith.constant true
      %reduce_sum3A_444 = vector.broadcast %reduce_sum3A : i1 to vector<16xi1>
      %reduce_sum3A_445 = tpu.scan <sum>, %add3A_424 masked %reduce_sum3A_444 : vector<16xf32>, vector<16xi1> -> vector<16xf32>
      %reduce_sum3A_446 = vector.extract %reduce_sum3A_445[15] : f32 from vector<16xf32>
      %add3A_447 = arith.addf %scan3A_328, %reduce_sum3A_446 : f32
      scf.yield %add3A_447 : f32
    }
    %scan3A_306 = arith.constant 32 : i32
    %add3A_307 = arith.constant 3 : i32
    %add3A_308 = arith.addi %mul3A_5, %add3A_307 : i32
    %dma_start3A_309 = arith.constant 16384 : i32
    %dma_start3A_310 = tpu.memref_slice %arg3[%add3A_308, %dma_start3A_309] : memref<128x32768xf32, #tpu.memory_space<hbm>> -> memref<1x16384xf32, #tpu.memory_space<hbm>>
    %dma_start3A_311 = tpu.memref_squeeze %dma_start3A_310 : memref<1x16384xf32, #tpu.memory_space<hbm>> -> memref<16384xf32, #tpu.memory_space<hbm>>
    %dma_start3A_312 = arith.constant 16384 : i32
    %dma_start3A_313 = tpu.memref_slice %arg3[%add3A_308, %dma_start3A_312] : memref<128x32768xf32, #tpu.memory_space<hbm>> -> memref<1x16384xf32, #tpu.memory_space<hbm>>
    %dma_start3A_314 = tpu.memref_squeeze %dma_start3A_313 : memref<1x16384xf32, #tpu.memory_space<hbm>> -> memref<16384xf32, #tpu.memory_space<hbm>>
    tpu.enqueue_dma source(%arg5 : memref<16384xf32, #tpu.memory_space<vmem>>) target(%dma_start3A_314 : memref<16384xf32, #tpu.memory_space<hbm>>) target_semaphore(%arg9 : memref<!tpu.dma_semaphore, #tpu.memory_space<semaphore_mem>>)
    %dma_wait3A_315 = arith.constant 0 : i32
    %dma_wait3A_316 = tpu.memref_slice %arg3[%add3A_282, %dma_wait3A_315] : memref<128x32768xf32, #tpu.memory_space<hbm>> -> memref<1x16384xf32, #tpu.memory_space<hbm>>
    %dma_wait3A_317 = tpu.memref_squeeze %dma_wait3A_316 : memref<1x16384xf32, #tpu.memory_space<hbm>> -> memref<16384xf32, #tpu.memory_space<hbm>>
    %dma_wait3A_318 = arith.constant 0 : i32
    %dma_wait3A_319 = tpu.memref_slice %arg3[%add3A_282, %dma_wait3A_318] : memref<128x32768xf32, #tpu.memory_space<hbm>> -> memref<1x16384xf32, #tpu.memory_space<hbm>>
    %dma_wait3A_320 = tpu.memref_squeeze %dma_wait3A_319 : memref<1x16384xf32, #tpu.memory_space<hbm>> -> memref<16384xf32, #tpu.memory_space<hbm>>
    tpu.wait_dma2 semaphore(%arg8 : memref<!tpu.dma_semaphore, #tpu.memory_space<semaphore_mem>>) src(%arg4 : memref<16384xf32, #tpu.memory_space<vmem>>) dst(%dma_wait3A_320 : memref<16384xf32, #tpu.memory_space<hbm>>)
    %dma_wait3A_321 = arith.constant 16384 : i32
    %dma_wait3A_322 = tpu.memref_slice %arg3[%add3A_308, %dma_wait3A_321] : memref<128x32768xf32, #tpu.memory_space<hbm>> -> memref<1x16384xf32, #tpu.memory_space<hbm>>
    %dma_wait3A_323 = tpu.memref_squeeze %dma_wait3A_322 : memref<1x16384xf32, #tpu.memory_space<hbm>> -> memref<16384xf32, #tpu.memory_space<hbm>>
    %dma_wait3A_324 = arith.constant 16384 : i32
    %dma_wait3A_325 = tpu.memref_slice %arg3[%add3A_308, %dma_wait3A_324] : memref<128x32768xf32, #tpu.memory_space<hbm>> -> memref<1x16384xf32, #tpu.memory_space<hbm>>
    %dma_wait3A_326 = tpu.memref_squeeze %dma_wait3A_325 : memref<1x16384xf32, #tpu.memory_space<hbm>> -> memref<16384xf32, #tpu.memory_space<hbm>>
    tpu.wait_dma2 semaphore(%arg9 : memref<!tpu.dma_semaphore, #tpu.memory_space<semaphore_mem>>) src(%arg5 : memref<16384xf32, #tpu.memory_space<vmem>>) dst(%dma_wait3A_326 : memref<16384xf32, #tpu.memory_space<hbm>>)
    return
  }
}

module attributes {stable_mosaic.version = 14 : i64} {
  func.func @_mask_body(%arg0: i32, %arg1: memref<128x2048xf32, #tpu.memory_space<vmem>>, %arg2: memref<128x2048xi8, #tpu.memory_space<vmem>>, %arg3: memref<128x2048xf32, #tpu.memory_space<vmem>>) attributes {dimension_semantics = [#tpu.dimension_semantics<arbitrary>], iteration_bounds = array<i64: 16>, scalar_prefetch = 0 : i64, scratch_operands = 0 : i64, tpu.core_type = #tpu.core_type<tc>, window_params = [{transform_indices = @transform_0, window_bounds = array<i64: 128, 2048>}, {transform_indices = @transform_1, window_bounds = array<i64: 128, 2048>}, {transform_indices = @transform_2, window_bounds = array<i64: 128, 2048>}]} {
    %get3A = arith.constant 0 : index
    %get3A_0 = arith.constant 0 : index
    %get3A_1 = vector.load %arg2[%get3A, %get3A_0] : memref<128x2048xi8, #tpu.memory_space<vmem>>, vector<128x2048xi8>
    %ne3A = arith.constant 0 : i8
    %ne3A_2 = vector.broadcast %ne3A : i8 to vector<128x2048xi8>
    %ne3A_3 = arith.cmpi ne, %get3A_1, %ne3A_2 : vector<128x2048xi8>
    %get3A_4 = arith.constant 0 : index
    %get3A_5 = arith.constant 0 : index
    %get3A_6 = vector.load %arg1[%get3A_4, %get3A_5] : memref<128x2048xf32, #tpu.memory_space<vmem>>, vector<128x2048xf32>
    %jit3A = arith.constant 0.000000e+00 : f32
    %broadcast_in_dim3A = vector.broadcast %jit3A : f32 to vector<128x2048xf32>
    %select_n3A = arith.select %ne3A_3, %get3A_6, %broadcast_in_dim3A : vector<128x2048xi1>, vector<128x2048xf32>
    %swap3A = arith.constant 0 : index
    %swap3A_7 = arith.constant 0 : index
    %swap3A_8 = vector.load %arg3[%swap3A, %swap3A_7] : memref<128x2048xf32, #tpu.memory_space<vmem>>, vector<128x2048xf32>
    tpu.vector_store %arg3[%swap3A, %swap3A_7], %select_n3A {strides = array<i32>} : memref<128x2048xf32, #tpu.memory_space<vmem>>, vector<128x2048xf32>,
    return
  }
  func.func @transform_0(%arg0: i32) -> (i32, i32) {
    %c0_i32 = arith.constant 0 : i32
    %c0_i32_0 = arith.constant 0 : i32
    return %c0_i32, %arg0 : i32, i32
  }
  func.func @transform_1(%arg0: i32) -> (i32, i32) {
    %c0_i32 = arith.constant 0 : i32
    %c0_i32_0 = arith.constant 0 : i32
    return %c0_i32, %arg0 : i32, i32
  }
  func.func @transform_2(%arg0: i32) -> (i32, i32) {
    %c0_i32 = arith.constant 0 : i32
    %c0_i32_0 = arith.constant 0 : i32
    return %c0_i32, %arg0 : i32, i32
  }
}

</mosaic_0001>

<sc_bundles>
// kernel: kernel.4.cloned.1.call-start
scs
__scs_entry_jumppad:
0x0: {  	(pc) =	sbr.rel $0x88, $3  }
0x1: {  	(tag) =	ssettag $0x0;
	lr =	simm.s32 $0x1  }
0x2: {  	[smem:$0x3F9F] =	sst lr;
	_ =	strace $0xD0000000  }
0x3: {  	_ = 	snop  }
0x4: {  	_ = 	snop  }
0x5: {  	_ = 	snop  }
0x6: {  	_ = 	snop  }
0x7: {  	_ = 	snop  }
__scs_overlays_trampoline_lowered:
0x8: {  	[smem:$0x3FAE] =	sst s0  }
0x9: {  	[smem:$0x3FAF] =	sst s1  }
0xa: {  	[smem:$0x3FB0] =	sst s2  }
0xb: {  	[smem:$0x3FB1] =	sst s3  }
0xc: {  	[smem:$0x3FB2] =	sst s4  }
0xd: {  	[smem:$0x3FB3] =	sst s5  }
0xe: {  	[smem:$0x3FB4] =	sst s6  }
0xf: {  	[smem:$0x3FB5] =	sst s7  }
0x10: {  	[smem:$0x3FB6] =	sst s8  }
0x11: {  	[smem:$0x3FB7] =	sst s9;
	s0 =	simm.s32 @!p0 $0x0  }
0x12: {  	s1 =	sld [smem:$0x3F9D];
	s0 =	simm.s32 @p0 $0x1  }
0x13: {  	[smem:$0x3FB8] =	sst s0;
	s0 =	simm.s32 @!p1 $0x0  }
0x14: {  	s2 =	sld [smem:$0x3F9C];
	s0 =	simm.s32 @p1 $0x1  }
0x15: {  	[smem:$0x3FB9] =	sst s0;
	s0 =	simm.s32 @!p2 $0x0  }
0x16: {  	s3 =	sld [smem:$0x3FDB];
	s0 =	simm.s32 @p2 $0x1  }
0x17: {  	s4 =	simm.s32 $0x1BF5;
	[smem:$0x3FBB] =	sst s0  }
0x18: {  	s0 =	sld [smem:$0x3F9E];
	_ =	swait.ge [sflag:s4], $0x0  }
0x19: {  	s7 =	sld [smem:$0x3F9F]  }
0x1a: {  	s8 =	sadd.s32 $0xFFFFE003, lr  }
0x1b: {  	s9 =	sadd.s32 $0xFFFFFEF7, lr;
	s5 =	simm.s32 $0xFFFFFFFF;
	p2 =	slt.u32 s8, $0xFFFFF086  }
0x1c: {  	p1 =	slt.u32 s9, $0xF7A;
	s5 =	simm.s32 @!p2 $0x0  }
0x1d: {  	s5 =	simm.s32 @p1 $0x1;
	p0 =	seq.s32 s7, s2  }
0x1e: {  	s7 =	smul.u32 @!p0 $0xF7A, s2;
	p2 =	seq.s32 @!p0 s5, $0x0  }
0x1f: {  	s9 =	smul.u32 $0xF7A, s1;
	s8 =	simm.s32 @!p0 $0x1BF5;
	p2 =	por !p2, p0  }
0x20: {  	[sflag:s8] =	ssyncset.s32 @!p0 $0xFFFFF086;
	s6 =	sadd.s32 @!p0 s3, s7;
	s7 =	simm.s32 @!p0 $0x108  }
0x21: {  	s3 =	sadd.s32 s3, s9;
	s6 =	sadd.s32 @!p0 $0x88, s6;
	s7 =	simm.s32 @p2 $0x1082  }
0x22: {  	[simem:s7], [sflag:s8] =	dma.local @!p0 [hbm:s6], $0xF7A  }
0x23: {  	s9 =	sor.u32 $0xD0000000, s2;
	s6 =	simm.s32 $0x108;
	_ =	swait.ge @!p0 [sflag:s8], $0x0  }
0x24: {  	s3 =	sadd.s32 $0x88, s3;
	s6 =	simm.s32 @!p1 $0x1082;
	[sflag:s4] =	ssyncset.s32 $0xFFFFF086  }
0x25: {  	[simem:s6], [sflag:s4] =	dma.local [hbm:s3], $0xF7A  }
0x26: {  	[smem:$0x3F9F] =	sst s1;
	(tag) =	ssettag s2;
	_ =	strace s9  }
0x27: {  	s1 =	sld [smem:$0x3FAF]  }
0x28: {  	s2 =	sld [smem:$0x3FB0]  }
0x29: {  	s4 =	sld [smem:$0x3FB2]  }
0x2a: {  	p0 =	seq.s32 s5, $0x0;
	s5 =	sld [smem:$0x3FB3]  }
0x2b: {  	s6 =	sld [smem:$0x3FB4]  }
0x2c: {  	s7 =	sld [smem:$0x3FB5]  }
0x2d: {  	s3 =	simm.s32 $0x108;
	s8 =	sld [smem:$0x3FB6]  }
0x2e: {  	s3 =	simm.s32 @!p0 $0x1082;
	s9 =	sld [smem:$0x3FB7]  }
0x2f: {  	lr =	sadd.s32 s0, s3;
	s0 =	sld [smem:$0x3FAE]  }
0x30: {  	s3 =	sld [smem:$0x3FB1]  }
0x31: {  	[smem:$0x3FBA] =	sst s10  }
0x32: {  	s10 =	sld [smem:$0x3FB8];
	_ =	sdelay $0x3  }
0x33: {  	p0 =	seq.s32 s10, $0x1;
	s10 =	sld [smem:$0x3FBA];
	_ =	sdelay $0x3  }
0x34: {  	[smem:$0x3FBA] =	sst s10  }
0x35: {  	s10 =	sld [smem:$0x3FB9];
	_ =	sdelay $0x3  }
0x36: {  	p1 =	seq.s32 s10, $0x1;
	s10 =	sld [smem:$0x3FBA];
	_ =	sdelay $0x3  }
0x37: {  	[smem:$0x3FBA] =	sst s10  }
0x38: {  	s10 =	sld [smem:$0x3FBB]  }
0x39: {  	_ = 	snop;
	(pc) =	sbr.ind lr, $3  }
0x3a: {  	_ = 	snop  }
0x3b: {  	_ = 	snop  }
0x3c: {  	p2 =	seq.s32 s10, $0x1;
	s10 =	sld [smem:$0x3FBA]  }
0x3d: {  	_ =	shalt  }
0x3e: {  	_ =	shalt  }
0x3f: {  	_ =	shalt  }
0x40: {  	_ =	shalt  }
0x41: {  	_ =	shalt  }
0x42: {  	_ =	shalt  }
0x43: {  	_ =	shalt  }
0x44: {  	_ =	shalt  }
0x45: {  	_ =	shalt  }
0x46: {  	_ =	shalt  }
0x47: {  	_ =	shalt  }
0x48: {  	_ =	shalt  }
0x49: {  	_ =	shalt  }
0x4a: {  	_ =	shalt  }
0x4b: {  	_ =	shalt  }
0x4c: {  	_ =	shalt  }
0x4d: {  	_ =	shalt  }
0x4e: {  	_ =	shalt  }
0x4f: {  	_ =	shalt  }
0x50: {  	_ =	shalt  }
0x51: {  	_ =	shalt  }
0x52: {  	_ =	shalt  }
0x53: {  	_ =	shalt  }
0x54: {  	_ =	shalt  }
0x55: {  	_ =	shalt  }
0x56: {  	_ =	shalt  }
0x57: {  	_ =	shalt  }
0x58: {  	_ =	shalt  }
0x59: {  	_ =	shalt  }
0x5a: {  	_ =	shalt  }
0x5b: {  	_ =	shalt  }
0x5c: {  	_ =	shalt  }
0x5d: {  	_ =	shalt  }
0x5e: {  	_ =	shalt  }
0x5f: {  	_ =	shalt  }
0x60: {  	_ =	shalt  }
0x61: {  	_ =	shalt  }
0x62: {  	_ =	shalt  }
0x63: {  	_ =	shalt  }
0x64: {  	_ =	shalt  }
0x65: {  	_ =	shalt  }
0x66: {  	_ =	shalt  }
0x67: {  	_ =	shalt  }
0x68: {  	_ =	shalt  }
0x69: {  	_ =	shalt  }
0x6a: {  	_ =	shalt  }
0x6b: {  	_ =	shalt  }
0x6c: {  	_ =	shalt  }
0x6d: {  	_ =	shalt  }
0x6e: {  	_ =	shalt  }
0x6f: {  	_ =	shalt  }
0x70: {  	_ =	shalt  }
0x71: {  	_ =	shalt  }
0x72: {  	_ =	shalt  }
0x73: {  	_ =	shalt  }
0x74: {  	_ =	shalt  }
0x75: {  	_ =	shalt  }
0x76: {  	_ =	shalt  }
0x77: {  	_ =	shalt  }
0x78: {  	_ =	shalt  }
0x79: {  	_ =	shalt  }
0x7a: {  	_ =	shalt  }
0x7b: {  	_ =	shalt  }
0x7c: {  	_ =	shalt  }
0x7d: {  	_ =	shalt  }
0x7e: {  	_ =	shalt  }
0x7f: {  	_ =	shalt  }
0x80: {  	_ =	shalt  }
0x81: {  	_ =	shalt  }
0x82: {  	_ =	shalt  }
0x83: {  	_ =	shalt  }
0x84: {  	_ =	shalt  }
0x85: {  	_ =	shalt  }
0x86: {  	_ =	shalt  }
0x87: {  	_ =	shalt  }
.Lfunc_end0:
.L_simem_size_0:
called_computation_lowered:
.L_overlay_start_0:
0x88: {  	s2 =	sld [smem:$0x3FD9]  }
0x89: {  	s3 =	sld [smem:$0x3FFE];
	_ =	sdelay $0x1  }
0x8a: {  	s1 =	srdreg.scid  }
0x8b: {  	s0 =	sand.u32 $0x1, s1  }
0x8c: {  	s17 =	sshll.u32 s0, $0xA;
	s2 =	sadd.s32 s3, s2  }
0x8d: {  	s2 =	sadd.s32 s2, s17  }
0x8e: {  	[smem:$0x3FC6] =	sst s2  }
0x8f: {  	_ = 	snop  }
0x90: {  	s2 =	sld [smem:$0x3FD0];
	(tm) =	ssettm $0x1  }
0x91: {  	s18 =	sld [smem:$0x3FFB];
	_ =	sdelay $0x3  }
0x92: {  	_ =	strace s18  }
0x93: {  	s3 =	sld [smem:$0x3FFC];
	_ =	sdelay $0x3  }
0x94: {  	_ =	strace s3  }
0x95: {  	s3 =	sld [smem:$0x3FFD];
	_ =	sdelay $0x3  }
0x96: {  	_ =	strace s3  }
0x97: {  	_ =	strace $0x8FFFFFFF  }
0x98: {  	s19 =	sld [smem:$0x3FDB];
	_ =	sdelay $0x1  }
0x99: {  	s4 =	simm.s32 $_scs_section_size  }
0x9a: {  	s5 =	simm.s32 $_size__tile_overlayer_lowered;
	s6 =	simm.s32 $_tile_overlayer_lowered  }
0x9b: {  	s22 =	simm.s32 $0x1BFF;
	s21 =	sshll.u32 s6, $0x1;
	s3 =	sadd.s32 s4, s19  }
0x9c: {  	s7 =	simm.s32 $0x0;
	s20 =	sshll.u32 s5, $0x1;
	s5 =	sadd.s32 s21, s3  }
0x9d: {  	[timem:s7], [sflag:s22] =	dma.local [hbm:s5], s20  }
0x9e: {  	_ =	swait.ge [sflag:s22], s20  }
0x9f: {  	s4 =	ssub.s32 $0x0, s20;
	[sflag:s22] =	ssyncset.done $0x0  }
0xa0: {  	[sflag:s22] =	ssyncadd.s32 s4;
	_ =	sdelay $0x1  }
0xa1: {  	s23 =	simm.s32 $0x1B8B  }
0xa2: {  	_ =	swait.ge [sflag:s23], $0x1  }
0xa3: {  	[sflag:s23] =	ssyncset.done $0x0  }
0xa4: {  	s25 =	simm.s32 $0x1B8E;
	s24 =	sld [smem:$0x3FFE];
	[sflag:s23] =	ssyncadd.s32 $0xFFFFFFFF  }
0xa5: {  	s26 =	simm.s32 $execute0_lowered;
	[smem:$0x3FD2] =	sst s25  }
0xa6: {  	s5 =	sshll.u32 s26, $0x1;
	_ =	strace $0x80000046;
	[dreg:$0x1] =	wrdreg $0xFFFFFFFF  }
0xa7: {  	s28 =	simm.s32 $_size_execute0_lowered;
	s3 =	sadd.s32 s3, s5;
	[dreg:$0x0] =	wrdreg $0x0  }
0xa8: {  	s5 =	sshll.u32 s28, $0x1;
	[dreg:$0x2] =	wrdreg s3  }
0xa9: {  	[dreg:$0x3] =	wrdreg s5  }
0xaa: {  	[dreg:$0x4] =	wrdreg $0xC0  }
0xab: {  	_ =	task [dreg:s7], $0x5FFFF  }
0xac: {  	[dreg:$0x1] =	wrdreg $0xFFFFFFFF  }
0xad: {  	[dreg:$0x0] =	wrdreg $0x60  }
0xae: {  	[dreg:$0x2] =	wrdreg s24  }
0xaf: {  	[dreg:$0x3] =	wrdreg s2  }
0xb0: {  	[dreg:$0x4] =	wrdreg $0x9  }
0xb1: {  	_ =	task.clear_ibuf [dreg:s7], $0x5FFFF;
	_ =	strace $0x90000046  }
0xb2: {  	s29 =	simm.s32 $0x9;
	_ =	strace $0x80000048  }
0xb3: {  	_ =	swait.ge [sflag:s29], $0x1  }
0xb4: {  	[sflag:s29] =	ssyncadd.s32 $0xFFFFFFFF  }
0xb5: {  	_ =	strace $0x90000048  }
0xb6: {  	_ =	sfence  }
0xb7: {  	s30 =	sld [smem:$0x0];
	_ =	sdelay $0x2  }
0xb8: {  	s31 =	sshll.u32 s1, $0xD;
	s1 =	sshrl.u32 s1, $0x2  }
0xb9: {  	s3 =	sand.u32 $0x4000, s31;
	s1 =	sadd.s32 s1, s30  }
0xba: {  	s0 =	sor.u32 s3, s0;
	s1 =	sshll.u32 s1, $0x11  }
0xbb: {  	s0 =	sor.u32 s1, s0  }
0xbc: {  	s0 =	sadd.s32 $0x8F2B, s0  }
0xbd: {  	[sflag:s0] =	ssyncadd.remote.s32 $0x1  }
0xbe: {  	_ =	sfence.sel $0xFFFF  }
0xbf: {  	[dreg:$0x0] =	wrdreg $0xFFFFFFFF;
	(pc) =	sbr.abs _section_cstart, $3  }
0xc0: {  	[dreg:$0x1] =	wrdreg $0xFFFFFFFF  }
0xc1: {  	_ =	task.clear_ibuf [dreg:s7], $0x2FFFF;
	_ =	strace $0x9FFFFFFF  }
0xc2: {  	(tm) =	ssettm $0x7FFFFFFF  }
0xc3: {  	_ =	shalt  }
tec
execute0_lowered:
.L_overlay_start_1:
0x0: {  	(tag) =	ssettag $0x1  }
0x1: {  	s0 =	rddreg [dreg:$0x0]  }
0x2: {  	s18 =	rddreg [dreg:$0x1]  }
0x3: {  	s2 =	simm.s32 $0x0;
	s3 =	srdreg.scid;
	s1 =	stileid.u32  }
0x4: {  	s21 =	simm.s32 $0x400;
	s22 =	simm.s32 $0x1;
	s23 =	simm.s32 $0x4000  }
0x5: {  	s24 =	simm.s32 $0x2;
	s25 =	simm.s32 $0x3;
	s26 =	simm.s32 $0x4  }
0x6: {  	s28 =	simm.s32 $0x0;
	[smem:$0x7FF] =	sst s2;
	s3 =	sand.u32 $0x1, s3  }
0x7: {  	s5 =	sshll.u32 s1, $0xF;
	s4 =	ssub.s32 $0x2, s3;
	s3 =	sshll.u32 s3, $0x6  }
0x8: {  	s0 =	sadd.s32 $0x600, s0;
	s6 =	sshrl.u32 s4, $0x1;
	s16 =	sor.u32 s3, s5  }
0x9: {  	_ =	strace $0x80000047;
	s19 =	ssub.s32 s4, s6;
	s29 =	sadd.s32 s0, s16  }
0xa: {  	s7 =	sor.u32 $0x4000, s16;
	s31 =	sadd.s32 s18, s16;
	s9 =	sor.u32 $0x10, s16  }
0xb: {  	s11 =	sor.u32 $0x4010, s16;
	s13 =	sor.u32 $0x20, s16;
	s15 =	sor.u32 $0x4020, s16  }
0xc: {  	s17 =	sor.u32 $0x30, s16;
	s20 =	sor.u32 $0x4030, s16;
	[dreg:$0x3] =	wrdreg s29  }
0xd: {  	s30 =	sadd.s32 s0, s7;
	[dreg:$0x5] =	wrdreg s31;
	s6 =	sadd.s32 s0, s9  }
0xe: {  	s7 =	sadd.s32 s18, s7;
	s8 =	sadd.s32 s0, s11;
	s9 =	sadd.s32 s18, s9  }
0xf: {  	s10 =	sadd.s32 s0, s13;
	s11 =	sadd.s32 s18, s11;
	s12 =	sadd.s32 s0, s15  }
0x10: {  	s13 =	sadd.s32 s18, s13;
	s14 =	sadd.s32 s0, s17;
	s15 =	sadd.s32 s18, s15  }
0x11: {  	v0 =	vlaneseq.u32;
	s16 =	sadd.s32 s0, s20;
	s17 =	sadd.s32 s18, s17;
	s18 =	sadd.s32 s18, s20  }
0x12: {  	v0 =	vmul.u32 $0x10, v0;
	s19 =	smax.u32 s19, $0x1;
	s20 =	simm.s32 $0x80;
	[dreg:$0x4] =	wrdreg s30  }
.LBB2_1:
0x13: {  	s0 =	simm.s32 $0x0  }
0x14: {  	s29 =	simm.s32 $0x1;
	s1 =	rddreg [dreg:$0x3];
	v1 =	vor.u32 s0, v0  }
0x15: {  	[tilespmem:s2], [sflag:$0x1] =	stream.strided.gather [hbm4b:s1+s20], $0x4000, s21, s20, $0x38;
	v2 =	vor.u32 s29, v0;
	[tilespmem:$0x8000] =	vst v63  }
0x16: {  	s3 =	simm.s32 $0x2;
	_ =	swait.ge [sflag:s22], $0x4000  }
0x17: {  	v3 =	vor.u32 s3, v0;
	[sflag:s22] =	ssyncset.done $0x0  }
0x18: {  	s4 =	simm.s32 $0x3;
	[sflag:s22] =	ssyncadd.s32 $0xFFFFC000  }
0x19: {  	v6 =	vor.u32 s4, v0;
	v7 =	vld.idx.msk [tilespmem:v1+s2+$0x0], $0xffff  }
0x1a: {  	s5 =	simm.s32 $0x4;
	v4 =	vld.idx.msk [tilespmem:v2+s2+$0x0], $0xffff  }
0x1b: {  	v8 =	vor.u32 s5, v0  }
0x1c: {  	s1 =	simm.s32 $0x5;
	v5 =	vld.idx.msk [tilespmem:v3+s2+$0x0], $0xffff  }
0x1d: {  	v9 =	vor.u32 s1, v0  }
0x1e: {  	s3 =	simm.s32 $0x6;
	v10 =	vld.idx.msk [tilespmem:v6+s2+$0x0], $0xffff  }
0x1f: {  	v11 =	vor.u32 s3, v0;
	v12 =	vadd.f32 v4, v7  }
0x20: {  	s4 =	simm.s32 $0x7;
	v4 =	vld.idx.msk [tilespmem:v8+s2+$0x0], $0xffff  }
0x21: {  	v13 =	vor.u32 s4, v0;
	v14 =	vadd.f32 v5, v12  }
0x22: {  	s5 =	simm.s32 $0x8;
	v5 =	vld.idx.msk [tilespmem:v9+s2+$0x0], $0xffff  }
0x23: {  	v15 =	vor.u32 s5, v0;
	v10 =	vadd.f32 v10, v14  }
0x24: {  	s1 =	simm.s32 $0x9;
	v16 =	vld.idx.msk [tilespmem:v11+s2+$0x0], $0xffff  }
0x25: {  	v17 =	vor.u32 s1, v0;
	v18 =	vadd.f32 v4, v10  }
0x26: {  	s3 =	simm.s32 $0xA;
	v4 =	vld.idx.msk [tilespmem:v13+s2+$0x0], $0xffff  }
0x27: {  	v19 =	vor.u32 s3, v0;
	v20 =	vadd.f32 v5, v18  }
0x28: {  	s4 =	simm.s32 $0xB;
	v5 =	vld.idx.msk [tilespmem:v15+s2+$0x0], $0xffff  }
0x29: {  	v21 =	vor.u32 s4, v0;
	v16 =	vadd.f32 v16, v20  }
0x2a: {  	s5 =	simm.s32 $0xC;
	v22 =	vld.idx.msk [tilespmem:v17+s2+$0x0], $0xffff  }
0x2b: {  	v23 =	vor.u32 s5, v0;
	v24 =	vadd.f32 v4, v16  }
0x2c: {  	s1 =	simm.s32 $0xD;
	v25 =	vld.idx.msk [tilespmem:v19+s2+$0x0], $0xffff  }
0x2d: {  	v26 =	vor.u32 s1, v0;
	v27 =	vadd.f32 v5, v24  }
0x2e: {  	s3 =	simm.s32 $0xE;
	v28 =	vld.idx.msk [tilespmem:v21+s2+$0x0], $0xffff  }
0x2f: {  	v4 =	vor.u32 s3, v0;
	v22 =	vadd.f32 v22, v27  }
0x30: {  	s4 =	simm.s32 $0xF;
	v29 =	vld.idx.msk [tilespmem:v23+s2+$0x0], $0xffff  }
0x31: {  	v5 =	vor.u32 s4, v0;
	v25 =	vadd.f32 v25, v22  }
0x32: {  	v30 =	vld.idx.msk [tilespmem:v26+s2+$0x0], $0xffff  }
0x33: {  	v28 =	vadd.f32 v28, v25  }
0x34: {  	v31 =	vld.idx.msk [tilespmem:v4+s2+$0x0], $0xffff  }
0x35: {  	v29 =	vadd.f32 v29, v28  }
0x36: {  	v32 =	vld.idx.msk [tilespmem:v5+s2+$0x0], $0xffff  }
0x37: {  	v30 =	vadd.f32 v30, v29;
	_ =	sdelay $0x1  }
0x38: {  	v31 =	vadd.f32 v31, v30;
	_ =	sdelay $0x1  }
0x39: {  	v32 =	vadd.f32 v32, v31;
	_ =	sdelay $0x1  }
0x3a: {  	(xrf2) =	vadd.scan.msk.f32 $0xffff, v32;
	_ =	sdelay $0x9  }
0x3b: {  	v33, _, _ =	vpop (xrf2)  }
0x3c: {  	v34 =	vsub.f32 v33, v32  }
0x3d: {  	s5 =	simm.f32 $0.0e+00  }
0x3e: {  	v63 =	vadd.f32 s5, v34  }
0x3f: {  	(v2sf) =	vpush v33, $0xF  }
0x40: {  	v7 =	vadd.f32 v63, v7  }
0x41: {  	v12 =	vadd.f32 v63, v12  }
0x42: {  	v14 =	vadd.f32 v63, v14;
	[tilespmem:v1+s2+$0x0] =	vst.idx.msk $0xffff, v7  }
0x43: {  	v1 =	vadd.f32 v63, v10;
	[tilespmem:v2+s2+$0x0] =	vst.idx.msk $0xffff, v12  }
0x44: {  	v2 =	vadd.f32 v63, v18;
	[tilespmem:v3+s2+$0x0] =	vst.idx.msk $0xffff, v14  }
0x45: {  	v3 =	vadd.f32 v63, v20;
	[tilespmem:v6+s2+$0x0] =	vst.idx.msk $0xffff, v1  }
0x46: {  	v1 =	vadd.f32 v63, v16;
	[tilespmem:v8+s2+$0x0] =	vst.idx.msk $0xffff, v2  }
0x47: {  	v2 =	vadd.f32 v63, v24;
	[tilespmem:v9+s2+$0x0] =	vst.idx.msk $0xffff, v3  }
0x48: {  	v3 =	vadd.f32 v63, v27;
	[tilespmem:v11+s2+$0x0] =	vst.idx.msk $0xffff, v1  }
0x49: {  	v1 =	vadd.f32 v63, v22;
	[tilespmem:v13+s2+$0x0] =	vst.idx.msk $0xffff, v2  }
0x4a: {  	v2 =	vadd.f32 v63, v25;
	[tilespmem:v15+s2+$0x0] =	vst.idx.msk $0xffff, v3  }
0x4b: {  	v3 =	vadd.f32 v63, v28;
	[tilespmem:v17+s2+$0x0] =	vst.idx.msk $0xffff, v1  }
0x4c: {  	v1 =	vadd.f32 v63, v29;
	[tilespmem:v19+s2+$0x0] =	vst.idx.msk $0xffff, v2  }
0x4d: {  	s1 =	simm.s32 $0x100;
	v8 =	vadd.f32 v63, v30;
	[tilespmem:v21+s2+$0x0] =	vst.idx.msk $0xffff, v3  }
0x4e: {  	s3 =	simm.s32 $0x101;
	s4 =	simm.s32 $0x102;
	v7 =	vadd.f32 v63, v32;
	s29 =	spop (v2sf);
	v3 =	vor.u32 s1, v0;
	[tilespmem:v23+s2+$0x0] =	vst.idx.msk $0xffff, v1  }
0x4f: {  	s30 =	simm.s32 $0x10F;
	s31 =	simm.s32 $0x20F;
	v6 =	vadd.f32 v63, v31;
	s29 =	sadd.f32 s29, s5;
	v2 =	vor.u32 s4, v0;
	v1 =	vor.u32 s3, v0;
	[tilespmem:v26+s2+$0x0] =	vst.idx.msk $0xffff, v8  }
.LBB2_2:
0x50: {  	p0 =	sne.s32 s31, $0x1F0F  }
0x51: {  	s1 =	sadd.s32 $0xFFFFFFF4, s30;
	[tilespmem:v4+s2+$0x0] =	vst.idx.msk $0xffff, v6;
	s0 =	smov.u32 s31;
	s31 =	sadd.s32 $0x100, s31  }
0x52: {  	v6 =	vor.u32 s1, v0;
	[tilespmem:v5+s2+$0x0] =	vst.idx.msk $0xffff, v7  }
0x53: {  	s1 =	sadd.s32 $0xFFFFFFF5, s30;
	v9 =	vld.idx.msk [tilespmem:v3+s2+$0x0], $0xffff  }
0x54: {  	v7 =	vor.u32 s1, v0;
	v4 =	vld.idx.msk [tilespmem:v1+s2+$0x0], $0xffff  }
0x55: {  	s1 =	sadd.s32 $0xFFFFFFF6, s30;
	v5 =	vld.idx.msk [tilespmem:v2+s2+$0x0], $0xffff  }
0x56: {  	v8 =	vor.u32 s1, v0  }
0x57: {  	s1 =	sadd.s32 $0xFFFFFFF7, s30;
	v10 =	vld.idx.msk [tilespmem:v6+s2+$0x0], $0xffff  }
0x58: {  	v11 =	vor.u32 s1, v0  }
0x59: {  	s1 =	sadd.s32 $0xFFFFFFF8, s30;
	v12 =	vld.idx.msk [tilespmem:v7+s2+$0x0], $0xffff  }
0x5a: {  	v13 =	vor.u32 s1, v0;
	v14 =	vadd.f32 v4, v9  }
0x5b: {  	s1 =	sadd.s32 $0xFFFFFFF9, s30;
	v4 =	vld.idx.msk [tilespmem:v8+s2+$0x0], $0xffff  }
0x5c: {  	v15 =	vor.u32 s1, v0;
	v16 =	vadd.f32 v5, v14  }
0x5d: {  	s1 =	sadd.s32 $0xFFFFFFFA, s30;
	v5 =	vld.idx.msk [tilespmem:v11+s2+$0x0], $0xffff  }
0x5e: {  	v17 =	vor.u32 s1, v0;
	v10 =	vadd.f32 v10, v16  }
0x5f: {  	s1 =	sadd.s32 $0xFFFFFFFB, s30;
	v18 =	vld.idx.msk [tilespmem:v13+s2+$0x0], $0xffff  }
0x60: {  	v19 =	vor.u32 s1, v0;
	v12 =	vadd.f32 v12, v10  }
0x61: {  	s1 =	sadd.s32 $0xFFFFFFFC, s30;
	v20 =	vld.idx.msk [tilespmem:v15+s2+$0x0], $0xffff  }
0x62: {  	v21 =	vor.u32 s1, v0;
	v22 =	vadd.f32 v4, v12  }
0x63: {  	s1 =	sadd.s32 $0xFFFFFFFD, s30;
	v23 =	vld.idx.msk [tilespmem:v17+s2+$0x0], $0xffff  }
0x64: {  	v24 =	vor.u32 s1, v0;
	v25 =	vadd.f32 v5, v22  }
0x65: {  	s1 =	sadd.s32 $0xFFFFFFFE, s30;
	v26 =	vld.idx.msk [tilespmem:v19+s2+$0x0], $0xffff  }
0x66: {  	v27 =	vor.u32 s1, v0;
	v18 =	vadd.f32 v18, v25  }
0x67: {  	s1 =	sadd.s32 $0xFFFFFFFF, s30;
	v28 =	vld.idx.msk [tilespmem:v21+s2+$0x0], $0xffff  }
0x68: {  	v4 =	vor.u32 s1, v0;
	v20 =	vadd.f32 v20, v18  }
0x69: {  	v29 =	vld.idx.msk [tilespmem:v24+s2+$0x0], $0xffff  }
0x6a: {  	v5 =	vor.u32 s30, v0;
	s30 =	smov.u32 s0;
	v23 =	vadd.f32 v23, v20  }
0x6b: {  	v30 =	vld.idx.msk [tilespmem:v27+s2+$0x0], $0xffff  }
0x6c: {  	v26 =	vadd.f32 v26, v23  }
0x6d: {  	v31 =	vld.idx.msk [tilespmem:v4+s2+$0x0], $0xffff  }
0x6e: {  	v28 =	vadd.f32 v28, v26  }
0x6f: {  	v32 =	vld.idx.msk [tilespmem:v5+s2+$0x0], $0xffff  }
0x70: {  	v29 =	vadd.f32 v29, v28;
	_ =	sdelay $0x1  }
0x71: {  	v30 =	vadd.f32 v30, v29;
	_ =	sdelay $0x1  }
0x72: {  	v31 =	vadd.f32 v31, v30;
	_ =	sdelay $0x1  }
0x73: {  	v32 =	vadd.f32 v32, v31;
	_ =	sdelay $0x1  }
0x74: {  	(xrf2) =	vadd.scan.msk.f32 $0xffff, v32;
	_ =	sdelay $0x9  }
0x75: {  	v33, _, _ =	vpop (xrf2)  }
0x76: {  	v34 =	vsub.f32 v33, v32;
	(v2sf) =	vpush v33, $0xF;
	_ =	sdelay $0x1  }
0x77: {  	v33 =	vadd.f32 s29, v34;
	_ =	sdelay $0x1  }
0x78: {  	v9 =	vadd.f32 v33, v9;
	v14 =	vadd.f32 v33, v14  }
0x79: {  	v16 =	vadd.f32 v33, v16;
	v10 =	vadd.f32 v33, v10  }
0x7a: {  	[tilespmem:v3+s2+$0x0] =	vst.idx.msk $0xffff, v9;
	v3 =	vadd.f32 v33, v12;
	v9 =	vadd.f32 v33, v22  }
0x7b: {  	v12 =	vadd.f32 v33, v18;
	[tilespmem:v1+s2+$0x0] =	vst.idx.msk $0xffff, v14;
	v1 =	vadd.f32 v33, v25  }
0x7c: {  	v14 =	vadd.f32 v33, v23;
	[tilespmem:v2+s2+$0x0] =	vst.idx.msk $0xffff, v16;
	v2 =	vadd.f32 v33, v20  }
0x7d: {  	v16 =	vadd.f32 v33, v28;
	[tilespmem:v6+s2+$0x0] =	vst.idx.msk $0xffff, v10;
	v10 =	vadd.f32 v33, v26  }
0x7e: {  	v18 =	vadd.f32 v33, v29;
	v20 =	vadd.f32 v33, v30;
	[tilespmem:v7+s2+$0x0] =	vst.idx.msk $0xffff, v3  }
0x7f: {  	v6 =	vadd.f32 v33, v31;
	v7 =	vadd.f32 v33, v32;
	[tilespmem:v8+s2+$0x0] =	vst.idx.msk $0xffff, v9  }
0x80: {  	[tilespmem:v11+s2+$0x0] =	vst.idx.msk $0xffff, v1  }
0x81: {  	[tilespmem:v13+s2+$0x0] =	vst.idx.msk $0xffff, v12  }
0x82: {  	[tilespmem:v15+s2+$0x0] =	vst.idx.msk $0xffff, v2  }
.Ltmp0:
0x83: {  	[tilespmem:v17+s2+$0x0] =	vst.idx.msk $0xffff, v14;
	s0 =	spop (v2sf);
	(pc) =	sbr.rel @p0 .LBB2_2-.Ltmp0, $4  }
0x84: {  	s1 =	sadd.s32 $0xFFFFFFF1, s30;
	s3 =	sadd.s32 $0xFFFFFFF2, s30;
	[tilespmem:v19+s2+$0x0] =	vst.idx.msk $0xffff, v10;
	s29 =	sadd.f32 s0, s29  }
0x85: {  	v3 =	vor.u32 s1, v0;
	v1 =	vor.u32 s3, v0;
	[tilespmem:v21+s2+$0x0] =	vst.idx.msk $0xffff, v16  }
0x86: {  	s0 =	sadd.s32 $0xFFFFFFF3, s30;
	[tilespmem:v24+s2+$0x0] =	vst.idx.msk $0xffff, v18  }
0x87: {  	v2 =	vor.u32 s0, v0;
	[tilespmem:v27+s2+$0x0] =	vst.idx.msk $0xffff, v20  }
0x88: {  	_ =	sdelay $0x3  }
0x89: {  	[tilespmem:v4+s2+$0x0] =	vst.idx.msk $0xffff, v6  }
0x8a: {  	s0 =	sadd.s32 $0xFFFFFFF4, s30;
	[tilespmem:v5+s2+$0x0] =	vst.idx.msk $0xffff, v7  }
0x8b: {  	v4 =	vor.u32 s0, v0;
	v5 =	vld.idx.msk [tilespmem:v3+s2+$0x0], $0xffff  }
0x8c: {  	s5 =	sadd.s32 $0xFFFFFFF5, s30;
	v6 =	vld.idx.msk [tilespmem:v1+s2+$0x0], $0xffff  }
0x8d: {  	v7 =	vor.u32 s5, v0  }
0x8e: {  	s1 =	sadd.s32 $0xFFFFFFF6, s30;
	v8 =	vld.idx.msk [tilespmem:v2+s2+$0x0], $0xffff  }
0x8f: {  	v9 =	vor.u32 s1, v0  }
0x90: {  	s3 =	sadd.s32 $0xFFFFFFF7, s30;
	v10 =	vld.idx.msk [tilespmem:v4+s2+$0x0], $0xffff  }
0x91: {  	v11 =	vor.u32 s3, v0;
	v6 =	vadd.f32 v6, v5  }
0x92: {  	s4 =	sadd.s32 $0xFFFFFFF8, s30;
	v12 =	vld.idx.msk [tilespmem:v7+s2+$0x0], $0xffff  }
0x93: {  	v13 =	vor.u32 s4, v0;
	v8 =	vadd.f32 v8, v6  }
0x94: {  	s5 =	sadd.s32 $0xFFFFFFF9, s30;
	v14 =	vld.idx.msk [tilespmem:v9+s2+$0x0], $0xffff  }
0x95: {  	v15 =	vor.u32 s5, v0;
	v10 =	vadd.f32 v10, v8  }
0x96: {  	s1 =	sadd.s32 $0xFFFFFFFA, s30;
	v16 =	vld.idx.msk [tilespmem:v11+s2+$0x0], $0xffff  }
0x97: {  	v17 =	vor.u32 s1, v0;
	v12 =	vadd.f32 v12, v10  }
0x98: {  	s3 =	sadd.s32 $0xFFFFFFFB, s30;
	v18 =	vld.idx.msk [tilespmem:v13+s2+$0x0], $0xffff  }
0x99: {  	v19 =	vor.u32 s3, v0;
	v14 =	vadd.f32 v14, v12  }
0x9a: {  	s4 =	sadd.s32 $0xFFFFFFFC, s30;
	v20 =	vld.idx.msk [tilespmem:v15+s2+$0x0], $0xffff  }
0x9b: {  	v21 =	vor.u32 s4, v0;
	v16 =	vadd.f32 v16, v14  }
0x9c: {  	s5 =	sadd.s32 $0xFFFFFFFD, s30;
	v22 =	vld.idx.msk [tilespmem:v17+s2+$0x0], $0xffff  }
0x9d: {  	v23 =	vor.u32 s5, v0;
	v18 =	vadd.f32 v18, v16  }
0x9e: {  	s1 =	sadd.s32 $0xFFFFFFFE, s30;
	v24 =	vld.idx.msk [tilespmem:v19+s2+$0x0], $0xffff  }
0x9f: {  	v25 =	vor.u32 s1, v0;
	v20 =	vadd.f32 v20, v18  }
0xa0: {  	s3 =	sadd.s32 $0xFFFFFFFF, s30;
	v26 =	vld.idx.msk [tilespmem:v21+s2+$0x0], $0xffff  }
0xa1: {  	v27 =	vor.u32 s3, v0;
	v22 =	vadd.f32 v22, v20  }
0xa2: {  	v28 =	vld.idx.msk [tilespmem:v23+s2+$0x0], $0xffff  }
0xa3: {  	v29 =	vor.u32 s30, v0;
	v24 =	vadd.f32 v24, v22  }
0xa4: {  	v30 =	vld.idx.msk [tilespmem:v25+s2+$0x0], $0xffff  }
0xa5: {  	v26 =	vadd.f32 v26, v24  }
0xa6: {  	v31 =	vld.idx.msk [tilespmem:v27+s2+$0x0], $0xffff  }
0xa7: {  	v28 =	vadd.f32 v28, v26  }
0xa8: {  	v32 =	vld.idx.msk [tilespmem:v29+s2+$0x0], $0xffff  }
0xa9: {  	v30 =	vadd.f32 v30, v28;
	_ =	sdelay $0x1  }
0xaa: {  	v31 =	vadd.f32 v31, v30;
	_ =	sdelay $0x1  }
0xab: {  	v32 =	vadd.f32 v32, v31;
	_ =	sdelay $0x1  }
0xac: {  	(xrf2) =	vadd.scan.msk.f32 $0xffff, v32;
	_ =	sdelay $0x9  }
0xad: {  	v33, _, _ =	vpop (xrf2)  }
0xae: {  	v34 =	vsub.f32 v33, v32;
	_ =	sdelay $0x1  }
0xaf: {  	v34 =	vadd.f32 s29, v34;
	_ =	sdelay $0x1  }
0xb0: {  	v5 =	vadd.f32 v34, v5  }
0xb1: {  	v6 =	vadd.f32 v34, v6  }
0xb2: {  	v8 =	vadd.f32 v34, v8;
	[tilespmem:v3+s2+$0x0] =	vst.idx.msk $0xffff, v5  }
0xb3: {  	v3 =	vadd.f32 v34, v10;
	[tilespmem:v1+s2+$0x0] =	vst.idx.msk $0xffff, v6  }
0xb4: {  	v1 =	vadd.f32 v34, v12;
	[tilespmem:v2+s2+$0x0] =	vst.idx.msk $0xffff, v8  }
0xb5: {  	v2 =	vadd.f32 v34, v14;
	[tilespmem:v4+s2+$0x0] =	vst.idx.msk $0xffff, v3  }
0xb6: {  	v3 =	vadd.f32 v34, v16;
	[tilespmem:v7+s2+$0x0] =	vst.idx.msk $0xffff, v1  }
0xb7: {  	v1 =	vadd.f32 v34, v18;
	[tilespmem:v9+s2+$0x0] =	vst.idx.msk $0xffff, v2  }
0xb8: {  	v2 =	vadd.f32 v34, v20;
	[tilespmem:v11+s2+$0x0] =	vst.idx.msk $0xffff, v3  }
0xb9: {  	v3 =	vadd.f32 v34, v22;
	[tilespmem:v13+s2+$0x0] =	vst.idx.msk $0xffff, v1  }
0xba: {  	v1 =	vadd.f32 v34, v24;
	[tilespmem:v15+s2+$0x0] =	vst.idx.msk $0xffff, v2  }
0xbb: {  	v2 =	vadd.f32 v34, v26;
	[tilespmem:v17+s2+$0x0] =	vst.idx.msk $0xffff, v3  }
0xbc: {  	v3 =	vadd.f32 v34, v28;
	[tilespmem:v19+s2+$0x0] =	vst.idx.msk $0xffff, v1  }
0xbd: {  	v1 =	vadd.f32 v34, v30;
	[tilespmem:v21+s2+$0x0] =	vst.idx.msk $0xffff, v2  }
0xbe: {  	s4 =	simm.s32 $0x2000;
	v2 =	vadd.f32 v34, v31;
	[tilespmem:v23+s2+$0x0] =	vst.idx.msk $0xffff, v3  }
0xbf: {  	s1 =	simm.s32 $0x2001;
	[tilespmem:v25+s2+$0x0] =	vst.idx.msk $0xffff, v1;
	v1 =	vor.u32 s4, v0  }
0xc0: {  	v3 =	vadd.f32 v34, v32;
	[tilespmem:v27+s2+$0x0] =	vst.idx.msk $0xffff, v2;
	v2 =	vor.u32 s1, v0  }
0xc1: {  	s5 =	simm.s32 $0x2002  }
0xc2: {  	s3 =	rddreg [dreg:$0x4];
	s4 =	simm.s32 $0x2003;
	[tilespmem:v29+s2+$0x0] =	vst.idx.msk $0xffff, v3;
	v3 =	vor.u32 s5, v0  }
0xc3: {  	[tilespmem:s23], [sflag:$0x2] =	stream.strided.gather [hbm4b:s3+s20], $0x4000, s21, s20, $0x38;
	[tilespmem:$0x8000] =	vst v63  }
0xc4: {  	v6 =	vor.u32 s4, v0;
	v7 =	vld.idx.msk [tilespmem:v1+s2+$0x0], $0xffff  }
0xc5: {  	s5 =	simm.s32 $0x2004;
	v4 =	vld.idx.msk [tilespmem:v2+s2+$0x0], $0xffff  }
0xc6: {  	v8 =	vor.u32 s5, v0  }
0xc7: {  	s1 =	simm.s32 $0x2005;
	v5 =	vld.idx.msk [tilespmem:v3+s2+$0x0], $0xffff  }
0xc8: {  	v39 =	vor.u32 s1, v0  }
0xc9: {  	s3 =	simm.s32 $0x2006;
	v40 =	vld.idx.msk [tilespmem:v6+s2+$0x0], $0xffff  }
0xca: {  	v41 =	vor.u32 s3, v0;
	v42 =	vadd.f32 v4, v7  }
0xcb: {  	s4 =	simm.s32 $0x2007;
	v4 =	vld.idx.msk [tilespmem:v8+s2+$0x0], $0xffff  }
0xcc: {  	v43 =	vor.u32 s4, v0;
	v44 =	vadd.f32 v5, v42  }
0xcd: {  	s5 =	simm.s32 $0x2008;
	v5 =	vld.idx.msk [tilespmem:v39+s2+$0x0], $0xffff  }
0xce: {  	v45 =	vor.u32 s5, v0;
	v10 =	vadd.f32 v40, v44  }
0xcf: {  	s1 =	simm.s32 $0x2009;
	v46 =	vld.idx.msk [tilespmem:v41+s2+$0x0], $0xffff  }
0xd0: {  	v47 =	vor.u32 s1, v0;
	v48 =	vadd.f32 v4, v10  }
0xd1: {  	s3 =	simm.s32 $0x200A;
	v4 =	vld.idx.msk [tilespmem:v43+s2+$0x0], $0xffff  }
0xd2: {  	v49 =	vor.u32 s3, v0;
	v50 =	vadd.f32 v5, v48  }
0xd3: {  	s4 =	simm.s32 $0x200B;
	v5 =	vld.idx.msk [tilespmem:v45+s2+$0x0], $0xffff  }
0xd4: {  	v51 =	vor.u32 s4, v0;
	v16 =	vadd.f32 v46, v50  }
0xd5: {  	s5 =	simm.s32 $0x200C;
	v52 =	vld.idx.msk [tilespmem:v47+s2+$0x0], $0xffff  }
0xd6: {  	v53 =	vor.u32 s5, v0;
	v54 =	vadd.f32 v4, v16  }
0xd7: {  	s1 =	simm.s32 $0x200D;
	v25 =	vld.idx.msk [tilespmem:v49+s2+$0x0], $0xffff  }
0xd8: {  	v55 =	vor.u32 s1, v0;
	v56 =	vadd.f32 v5, v54  }
0xd9: {  	s3 =	simm.s32 $0x200E;
	v57 =	vld.idx.msk [tilespmem:v51+s2+$0x0], $0xffff  }
0xda: {  	v4 =	vor.u32 s3, v0;
	v22 =	vadd.f32 v52, v56  }
0xdb: {  	s4 =	simm.s32 $0x200F;
	v29 =	vld.idx.msk [tilespmem:v53+s2+$0x0], $0xffff  }
0xdc: {  	v5 =	vor.u32 s4, v0;
	v25 =	vadd.f32 v25, v22  }
0xdd: {  	v58 =	vld.idx.msk [tilespmem:v55+s2+$0x0], $0xffff  }
0xde: {  	v28 =	vadd.f32 v57, v25  }
0xdf: {  	v59 =	vld.idx.msk [tilespmem:v4+s2+$0x0], $0xffff  }
0xe0: {  	v29 =	vadd.f32 v29, v28  }
0xe1: {  	v60 =	vld.idx.msk [tilespmem:v5+s2+$0x0], $0xffff  }
0xe2: {  	v30 =	vadd.f32 v58, v29  }
0xe3: {  	(v2sf) =	vpush v33, $0xF  }
0xe4: {  	v31 =	vadd.f32 v59, v30;
	_ =	sdelay $0x1  }
0xe5: {  	v32 =	vadd.f32 v60, v31;
	_ =	sdelay $0x1  }
0xe6: {  	(xrf2) =	vadd.scan.msk.f32 $0xffff, v32;
	_ =	sdelay $0x9  }
0xe7: {  	s5 =	spop (v2sf);
	v61, _, _ =	vpop (xrf2)  }
0xe8: {  	s0 =	sadd.f32 s5, s29;
	v62 =	vsub.f32 v61, v32;
	_ =	sdelay $0x1  }
0xe9: {  	v63 =	vadd.f32 s0, v62  }
0xea: {  	(v2sf) =	vpush v61, $0xF  }
0xeb: {  	v7 =	vadd.f32 v63, v7  }
0xec: {  	v12 =	vadd.f32 v63, v42  }
0xed: {  	v14 =	vadd.f32 v63, v44;
	[tilespmem:v1+s2+$0x0] =	vst.idx.msk $0xffff, v7  }
0xee: {  	v1 =	vadd.f32 v63, v10;
	[tilespmem:v2+s2+$0x0] =	vst.idx.msk $0xffff, v12  }
0xef: {  	v2 =	vadd.f32 v63, v48;
	[tilespmem:v3+s2+$0x0] =	vst.idx.msk $0xffff, v14  }
0xf0: {  	v3 =	vadd.f32 v63, v50;
	[tilespmem:v6+s2+$0x0] =	vst.idx.msk $0xffff, v1  }
0xf1: {  	v1 =	vadd.f32 v63, v16;
	[tilespmem:v8+s2+$0x0] =	vst.idx.msk $0xffff, v2  }
0xf2: {  	v2 =	vadd.f32 v63, v54;
	[tilespmem:v39+s2+$0x0] =	vst.idx.msk $0xffff, v3  }
0xf3: {  	v3 =	vadd.f32 v63, v56;
	[tilespmem:v41+s2+$0x0] =	vst.idx.msk $0xffff, v1  }
0xf4: {  	v1 =	vadd.f32 v63, v22;
	[tilespmem:v43+s2+$0x0] =	vst.idx.msk $0xffff, v2  }
0xf5: {  	v2 =	vadd.f32 v63, v25;
	[tilespmem:v45+s2+$0x0] =	vst.idx.msk $0xffff, v3  }
0xf6: {  	v3 =	vadd.f32 v63, v28;
	[tilespmem:v47+s2+$0x0] =	vst.idx.msk $0xffff, v1  }
0xf7: {  	v1 =	vadd.f32 v63, v29;
	[tilespmem:v49+s2+$0x0] =	vst.idx.msk $0xffff, v2  }
0xf8: {  	s3 =	simm.s32 $0x2100;
	v8 =	vadd.f32 v63, v30;
	[tilespmem:v51+s2+$0x0] =	vst.idx.msk $0xffff, v3  }
0xf9: {  	s5 =	simm.s32 $0x2102;
	s4 =	simm.s32 $0x2101;
	v7 =	vadd.f32 v63, v32;
	s1 =	spop (v2sf);
	v3 =	vor.u32 s3, v0;
	[tilespmem:v53+s2+$0x0] =	vst.idx.msk $0xffff, v1  }
0xfa: {  	s31 =	simm.s32 $0x220F;
	s30 =	simm.s32 $0x210F;
	v6 =	vadd.f32 v63, v31;
	s29 =	sadd.f32 s1, s0;
	v2 =	vor.u32 s5, v0;
	v1 =	vor.u32 s4, v0;
	[tilespmem:v55+s2+$0x0] =	vst.idx.msk $0xffff, v8  }
.LBB2_4:
0xfb: {  	p0 =	sne.s32 s31, $0x3F0F  }
0xfc: {  	s1 =	sadd.s32 $0xFFFFFFF4, s30;
	[tilespmem:v4+s2+$0x0] =	vst.idx.msk $0xffff, v6;
	s0 =	smov.u32 s31;
	s31 =	sadd.s32 $0x100, s31  }
0xfd: {  	v6 =	vor.u32 s1, v0;
	[tilespmem:v5+s2+$0x0] =	vst.idx.msk $0xffff, v7  }
0xfe: {  	s1 =	sadd.s32 $0xFFFFFFF5, s30;
	v9 =	vld.idx.msk [tilespmem:v3+s2+$0x0], $0xffff  }
0xff: {  	v7 =	vor.u32 s1, v0;
	v4 =	vld.idx.msk [tilespmem:v1+s2+$0x0], $0xffff  }
0x100: {  	s1 =	sadd.s32 $0xFFFFFFF6, s30;
	v5 =	vld.idx.msk [tilespmem:v2+s2+$0x0], $0xffff  }
0x101: {  	v8 =	vor.u32 s1, v0  }
0x102: {  	s1 =	sadd.s32 $0xFFFFFFF7, s30;
	v10 =	vld.idx.msk [tilespmem:v6+s2+$0x0], $0xffff  }
0x103: {  	v11 =	vor.u32 s1, v0  }
0x104: {  	s1 =	sadd.s32 $0xFFFFFFF8, s30;
	v12 =	vld.idx.msk [tilespmem:v7+s2+$0x0], $0xffff  }
0x105: {  	v13 =	vor.u32 s1, v0;
	v14 =	vadd.f32 v4, v9  }
0x106: {  	s1 =	sadd.s32 $0xFFFFFFF9, s30;
	v4 =	vld.idx.msk [tilespmem:v8+s2+$0x0], $0xffff  }
0x107: {  	v15 =	vor.u32 s1, v0;
	v16 =	vadd.f32 v5, v14  }
0x108: {  	s1 =	sadd.s32 $0xFFFFFFFA, s30;
	v5 =	vld.idx.msk [tilespmem:v11+s2+$0x0], $0xffff  }
0x109: {  	v17 =	vor.u32 s1, v0;
	v10 =	vadd.f32 v10, v16  }
0x10a: {  	s1 =	sadd.s32 $0xFFFFFFFB, s30;
	v18 =	vld.idx.msk [tilespmem:v13+s2+$0x0], $0xffff  }
0x10b: {  	v19 =	vor.u32 s1, v0;
	v12 =	vadd.f32 v12, v10  }
0x10c: {  	s1 =	sadd.s32 $0xFFFFFFFC, s30;
	v20 =	vld.idx.msk [tilespmem:v15+s2+$0x0], $0xffff  }
0x10d: {  	v21 =	vor.u32 s1, v0;
	v22 =	vadd.f32 v4, v12  }
0x10e: {  	s1 =	sadd.s32 $0xFFFFFFFD, s30;
	v23 =	vld.idx.msk [tilespmem:v17+s2+$0x0], $0xffff  }
0x10f: {  	v24 =	vor.u32 s1, v0;
	v25 =	vadd.f32 v5, v22  }
0x110: {  	s1 =	sadd.s32 $0xFFFFFFFE, s30;
	v26 =	vld.idx.msk [tilespmem:v19+s2+$0x0], $0xffff  }
0x111: {  	v27 =	vor.u32 s1, v0;
	v18 =	vadd.f32 v18, v25  }
0x112: {  	s1 =	sadd.s32 $0xFFFFFFFF, s30;
	v28 =	vld.idx.msk [tilespmem:v21+s2+$0x0], $0xffff  }
0x113: {  	v4 =	vor.u32 s1, v0;
	v20 =	vadd.f32 v20, v18  }
0x114: {  	v29 =	vld.idx.msk [tilespmem:v24+s2+$0x0], $0xffff  }
0x115: {  	v5 =	vor.u32 s30, v0;
	s30 =	smov.u32 s0;
	v23 =	vadd.f32 v23, v20  }
0x116: {  	v30 =	vld.idx.msk [tilespmem:v27+s2+$0x0], $0xffff  }
0x117: {  	v26 =	vadd.f32 v26, v23  }
0x118: {  	v31 =	vld.idx.msk [tilespmem:v4+s2+$0x0], $0xffff  }
0x119: {  	v28 =	vadd.f32 v28, v26  }
0x11a: {  	v32 =	vld.idx.msk [tilespmem:v5+s2+$0x0], $0xffff  }
0x11b: {  	v29 =	vadd.f32 v29, v28;
	_ =	sdelay $0x1  }
0x11c: {  	v30 =	vadd.f32 v30, v29;
	_ =	sdelay $0x1  }
0x11d: {  	v31 =	vadd.f32 v31, v30;
	_ =	sdelay $0x1  }
0x11e: {  	v32 =	vadd.f32 v32, v31;
	_ =	sdelay $0x1  }
0x11f: {  	(xrf2) =	vadd.scan.msk.f32 $0xffff, v32;
	_ =	sdelay $0x9  }
0x120: {  	v33, _, _ =	vpop (xrf2)  }
0x121: {  	v34 =	vsub.f32 v33, v32;
	(v2sf) =	vpush v33, $0xF;
	_ =	sdelay $0x1  }
0x122: {  	v33 =	vadd.f32 s29, v34;
	_ =	sdelay $0x1  }
0x123: {  	v9 =	vadd.f32 v33, v9;
	v14 =	vadd.f32 v33, v14  }
0x124: {  	v16 =	vadd.f32 v33, v16;
	v10 =	vadd.f32 v33, v10  }
0x125: {  	[tilespmem:v3+s2+$0x0] =	vst.idx.msk $0xffff, v9;
	v3 =	vadd.f32 v33, v12;
	v9 =	vadd.f32 v33, v22  }
0x126: {  	v12 =	vadd.f32 v33, v18;
	[tilespmem:v1+s2+$0x0] =	vst.idx.msk $0xffff, v14;
	v1 =	vadd.f32 v33, v25  }
0x127: {  	v14 =	vadd.f32 v33, v23;
	[tilespmem:v2+s2+$0x0] =	vst.idx.msk $0xffff, v16;
	v2 =	vadd.f32 v33, v20  }
0x128: {  	v16 =	vadd.f32 v33, v28;
	[tilespmem:v6+s2+$0x0] =	vst.idx.msk $0xffff, v10;
	v10 =	vadd.f32 v33, v26  }
0x129: {  	v18 =	vadd.f32 v33, v29;
	v20 =	vadd.f32 v33, v30;
	[tilespmem:v7+s2+$0x0] =	vst.idx.msk $0xffff, v3  }
0x12a: {  	v6 =	vadd.f32 v33, v31;
	v7 =	vadd.f32 v33, v32;
	[tilespmem:v8+s2+$0x0] =	vst.idx.msk $0xffff, v9  }
0x12b: {  	[tilespmem:v11+s2+$0x0] =	vst.idx.msk $0xffff, v1  }
0x12c: {  	[tilespmem:v13+s2+$0x0] =	vst.idx.msk $0xffff, v12  }
0x12d: {  	[tilespmem:v15+s2+$0x0] =	vst.idx.msk $0xffff, v2  }
.Ltmp1:
0x12e: {  	[tilespmem:v17+s2+$0x0] =	vst.idx.msk $0xffff, v14;
	s0 =	spop (v2sf);
	(pc) =	sbr.rel @p0 .LBB2_4-.Ltmp1, $4  }
0x12f: {  	s1 =	sadd.s32 $0xFFFFFFF1, s30;
	s3 =	sadd.s32 $0xFFFFFFF2, s30;
	[tilespmem:v19+s2+$0x0] =	vst.idx.msk $0xffff, v10;
	s29 =	sadd.f32 s0, s29  }
0x130: {  	v3 =	vor.u32 s1, v0;
	v1 =	vor.u32 s3, v0;
	[tilespmem:v21+s2+$0x0] =	vst.idx.msk $0xffff, v16  }
0x131: {  	s0 =	sadd.s32 $0xFFFFFFF3, s30;
	[tilespmem:v24+s2+$0x0] =	vst.idx.msk $0xffff, v18  }
0x132: {  	v2 =	vor.u32 s0, v0;
	[tilespmem:v27+s2+$0x0] =	vst.idx.msk $0xffff, v20  }
0x133: {  	_ =	sdelay $0x3  }
0x134: {  	[tilespmem:v4+s2+$0x0] =	vst.idx.msk $0xffff, v6  }
0x135: {  	s0 =	sadd.s32 $0xFFFFFFF4, s30;
	[tilespmem:v5+s2+$0x0] =	vst.idx.msk $0xffff, v7  }
0x136: {  	v4 =	vor.u32 s0, v0;
	v5 =	vld.idx.msk [tilespmem:v3+s2+$0x0], $0xffff  }
0x137: {  	s1 =	sadd.s32 $0xFFFFFFF5, s30;
	v6 =	vld.idx.msk [tilespmem:v1+s2+$0x0], $0xffff  }
0x138: {  	v7 =	vor.u32 s1, v0  }
0x139: {  	s3 =	sadd.s32 $0xFFFFFFF6, s30;
	v8 =	vld.idx.msk [tilespmem:v2+s2+$0x0], $0xffff  }
0x13a: {  	v9 =	vor.u32 s3, v0  }
0x13b: {  	s4 =	sadd.s32 $0xFFFFFFF7, s30;
	v10 =	vld.idx.msk [tilespmem:v4+s2+$0x0], $0xffff  }
0x13c: {  	v11 =	vor.u32 s4, v0;
	v6 =	vadd.f32 v6, v5  }
0x13d: {  	s5 =	sadd.s32 $0xFFFFFFF8, s30;
	v12 =	vld.idx.msk [tilespmem:v7+s2+$0x0], $0xffff  }
0x13e: {  	v13 =	vor.u32 s5, v0;
	v8 =	vadd.f32 v8, v6  }
0x13f: {  	s1 =	sadd.s32 $0xFFFFFFF9, s30;
	v14 =	vld.idx.msk [tilespmem:v9+s2+$0x0], $0xffff  }
0x140: {  	v15 =	vor.u32 s1, v0;
	v10 =	vadd.f32 v10, v8  }
0x141: {  	s3 =	sadd.s32 $0xFFFFFFFA, s30;
	v16 =	vld.idx.msk [tilespmem:v11+s2+$0x0], $0xffff  }
0x142: {  	v17 =	vor.u32 s3, v0;
	v12 =	vadd.f32 v12, v10  }
0x143: {  	s4 =	sadd.s32 $0xFFFFFFFB, s30;
	v18 =	vld.idx.msk [tilespmem:v13+s2+$0x0], $0xffff  }
0x144: {  	v19 =	vor.u32 s4, v0;
	v14 =	vadd.f32 v14, v12  }
0x145: {  	s5 =	sadd.s32 $0xFFFFFFFC, s30;
	v20 =	vld.idx.msk [tilespmem:v15+s2+$0x0], $0xffff  }
0x146: {  	v21 =	vor.u32 s5, v0;
	v16 =	vadd.f32 v16, v14  }
0x147: {  	s1 =	sadd.s32 $0xFFFFFFFD, s30;
	v22 =	vld.idx.msk [tilespmem:v17+s2+$0x0], $0xffff  }
0x148: {  	v23 =	vor.u32 s1, v0;
	v18 =	vadd.f32 v18, v16  }
0x149: {  	s3 =	sadd.s32 $0xFFFFFFFE, s30;
	v24 =	vld.idx.msk [tilespmem:v19+s2+$0x0], $0xffff  }
0x14a: {  	v25 =	vor.u32 s3, v0;
	v20 =	vadd.f32 v20, v18  }
0x14b: {  	s4 =	sadd.s32 $0xFFFFFFFF, s30;
	v26 =	vld.idx.msk [tilespmem:v21+s2+$0x0], $0xffff  }
0x14c: {  	v27 =	vor.u32 s4, v0;
	v22 =	vadd.f32 v22, v20  }
0x14d: {  	v28 =	vld.idx.msk [tilespmem:v23+s2+$0x0], $0xffff  }
0x14e: {  	v29 =	vor.u32 s30, v0;
	v24 =	vadd.f32 v24, v22  }
0x14f: {  	v30 =	vld.idx.msk [tilespmem:v25+s2+$0x0], $0xffff  }
0x150: {  	v26 =	vadd.f32 v26, v24  }
0x151: {  	v31 =	vld.idx.msk [tilespmem:v27+s2+$0x0], $0xffff  }
0x152: {  	v28 =	vadd.f32 v28, v26  }
0x153: {  	v32 =	vld.idx.msk [tilespmem:v29+s2+$0x0], $0xffff  }
0x154: {  	v30 =	vadd.f32 v30, v28;
	_ =	sdelay $0x1  }
0x155: {  	v31 =	vadd.f32 v31, v30;
	_ =	sdelay $0x1  }
0x156: {  	v32 =	vadd.f32 v32, v31;
	_ =	sdelay $0x1  }
0x157: {  	(xrf2) =	vadd.scan.msk.f32 $0xffff, v32;
	_ =	sdelay $0x9  }
0x158: {  	v33, _, _ =	vpop (xrf2)  }
0x159: {  	v34 =	vsub.f32 v33, v32;
	_ =	sdelay $0x1  }
0x15a: {  	v34 =	vadd.f32 s29, v34;
	_ =	sdelay $0x1  }
0x15b: {  	v5 =	vadd.f32 v34, v5  }
0x15c: {  	v6 =	vadd.f32 v34, v6  }
0x15d: {  	(v2sf) =	vpush v33, $0xF;
	v8 =	vadd.f32 v34, v8;
	[tilespmem:v3+s2+$0x0] =	vst.idx.msk $0xffff, v5  }
0x15e: {  	v3 =	vadd.f32 v34, v10;
	[tilespmem:v1+s2+$0x0] =	vst.idx.msk $0xffff, v6  }
0x15f: {  	v1 =	vadd.f32 v34, v12;
	[tilespmem:v2+s2+$0x0] =	vst.idx.msk $0xffff, v8  }
0x160: {  	v2 =	vadd.f32 v34, v14;
	[tilespmem:v4+s2+$0x0] =	vst.idx.msk $0xffff, v3  }
0x161: {  	v3 =	vadd.f32 v34, v16;
	[tilespmem:v7+s2+$0x0] =	vst.idx.msk $0xffff, v1  }
0x162: {  	v1 =	vadd.f32 v34, v18;
	[tilespmem:v9+s2+$0x0] =	vst.idx.msk $0xffff, v2  }
0x163: {  	v2 =	vadd.f32 v34, v20;
	[tilespmem:v11+s2+$0x0] =	vst.idx.msk $0xffff, v3  }
0x164: {  	v3 =	vadd.f32 v34, v22;
	[tilespmem:v13+s2+$0x0] =	vst.idx.msk $0xffff, v1  }
0x165: {  	v1 =	vadd.f32 v34, v24;
	[tilespmem:v15+s2+$0x0] =	vst.idx.msk $0xffff, v2  }
0x166: {  	v2 =	vadd.f32 v34, v26;
	[tilespmem:v17+s2+$0x0] =	vst.idx.msk $0xffff, v3  }
0x167: {  	v3 =	vadd.f32 v34, v28;
	[tilespmem:v19+s2+$0x0] =	vst.idx.msk $0xffff, v1  }
0x168: {  	v1 =	vadd.f32 v34, v30;
	[tilespmem:v21+s2+$0x0] =	vst.idx.msk $0xffff, v2  }
0x169: {  	v2 =	vadd.f32 v34, v31;
	[tilespmem:v23+s2+$0x0] =	vst.idx.msk $0xffff, v3  }
0x16a: {  	v3 =	vadd.f32 v34, v32;
	[tilespmem:v25+s2+$0x0] =	vst.idx.msk $0xffff, v1  }
0x16b: {  	s1 =	simm.s32 $0x0;
	[tilespmem:v27+s2+$0x0] =	vst.idx.msk $0xffff, v2  }
0x16c: {  	s5 =	rddreg [dreg:$0x5];
	s3 =	simm.s32 $0x1;
	s0 =	spop (v2sf);
	v1 =	vor.u32 s1, v0;
	[tilespmem:v29+s2+$0x0] =	vst.idx.msk $0xffff, v3  }
0x16d: {  	v2 =	vor.u32 s3, v0;
	[hbm4b:s5+s20] =	stream.strided.scatter [tilespmem:s2], [sflag:$0x3], $0x4000, s21, s20, $0x38;
	[tilespmem:$0x8000] =	vst v63  }
0x16e: {  	s4 =	simm.s32 $0x2;
	_ =	swait.ge [sflag:s24], $0x4000  }
0x16f: {  	v3 =	vor.u32 s4, v0;
	[sflag:s24] =	ssyncset.done $0x0  }
0x170: {  	s5 =	simm.s32 $0x3;
	[sflag:s24] =	ssyncadd.s32 $0xFFFFC000  }
0x171: {  	v6 =	vor.u32 s5, v0;
	v7 =	vld.idx.msk [tilespmem:v1+s23+$0x0], $0xffff  }
0x172: {  	s3 =	simm.s32 $0x4;
	v4 =	vld.idx.msk [tilespmem:v2+s23+$0x0], $0xffff  }
0x173: {  	v8 =	vor.u32 s3, v0  }
0x174: {  	s4 =	simm.s32 $0x5;
	v5 =	vld.idx.msk [tilespmem:v3+s23+$0x0], $0xffff  }
0x175: {  	v37 =	vor.u32 s4, v0  }
0x176: {  	s5 =	simm.s32 $0x6;
	v38 =	vld.idx.msk [tilespmem:v6+s23+$0x0], $0xffff  }
0x177: {  	v39 =	vor.u32 s5, v0;
	v40 =	vadd.f32 v4, v7  }
0x178: {  	s3 =	simm.s32 $0x7;
	v4 =	vld.idx.msk [tilespmem:v8+s23+$0x0], $0xffff  }
0x179: {  	v41 =	vor.u32 s3, v0;
	v42 =	vadd.f32 v5, v40  }
0x17a: {  	s4 =	simm.s32 $0x8;
	v5 =	vld.idx.msk [tilespmem:v37+s23+$0x0], $0xffff  }
0x17b: {  	v43 =	vor.u32 s4, v0;
	v10 =	vadd.f32 v38, v42  }
0x17c: {  	s5 =	simm.s32 $0x9;
	v44 =	vld.idx.msk [tilespmem:v39+s23+$0x0], $0xffff  }
0x17d: {  	v45 =	vor.u32 s5, v0;
	v46 =	vadd.f32 v4, v10  }
0x17e: {  	s3 =	simm.s32 $0xA;
	v4 =	vld.idx.msk [tilespmem:v41+s23+$0x0], $0xffff  }
0x17f: {  	v47 =	vor.u32 s3, v0;
	v48 =	vadd.f32 v5, v46  }
0x180: {  	s4 =	simm.s32 $0xB;
	v5 =	vld.idx.msk [tilespmem:v43+s23+$0x0], $0xffff  }
0x181: {  	v49 =	vor.u32 s4, v0;
	v16 =	vadd.f32 v44, v48  }
0x182: {  	s5 =	simm.s32 $0xC;
	v50 =	vld.idx.msk [tilespmem:v45+s23+$0x0], $0xffff  }
0x183: {  	v51 =	vor.u32 s5, v0;
	v52 =	vadd.f32 v4, v16  }
0x184: {  	s3 =	simm.s32 $0xD;
	v53 =	vld.idx.msk [tilespmem:v47+s23+$0x0], $0xffff  }
0x185: {  	v54 =	vor.u32 s3, v0;
	v55 =	vadd.f32 v5, v52  }
0x186: {  	s4 =	simm.s32 $0xE;
	v56 =	vld.idx.msk [tilespmem:v49+s23+$0x0], $0xffff  }
0x187: {  	v4 =	vor.u32 s4, v0;
	v22 =	vadd.f32 v50, v55  }
0x188: {  	s5 =	simm.s32 $0xF;
	v57 =	vld.idx.msk [tilespmem:v51+s23+$0x0], $0xffff  }
0x189: {  	v5 =	vor.u32 s5, v0;
	v25 =	vadd.f32 v53, v22  }
0x18a: {  	v58 =	vld.idx.msk [tilespmem:v54+s23+$0x0], $0xffff  }
0x18b: {  	v28 =	vadd.f32 v56, v25  }
0x18c: {  	v59 =	vld.idx.msk [tilespmem:v4+s23+$0x0], $0xffff  }
0x18d: {  	v29 =	vadd.f32 v57, v28  }
0x18e: {  	v60 =	vld.idx.msk [tilespmem:v5+s23+$0x0], $0xffff  }
0x18f: {  	v30 =	vadd.f32 v58, v29;
	_ =	sdelay $0x1  }
0x190: {  	v31 =	vadd.f32 v59, v30;
	_ =	sdelay $0x1  }
0x191: {  	v32 =	vadd.f32 v60, v31;
	_ =	sdelay $0x1  }
0x192: {  	(xrf2) =	vadd.scan.msk.f32 $0xffff, v32;
	_ =	sdelay $0x9  }
0x193: {  	v61, _, _ =	vpop (xrf2)  }
0x194: {  	s0 =	sadd.f32 s0, s29;
	v62 =	vsub.f32 v61, v32;
	_ =	sdelay $0x1  }
0x195: {  	v63 =	vadd.f32 s0, v62  }
0x196: {  	(v2sf) =	vpush v61, $0xF  }
0x197: {  	v7 =	vadd.f32 v63, v7  }
0x198: {  	v12 =	vadd.f32 v63, v40  }
0x199: {  	v14 =	vadd.f32 v63, v42;
	[tilespmem:v1+s23+$0x0] =	vst.idx.msk $0xffff, v7  }
0x19a: {  	v1 =	vadd.f32 v63, v10;
	[tilespmem:v2+s23+$0x0] =	vst.idx.msk $0xffff, v12  }
0x19b: {  	v2 =	vadd.f32 v63, v46;
	[tilespmem:v3+s23+$0x0] =	vst.idx.msk $0xffff, v14  }
0x19c: {  	v3 =	vadd.f32 v63, v48;
	[tilespmem:v6+s23+$0x0] =	vst.idx.msk $0xffff, v1  }
0x19d: {  	v1 =	vadd.f32 v63, v16;
	[tilespmem:v8+s23+$0x0] =	vst.idx.msk $0xffff, v2  }
0x19e: {  	v2 =	vadd.f32 v63, v52;
	[tilespmem:v37+s23+$0x0] =	vst.idx.msk $0xffff, v3  }
0x19f: {  	v3 =	vadd.f32 v63, v55;
	[tilespmem:v39+s23+$0x0] =	vst.idx.msk $0xffff, v1  }
0x1a0: {  	v1 =	vadd.f32 v63, v22;
	[tilespmem:v41+s23+$0x0] =	vst.idx.msk $0xffff, v2  }
0x1a1: {  	v2 =	vadd.f32 v63, v25;
	[tilespmem:v43+s23+$0x0] =	vst.idx.msk $0xffff, v3  }
0x1a2: {  	v3 =	vadd.f32 v63, v28;
	[tilespmem:v45+s23+$0x0] =	vst.idx.msk $0xffff, v1  }
0x1a3: {  	v1 =	vadd.f32 v63, v29;
	[tilespmem:v47+s23+$0x0] =	vst.idx.msk $0xffff, v2  }
0x1a4: {  	s3 =	simm.s32 $0x100;
	v8 =	vadd.f32 v63, v30;
	[tilespmem:v49+s23+$0x0] =	vst.idx.msk $0xffff, v3  }
0x1a5: {  	s4 =	simm.s32 $0x101;
	s5 =	simm.s32 $0x102;
	v7 =	vadd.f32 v63, v32;
	s1 =	spop (v2sf);
	v3 =	vor.u32 s3, v0;
	[tilespmem:v51+s23+$0x0] =	vst.idx.msk $0xffff, v1  }
0x1a6: {  	s31 =	simm.s32 $0x20F;
	s30 =	simm.s32 $0x10F;
	v6 =	vadd.f32 v63, v31;
	s29 =	sadd.f32 s1, s0;
	v2 =	vor.u32 s5, v0;
	v1 =	vor.u32 s4, v0;
	[tilespmem:v54+s23+$0x0] =	vst.idx.msk $0xffff, v8  }
.LBB2_6:
0x1a7: {  	p0 =	sne.s32 s31, $0x1F0F  }
0x1a8: {  	s1 =	sadd.s32 $0xFFFFFFF4, s30;
	[tilespmem:v4+s23+$0x0] =	vst.idx.msk $0xffff, v6;
	s0 =	smov.u32 s31;
	s31 =	sadd.s32 $0x100, s31  }
0x1a9: {  	v6 =	vor.u32 s1, v0;
	[tilespmem:v5+s23+$0x0] =	vst.idx.msk $0xffff, v7  }
0x1aa: {  	s1 =	sadd.s32 $0xFFFFFFF5, s30;
	v9 =	vld.idx.msk [tilespmem:v3+s23+$0x0], $0xffff  }
0x1ab: {  	v7 =	vor.u32 s1, v0;
	v4 =	vld.idx.msk [tilespmem:v1+s23+$0x0], $0xffff  }
0x1ac: {  	s1 =	sadd.s32 $0xFFFFFFF6, s30;
	v5 =	vld.idx.msk [tilespmem:v2+s23+$0x0], $0xffff  }
0x1ad: {  	v8 =	vor.u32 s1, v0  }
0x1ae: {  	s1 =	sadd.s32 $0xFFFFFFF7, s30;
	v10 =	vld.idx.msk [tilespmem:v6+s23+$0x0], $0xffff  }
0x1af: {  	v11 =	vor.u32 s1, v0  }
0x1b0: {  	s1 =	sadd.s32 $0xFFFFFFF8, s30;
	v12 =	vld.idx.msk [tilespmem:v7+s23+$0x0], $0xffff  }
0x1b1: {  	v13 =	vor.u32 s1, v0;
	v14 =	vadd.f32 v4, v9  }
0x1b2: {  	s1 =	sadd.s32 $0xFFFFFFF9, s30;
	v4 =	vld.idx.msk [tilespmem:v8+s23+$0x0], $0xffff  }
0x1b3: {  	v15 =	vor.u32 s1, v0;
	v16 =	vadd.f32 v5, v14  }
0x1b4: {  	s1 =	sadd.s32 $0xFFFFFFFA, s30;
	v5 =	vld.idx.msk [tilespmem:v11+s23+$0x0], $0xffff  }
0x1b5: {  	v17 =	vor.u32 s1, v0;
	v10 =	vadd.f32 v10, v16  }
0x1b6: {  	s1 =	sadd.s32 $0xFFFFFFFB, s30;
	v18 =	vld.idx.msk [tilespmem:v13+s23+$0x0], $0xffff  }
0x1b7: {  	v19 =	vor.u32 s1, v0;
	v12 =	vadd.f32 v12, v10  }
0x1b8: {  	s1 =	sadd.s32 $0xFFFFFFFC, s30;
	v20 =	vld.idx.msk [tilespmem:v15+s23+$0x0], $0xffff  }
0x1b9: {  	v21 =	vor.u32 s1, v0;
	v22 =	vadd.f32 v4, v12  }
0x1ba: {  	s1 =	sadd.s32 $0xFFFFFFFD, s30;
	v23 =	vld.idx.msk [tilespmem:v17+s23+$0x0], $0xffff  }
0x1bb: {  	v24 =	vor.u32 s1, v0;
	v25 =	vadd.f32 v5, v22  }
0x1bc: {  	s1 =	sadd.s32 $0xFFFFFFFE, s30;
	v26 =	vld.idx.msk [tilespmem:v19+s23+$0x0], $0xffff  }
0x1bd: {  	v27 =	vor.u32 s1, v0;
	v18 =	vadd.f32 v18, v25  }
0x1be: {  	s1 =	sadd.s32 $0xFFFFFFFF, s30;
	v28 =	vld.idx.msk [tilespmem:v21+s23+$0x0], $0xffff  }
0x1bf: {  	v4 =	vor.u32 s1, v0;
	v20 =	vadd.f32 v20, v18  }
0x1c0: {  	v29 =	vld.idx.msk [tilespmem:v24+s23+$0x0], $0xffff  }
0x1c1: {  	v5 =	vor.u32 s30, v0;
	s30 =	smov.u32 s0;
	v23 =	vadd.f32 v23, v20  }
0x1c2: {  	v30 =	vld.idx.msk [tilespmem:v27+s23+$0x0], $0xffff  }
0x1c3: {  	v26 =	vadd.f32 v26, v23  }
0x1c4: {  	v31 =	vld.idx.msk [tilespmem:v4+s23+$0x0], $0xffff  }
0x1c5: {  	v28 =	vadd.f32 v28, v26  }
0x1c6: {  	v32 =	vld.idx.msk [tilespmem:v5+s23+$0x0], $0xffff  }
0x1c7: {  	v29 =	vadd.f32 v29, v28;
	_ =	sdelay $0x1  }
0x1c8: {  	v30 =	vadd.f32 v30, v29;
	_ =	sdelay $0x1  }
0x1c9: {  	v31 =	vadd.f32 v31, v30;
	_ =	sdelay $0x1  }
0x1ca: {  	v32 =	vadd.f32 v32, v31;
	_ =	sdelay $0x1  }
0x1cb: {  	(xrf2) =	vadd.scan.msk.f32 $0xffff, v32;
	_ =	sdelay $0x9  }
0x1cc: {  	v33, _, _ =	vpop (xrf2)  }
0x1cd: {  	v34 =	vsub.f32 v33, v32;
	(v2sf) =	vpush v33, $0xF;
	_ =	sdelay $0x1  }
0x1ce: {  	v33 =	vadd.f32 s29, v34;
	_ =	sdelay $0x1  }
0x1cf: {  	v9 =	vadd.f32 v33, v9;
	v14 =	vadd.f32 v33, v14  }
0x1d0: {  	v16 =	vadd.f32 v33, v16;
	v10 =	vadd.f32 v33, v10  }
0x1d1: {  	[tilespmem:v3+s23+$0x0] =	vst.idx.msk $0xffff, v9;
	v3 =	vadd.f32 v33, v12;
	v9 =	vadd.f32 v33, v22  }
0x1d2: {  	v12 =	vadd.f32 v33, v18;
	[tilespmem:v1+s23+$0x0] =	vst.idx.msk $0xffff, v14;
	v1 =	vadd.f32 v33, v25  }
0x1d3: {  	v14 =	vadd.f32 v33, v23;
	[tilespmem:v2+s23+$0x0] =	vst.idx.msk $0xffff, v16;
	v2 =	vadd.f32 v33, v20  }
0x1d4: {  	v16 =	vadd.f32 v33, v28;
	[tilespmem:v6+s23+$0x0] =	vst.idx.msk $0xffff, v10;
	v10 =	vadd.f32 v33, v26  }
0x1d5: {  	v18 =	vadd.f32 v33, v29;
	v20 =	vadd.f32 v33, v30;
	[tilespmem:v7+s23+$0x0] =	vst.idx.msk $0xffff, v3  }
0x1d6: {  	v6 =	vadd.f32 v33, v31;
	v7 =	vadd.f32 v33, v32;
	[tilespmem:v8+s23+$0x0] =	vst.idx.msk $0xffff, v9  }
0x1d7: {  	[tilespmem:v11+s23+$0x0] =	vst.idx.msk $0xffff, v1  }
0x1d8: {  	[tilespmem:v13+s23+$0x0] =	vst.idx.msk $0xffff, v12  }
0x1d9: {  	[tilespmem:v15+s23+$0x0] =	vst.idx.msk $0xffff, v2  }
.Ltmp2:
0x1da: {  	[tilespmem:v17+s23+$0x0] =	vst.idx.msk $0xffff, v14;
	s0 =	spop (v2sf);
	(pc) =	sbr.rel @p0 .LBB2_6-.Ltmp2, $4  }
0x1db: {  	s1 =	sadd.s32 $0xFFFFFFF1, s30;
	s3 =	sadd.s32 $0xFFFFFFF2, s30;
	[tilespmem:v19+s23+$0x0] =	vst.idx.msk $0xffff, v10;
	s29 =	sadd.f32 s0, s29  }
0x1dc: {  	v3 =	vor.u32 s1, v0;
	v1 =	vor.u32 s3, v0;
	[tilespmem:v21+s23+$0x0] =	vst.idx.msk $0xffff, v16  }
0x1dd: {  	s0 =	sadd.s32 $0xFFFFFFF3, s30;
	[tilespmem:v24+s23+$0x0] =	vst.idx.msk $0xffff, v18  }
0x1de: {  	v2 =	vor.u32 s0, v0;
	[tilespmem:v27+s23+$0x0] =	vst.idx.msk $0xffff, v20  }
0x1df: {  	_ =	sdelay $0x3  }
0x1e0: {  	[tilespmem:v4+s23+$0x0] =	vst.idx.msk $0xffff, v6  }
0x1e1: {  	s0 =	sadd.s32 $0xFFFFFFF4, s30;
	[tilespmem:v5+s23+$0x0] =	vst.idx.msk $0xffff, v7  }
0x1e2: {  	v4 =	vor.u32 s0, v0;
	v5 =	vld.idx.msk [tilespmem:v3+s23+$0x0], $0xffff  }
0x1e3: {  	s5 =	sadd.s32 $0xFFFFFFF5, s30;
	v6 =	vld.idx.msk [tilespmem:v1+s23+$0x0], $0xffff  }
0x1e4: {  	v7 =	vor.u32 s5, v0  }
0x1e5: {  	s1 =	sadd.s32 $0xFFFFFFF6, s30;
	v8 =	vld.idx.msk [tilespmem:v2+s23+$0x0], $0xffff  }
0x1e6: {  	v9 =	vor.u32 s1, v0  }
0x1e7: {  	s3 =	sadd.s32 $0xFFFFFFF7, s30;
	v10 =	vld.idx.msk [tilespmem:v4+s23+$0x0], $0xffff  }
0x1e8: {  	v11 =	vor.u32 s3, v0;
	v6 =	vadd.f32 v6, v5  }
0x1e9: {  	s4 =	sadd.s32 $0xFFFFFFF8, s30;
	v12 =	vld.idx.msk [tilespmem:v7+s23+$0x0], $0xffff  }
0x1ea: {  	v13 =	vor.u32 s4, v0;
	v8 =	vadd.f32 v8, v6  }
0x1eb: {  	s5 =	sadd.s32 $0xFFFFFFF9, s30;
	v14 =	vld.idx.msk [tilespmem:v9+s23+$0x0], $0xffff  }
0x1ec: {  	v15 =	vor.u32 s5, v0;
	v10 =	vadd.f32 v10, v8  }
0x1ed: {  	s1 =	sadd.s32 $0xFFFFFFFA, s30;
	v16 =	vld.idx.msk [tilespmem:v11+s23+$0x0], $0xffff  }
0x1ee: {  	v17 =	vor.u32 s1, v0;
	v12 =	vadd.f32 v12, v10  }
0x1ef: {  	s3 =	sadd.s32 $0xFFFFFFFB, s30;
	v18 =	vld.idx.msk [tilespmem:v13+s23+$0x0], $0xffff  }
0x1f0: {  	v19 =	vor.u32 s3, v0;
	v14 =	vadd.f32 v14, v12  }
0x1f1: {  	s4 =	sadd.s32 $0xFFFFFFFC, s30;
	v20 =	vld.idx.msk [tilespmem:v15+s23+$0x0], $0xffff  }
0x1f2: {  	v21 =	vor.u32 s4, v0;
	v16 =	vadd.f32 v16, v14  }
0x1f3: {  	s5 =	sadd.s32 $0xFFFFFFFD, s30;
	v22 =	vld.idx.msk [tilespmem:v17+s23+$0x0], $0xffff  }
0x1f4: {  	v23 =	vor.u32 s5, v0;
	v18 =	vadd.f32 v18, v16  }
0x1f5: {  	s1 =	sadd.s32 $0xFFFFFFFE, s30;
	v24 =	vld.idx.msk [tilespmem:v19+s23+$0x0], $0xffff  }
0x1f6: {  	v25 =	vor.u32 s1, v0;
	v20 =	vadd.f32 v20, v18  }
0x1f7: {  	s3 =	sadd.s32 $0xFFFFFFFF, s30;
	v26 =	vld.idx.msk [tilespmem:v21+s23+$0x0], $0xffff  }
0x1f8: {  	v27 =	vor.u32 s3, v0;
	v22 =	vadd.f32 v22, v20  }
0x1f9: {  	v28 =	vld.idx.msk [tilespmem:v23+s23+$0x0], $0xffff  }
0x1fa: {  	v29 =	vor.u32 s30, v0;
	v24 =	vadd.f32 v24, v22  }
0x1fb: {  	v30 =	vld.idx.msk [tilespmem:v25+s23+$0x0], $0xffff  }
0x1fc: {  	v26 =	vadd.f32 v26, v24  }
0x1fd: {  	v31 =	vld.idx.msk [tilespmem:v27+s23+$0x0], $0xffff  }
0x1fe: {  	v28 =	vadd.f32 v28, v26  }
0x1ff: {  	v32 =	vld.idx.msk [tilespmem:v29+s23+$0x0], $0xffff  }
0x200: {  	v30 =	vadd.f32 v30, v28;
	_ =	sdelay $0x1  }
0x201: {  	v31 =	vadd.f32 v31, v30;
	_ =	sdelay $0x1  }
0x202: {  	v32 =	vadd.f32 v32, v31;
	_ =	sdelay $0x1  }
0x203: {  	(xrf2) =	vadd.scan.msk.f32 $0xffff, v32;
	_ =	sdelay $0x9  }
0x204: {  	v33, _, _ =	vpop (xrf2)  }
0x205: {  	v34 =	vsub.f32 v33, v32;
	_ =	sdelay $0x1  }
0x206: {  	v34 =	vadd.f32 s29, v34;
	_ =	sdelay $0x1  }
0x207: {  	v5 =	vadd.f32 v34, v5  }
0x208: {  	v6 =	vadd.f32 v34, v6  }
0x209: {  	(v2sf) =	vpush v33, $0xF;
	v8 =	vadd.f32 v34, v8;
	[tilespmem:v3+s23+$0x0] =	vst.idx.msk $0xffff, v5  }
0x20a: {  	v3 =	vadd.f32 v34, v10;
	[tilespmem:v1+s23+$0x0] =	vst.idx.msk $0xffff, v6  }
0x20b: {  	v1 =	vadd.f32 v34, v12;
	[tilespmem:v2+s23+$0x0] =	vst.idx.msk $0xffff, v8  }
0x20c: {  	v2 =	vadd.f32 v34, v14;
	[tilespmem:v4+s23+$0x0] =	vst.idx.msk $0xffff, v3  }
0x20d: {  	v3 =	vadd.f32 v34, v16;
	[tilespmem:v7+s23+$0x0] =	vst.idx.msk $0xffff, v1  }
0x20e: {  	v1 =	vadd.f32 v34, v18;
	[tilespmem:v9+s23+$0x0] =	vst.idx.msk $0xffff, v2  }
0x20f: {  	v2 =	vadd.f32 v34, v20;
	[tilespmem:v11+s23+$0x0] =	vst.idx.msk $0xffff, v3  }
0x210: {  	v3 =	vadd.f32 v34, v22;
	[tilespmem:v13+s23+$0x0] =	vst.idx.msk $0xffff, v1  }
0x211: {  	v1 =	vadd.f32 v34, v24;
	[tilespmem:v15+s23+$0x0] =	vst.idx.msk $0xffff, v2  }
0x212: {  	v2 =	vadd.f32 v34, v26;
	[tilespmem:v17+s23+$0x0] =	vst.idx.msk $0xffff, v3  }
0x213: {  	v3 =	vadd.f32 v34, v28;
	[tilespmem:v19+s23+$0x0] =	vst.idx.msk $0xffff, v1  }
0x214: {  	v1 =	vadd.f32 v34, v30;
	[tilespmem:v21+s23+$0x0] =	vst.idx.msk $0xffff, v2  }
0x215: {  	v2 =	vadd.f32 v34, v31;
	[tilespmem:v23+s23+$0x0] =	vst.idx.msk $0xffff, v3  }
0x216: {  	v3 =	vadd.f32 v34, v32;
	[tilespmem:v25+s23+$0x0] =	vst.idx.msk $0xffff, v1  }
0x217: {  	s1 =	simm.s32 $0x2000;
	[tilespmem:v27+s23+$0x0] =	vst.idx.msk $0xffff, v2  }
0x218: {  	s3 =	simm.s32 $0x2001;
	s0 =	spop (v2sf);
	v1 =	vor.u32 s1, v0;
	[tilespmem:v29+s23+$0x0] =	vst.idx.msk $0xffff, v3  }
0x219: {  	v2 =	vor.u32 s3, v0;
	_ =	swait.ge [sflag:s25], $0x4000  }
0x21a: {  	s4 =	simm.s32 $0x2002;
	[sflag:s25] =	ssyncset.done $0x0  }
0x21b: {  	s5 =	simm.s32 $0x2003;
	v3 =	vor.u32 s4, v0;
	[sflag:s25] =	ssyncadd.s32 $0xFFFFC000  }
0x21c: {  	[tilespmem:s2], [sflag:$0x1] =	stream.strided.gather [hbm4b:s6+s20], $0x4000, s21, s20, $0x38;
	[tilespmem:$0x8000] =	vst v63  }
0x21d: {  	v6 =	vor.u32 s5, v0;
	v7 =	vld.idx.msk [tilespmem:v1+s23+$0x0], $0xffff  }
0x21e: {  	s3 =	simm.s32 $0x2004;
	v4 =	vld.idx.msk [tilespmem:v2+s23+$0x0], $0xffff  }
0x21f: {  	v8 =	vor.u32 s3, v0  }
0x220: {  	s4 =	simm.s32 $0x2005;
	v5 =	vld.idx.msk [tilespmem:v3+s23+$0x0], $0xffff  }
0x221: {  	v37 =	vor.u32 s4, v0  }
0x222: {  	s5 =	simm.s32 $0x2006;
	v38 =	vld.idx.msk [tilespmem:v6+s23+$0x0], $0xffff  }
0x223: {  	v39 =	vor.u32 s5, v0;
	v40 =	vadd.f32 v4, v7  }
0x224: {  	s3 =	simm.s32 $0x2007;
	v4 =	vld.idx.msk [tilespmem:v8+s23+$0x0], $0xffff  }
0x225: {  	v41 =	vor.u32 s3, v0;
	v42 =	vadd.f32 v5, v40  }
0x226: {  	s4 =	simm.s32 $0x2008;
	v5 =	vld.idx.msk [tilespmem:v37+s23+$0x0], $0xffff  }
0x227: {  	v43 =	vor.u32 s4, v0;
	v10 =	vadd.f32 v38, v42  }
0x228: {  	s5 =	simm.s32 $0x2009;
	v44 =	vld.idx.msk [tilespmem:v39+s23+$0x0], $0xffff  }
0x229: {  	v45 =	vor.u32 s5, v0;
	v46 =	vadd.f32 v4, v10  }
0x22a: {  	s3 =	simm.s32 $0x200A;
	v4 =	vld.idx.msk [tilespmem:v41+s23+$0x0], $0xffff  }
0x22b: {  	v47 =	vor.u32 s3, v0;
	v48 =	vadd.f32 v5, v46  }
0x22c: {  	s4 =	simm.s32 $0x200B;
	v5 =	vld.idx.msk [tilespmem:v43+s23+$0x0], $0xffff  }
0x22d: {  	v49 =	vor.u32 s4, v0;
	v16 =	vadd.f32 v44, v48  }
0x22e: {  	s5 =	simm.s32 $0x200C;
	v50 =	vld.idx.msk [tilespmem:v45+s23+$0x0], $0xffff  }
0x22f: {  	v51 =	vor.u32 s5, v0;
	v52 =	vadd.f32 v4, v16  }
0x230: {  	s3 =	simm.s32 $0x200D;
	v53 =	vld.idx.msk [tilespmem:v47+s23+$0x0], $0xffff  }
0x231: {  	v54 =	vor.u32 s3, v0;
	v55 =	vadd.f32 v5, v52  }
0x232: {  	s4 =	simm.s32 $0x200E;
	v56 =	vld.idx.msk [tilespmem:v49+s23+$0x0], $0xffff  }
0x233: {  	v4 =	vor.u32 s4, v0;
	v22 =	vadd.f32 v50, v55  }
0x234: {  	s5 =	simm.s32 $0x200F;
	v57 =	vld.idx.msk [tilespmem:v51+s23+$0x0], $0xffff  }
0x235: {  	v5 =	vor.u32 s5, v0;
	v25 =	vadd.f32 v53, v22  }
0x236: {  	v58 =	vld.idx.msk [tilespmem:v54+s23+$0x0], $0xffff  }
0x237: {  	v28 =	vadd.f32 v56, v25  }
0x238: {  	v59 =	vld.idx.msk [tilespmem:v4+s23+$0x0], $0xffff  }
0x239: {  	v29 =	vadd.f32 v57, v28  }
0x23a: {  	v60 =	vld.idx.msk [tilespmem:v5+s23+$0x0], $0xffff  }
0x23b: {  	v30 =	vadd.f32 v58, v29;
	_ =	sdelay $0x1  }
0x23c: {  	v31 =	vadd.f32 v59, v30;
	_ =	sdelay $0x1  }
0x23d: {  	v32 =	vadd.f32 v60, v31;
	_ =	sdelay $0x1  }
0x23e: {  	(xrf2) =	vadd.scan.msk.f32 $0xffff, v32;
	_ =	sdelay $0x9  }
0x23f: {  	v61, _, _ =	vpop (xrf2)  }
0x240: {  	s0 =	sadd.f32 s0, s29;
	v62 =	vsub.f32 v61, v32;
	_ =	sdelay $0x1  }
0x241: {  	v63 =	vadd.f32 s0, v62  }
0x242: {  	(v2sf) =	vpush v61, $0xF  }
0x243: {  	v7 =	vadd.f32 v63, v7  }
0x244: {  	v12 =	vadd.f32 v63, v40  }
0x245: {  	v14 =	vadd.f32 v63, v42;
	[tilespmem:v1+s23+$0x0] =	vst.idx.msk $0xffff, v7  }
0x246: {  	v1 =	vadd.f32 v63, v10;
	[tilespmem:v2+s23+$0x0] =	vst.idx.msk $0xffff, v12  }
0x247: {  	v2 =	vadd.f32 v63, v46;
	[tilespmem:v3+s23+$0x0] =	vst.idx.msk $0xffff, v14  }
0x248: {  	v3 =	vadd.f32 v63, v48;
	[tilespmem:v6+s23+$0x0] =	vst.idx.msk $0xffff, v1  }
0x249: {  	v1 =	vadd.f32 v63, v16;
	[tilespmem:v8+s23+$0x0] =	vst.idx.msk $0xffff, v2  }
0x24a: {  	v2 =	vadd.f32 v63, v52;
	[tilespmem:v37+s23+$0x0] =	vst.idx.msk $0xffff, v3  }
0x24b: {  	v3 =	vadd.f32 v63, v55;
	[tilespmem:v39+s23+$0x0] =	vst.idx.msk $0xffff, v1  }
0x24c: {  	v1 =	vadd.f32 v63, v22;
	[tilespmem:v41+s23+$0x0] =	vst.idx.msk $0xffff, v2  }
0x24d: {  	v2 =	vadd.f32 v63, v25;
	[tilespmem:v43+s23+$0x0] =	vst.idx.msk $0xffff, v3  }
0x24e: {  	v3 =	vadd.f32 v63, v28;
	[tilespmem:v45+s23+$0x0] =	vst.idx.msk $0xffff, v1  }
0x24f: {  	v1 =	vadd.f32 v63, v29;
	[tilespmem:v47+s23+$0x0] =	vst.idx.msk $0xffff, v2  }
0x250: {  	s3 =	simm.s32 $0x2100;
	v8 =	vadd.f32 v63, v30;
	[tilespmem:v49+s23+$0x0] =	vst.idx.msk $0xffff, v3  }
0x251: {  	s4 =	simm.s32 $0x2101;
	s5 =	simm.s32 $0x2102;
	v7 =	vadd.f32 v63, v32;
	s1 =	spop (v2sf);
	v3 =	vor.u32 s3, v0;
	[tilespmem:v51+s23+$0x0] =	vst.idx.msk $0xffff, v1  }
0x252: {  	s31 =	simm.s32 $0x220F;
	s30 =	simm.s32 $0x210F;
	v6 =	vadd.f32 v63, v31;
	s29 =	sadd.f32 s1, s0;
	v2 =	vor.u32 s5, v0;
	v1 =	vor.u32 s4, v0;
	[tilespmem:v54+s23+$0x0] =	vst.idx.msk $0xffff, v8  }
.LBB2_8:
0x253: {  	p0 =	sne.s32 s31, $0x3F0F  }
0x254: {  	s1 =	sadd.s32 $0xFFFFFFF4, s30;
	[tilespmem:v4+s23+$0x0] =	vst.idx.msk $0xffff, v6;
	s0 =	smov.u32 s31;
	s31 =	sadd.s32 $0x100, s31  }
0x255: {  	v6 =	vor.u32 s1, v0;
	[tilespmem:v5+s23+$0x0] =	vst.idx.msk $0xffff, v7  }
0x256: {  	s1 =	sadd.s32 $0xFFFFFFF5, s30;
	v9 =	vld.idx.msk [tilespmem:v3+s23+$0x0], $0xffff  }
0x257: {  	v7 =	vor.u32 s1, v0;
	v4 =	vld.idx.msk [tilespmem:v1+s23+$0x0], $0xffff  }
0x258: {  	s1 =	sadd.s32 $0xFFFFFFF6, s30;
	v5 =	vld.idx.msk [tilespmem:v2+s23+$0x0], $0xffff  }
0x259: {  	v8 =	vor.u32 s1, v0  }
0x25a: {  	s1 =	sadd.s32 $0xFFFFFFF7, s30;
	v10 =	vld.idx.msk [tilespmem:v6+s23+$0x0], $0xffff  }
0x25b: {  	v11 =	vor.u32 s1, v0  }
0x25c: {  	s1 =	sadd.s32 $0xFFFFFFF8, s30;
	v12 =	vld.idx.msk [tilespmem:v7+s23+$0x0], $0xffff  }
0x25d: {  	v13 =	vor.u32 s1, v0;
	v14 =	vadd.f32 v4, v9  }
0x25e: {  	s1 =	sadd.s32 $0xFFFFFFF9, s30;
	v4 =	vld.idx.msk [tilespmem:v8+s23+$0x0], $0xffff  }
0x25f: {  	v15 =	vor.u32 s1, v0;
	v16 =	vadd.f32 v5, v14  }
0x260: {  	s1 =	sadd.s32 $0xFFFFFFFA, s30;
	v5 =	vld.idx.msk [tilespmem:v11+s23+$0x0], $0xffff  }
0x261: {  	v17 =	vor.u32 s1, v0;
	v10 =	vadd.f32 v10, v16  }
0x262: {  	s1 =	sadd.s32 $0xFFFFFFFB, s30;
	v18 =	vld.idx.msk [tilespmem:v13+s23+$0x0], $0xffff  }
0x263: {  	v19 =	vor.u32 s1, v0;
	v12 =	vadd.f32 v12, v10  }
0x264: {  	s1 =	sadd.s32 $0xFFFFFFFC, s30;
	v20 =	vld.idx.msk [tilespmem:v15+s23+$0x0], $0xffff  }
0x265: {  	v21 =	vor.u32 s1, v0;
	v22 =	vadd.f32 v4, v12  }
0x266: {  	s1 =	sadd.s32 $0xFFFFFFFD, s30;
	v23 =	vld.idx.msk [tilespmem:v17+s23+$0x0], $0xffff  }
0x267: {  	v24 =	vor.u32 s1, v0;
	v25 =	vadd.f32 v5, v22  }
0x268: {  	s1 =	sadd.s32 $0xFFFFFFFE, s30;
	v26 =	vld.idx.msk [tilespmem:v19+s23+$0x0], $0xffff  }
0x269: {  	v27 =	vor.u32 s1, v0;
	v18 =	vadd.f32 v18, v25  }
0x26a: {  	s1 =	sadd.s32 $0xFFFFFFFF, s30;
	v28 =	vld.idx.msk [tilespmem:v21+s23+$0x0], $0xffff  }
0x26b: {  	v4 =	vor.u32 s1, v0;
	v20 =	vadd.f32 v20, v18  }
0x26c: {  	v29 =	vld.idx.msk [tilespmem:v24+s23+$0x0], $0xffff  }
0x26d: {  	v5 =	vor.u32 s30, v0;
	s30 =	smov.u32 s0;
	v23 =	vadd.f32 v23, v20  }
0x26e: {  	v30 =	vld.idx.msk [tilespmem:v27+s23+$0x0], $0xffff  }
0x26f: {  	v26 =	vadd.f32 v26, v23  }
0x270: {  	v31 =	vld.idx.msk [tilespmem:v4+s23+$0x0], $0xffff  }
0x271: {  	v28 =	vadd.f32 v28, v26  }
0x272: {  	v32 =	vld.idx.msk [tilespmem:v5+s23+$0x0], $0xffff  }
0x273: {  	v29 =	vadd.f32 v29, v28;
	_ =	sdelay $0x1  }
0x274: {  	v30 =	vadd.f32 v30, v29;
	_ =	sdelay $0x1  }
0x275: {  	v31 =	vadd.f32 v31, v30;
	_ =	sdelay $0x1  }
0x276: {  	v32 =	vadd.f32 v32, v31;
	_ =	sdelay $0x1  }
0x277: {  	(xrf2) =	vadd.scan.msk.f32 $0xffff, v32;
	_ =	sdelay $0x9  }
0x278: {  	v33, _, _ =	vpop (xrf2)  }
0x279: {  	v34 =	vsub.f32 v33, v32;
	(v2sf) =	vpush v33, $0xF;
	_ =	sdelay $0x1  }
0x27a: {  	v33 =	vadd.f32 s29, v34;
	_ =	sdelay $0x1  }
0x27b: {  	v9 =	vadd.f32 v33, v9;
	v14 =	vadd.f32 v33, v14  }
0x27c: {  	v16 =	vadd.f32 v33, v16;
	v10 =	vadd.f32 v33, v10  }
0x27d: {  	[tilespmem:v3+s23+$0x0] =	vst.idx.msk $0xffff, v9;
	v3 =	vadd.f32 v33, v12;
	v9 =	vadd.f32 v33, v22  }
0x27e: {  	v12 =	vadd.f32 v33, v18;
	[tilespmem:v1+s23+$0x0] =	vst.idx.msk $0xffff, v14;
	v1 =	vadd.f32 v33, v25  }
0x27f: {  	v14 =	vadd.f32 v33, v23;
	[tilespmem:v2+s23+$0x0] =	vst.idx.msk $0xffff, v16;
	v2 =	vadd.f32 v33, v20  }
0x280: {  	v16 =	vadd.f32 v33, v28;
	[tilespmem:v6+s23+$0x0] =	vst.idx.msk $0xffff, v10;
	v10 =	vadd.f32 v33, v26  }
0x281: {  	v18 =	vadd.f32 v33, v29;
	v20 =	vadd.f32 v33, v30;
	[tilespmem:v7+s23+$0x0] =	vst.idx.msk $0xffff, v3  }
0x282: {  	v6 =	vadd.f32 v33, v31;
	v7 =	vadd.f32 v33, v32;
	[tilespmem:v8+s23+$0x0] =	vst.idx.msk $0xffff, v9  }
0x283: {  	[tilespmem:v11+s23+$0x0] =	vst.idx.msk $0xffff, v1  }
0x284: {  	[tilespmem:v13+s23+$0x0] =	vst.idx.msk $0xffff, v12  }
0x285: {  	[tilespmem:v15+s23+$0x0] =	vst.idx.msk $0xffff, v2  }
.Ltmp3:
0x286: {  	[tilespmem:v17+s23+$0x0] =	vst.idx.msk $0xffff, v14;
	s0 =	spop (v2sf);
	(pc) =	sbr.rel @p0 .LBB2_8-.Ltmp3, $4  }
0x287: {  	s1 =	sadd.s32 $0xFFFFFFF1, s30;
	s3 =	sadd.s32 $0xFFFFFFF2, s30;
	[tilespmem:v19+s23+$0x0] =	vst.idx.msk $0xffff, v10;
	s29 =	sadd.f32 s0, s29  }
0x288: {  	v3 =	vor.u32 s1, v0;
	v1 =	vor.u32 s3, v0;
	[tilespmem:v21+s23+$0x0] =	vst.idx.msk $0xffff, v16  }
0x289: {  	s0 =	sadd.s32 $0xFFFFFFF3, s30;
	[tilespmem:v24+s23+$0x0] =	vst.idx.msk $0xffff, v18  }
0x28a: {  	v2 =	vor.u32 s0, v0;
	[tilespmem:v27+s23+$0x0] =	vst.idx.msk $0xffff, v20  }
0x28b: {  	_ =	sdelay $0x3  }
0x28c: {  	[tilespmem:v4+s23+$0x0] =	vst.idx.msk $0xffff, v6  }
0x28d: {  	s0 =	sadd.s32 $0xFFFFFFF4, s30;
	[tilespmem:v5+s23+$0x0] =	vst.idx.msk $0xffff, v7  }
0x28e: {  	v4 =	vor.u32 s0, v0;
	v5 =	vld.idx.msk [tilespmem:v3+s23+$0x0], $0xffff  }
0x28f: {  	s4 =	sadd.s32 $0xFFFFFFF5, s30;
	v6 =	vld.idx.msk [tilespmem:v1+s23+$0x0], $0xffff  }
0x290: {  	v7 =	vor.u32 s4, v0  }
0x291: {  	s5 =	sadd.s32 $0xFFFFFFF6, s30;
	v8 =	vld.idx.msk [tilespmem:v2+s23+$0x0], $0xffff  }
0x292: {  	v9 =	vor.u32 s5, v0  }
0x293: {  	s1 =	sadd.s32 $0xFFFFFFF7, s30;
	v10 =	vld.idx.msk [tilespmem:v4+s23+$0x0], $0xffff  }
0x294: {  	v11 =	vor.u32 s1, v0;
	v6 =	vadd.f32 v6, v5  }
0x295: {  	s3 =	sadd.s32 $0xFFFFFFF8, s30;
	v12 =	vld.idx.msk [tilespmem:v7+s23+$0x0], $0xffff  }
0x296: {  	v13 =	vor.u32 s3, v0;
	v8 =	vadd.f32 v8, v6  }
0x297: {  	s4 =	sadd.s32 $0xFFFFFFF9, s30;
	v14 =	vld.idx.msk [tilespmem:v9+s23+$0x0], $0xffff  }
0x298: {  	v15 =	vor.u32 s4, v0;
	v10 =	vadd.f32 v10, v8  }
0x299: {  	s5 =	sadd.s32 $0xFFFFFFFA, s30;
	v16 =	vld.idx.msk [tilespmem:v11+s23+$0x0], $0xffff  }
0x29a: {  	v17 =	vor.u32 s5, v0;
	v12 =	vadd.f32 v12, v10  }
0x29b: {  	s1 =	sadd.s32 $0xFFFFFFFB, s30;
	v18 =	vld.idx.msk [tilespmem:v13+s23+$0x0], $0xffff  }
0x29c: {  	v19 =	vor.u32 s1, v0;
	v14 =	vadd.f32 v14, v12  }
0x29d: {  	s3 =	sadd.s32 $0xFFFFFFFC, s30;
	v20 =	vld.idx.msk [tilespmem:v15+s23+$0x0], $0xffff  }
0x29e: {  	v21 =	vor.u32 s3, v0;
	v16 =	vadd.f32 v16, v14  }
0x29f: {  	s4 =	sadd.s32 $0xFFFFFFFD, s30;
	v22 =	vld.idx.msk [tilespmem:v17+s23+$0x0], $0xffff  }
0x2a0: {  	v23 =	vor.u32 s4, v0;
	v18 =	vadd.f32 v18, v16  }
0x2a1: {  	s5 =	sadd.s32 $0xFFFFFFFE, s30;
	v24 =	vld.idx.msk [tilespmem:v19+s23+$0x0], $0xffff  }
0x2a2: {  	v25 =	vor.u32 s5, v0;
	v20 =	vadd.f32 v20, v18  }
0x2a3: {  	s1 =	sadd.s32 $0xFFFFFFFF, s30;
	v26 =	vld.idx.msk [tilespmem:v21+s23+$0x0], $0xffff  }
0x2a4: {  	v27 =	vor.u32 s1, v0;
	v22 =	vadd.f32 v22, v20  }
0x2a5: {  	v28 =	vld.idx.msk [tilespmem:v23+s23+$0x0], $0xffff  }
0x2a6: {  	v29 =	vor.u32 s30, v0;
	v24 =	vadd.f32 v24, v22  }
0x2a7: {  	v30 =	vld.idx.msk [tilespmem:v25+s23+$0x0], $0xffff  }
0x2a8: {  	v26 =	vadd.f32 v26, v24  }
0x2a9: {  	v31 =	vld.idx.msk [tilespmem:v27+s23+$0x0], $0xffff  }
0x2aa: {  	v28 =	vadd.f32 v28, v26  }
0x2ab: {  	v32 =	vld.idx.msk [tilespmem:v29+s23+$0x0], $0xffff  }
0x2ac: {  	v30 =	vadd.f32 v30, v28;
	_ =	sdelay $0x1  }
0x2ad: {  	v31 =	vadd.f32 v31, v30;
	_ =	sdelay $0x1  }
0x2ae: {  	v32 =	vadd.f32 v32, v31;
	_ =	sdelay $0x1  }
0x2af: {  	(xrf2) =	vadd.scan.msk.f32 $0xffff, v32;
	_ =	sdelay $0x9  }
0x2b0: {  	v33, _, _ =	vpop (xrf2)  }
0x2b1: {  	v34 =	vsub.f32 v33, v32;
	_ =	sdelay $0x1  }
0x2b2: {  	v34 =	vadd.f32 s29, v34;
	_ =	sdelay $0x1  }
0x2b3: {  	v5 =	vadd.f32 v34, v5  }
0x2b4: {  	(v2sf) =	vpush v33, $0xF;
	v6 =	vadd.f32 v34, v6  }
0x2b5: {  	v8 =	vadd.f32 v34, v8;
	[tilespmem:v3+s23+$0x0] =	vst.idx.msk $0xffff, v5  }
0x2b6: {  	v3 =	vadd.f32 v34, v10;
	[tilespmem:v1+s23+$0x0] =	vst.idx.msk $0xffff, v6  }
0x2b7: {  	v1 =	vadd.f32 v34, v12;
	[tilespmem:v2+s23+$0x0] =	vst.idx.msk $0xffff, v8  }
0x2b8: {  	v2 =	vadd.f32 v34, v14;
	[tilespmem:v4+s23+$0x0] =	vst.idx.msk $0xffff, v3  }
0x2b9: {  	v3 =	vadd.f32 v34, v16;
	[tilespmem:v7+s23+$0x0] =	vst.idx.msk $0xffff, v1  }
0x2ba: {  	v1 =	vadd.f32 v34, v18;
	[tilespmem:v9+s23+$0x0] =	vst.idx.msk $0xffff, v2  }
0x2bb: {  	v2 =	vadd.f32 v34, v20;
	[tilespmem:v11+s23+$0x0] =	vst.idx.msk $0xffff, v3  }
0x2bc: {  	v3 =	vadd.f32 v34, v22;
	[tilespmem:v13+s23+$0x0] =	vst.idx.msk $0xffff, v1  }
0x2bd: {  	v1 =	vadd.f32 v34, v24;
	[tilespmem:v15+s23+$0x0] =	vst.idx.msk $0xffff, v2  }
0x2be: {  	v2 =	vadd.f32 v34, v26;
	[tilespmem:v17+s23+$0x0] =	vst.idx.msk $0xffff, v3  }
0x2bf: {  	v3 =	vadd.f32 v34, v28;
	[tilespmem:v19+s23+$0x0] =	vst.idx.msk $0xffff, v1  }
0x2c0: {  	v1 =	vadd.f32 v34, v30;
	[tilespmem:v21+s23+$0x0] =	vst.idx.msk $0xffff, v2  }
0x2c1: {  	v2 =	vadd.f32 v34, v31;
	[tilespmem:v23+s23+$0x0] =	vst.idx.msk $0xffff, v3  }
0x2c2: {  	v3 =	vadd.f32 v34, v32;
	[tilespmem:v25+s23+$0x0] =	vst.idx.msk $0xffff, v1  }
0x2c3: {  	s3 =	simm.s32 $0x0;
	s1 =	spop (v2sf);
	[tilespmem:v27+s23+$0x0] =	vst.idx.msk $0xffff, v2  }
0x2c4: {  	s1 =	simm.s32 $0x1;
	v1 =	vor.u32 s3, v0;
	[tilespmem:v29+s23+$0x0] =	vst.idx.msk $0xffff, v3  }
0x2c5: {  	v2 =	vor.u32 s1, v0;
	[hbm4b:s7+s20] =	stream.strided.scatter [tilespmem:s23], [sflag:$0x4], $0x4000, s21, s20, $0x38;
	[tilespmem:$0x8000] =	vst v63  }
0x2c6: {  	s4 =	simm.s32 $0x2;
	_ =	swait.ge [sflag:s22], $0x4000  }
0x2c7: {  	v3 =	vor.u32 s4, v0;
	[sflag:s22] =	ssyncset.done $0x0  }
0x2c8: {  	s5 =	simm.s32 $0x3;
	[sflag:s22] =	ssyncadd.s32 $0xFFFFC000  }
0x2c9: {  	v6 =	vor.u32 s5, v0;
	v7 =	vld.idx.msk [tilespmem:v1+s2+$0x0], $0xffff  }
0x2ca: {  	s1 =	simm.s32 $0x4;
	v4 =	vld.idx.msk [tilespmem:v2+s2+$0x0], $0xffff  }
0x2cb: {  	v8 =	vor.u32 s1, v0  }
0x2cc: {  	s3 =	simm.s32 $0x5;
	v5 =	vld.idx.msk [tilespmem:v3+s2+$0x0], $0xffff  }
0x2cd: {  	v37 =	vor.u32 s3, v0  }
0x2ce: {  	s4 =	simm.s32 $0x6;
	v38 =	vld.idx.msk [tilespmem:v6+s2+$0x0], $0xffff  }
0x2cf: {  	v39 =	vor.u32 s4, v0;
	v40 =	vadd.f32 v4, v7  }
0x2d0: {  	s5 =	simm.s32 $0x7;
	v4 =	vld.idx.msk [tilespmem:v8+s2+$0x0], $0xffff  }
0x2d1: {  	v41 =	vor.u32 s5, v0;
	v42 =	vadd.f32 v5, v40  }
0x2d2: {  	s1 =	simm.s32 $0x8;
	v5 =	vld.idx.msk [tilespmem:v37+s2+$0x0], $0xffff  }
0x2d3: {  	v43 =	vor.u32 s1, v0;
	v10 =	vadd.f32 v38, v42  }
0x2d4: {  	s3 =	simm.s32 $0x9;
	v44 =	vld.idx.msk [tilespmem:v39+s2+$0x0], $0xffff  }
0x2d5: {  	v45 =	vor.u32 s3, v0;
	v46 =	vadd.f32 v4, v10  }
0x2d6: {  	s4 =	simm.s32 $0xA;
	v4 =	vld.idx.msk [tilespmem:v41+s2+$0x0], $0xffff  }
0x2d7: {  	v47 =	vor.u32 s4, v0;
	v48 =	vadd.f32 v5, v46  }
0x2d8: {  	s5 =	simm.s32 $0xB;
	v5 =	vld.idx.msk [tilespmem:v43+s2+$0x0], $0xffff  }
0x2d9: {  	v49 =	vor.u32 s5, v0;
	v16 =	vadd.f32 v44, v48  }
0x2da: {  	s1 =	simm.s32 $0xC;
	v50 =	vld.idx.msk [tilespmem:v45+s2+$0x0], $0xffff  }
0x2db: {  	v51 =	vor.u32 s1, v0;
	v52 =	vadd.f32 v4, v16  }
0x2dc: {  	s3 =	simm.s32 $0xD;
	v53 =	vld.idx.msk [tilespmem:v47+s2+$0x0], $0xffff  }
0x2dd: {  	v54 =	vor.u32 s3, v0;
	v55 =	vadd.f32 v5, v52  }
0x2de: {  	s4 =	simm.s32 $0xE;
	v56 =	vld.idx.msk [tilespmem:v49+s2+$0x0], $0xffff  }
0x2df: {  	v4 =	vor.u32 s4, v0;
	v22 =	vadd.f32 v50, v55  }
0x2e0: {  	s5 =	simm.s32 $0xF;
	v57 =	vld.idx.msk [tilespmem:v51+s2+$0x0], $0xffff  }
0x2e1: {  	v5 =	vor.u32 s5, v0;
	v25 =	vadd.f32 v53, v22  }
0x2e2: {  	v58 =	vld.idx.msk [tilespmem:v54+s2+$0x0], $0xffff  }
0x2e3: {  	v28 =	vadd.f32 v56, v25  }
0x2e4: {  	v59 =	vld.idx.msk [tilespmem:v4+s2+$0x0], $0xffff  }
0x2e5: {  	v29 =	vadd.f32 v57, v28  }
0x2e6: {  	v60 =	vld.idx.msk [tilespmem:v5+s2+$0x0], $0xffff  }
0x2e7: {  	v30 =	vadd.f32 v58, v29;
	_ =	sdelay $0x1  }
0x2e8: {  	v31 =	vadd.f32 v59, v30;
	_ =	sdelay $0x1  }
0x2e9: {  	v32 =	vadd.f32 v60, v31;
	_ =	sdelay $0x1  }
0x2ea: {  	(xrf2) =	vadd.scan.msk.f32 $0xffff, v32;
	_ =	sdelay $0x9  }
0x2eb: {  	v61, _, _ =	vpop (xrf2)  }
0x2ec: {  	v62 =	vsub.f32 v61, v32  }
0x2ed: {  	s0 =	simm.f32 $0.0e+00  }
0x2ee: {  	v63 =	vadd.f32 s0, v62  }
0x2ef: {  	(v2sf) =	vpush v61, $0xF  }
0x2f0: {  	v7 =	vadd.f32 v63, v7  }
0x2f1: {  	v12 =	vadd.f32 v63, v40  }
0x2f2: {  	v14 =	vadd.f32 v63, v42;
	[tilespmem:v1+s2+$0x0] =	vst.idx.msk $0xffff, v7  }
0x2f3: {  	v1 =	vadd.f32 v63, v10;
	[tilespmem:v2+s2+$0x0] =	vst.idx.msk $0xffff, v12  }
0x2f4: {  	v2 =	vadd.f32 v63, v46;
	[tilespmem:v3+s2+$0x0] =	vst.idx.msk $0xffff, v14  }
0x2f5: {  	v3 =	vadd.f32 v63, v48;
	[tilespmem:v6+s2+$0x0] =	vst.idx.msk $0xffff, v1  }
0x2f6: {  	v1 =	vadd.f32 v63, v16;
	[tilespmem:v8+s2+$0x0] =	vst.idx.msk $0xffff, v2  }
0x2f7: {  	v2 =	vadd.f32 v63, v52;
	[tilespmem:v37+s2+$0x0] =	vst.idx.msk $0xffff, v3  }
0x2f8: {  	v3 =	vadd.f32 v63, v55;
	[tilespmem:v39+s2+$0x0] =	vst.idx.msk $0xffff, v1  }
0x2f9: {  	v1 =	vadd.f32 v63, v22;
	[tilespmem:v41+s2+$0x0] =	vst.idx.msk $0xffff, v2  }
0x2fa: {  	v2 =	vadd.f32 v63, v25;
	[tilespmem:v43+s2+$0x0] =	vst.idx.msk $0xffff, v3  }
0x2fb: {  	v3 =	vadd.f32 v63, v28;
	[tilespmem:v45+s2+$0x0] =	vst.idx.msk $0xffff, v1  }
0x2fc: {  	v1 =	vadd.f32 v63, v29;
	[tilespmem:v47+s2+$0x0] =	vst.idx.msk $0xffff, v2  }
0x2fd: {  	s3 =	simm.s32 $0x100;
	v8 =	vadd.f32 v63, v30;
	[tilespmem:v49+s2+$0x0] =	vst.idx.msk $0xffff, v3  }
0x2fe: {  	s4 =	simm.s32 $0x101;
	s5 =	simm.s32 $0x102;
	v7 =	vadd.f32 v63, v32;
	s1 =	spop (v2sf);
	v3 =	vor.u32 s3, v0;
	[tilespmem:v51+s2+$0x0] =	vst.idx.msk $0xffff, v1  }
0x2ff: {  	s31 =	simm.s32 $0x20F;
	s30 =	simm.s32 $0x10F;
	v6 =	vadd.f32 v63, v31;
	s29 =	sadd.f32 s1, s0;
	v2 =	vor.u32 s5, v0;
	v1 =	vor.u32 s4, v0;
	[tilespmem:v54+s2+$0x0] =	vst.idx.msk $0xffff, v8  }
.LBB2_10:
0x300: {  	p0 =	sne.s32 s31, $0x1F0F  }
0x301: {  	s1 =	sadd.s32 $0xFFFFFFF4, s30;
	[tilespmem:v4+s2+$0x0] =	vst.idx.msk $0xffff, v6;
	s0 =	smov.u32 s31;
	s31 =	sadd.s32 $0x100, s31  }
0x302: {  	v6 =	vor.u32 s1, v0;
	[tilespmem:v5+s2+$0x0] =	vst.idx.msk $0xffff, v7  }
0x303: {  	s1 =	sadd.s32 $0xFFFFFFF5, s30;
	v9 =	vld.idx.msk [tilespmem:v3+s2+$0x0], $0xffff  }
0x304: {  	v7 =	vor.u32 s1, v0;
	v4 =	vld.idx.msk [tilespmem:v1+s2+$0x0], $0xffff  }
0x305: {  	s1 =	sadd.s32 $0xFFFFFFF6, s30;
	v5 =	vld.idx.msk [tilespmem:v2+s2+$0x0], $0xffff  }
0x306: {  	v8 =	vor.u32 s1, v0  }
0x307: {  	s1 =	sadd.s32 $0xFFFFFFF7, s30;
	v10 =	vld.idx.msk [tilespmem:v6+s2+$0x0], $0xffff  }
0x308: {  	v11 =	vor.u32 s1, v0  }
0x309: {  	s1 =	sadd.s32 $0xFFFFFFF8, s30;
	v12 =	vld.idx.msk [tilespmem:v7+s2+$0x0], $0xffff  }
0x30a: {  	v13 =	vor.u32 s1, v0;
	v14 =	vadd.f32 v4, v9  }
0x30b: {  	s1 =	sadd.s32 $0xFFFFFFF9, s30;
	v4 =	vld.idx.msk [tilespmem:v8+s2+$0x0], $0xffff  }
0x30c: {  	v15 =	vor.u32 s1, v0;
	v16 =	vadd.f32 v5, v14  }
0x30d: {  	s1 =	sadd.s32 $0xFFFFFFFA, s30;
	v5 =	vld.idx.msk [tilespmem:v11+s2+$0x0], $0xffff  }
0x30e: {  	v17 =	vor.u32 s1, v0;
	v10 =	vadd.f32 v10, v16  }
0x30f: {  	s1 =	sadd.s32 $0xFFFFFFFB, s30;
	v18 =	vld.idx.msk [tilespmem:v13+s2+$0x0], $0xffff  }
0x310: {  	v19 =	vor.u32 s1, v0;
	v12 =	vadd.f32 v12, v10  }
0x311: {  	s1 =	sadd.s32 $0xFFFFFFFC, s30;
	v20 =	vld.idx.msk [tilespmem:v15+s2+$0x0], $0xffff  }
0x312: {  	v21 =	vor.u32 s1, v0;
	v22 =	vadd.f32 v4, v12  }
0x313: {  	s1 =	sadd.s32 $0xFFFFFFFD, s30;
	v23 =	vld.idx.msk [tilespmem:v17+s2+$0x0], $0xffff  }
0x314: {  	v24 =	vor.u32 s1, v0;
	v25 =	vadd.f32 v5, v22  }
0x315: {  	s1 =	sadd.s32 $0xFFFFFFFE, s30;
	v26 =	vld.idx.msk [tilespmem:v19+s2+$0x0], $0xffff  }
0x316: {  	v27 =	vor.u32 s1, v0;
	v18 =	vadd.f32 v18, v25  }
0x317: {  	s1 =	sadd.s32 $0xFFFFFFFF, s30;
	v28 =	vld.idx.msk [tilespmem:v21+s2+$0x0], $0xffff  }
0x318: {  	v4 =	vor.u32 s1, v0;
	v20 =	vadd.f32 v20, v18  }
0x319: {  	v29 =	vld.idx.msk [tilespmem:v24+s2+$0x0], $0xffff  }
0x31a: {  	v5 =	vor.u32 s30, v0;
	s30 =	smov.u32 s0;
	v23 =	vadd.f32 v23, v20  }
0x31b: {  	v30 =	vld.idx.msk [tilespmem:v27+s2+$0x0], $0xffff  }
0x31c: {  	v26 =	vadd.f32 v26, v23  }
0x31d: {  	v31 =	vld.idx.msk [tilespmem:v4+s2+$0x0], $0xffff  }
0x31e: {  	v28 =	vadd.f32 v28, v26  }
0x31f: {  	v32 =	vld.idx.msk [tilespmem:v5+s2+$0x0], $0xffff  }
0x320: {  	v29 =	vadd.f32 v29, v28;
	_ =	sdelay $0x1  }
0x321: {  	v30 =	vadd.f32 v30, v29;
	_ =	sdelay $0x1  }
0x322: {  	v31 =	vadd.f32 v31, v30;
	_ =	sdelay $0x1  }
0x323: {  	v32 =	vadd.f32 v32, v31;
	_ =	sdelay $0x1  }
0x324: {  	(xrf2) =	vadd.scan.msk.f32 $0xffff, v32;
	_ =	sdelay $0x9  }
0x325: {  	v33, _, _ =	vpop (xrf2)  }
0x326: {  	v34 =	vsub.f32 v33, v32;
	(v2sf) =	vpush v33, $0xF;
	_ =	sdelay $0x1  }
0x327: {  	v33 =	vadd.f32 s29, v34;
	_ =	sdelay $0x1  }
0x328: {  	v9 =	vadd.f32 v33, v9;
	v14 =	vadd.f32 v33, v14  }
0x329: {  	v16 =	vadd.f32 v33, v16;
	v10 =	vadd.f32 v33, v10  }
0x32a: {  	[tilespmem:v3+s2+$0x0] =	vst.idx.msk $0xffff, v9;
	v3 =	vadd.f32 v33, v12;
	v9 =	vadd.f32 v33, v22  }
0x32b: {  	v12 =	vadd.f32 v33, v18;
	[tilespmem:v1+s2+$0x0] =	vst.idx.msk $0xffff, v14;
	v1 =	vadd.f32 v33, v25  }
0x32c: {  	v14 =	vadd.f32 v33, v23;
	[tilespmem:v2+s2+$0x0] =	vst.idx.msk $0xffff, v16;
	v2 =	vadd.f32 v33, v20  }
0x32d: {  	v16 =	vadd.f32 v33, v28;
	[tilespmem:v6+s2+$0x0] =	vst.idx.msk $0xffff, v10;
	v10 =	vadd.f32 v33, v26  }
0x32e: {  	v18 =	vadd.f32 v33, v29;
	v20 =	vadd.f32 v33, v30;
	[tilespmem:v7+s2+$0x0] =	vst.idx.msk $0xffff, v3  }
0x32f: {  	v6 =	vadd.f32 v33, v31;
	v7 =	vadd.f32 v33, v32;
	[tilespmem:v8+s2+$0x0] =	vst.idx.msk $0xffff, v9  }
0x330: {  	[tilespmem:v11+s2+$0x0] =	vst.idx.msk $0xffff, v1  }
0x331: {  	[tilespmem:v13+s2+$0x0] =	vst.idx.msk $0xffff, v12  }
0x332: {  	[tilespmem:v15+s2+$0x0] =	vst.idx.msk $0xffff, v2  }
.Ltmp4:
0x333: {  	[tilespmem:v17+s2+$0x0] =	vst.idx.msk $0xffff, v14;
	s0 =	spop (v2sf);
	(pc) =	sbr.rel @p0 .LBB2_10-.Ltmp4, $4  }
0x334: {  	s1 =	sadd.s32 $0xFFFFFFF1, s30;
	s3 =	sadd.s32 $0xFFFFFFF2, s30;
	[tilespmem:v19+s2+$0x0] =	vst.idx.msk $0xffff, v10;
	s29 =	sadd.f32 s0, s29  }
0x335: {  	v3 =	vor.u32 s1, v0;
	v1 =	vor.u32 s3, v0;
	[tilespmem:v21+s2+$0x0] =	vst.idx.msk $0xffff, v16  }
0x336: {  	s0 =	sadd.s32 $0xFFFFFFF3, s30;
	[tilespmem:v24+s2+$0x0] =	vst.idx.msk $0xffff, v18  }
0x337: {  	v2 =	vor.u32 s0, v0;
	[tilespmem:v27+s2+$0x0] =	vst.idx.msk $0xffff, v20  }
0x338: {  	_ =	sdelay $0x3  }
0x339: {  	[tilespmem:v4+s2+$0x0] =	vst.idx.msk $0xffff, v6  }
0x33a: {  	s0 =	sadd.s32 $0xFFFFFFF4, s30;
	[tilespmem:v5+s2+$0x0] =	vst.idx.msk $0xffff, v7  }
0x33b: {  	v4 =	vor.u32 s0, v0;
	v5 =	vld.idx.msk [tilespmem:v3+s2+$0x0], $0xffff  }
0x33c: {  	s5 =	sadd.s32 $0xFFFFFFF5, s30;
	v6 =	vld.idx.msk [tilespmem:v1+s2+$0x0], $0xffff  }
0x33d: {  	v7 =	vor.u32 s5, v0  }
0x33e: {  	s1 =	sadd.s32 $0xFFFFFFF6, s30;
	v8 =	vld.idx.msk [tilespmem:v2+s2+$0x0], $0xffff  }
0x33f: {  	v9 =	vor.u32 s1, v0  }
0x340: {  	s3 =	sadd.s32 $0xFFFFFFF7, s30;
	v10 =	vld.idx.msk [tilespmem:v4+s2+$0x0], $0xffff  }
0x341: {  	v11 =	vor.u32 s3, v0;
	v6 =	vadd.f32 v6, v5  }
0x342: {  	s4 =	sadd.s32 $0xFFFFFFF8, s30;
	v12 =	vld.idx.msk [tilespmem:v7+s2+$0x0], $0xffff  }
0x343: {  	v13 =	vor.u32 s4, v0;
	v8 =	vadd.f32 v8, v6  }
0x344: {  	s5 =	sadd.s32 $0xFFFFFFF9, s30;
	v14 =	vld.idx.msk [tilespmem:v9+s2+$0x0], $0xffff  }
0x345: {  	v15 =	vor.u32 s5, v0;
	v10 =	vadd.f32 v10, v8  }
0x346: {  	s1 =	sadd.s32 $0xFFFFFFFA, s30;
	v16 =	vld.idx.msk [tilespmem:v11+s2+$0x0], $0xffff  }
0x347: {  	v17 =	vor.u32 s1, v0;
	v12 =	vadd.f32 v12, v10  }
0x348: {  	s3 =	sadd.s32 $0xFFFFFFFB, s30;
	v18 =	vld.idx.msk [tilespmem:v13+s2+$0x0], $0xffff  }
0x349: {  	v19 =	vor.u32 s3, v0;
	v14 =	vadd.f32 v14, v12  }
0x34a: {  	s4 =	sadd.s32 $0xFFFFFFFC, s30;
	v20 =	vld.idx.msk [tilespmem:v15+s2+$0x0], $0xffff  }
0x34b: {  	v21 =	vor.u32 s4, v0;
	v16 =	vadd.f32 v16, v14  }
0x34c: {  	s5 =	sadd.s32 $0xFFFFFFFD, s30;
	v22 =	vld.idx.msk [tilespmem:v17+s2+$0x0], $0xffff  }
0x34d: {  	v23 =	vor.u32 s5, v0;
	v18 =	vadd.f32 v18, v16  }
0x34e: {  	s1 =	sadd.s32 $0xFFFFFFFE, s30;
	v24 =	vld.idx.msk [tilespmem:v19+s2+$0x0], $0xffff  }
0x34f: {  	v25 =	vor.u32 s1, v0;
	v20 =	vadd.f32 v20, v18  }
0x350: {  	s3 =	sadd.s32 $0xFFFFFFFF, s30;
	v26 =	vld.idx.msk [tilespmem:v21+s2+$0x0], $0xffff  }
0x351: {  	v27 =	vor.u32 s3, v0;
	v22 =	vadd.f32 v22, v20  }
0x352: {  	v28 =	vld.idx.msk [tilespmem:v23+s2+$0x0], $0xffff  }
0x353: {  	v29 =	vor.u32 s30, v0;
	v24 =	vadd.f32 v24, v22  }
0x354: {  	v30 =	vld.idx.msk [tilespmem:v25+s2+$0x0], $0xffff  }
0x355: {  	v26 =	vadd.f32 v26, v24  }
0x356: {  	v31 =	vld.idx.msk [tilespmem:v27+s2+$0x0], $0xffff  }
0x357: {  	v28 =	vadd.f32 v28, v26  }
0x358: {  	v32 =	vld.idx.msk [tilespmem:v29+s2+$0x0], $0xffff  }
0x359: {  	v30 =	vadd.f32 v30, v28;
	_ =	sdelay $0x1  }
0x35a: {  	v31 =	vadd.f32 v31, v30;
	_ =	sdelay $0x1  }
0x35b: {  	v32 =	vadd.f32 v32, v31;
	_ =	sdelay $0x1  }
0x35c: {  	(xrf2) =	vadd.scan.msk.f32 $0xffff, v32;
	_ =	sdelay $0x9  }
0x35d: {  	v33, _, _ =	vpop (xrf2)  }
0x35e: {  	v34 =	vsub.f32 v33, v32;
	_ =	sdelay $0x1  }
0x35f: {  	v34 =	vadd.f32 s29, v34;
	_ =	sdelay $0x1  }
0x360: {  	v5 =	vadd.f32 v34, v5  }
0x361: {  	v6 =	vadd.f32 v34, v6  }
0x362: {  	(v2sf) =	vpush v33, $0xF;
	v8 =	vadd.f32 v34, v8;
	[tilespmem:v3+s2+$0x0] =	vst.idx.msk $0xffff, v5  }
0x363: {  	v3 =	vadd.f32 v34, v10;
	[tilespmem:v1+s2+$0x0] =	vst.idx.msk $0xffff, v6  }
0x364: {  	v1 =	vadd.f32 v34, v12;
	[tilespmem:v2+s2+$0x0] =	vst.idx.msk $0xffff, v8  }
0x365: {  	v2 =	vadd.f32 v34, v14;
	[tilespmem:v4+s2+$0x0] =	vst.idx.msk $0xffff, v3  }
0x366: {  	v3 =	vadd.f32 v34, v16;
	[tilespmem:v7+s2+$0x0] =	vst.idx.msk $0xffff, v1  }
0x367: {  	v1 =	vadd.f32 v34, v18;
	[tilespmem:v9+s2+$0x0] =	vst.idx.msk $0xffff, v2  }
0x368: {  	v2 =	vadd.f32 v34, v20;
	[tilespmem:v11+s2+$0x0] =	vst.idx.msk $0xffff, v3  }
0x369: {  	v3 =	vadd.f32 v34, v22;
	[tilespmem:v13+s2+$0x0] =	vst.idx.msk $0xffff, v1  }
0x36a: {  	v1 =	vadd.f32 v34, v24;
	[tilespmem:v15+s2+$0x0] =	vst.idx.msk $0xffff, v2  }
0x36b: {  	v2 =	vadd.f32 v34, v26;
	[tilespmem:v17+s2+$0x0] =	vst.idx.msk $0xffff, v3  }
0x36c: {  	v3 =	vadd.f32 v34, v28;
	[tilespmem:v19+s2+$0x0] =	vst.idx.msk $0xffff, v1  }
0x36d: {  	v1 =	vadd.f32 v34, v30;
	[tilespmem:v21+s2+$0x0] =	vst.idx.msk $0xffff, v2  }
0x36e: {  	v2 =	vadd.f32 v34, v31;
	[tilespmem:v23+s2+$0x0] =	vst.idx.msk $0xffff, v3  }
0x36f: {  	v3 =	vadd.f32 v34, v32;
	[tilespmem:v25+s2+$0x0] =	vst.idx.msk $0xffff, v1  }
0x370: {  	s1 =	simm.s32 $0x2000;
	[tilespmem:v27+s2+$0x0] =	vst.idx.msk $0xffff, v2  }
0x371: {  	s3 =	simm.s32 $0x2001;
	s0 =	spop (v2sf);
	v1 =	vor.u32 s1, v0;
	[tilespmem:v29+s2+$0x0] =	vst.idx.msk $0xffff, v3  }
0x372: {  	v2 =	vor.u32 s3, v0;
	_ =	swait.ge [sflag:s26], $0x4000  }
0x373: {  	s4 =	simm.s32 $0x2002;
	[sflag:s26] =	ssyncset.done $0x0  }
0x374: {  	s5 =	simm.s32 $0x2003;
	v3 =	vor.u32 s4, v0;
	[sflag:s26] =	ssyncadd.s32 $0xFFFFC000  }
0x375: {  	[tilespmem:s23], [sflag:$0x2] =	stream.strided.gather [hbm4b:s8+s20], $0x4000, s21, s20, $0x38;
	[tilespmem:$0x8000] =	vst v63  }
0x376: {  	v6 =	vor.u32 s5, v0;
	v7 =	vld.idx.msk [tilespmem:v1+s2+$0x0], $0xffff  }
0x377: {  	s3 =	simm.s32 $0x2004;
	v4 =	vld.idx.msk [tilespmem:v2+s2+$0x0], $0xffff  }
0x378: {  	v8 =	vor.u32 s3, v0  }
0x379: {  	s4 =	simm.s32 $0x2005;
	v5 =	vld.idx.msk [tilespmem:v3+s2+$0x0], $0xffff  }
0x37a: {  	v37 =	vor.u32 s4, v0  }
0x37b: {  	s5 =	simm.s32 $0x2006;
	v38 =	vld.idx.msk [tilespmem:v6+s2+$0x0], $0xffff  }
0x37c: {  	v39 =	vor.u32 s5, v0;
	v40 =	vadd.f32 v4, v7  }
0x37d: {  	s3 =	simm.s32 $0x2007;
	v4 =	vld.idx.msk [tilespmem:v8+s2+$0x0], $0xffff  }
0x37e: {  	v41 =	vor.u32 s3, v0;
	v42 =	vadd.f32 v5, v40  }
0x37f: {  	s4 =	simm.s32 $0x2008;
	v5 =	vld.idx.msk [tilespmem:v37+s2+$0x0], $0xffff  }
0x380: {  	v43 =	vor.u32 s4, v0;
	v10 =	vadd.f32 v38, v42  }
0x381: {  	s5 =	simm.s32 $0x2009;
	v44 =	vld.idx.msk [tilespmem:v39+s2+$0x0], $0xffff  }
0x382: {  	v45 =	vor.u32 s5, v0;
	v46 =	vadd.f32 v4, v10  }
0x383: {  	s3 =	simm.s32 $0x200A;
	v4 =	vld.idx.msk [tilespmem:v41+s2+$0x0], $0xffff  }
0x384: {  	v47 =	vor.u32 s3, v0;
	v48 =	vadd.f32 v5, v46  }
0x385: {  	s4 =	simm.s32 $0x200B;
	v5 =	vld.idx.msk [tilespmem:v43+s2+$0x0], $0xffff  }
0x386: {  	v49 =	vor.u32 s4, v0;
	v16 =	vadd.f32 v44, v48  }
0x387: {  	s5 =	simm.s32 $0x200C;
	v50 =	vld.idx.msk [tilespmem:v45+s2+$0x0], $0xffff  }
0x388: {  	v51 =	vor.u32 s5, v0;
	v52 =	vadd.f32 v4, v16  }
0x389: {  	s3 =	simm.s32 $0x200D;
	v53 =	vld.idx.msk [tilespmem:v47+s2+$0x0], $0xffff  }
0x38a: {  	v54 =	vor.u32 s3, v0;
	v55 =	vadd.f32 v5, v52  }
0x38b: {  	s4 =	simm.s32 $0x200E;
	v56 =	vld.idx.msk [tilespmem:v49+s2+$0x0], $0xffff  }
0x38c: {  	v4 =	vor.u32 s4, v0;
	v22 =	vadd.f32 v50, v55  }
0x38d: {  	s5 =	simm.s32 $0x200F;
	v57 =	vld.idx.msk [tilespmem:v51+s2+$0x0], $0xffff  }
0x38e: {  	v5 =	vor.u32 s5, v0;
	v25 =	vadd.f32 v53, v22  }
0x38f: {  	v58 =	vld.idx.msk [tilespmem:v54+s2+$0x0], $0xffff  }
0x390: {  	v28 =	vadd.f32 v56, v25  }
0x391: {  	v59 =	vld.idx.msk [tilespmem:v4+s2+$0x0], $0xffff  }
0x392: {  	v29 =	vadd.f32 v57, v28  }
0x393: {  	v60 =	vld.idx.msk [tilespmem:v5+s2+$0x0], $0xffff  }
0x394: {  	v30 =	vadd.f32 v58, v29;
	_ =	sdelay $0x1  }
0x395: {  	v31 =	vadd.f32 v59, v30;
	_ =	sdelay $0x1  }
0x396: {  	v32 =	vadd.f32 v60, v31;
	_ =	sdelay $0x1  }
0x397: {  	(xrf2) =	vadd.scan.msk.f32 $0xffff, v32;
	_ =	sdelay $0x9  }
0x398: {  	v61, _, _ =	vpop (xrf2)  }
0x399: {  	s0 =	sadd.f32 s0, s29;
	v62 =	vsub.f32 v61, v32;
	_ =	sdelay $0x1  }
0x39a: {  	v63 =	vadd.f32 s0, v62  }
0x39b: {  	(v2sf) =	vpush v61, $0xF  }
0x39c: {  	v7 =	vadd.f32 v63, v7  }
0x39d: {  	v12 =	vadd.f32 v63, v40  }
0x39e: {  	v14 =	vadd.f32 v63, v42;
	[tilespmem:v1+s2+$0x0] =	vst.idx.msk $0xffff, v7  }
0x39f: {  	v1 =	vadd.f32 v63, v10;
	[tilespmem:v2+s2+$0x0] =	vst.idx.msk $0xffff, v12  }
0x3a0: {  	v2 =	vadd.f32 v63, v46;
	[tilespmem:v3+s2+$0x0] =	vst.idx.msk $0xffff, v14  }
0x3a1: {  	v3 =	vadd.f32 v63, v48;
	[tilespmem:v6+s2+$0x0] =	vst.idx.msk $0xffff, v1  }
0x3a2: {  	v1 =	vadd.f32 v63, v16;
	[tilespmem:v8+s2+$0x0] =	vst.idx.msk $0xffff, v2  }
0x3a3: {  	v2 =	vadd.f32 v63, v52;
	[tilespmem:v37+s2+$0x0] =	vst.idx.msk $0xffff, v3  }
0x3a4: {  	v3 =	vadd.f32 v63, v55;
	[tilespmem:v39+s2+$0x0] =	vst.idx.msk $0xffff, v1  }
0x3a5: {  	v1 =	vadd.f32 v63, v22;
	[tilespmem:v41+s2+$0x0] =	vst.idx.msk $0xffff, v2  }
0x3a6: {  	v2 =	vadd.f32 v63, v25;
	[tilespmem:v43+s2+$0x0] =	vst.idx.msk $0xffff, v3  }
0x3a7: {  	v3 =	vadd.f32 v63, v28;
	[tilespmem:v45+s2+$0x0] =	vst.idx.msk $0xffff, v1  }
0x3a8: {  	v1 =	vadd.f32 v63, v29;
	[tilespmem:v47+s2+$0x0] =	vst.idx.msk $0xffff, v2  }
0x3a9: {  	s3 =	simm.s32 $0x2100;
	v8 =	vadd.f32 v63, v30;
	[tilespmem:v49+s2+$0x0] =	vst.idx.msk $0xffff, v3  }
0x3aa: {  	s4 =	simm.s32 $0x2101;
	s5 =	simm.s32 $0x2102;
	v7 =	vadd.f32 v63, v32;
	s1 =	spop (v2sf);
	v3 =	vor.u32 s3, v0;
	[tilespmem:v51+s2+$0x0] =	vst.idx.msk $0xffff, v1  }
0x3ab: {  	s31 =	simm.s32 $0x220F;
	s30 =	simm.s32 $0x210F;
	v6 =	vadd.f32 v63, v31;
	s29 =	sadd.f32 s1, s0;
	v2 =	vor.u32 s5, v0;
	v1 =	vor.u32 s4, v0;
	[tilespmem:v54+s2+$0x0] =	vst.idx.msk $0xffff, v8  }
.LBB2_12:
0x3ac: {  	p0 =	sne.s32 s31, $0x3F0F  }
0x3ad: {  	s1 =	sadd.s32 $0xFFFFFFF4, s30;
	[tilespmem:v4+s2+$0x0] =	vst.idx.msk $0xffff, v6;
	s0 =	smov.u32 s31;
	s31 =	sadd.s32 $0x100, s31  }
0x3ae: {  	v6 =	vor.u32 s1, v0;
	[tilespmem:v5+s2+$0x0] =	vst.idx.msk $0xffff, v7  }
0x3af: {  	s1 =	sadd.s32 $0xFFFFFFF5, s30;
	v9 =	vld.idx.msk [tilespmem:v3+s2+$0x0], $0xffff  }
0x3b0: {  	v7 =	vor.u32 s1, v0;
	v4 =	vld.idx.msk [tilespmem:v1+s2+$0x0], $0xffff  }
0x3b1: {  	s1 =	sadd.s32 $0xFFFFFFF6, s30;
	v5 =	vld.idx.msk [tilespmem:v2+s2+$0x0], $0xffff  }
0x3b2: {  	v8 =	vor.u32 s1, v0  }
0x3b3: {  	s1 =	sadd.s32 $0xFFFFFFF7, s30;
	v10 =	vld.idx.msk [tilespmem:v6+s2+$0x0], $0xffff  }
0x3b4: {  	v11 =	vor.u32 s1, v0  }
0x3b5: {  	s1 =	sadd.s32 $0xFFFFFFF8, s30;
	v12 =	vld.idx.msk [tilespmem:v7+s2+$0x0], $0xffff  }
0x3b6: {  	v13 =	vor.u32 s1, v0;
	v14 =	vadd.f32 v4, v9  }
0x3b7: {  	s1 =	sadd.s32 $0xFFFFFFF9, s30;
	v4 =	vld.idx.msk [tilespmem:v8+s2+$0x0], $0xffff  }
0x3b8: {  	v15 =	vor.u32 s1, v0;
	v16 =	vadd.f32 v5, v14  }
0x3b9: {  	s1 =	sadd.s32 $0xFFFFFFFA, s30;
	v5 =	vld.idx.msk [tilespmem:v11+s2+$0x0], $0xffff  }
0x3ba: {  	v17 =	vor.u32 s1, v0;
	v10 =	vadd.f32 v10, v16  }
0x3bb: {  	s1 =	sadd.s32 $0xFFFFFFFB, s30;
	v18 =	vld.idx.msk [tilespmem:v13+s2+$0x0], $0xffff  }
0x3bc: {  	v19 =	vor.u32 s1, v0;
	v12 =	vadd.f32 v12, v10  }
0x3bd: {  	s1 =	sadd.s32 $0xFFFFFFFC, s30;
	v20 =	vld.idx.msk [tilespmem:v15+s2+$0x0], $0xffff  }
0x3be: {  	v21 =	vor.u32 s1, v0;
	v22 =	vadd.f32 v4, v12  }
0x3bf: {  	s1 =	sadd.s32 $0xFFFFFFFD, s30;
	v23 =	vld.idx.msk [tilespmem:v17+s2+$0x0], $0xffff  }
0x3c0: {  	v24 =	vor.u32 s1, v0;
	v25 =	vadd.f32 v5, v22  }
0x3c1: {  	s1 =	sadd.s32 $0xFFFFFFFE, s30;
	v26 =	vld.idx.msk [tilespmem:v19+s2+$0x0], $0xffff  }
0x3c2: {  	v27 =	vor.u32 s1, v0;
	v18 =	vadd.f32 v18, v25  }
0x3c3: {  	s1 =	sadd.s32 $0xFFFFFFFF, s30;
	v28 =	vld.idx.msk [tilespmem:v21+s2+$0x0], $0xffff  }
0x3c4: {  	v4 =	vor.u32 s1, v0;
	v20 =	vadd.f32 v20, v18  }
0x3c5: {  	v29 =	vld.idx.msk [tilespmem:v24+s2+$0x0], $0xffff  }
0x3c6: {  	v5 =	vor.u32 s30, v0;
	s30 =	smov.u32 s0;
	v23 =	vadd.f32 v23, v20  }
0x3c7: {  	v30 =	vld.idx.msk [tilespmem:v27+s2+$0x0], $0xffff  }
0x3c8: {  	v26 =	vadd.f32 v26, v23  }
0x3c9: {  	v31 =	vld.idx.msk [tilespmem:v4+s2+$0x0], $0xffff  }
0x3ca: {  	v28 =	vadd.f32 v28, v26  }
0x3cb: {  	v32 =	vld.idx.msk [tilespmem:v5+s2+$0x0], $0xffff  }
0x3cc: {  	v29 =	vadd.f32 v29, v28;
	_ =	sdelay $0x1  }
0x3cd: {  	v30 =	vadd.f32 v30, v29;
	_ =	sdelay $0x1  }
0x3ce: {  	v31 =	vadd.f32 v31, v30;
	_ =	sdelay $0x1  }
0x3cf: {  	v32 =	vadd.f32 v32, v31;
	_ =	sdelay $0x1  }
0x3d0: {  	(xrf2) =	vadd.scan.msk.f32 $0xffff, v32;
	_ =	sdelay $0x9  }
0x3d1: {  	v33, _, _ =	vpop (xrf2)  }
0x3d2: {  	v34 =	vsub.f32 v33, v32;
	(v2sf) =	vpush v33, $0xF;
	_ =	sdelay $0x1  }
0x3d3: {  	v33 =	vadd.f32 s29, v34;
	_ =	sdelay $0x1  }
0x3d4: {  	v9 =	vadd.f32 v33, v9;
	v14 =	vadd.f32 v33, v14  }
0x3d5: {  	v16 =	vadd.f32 v33, v16;
	v10 =	vadd.f32 v33, v10  }
0x3d6: {  	[tilespmem:v3+s2+$0x0] =	vst.idx.msk $0xffff, v9;
	v3 =	vadd.f32 v33, v12;
	v9 =	vadd.f32 v33, v22  }
0x3d7: {  	v12 =	vadd.f32 v33, v18;
	[tilespmem:v1+s2+$0x0] =	vst.idx.msk $0xffff, v14;
	v1 =	vadd.f32 v33, v25  }
0x3d8: {  	v14 =	vadd.f32 v33, v23;
	[tilespmem:v2+s2+$0x0] =	vst.idx.msk $0xffff, v16;
	v2 =	vadd.f32 v33, v20  }
0x3d9: {  	v16 =	vadd.f32 v33, v28;
	[tilespmem:v6+s2+$0x0] =	vst.idx.msk $0xffff, v10;
	v10 =	vadd.f32 v33, v26  }
0x3da: {  	v18 =	vadd.f32 v33, v29;
	v20 =	vadd.f32 v33, v30;
	[tilespmem:v7+s2+$0x0] =	vst.idx.msk $0xffff, v3  }
0x3db: {  	v6 =	vadd.f32 v33, v31;
	v7 =	vadd.f32 v33, v32;
	[tilespmem:v8+s2+$0x0] =	vst.idx.msk $0xffff, v9  }
0x3dc: {  	[tilespmem:v11+s2+$0x0] =	vst.idx.msk $0xffff, v1  }
0x3dd: {  	[tilespmem:v13+s2+$0x0] =	vst.idx.msk $0xffff, v12  }
0x3de: {  	[tilespmem:v15+s2+$0x0] =	vst.idx.msk $0xffff, v2  }
.Ltmp5:
0x3df: {  	[tilespmem:v17+s2+$0x0] =	vst.idx.msk $0xffff, v14;
	s0 =	spop (v2sf);
	(pc) =	sbr.rel @p0 .LBB2_12-.Ltmp5, $4  }
0x3e0: {  	s1 =	sadd.s32 $0xFFFFFFF1, s30;
	s3 =	sadd.s32 $0xFFFFFFF2, s30;
	[tilespmem:v19+s2+$0x0] =	vst.idx.msk $0xffff, v10;
	s29 =	sadd.f32 s0, s29  }
0x3e1: {  	v3 =	vor.u32 s1, v0;
	v1 =	vor.u32 s3, v0;
	[tilespmem:v21+s2+$0x0] =	vst.idx.msk $0xffff, v16  }
0x3e2: {  	s0 =	sadd.s32 $0xFFFFFFF3, s30;
	[tilespmem:v24+s2+$0x0] =	vst.idx.msk $0xffff, v18  }
0x3e3: {  	v2 =	vor.u32 s0, v0;
	[tilespmem:v27+s2+$0x0] =	vst.idx.msk $0xffff, v20  }
0x3e4: {  	_ =	sdelay $0x3  }
0x3e5: {  	[tilespmem:v4+s2+$0x0] =	vst.idx.msk $0xffff, v6  }
0x3e6: {  	s0 =	sadd.s32 $0xFFFFFFF4, s30;
	[tilespmem:v5+s2+$0x0] =	vst.idx.msk $0xffff, v7  }
0x3e7: {  	v4 =	vor.u32 s0, v0;
	v5 =	vld.idx.msk [tilespmem:v3+s2+$0x0], $0xffff  }
0x3e8: {  	s5 =	sadd.s32 $0xFFFFFFF5, s30;
	v6 =	vld.idx.msk [tilespmem:v1+s2+$0x0], $0xffff  }
0x3e9: {  	v7 =	vor.u32 s5, v0  }
0x3ea: {  	s1 =	sadd.s32 $0xFFFFFFF6, s30;
	v8 =	vld.idx.msk [tilespmem:v2+s2+$0x0], $0xffff  }
0x3eb: {  	v9 =	vor.u32 s1, v0  }
0x3ec: {  	s3 =	sadd.s32 $0xFFFFFFF7, s30;
	v10 =	vld.idx.msk [tilespmem:v4+s2+$0x0], $0xffff  }
0x3ed: {  	v11 =	vor.u32 s3, v0;
	v6 =	vadd.f32 v6, v5  }
0x3ee: {  	s4 =	sadd.s32 $0xFFFFFFF8, s30;
	v12 =	vld.idx.msk [tilespmem:v7+s2+$0x0], $0xffff  }
0x3ef: {  	v13 =	vor.u32 s4, v0;
	v8 =	vadd.f32 v8, v6  }
0x3f0: {  	s5 =	sadd.s32 $0xFFFFFFF9, s30;
	v14 =	vld.idx.msk [tilespmem:v9+s2+$0x0], $0xffff  }
0x3f1: {  	v15 =	vor.u32 s5, v0;
	v10 =	vadd.f32 v10, v8  }
0x3f2: {  	s1 =	sadd.s32 $0xFFFFFFFA, s30;
	v16 =	vld.idx.msk [tilespmem:v11+s2+$0x0], $0xffff  }
0x3f3: {  	v17 =	vor.u32 s1, v0;
	v12 =	vadd.f32 v12, v10  }
0x3f4: {  	s3 =	sadd.s32 $0xFFFFFFFB, s30;
	v18 =	vld.idx.msk [tilespmem:v13+s2+$0x0], $0xffff  }
0x3f5: {  	v19 =	vor.u32 s3, v0;
	v14 =	vadd.f32 v14, v12  }
0x3f6: {  	s4 =	sadd.s32 $0xFFFFFFFC, s30;
	v20 =	vld.idx.msk [tilespmem:v15+s2+$0x0], $0xffff  }
0x3f7: {  	v21 =	vor.u32 s4, v0;
	v16 =	vadd.f32 v16, v14  }
0x3f8: {  	s5 =	sadd.s32 $0xFFFFFFFD, s30;
	v22 =	vld.idx.msk [tilespmem:v17+s2+$0x0], $0xffff  }
0x3f9: {  	v23 =	vor.u32 s5, v0;
	v18 =	vadd.f32 v18, v16  }
0x3fa: {  	s1 =	sadd.s32 $0xFFFFFFFE, s30;
	v24 =	vld.idx.msk [tilespmem:v19+s2+$0x0], $0xffff  }
0x3fb: {  	v25 =	vor.u32 s1, v0;
	v20 =	vadd.f32 v20, v18  }
0x3fc: {  	s3 =	sadd.s32 $0xFFFFFFFF, s30;
	v26 =	vld.idx.msk [tilespmem:v21+s2+$0x0], $0xffff  }
0x3fd: {  	v27 =	vor.u32 s3, v0;
	v22 =	vadd.f32 v22, v20  }
0x3fe: {  	v28 =	vld.idx.msk [tilespmem:v23+s2+$0x0], $0xffff  }
0x3ff: {  	v29 =	vor.u32 s30, v0;
	v24 =	vadd.f32 v24, v22  }
0x400: {  	v30 =	vld.idx.msk [tilespmem:v25+s2+$0x0], $0xffff  }
0x401: {  	v26 =	vadd.f32 v26, v24  }
0x402: {  	v31 =	vld.idx.msk [tilespmem:v27+s2+$0x0], $0xffff  }
0x403: {  	v28 =	vadd.f32 v28, v26  }
0x404: {  	v32 =	vld.idx.msk [tilespmem:v29+s2+$0x0], $0xffff  }
0x405: {  	v30 =	vadd.f32 v30, v28;
	_ =	sdelay $0x1  }
0x406: {  	v31 =	vadd.f32 v31, v30;
	_ =	sdelay $0x1  }
0x407: {  	v32 =	vadd.f32 v32, v31;
	_ =	sdelay $0x1  }
0x408: {  	(xrf2) =	vadd.scan.msk.f32 $0xffff, v32;
	_ =	sdelay $0x9  }
0x409: {  	v33, _, _ =	vpop (xrf2)  }
0x40a: {  	v34 =	vsub.f32 v33, v32;
	_ =	sdelay $0x1  }
0x40b: {  	v34 =	vadd.f32 s29, v34;
	_ =	sdelay $0x1  }
0x40c: {  	v5 =	vadd.f32 v34, v5  }
0x40d: {  	v6 =	vadd.f32 v34, v6  }
0x40e: {  	(v2sf) =	vpush v33, $0xF;
	v8 =	vadd.f32 v34, v8;
	[tilespmem:v3+s2+$0x0] =	vst.idx.msk $0xffff, v5  }
0x40f: {  	v3 =	vadd.f32 v34, v10;
	[tilespmem:v1+s2+$0x0] =	vst.idx.msk $0xffff, v6  }
0x410: {  	v1 =	vadd.f32 v34, v12;
	[tilespmem:v2+s2+$0x0] =	vst.idx.msk $0xffff, v8  }
0x411: {  	v2 =	vadd.f32 v34, v14;
	[tilespmem:v4+s2+$0x0] =	vst.idx.msk $0xffff, v3  }
0x412: {  	v3 =	vadd.f32 v34, v16;
	[tilespmem:v7+s2+$0x0] =	vst.idx.msk $0xffff, v1  }
0x413: {  	v1 =	vadd.f32 v34, v18;
	[tilespmem:v9+s2+$0x0] =	vst.idx.msk $0xffff, v2  }
0x414: {  	v2 =	vadd.f32 v34, v20;
	[tilespmem:v11+s2+$0x0] =	vst.idx.msk $0xffff, v3  }
0x415: {  	v3 =	vadd.f32 v34, v22;
	[tilespmem:v13+s2+$0x0] =	vst.idx.msk $0xffff, v1  }
0x416: {  	v1 =	vadd.f32 v34, v24;
	[tilespmem:v15+s2+$0x0] =	vst.idx.msk $0xffff, v2  }
0x417: {  	v2 =	vadd.f32 v34, v26;
	[tilespmem:v17+s2+$0x0] =	vst.idx.msk $0xffff, v3  }
0x418: {  	v3 =	vadd.f32 v34, v28;
	[tilespmem:v19+s2+$0x0] =	vst.idx.msk $0xffff, v1  }
0x419: {  	v1 =	vadd.f32 v34, v30;
	[tilespmem:v21+s2+$0x0] =	vst.idx.msk $0xffff, v2  }
0x41a: {  	v2 =	vadd.f32 v34, v31;
	[tilespmem:v23+s2+$0x0] =	vst.idx.msk $0xffff, v3  }
0x41b: {  	v3 =	vadd.f32 v34, v32;
	[tilespmem:v25+s2+$0x0] =	vst.idx.msk $0xffff, v1  }
0x41c: {  	s1 =	simm.s32 $0x0;
	[tilespmem:v27+s2+$0x0] =	vst.idx.msk $0xffff, v2  }
0x41d: {  	s3 =	simm.s32 $0x1;
	s0 =	spop (v2sf);
	v1 =	vor.u32 s1, v0;
	[tilespmem:v29+s2+$0x0] =	vst.idx.msk $0xffff, v3  }
0x41e: {  	v2 =	vor.u32 s3, v0;
	[hbm4b:s9+s20] =	stream.strided.scatter [tilespmem:s2], [sflag:$0x3], $0x4000, s21, s20, $0x38;
	[tilespmem:$0x8000] =	vst v63  }
0x41f: {  	s4 =	simm.s32 $0x2;
	_ =	swait.ge [sflag:s24], $0x4000  }
0x420: {  	v3 =	vor.u32 s4, v0;
	[sflag:s24] =	ssyncset.done $0x0  }
0x421: {  	s5 =	simm.s32 $0x3;
	[sflag:s24] =	ssyncadd.s32 $0xFFFFC000  }
0x422: {  	v6 =	vor.u32 s5, v0;
	v7 =	vld.idx.msk [tilespmem:v1+s23+$0x0], $0xffff  }
0x423: {  	s3 =	simm.s32 $0x4;
	v4 =	vld.idx.msk [tilespmem:v2+s23+$0x0], $0xffff  }
0x424: {  	v8 =	vor.u32 s3, v0  }
0x425: {  	s4 =	simm.s32 $0x5;
	v5 =	vld.idx.msk [tilespmem:v3+s23+$0x0], $0xffff  }
0x426: {  	v37 =	vor.u32 s4, v0  }
0x427: {  	s5 =	simm.s32 $0x6;
	v38 =	vld.idx.msk [tilespmem:v6+s23+$0x0], $0xffff  }
0x428: {  	v39 =	vor.u32 s5, v0;
	v40 =	vadd.f32 v4, v7  }
0x429: {  	s3 =	simm.s32 $0x7;
	v4 =	vld.idx.msk [tilespmem:v8+s23+$0x0], $0xffff  }
0x42a: {  	v41 =	vor.u32 s3, v0;
	v42 =	vadd.f32 v5, v40  }
0x42b: {  	s4 =	simm.s32 $0x8;
	v5 =	vld.idx.msk [tilespmem:v37+s23+$0x0], $0xffff  }
0x42c: {  	v43 =	vor.u32 s4, v0;
	v10 =	vadd.f32 v38, v42  }
0x42d: {  	s5 =	simm.s32 $0x9;
	v44 =	vld.idx.msk [tilespmem:v39+s23+$0x0], $0xffff  }
0x42e: {  	v45 =	vor.u32 s5, v0;
	v46 =	vadd.f32 v4, v10  }
0x42f: {  	s3 =	simm.s32 $0xA;
	v4 =	vld.idx.msk [tilespmem:v41+s23+$0x0], $0xffff  }
0x430: {  	v47 =	vor.u32 s3, v0;
	v48 =	vadd.f32 v5, v46  }
0x431: {  	s4 =	simm.s32 $0xB;
	v5 =	vld.idx.msk [tilespmem:v43+s23+$0x0], $0xffff  }
0x432: {  	v49 =	vor.u32 s4, v0;
	v16 =	vadd.f32 v44, v48  }
0x433: {  	s5 =	simm.s32 $0xC;
	v50 =	vld.idx.msk [tilespmem:v45+s23+$0x0], $0xffff  }
0x434: {  	v51 =	vor.u32 s5, v0;
	v52 =	vadd.f32 v4, v16  }
0x435: {  	s3 =	simm.s32 $0xD;
	v53 =	vld.idx.msk [tilespmem:v47+s23+$0x0], $0xffff  }
0x436: {  	v54 =	vor.u32 s3, v0;
	v55 =	vadd.f32 v5, v52  }
0x437: {  	s4 =	simm.s32 $0xE;
	v56 =	vld.idx.msk [tilespmem:v49+s23+$0x0], $0xffff  }
0x438: {  	v4 =	vor.u32 s4, v0;
	v22 =	vadd.f32 v50, v55  }
0x439: {  	s5 =	simm.s32 $0xF;
	v57 =	vld.idx.msk [tilespmem:v51+s23+$0x0], $0xffff  }
0x43a: {  	v5 =	vor.u32 s5, v0;
	v25 =	vadd.f32 v53, v22  }
0x43b: {  	v58 =	vld.idx.msk [tilespmem:v54+s23+$0x0], $0xffff  }
0x43c: {  	v28 =	vadd.f32 v56, v25  }
0x43d: {  	v59 =	vld.idx.msk [tilespmem:v4+s23+$0x0], $0xffff  }
0x43e: {  	v29 =	vadd.f32 v57, v28  }
0x43f: {  	v60 =	vld.idx.msk [tilespmem:v5+s23+$0x0], $0xffff  }
0x440: {  	v30 =	vadd.f32 v58, v29;
	_ =	sdelay $0x1  }
0x441: {  	v31 =	vadd.f32 v59, v30;
	_ =	sdelay $0x1  }
0x442: {  	v32 =	vadd.f32 v60, v31;
	_ =	sdelay $0x1  }
0x443: {  	(xrf2) =	vadd.scan.msk.f32 $0xffff, v32;
	_ =	sdelay $0x9  }
0x444: {  	v61, _, _ =	vpop (xrf2)  }
0x445: {  	s0 =	sadd.f32 s0, s29;
	v62 =	vsub.f32 v61, v32;
	_ =	sdelay $0x1  }
0x446: {  	v63 =	vadd.f32 s0, v62  }
0x447: {  	(v2sf) =	vpush v61, $0xF  }
0x448: {  	v7 =	vadd.f32 v63, v7  }
0x449: {  	v12 =	vadd.f32 v63, v40  }
0x44a: {  	v14 =	vadd.f32 v63, v42;
	[tilespmem:v1+s23+$0x0] =	vst.idx.msk $0xffff, v7  }
0x44b: {  	v1 =	vadd.f32 v63, v10;
	[tilespmem:v2+s23+$0x0] =	vst.idx.msk $0xffff, v12  }
0x44c: {  	v2 =	vadd.f32 v63, v46;
	[tilespmem:v3+s23+$0x0] =	vst.idx.msk $0xffff, v14  }
0x44d: {  	v3 =	vadd.f32 v63, v48;
	[tilespmem:v6+s23+$0x0] =	vst.idx.msk $0xffff, v1  }
0x44e: {  	v1 =	vadd.f32 v63, v16;
	[tilespmem:v8+s23+$0x0] =	vst.idx.msk $0xffff, v2  }
0x44f: {  	v2 =	vadd.f32 v63, v52;
	[tilespmem:v37+s23+$0x0] =	vst.idx.msk $0xffff, v3  }
0x450: {  	v3 =	vadd.f32 v63, v55;
	[tilespmem:v39+s23+$0x0] =	vst.idx.msk $0xffff, v1  }
0x451: {  	v1 =	vadd.f32 v63, v22;
	[tilespmem:v41+s23+$0x0] =	vst.idx.msk $0xffff, v2  }
0x452: {  	v2 =	vadd.f32 v63, v25;
	[tilespmem:v43+s23+$0x0] =	vst.idx.msk $0xffff, v3  }
0x453: {  	v3 =	vadd.f32 v63, v28;
	[tilespmem:v45+s23+$0x0] =	vst.idx.msk $0xffff, v1  }
0x454: {  	v1 =	vadd.f32 v63, v29;
	[tilespmem:v47+s23+$0x0] =	vst.idx.msk $0xffff, v2  }
0x455: {  	s3 =	simm.s32 $0x100;
	v8 =	vadd.f32 v63, v30;
	[tilespmem:v49+s23+$0x0] =	vst.idx.msk $0xffff, v3  }
0x456: {  	s4 =	simm.s32 $0x101;
	s5 =	simm.s32 $0x102;
	v7 =	vadd.f32 v63, v32;
	s1 =	spop (v2sf);
	v3 =	vor.u32 s3, v0;
	[tilespmem:v51+s23+$0x0] =	vst.idx.msk $0xffff, v1  }
0x457: {  	s31 =	simm.s32 $0x20F;
	s30 =	simm.s32 $0x10F;
	v6 =	vadd.f32 v63, v31;
	s29 =	sadd.f32 s1, s0;
	v2 =	vor.u32 s5, v0;
	v1 =	vor.u32 s4, v0;
	[tilespmem:v54+s23+$0x0] =	vst.idx.msk $0xffff, v8  }
.LBB2_14:
0x458: {  	p0 =	sne.s32 s31, $0x1F0F  }
0x459: {  	s1 =	sadd.s32 $0xFFFFFFF4, s30;
	[tilespmem:v4+s23+$0x0] =	vst.idx.msk $0xffff, v6;
	s0 =	smov.u32 s31;
	s31 =	sadd.s32 $0x100, s31  }
0x45a: {  	v6 =	vor.u32 s1, v0;
	[tilespmem:v5+s23+$0x0] =	vst.idx.msk $0xffff, v7  }
0x45b: {  	s1 =	sadd.s32 $0xFFFFFFF5, s30;
	v9 =	vld.idx.msk [tilespmem:v3+s23+$0x0], $0xffff  }
0x45c: {  	v7 =	vor.u32 s1, v0;
	v4 =	vld.idx.msk [tilespmem:v1+s23+$0x0], $0xffff  }
0x45d: {  	s1 =	sadd.s32 $0xFFFFFFF6, s30;
	v5 =	vld.idx.msk [tilespmem:v2+s23+$0x0], $0xffff  }
0x45e: {  	v8 =	vor.u32 s1, v0  }
0x45f: {  	s1 =	sadd.s32 $0xFFFFFFF7, s30;
	v10 =	vld.idx.msk [tilespmem:v6+s23+$0x0], $0xffff  }
0x460: {  	v11 =	vor.u32 s1, v0  }
0x461: {  	s1 =	sadd.s32 $0xFFFFFFF8, s30;
	v12 =	vld.idx.msk [tilespmem:v7+s23+$0x0], $0xffff  }
0x462: {  	v13 =	vor.u32 s1, v0;
	v14 =	vadd.f32 v4, v9  }
0x463: {  	s1 =	sadd.s32 $0xFFFFFFF9, s30;
	v4 =	vld.idx.msk [tilespmem:v8+s23+$0x0], $0xffff  }
0x464: {  	v15 =	vor.u32 s1, v0;
	v16 =	vadd.f32 v5, v14  }
0x465: {  	s1 =	sadd.s32 $0xFFFFFFFA, s30;
	v5 =	vld.idx.msk [tilespmem:v11+s23+$0x0], $0xffff  }
0x466: {  	v17 =	vor.u32 s1, v0;
	v10 =	vadd.f32 v10, v16  }
0x467: {  	s1 =	sadd.s32 $0xFFFFFFFB, s30;
	v18 =	vld.idx.msk [tilespmem:v13+s23+$0x0], $0xffff  }
0x468: {  	v19 =	vor.u32 s1, v0;
	v12 =	vadd.f32 v12, v10  }
0x469: {  	s1 =	sadd.s32 $0xFFFFFFFC, s30;
	v20 =	vld.idx.msk [tilespmem:v15+s23+$0x0], $0xffff  }
0x46a: {  	v21 =	vor.u32 s1, v0;
	v22 =	vadd.f32 v4, v12  }
0x46b: {  	s1 =	sadd.s32 $0xFFFFFFFD, s30;
	v23 =	vld.idx.msk [tilespmem:v17+s23+$0x0], $0xffff  }
0x46c: {  	v24 =	vor.u32 s1, v0;
	v25 =	vadd.f32 v5, v22  }
0x46d: {  	s1 =	sadd.s32 $0xFFFFFFFE, s30;
	v26 =	vld.idx.msk [tilespmem:v19+s23+$0x0], $0xffff  }
0x46e: {  	v27 =	vor.u32 s1, v0;
	v18 =	vadd.f32 v18, v25  }
0x46f: {  	s1 =	sadd.s32 $0xFFFFFFFF, s30;
	v28 =	vld.idx.msk [tilespmem:v21+s23+$0x0], $0xffff  }
0x470: {  	v4 =	vor.u32 s1, v0;
	v20 =	vadd.f32 v20, v18  }
0x471: {  	v29 =	vld.idx.msk [tilespmem:v24+s23+$0x0], $0xffff  }
0x472: {  	v5 =	vor.u32 s30, v0;
	s30 =	smov.u32 s0;
	v23 =	vadd.f32 v23, v20  }
0x473: {  	v30 =	vld.idx.msk [tilespmem:v27+s23+$0x0], $0xffff  }
0x474: {  	v26 =	vadd.f32 v26, v23  }
0x475: {  	v31 =	vld.idx.msk [tilespmem:v4+s23+$0x0], $0xffff  }
0x476: {  	v28 =	vadd.f32 v28, v26  }
0x477: {  	v32 =	vld.idx.msk [tilespmem:v5+s23+$0x0], $0xffff  }
0x478: {  	v29 =	vadd.f32 v29, v28;
	_ =	sdelay $0x1  }
0x479: {  	v30 =	vadd.f32 v30, v29;
	_ =	sdelay $0x1  }
0x47a: {  	v31 =	vadd.f32 v31, v30;
	_ =	sdelay $0x1  }
0x47b: {  	v32 =	vadd.f32 v32, v31;
	_ =	sdelay $0x1  }
0x47c: {  	(xrf2) =	vadd.scan.msk.f32 $0xffff, v32;
	_ =	sdelay $0x9  }
0x47d: {  	v33, _, _ =	vpop (xrf2)  }
0x47e: {  	v34 =	vsub.f32 v33, v32;
	(v2sf) =	vpush v33, $0xF;
	_ =	sdelay $0x1  }
0x47f: {  	v33 =	vadd.f32 s29, v34;
	_ =	sdelay $0x1  }
0x480: {  	v9 =	vadd.f32 v33, v9;
	v14 =	vadd.f32 v33, v14  }
0x481: {  	v16 =	vadd.f32 v33, v16;
	v10 =	vadd.f32 v33, v10  }
0x482: {  	[tilespmem:v3+s23+$0x0] =	vst.idx.msk $0xffff, v9;
	v3 =	vadd.f32 v33, v12;
	v9 =	vadd.f32 v33, v22  }
0x483: {  	v12 =	vadd.f32 v33, v18;
	[tilespmem:v1+s23+$0x0] =	vst.idx.msk $0xffff, v14;
	v1 =	vadd.f32 v33, v25  }
0x484: {  	v14 =	vadd.f32 v33, v23;
	[tilespmem:v2+s23+$0x0] =	vst.idx.msk $0xffff, v16;
	v2 =	vadd.f32 v33, v20  }
0x485: {  	v16 =	vadd.f32 v33, v28;
	[tilespmem:v6+s23+$0x0] =	vst.idx.msk $0xffff, v10;
	v10 =	vadd.f32 v33, v26  }
0x486: {  	v18 =	vadd.f32 v33, v29;
	v20 =	vadd.f32 v33, v30;
	[tilespmem:v7+s23+$0x0] =	vst.idx.msk $0xffff, v3  }
0x487: {  	v6 =	vadd.f32 v33, v31;
	v7 =	vadd.f32 v33, v32;
	[tilespmem:v8+s23+$0x0] =	vst.idx.msk $0xffff, v9  }
0x488: {  	[tilespmem:v11+s23+$0x0] =	vst.idx.msk $0xffff, v1  }
0x489: {  	[tilespmem:v13+s23+$0x0] =	vst.idx.msk $0xffff, v12  }
0x48a: {  	[tilespmem:v15+s23+$0x0] =	vst.idx.msk $0xffff, v2  }
.Ltmp6:
0x48b: {  	[tilespmem:v17+s23+$0x0] =	vst.idx.msk $0xffff, v14;
	s0 =	spop (v2sf);
	(pc) =	sbr.rel @p0 .LBB2_14-.Ltmp6, $4  }
0x48c: {  	s1 =	sadd.s32 $0xFFFFFFF1, s30;
	s3 =	sadd.s32 $0xFFFFFFF2, s30;
	[tilespmem:v19+s23+$0x0] =	vst.idx.msk $0xffff, v10;
	s29 =	sadd.f32 s0, s29  }
0x48d: {  	v3 =	vor.u32 s1, v0;
	v1 =	vor.u32 s3, v0;
	[tilespmem:v21+s23+$0x0] =	vst.idx.msk $0xffff, v16  }
0x48e: {  	s0 =	sadd.s32 $0xFFFFFFF3, s30;
	[tilespmem:v24+s23+$0x0] =	vst.idx.msk $0xffff, v18  }
0x48f: {  	v2 =	vor.u32 s0, v0;
	[tilespmem:v27+s23+$0x0] =	vst.idx.msk $0xffff, v20  }
0x490: {  	_ =	sdelay $0x3  }
0x491: {  	[tilespmem:v4+s23+$0x0] =	vst.idx.msk $0xffff, v6  }
0x492: {  	s0 =	sadd.s32 $0xFFFFFFF4, s30;
	[tilespmem:v5+s23+$0x0] =	vst.idx.msk $0xffff, v7  }
0x493: {  	v4 =	vor.u32 s0, v0;
	v5 =	vld.idx.msk [tilespmem:v3+s23+$0x0], $0xffff  }
0x494: {  	s5 =	sadd.s32 $0xFFFFFFF5, s30;
	v6 =	vld.idx.msk [tilespmem:v1+s23+$0x0], $0xffff  }
0x495: {  	v7 =	vor.u32 s5, v0  }
0x496: {  	s1 =	sadd.s32 $0xFFFFFFF6, s30;
	v8 =	vld.idx.msk [tilespmem:v2+s23+$0x0], $0xffff  }
0x497: {  	v9 =	vor.u32 s1, v0  }
0x498: {  	s3 =	sadd.s32 $0xFFFFFFF7, s30;
	v10 =	vld.idx.msk [tilespmem:v4+s23+$0x0], $0xffff  }
0x499: {  	v11 =	vor.u32 s3, v0;
	v6 =	vadd.f32 v6, v5  }
0x49a: {  	s4 =	sadd.s32 $0xFFFFFFF8, s30;
	v12 =	vld.idx.msk [tilespmem:v7+s23+$0x0], $0xffff  }
0x49b: {  	v13 =	vor.u32 s4, v0;
	v8 =	vadd.f32 v8, v6  }
0x49c: {  	s5 =	sadd.s32 $0xFFFFFFF9, s30;
	v14 =	vld.idx.msk [tilespmem:v9+s23+$0x0], $0xffff  }
0x49d: {  	v15 =	vor.u32 s5, v0;
	v10 =	vadd.f32 v10, v8  }
0x49e: {  	s1 =	sadd.s32 $0xFFFFFFFA, s30;
	v16 =	vld.idx.msk [tilespmem:v11+s23+$0x0], $0xffff  }
0x49f: {  	v17 =	vor.u32 s1, v0;
	v12 =	vadd.f32 v12, v10  }
0x4a0: {  	s3 =	sadd.s32 $0xFFFFFFFB, s30;
	v18 =	vld.idx.msk [tilespmem:v13+s23+$0x0], $0xffff  }
0x4a1: {  	v19 =	vor.u32 s3, v0;
	v14 =	vadd.f32 v14, v12  }
0x4a2: {  	s4 =	sadd.s32 $0xFFFFFFFC, s30;
	v20 =	vld.idx.msk [tilespmem:v15+s23+$0x0], $0xffff  }
0x4a3: {  	v21 =	vor.u32 s4, v0;
	v16 =	vadd.f32 v16, v14  }
0x4a4: {  	s5 =	sadd.s32 $0xFFFFFFFD, s30;
	v22 =	vld.idx.msk [tilespmem:v17+s23+$0x0], $0xffff  }
0x4a5: {  	v23 =	vor.u32 s5, v0;
	v18 =	vadd.f32 v18, v16  }
0x4a6: {  	s1 =	sadd.s32 $0xFFFFFFFE, s30;
	v24 =	vld.idx.msk [tilespmem:v19+s23+$0x0], $0xffff  }
0x4a7: {  	v25 =	vor.u32 s1, v0;
	v20 =	vadd.f32 v20, v18  }
0x4a8: {  	s3 =	sadd.s32 $0xFFFFFFFF, s30;
	v26 =	vld.idx.msk [tilespmem:v21+s23+$0x0], $0xffff  }
0x4a9: {  	v27 =	vor.u32 s3, v0;
	v22 =	vadd.f32 v22, v20  }
0x4aa: {  	v28 =	vld.idx.msk [tilespmem:v23+s23+$0x0], $0xffff  }
0x4ab: {  	v29 =	vor.u32 s30, v0;
	v24 =	vadd.f32 v24, v22  }
0x4ac: {  	v30 =	vld.idx.msk [tilespmem:v25+s23+$0x0], $0xffff  }
0x4ad: {  	v26 =	vadd.f32 v26, v24  }
0x4ae: {  	v31 =	vld.idx.msk [tilespmem:v27+s23+$0x0], $0xffff  }
0x4af: {  	v28 =	vadd.f32 v28, v26  }
0x4b0: {  	v32 =	vld.idx.msk [tilespmem:v29+s23+$0x0], $0xffff  }
0x4b1: {  	v30 =	vadd.f32 v30, v28;
	_ =	sdelay $0x1  }
0x4b2: {  	v31 =	vadd.f32 v31, v30;
	_ =	sdelay $0x1  }
0x4b3: {  	v32 =	vadd.f32 v32, v31;
	_ =	sdelay $0x1  }
0x4b4: {  	(xrf2) =	vadd.scan.msk.f32 $0xffff, v32;
	_ =	sdelay $0x9  }
0x4b5: {  	v33, _, _ =	vpop (xrf2)  }
0x4b6: {  	v34 =	vsub.f32 v33, v32;
	_ =	sdelay $0x1  }
0x4b7: {  	v34 =	vadd.f32 s29, v34;
	_ =	sdelay $0x1  }
0x4b8: {  	v5 =	vadd.f32 v34, v5  }
0x4b9: {  	v6 =	vadd.f32 v34, v6  }
0x4ba: {  	(v2sf) =	vpush v33, $0xF;
	v8 =	vadd.f32 v34, v8;
	[tilespmem:v3+s23+$0x0] =	vst.idx.msk $0xffff, v5  }
0x4bb: {  	v3 =	vadd.f32 v34, v10;
	[tilespmem:v1+s23+$0x0] =	vst.idx.msk $0xffff, v6  }
0x4bc: {  	v1 =	vadd.f32 v34, v12;
	[tilespmem:v2+s23+$0x0] =	vst.idx.msk $0xffff, v8  }
0x4bd: {  	v2 =	vadd.f32 v34, v14;
	[tilespmem:v4+s23+$0x0] =	vst.idx.msk $0xffff, v3  }
0x4be: {  	v3 =	vadd.f32 v34, v16;
	[tilespmem:v7+s23+$0x0] =	vst.idx.msk $0xffff, v1  }
0x4bf: {  	v1 =	vadd.f32 v34, v18;
	[tilespmem:v9+s23+$0x0] =	vst.idx.msk $0xffff, v2  }
0x4c0: {  	v2 =	vadd.f32 v34, v20;
	[tilespmem:v11+s23+$0x0] =	vst.idx.msk $0xffff, v3  }
0x4c1: {  	v3 =	vadd.f32 v34, v22;
	[tilespmem:v13+s23+$0x0] =	vst.idx.msk $0xffff, v1  }
0x4c2: {  	v1 =	vadd.f32 v34, v24;
	[tilespmem:v15+s23+$0x0] =	vst.idx.msk $0xffff, v2  }
0x4c3: {  	v2 =	vadd.f32 v34, v26;
	[tilespmem:v17+s23+$0x0] =	vst.idx.msk $0xffff, v3  }
0x4c4: {  	v3 =	vadd.f32 v34, v28;
	[tilespmem:v19+s23+$0x0] =	vst.idx.msk $0xffff, v1  }
0x4c5: {  	v1 =	vadd.f32 v34, v30;
	[tilespmem:v21+s23+$0x0] =	vst.idx.msk $0xffff, v2  }
0x4c6: {  	v2 =	vadd.f32 v34, v31;
	[tilespmem:v23+s23+$0x0] =	vst.idx.msk $0xffff, v3  }
0x4c7: {  	v3 =	vadd.f32 v34, v32;
	[tilespmem:v25+s23+$0x0] =	vst.idx.msk $0xffff, v1  }
0x4c8: {  	s1 =	simm.s32 $0x2000;
	[tilespmem:v27+s23+$0x0] =	vst.idx.msk $0xffff, v2  }
0x4c9: {  	s3 =	simm.s32 $0x2001;
	s0 =	spop (v2sf);
	v1 =	vor.u32 s1, v0;
	[tilespmem:v29+s23+$0x0] =	vst.idx.msk $0xffff, v3  }
0x4ca: {  	v2 =	vor.u32 s3, v0;
	_ =	swait.ge [sflag:s25], $0x4000  }
0x4cb: {  	s4 =	simm.s32 $0x2002;
	[sflag:s25] =	ssyncset.done $0x0  }
0x4cc: {  	s5 =	simm.s32 $0x2003;
	v3 =	vor.u32 s4, v0;
	[sflag:s25] =	ssyncadd.s32 $0xFFFFC000  }
0x4cd: {  	[tilespmem:s2], [sflag:$0x1] =	stream.strided.gather [hbm4b:s10+s20], $0x4000, s21, s20, $0x38;
	[tilespmem:$0x8000] =	vst v63  }
0x4ce: {  	v6 =	vor.u32 s5, v0;
	v7 =	vld.idx.msk [tilespmem:v1+s23+$0x0], $0xffff  }
0x4cf: {  	s3 =	simm.s32 $0x2004;
	v4 =	vld.idx.msk [tilespmem:v2+s23+$0x0], $0xffff  }
0x4d0: {  	v8 =	vor.u32 s3, v0  }
0x4d1: {  	s4 =	simm.s32 $0x2005;
	v5 =	vld.idx.msk [tilespmem:v3+s23+$0x0], $0xffff  }
0x4d2: {  	v37 =	vor.u32 s4, v0  }
0x4d3: {  	s5 =	simm.s32 $0x2006;
	v38 =	vld.idx.msk [tilespmem:v6+s23+$0x0], $0xffff  }
0x4d4: {  	v39 =	vor.u32 s5, v0;
	v40 =	vadd.f32 v4, v7  }
0x4d5: {  	s3 =	simm.s32 $0x2007;
	v4 =	vld.idx.msk [tilespmem:v8+s23+$0x0], $0xffff  }
0x4d6: {  	v41 =	vor.u32 s3, v0;
	v42 =	vadd.f32 v5, v40  }
0x4d7: {  	s4 =	simm.s32 $0x2008;
	v5 =	vld.idx.msk [tilespmem:v37+s23+$0x0], $0xffff  }
0x4d8: {  	v43 =	vor.u32 s4, v0;
	v10 =	vadd.f32 v38, v42  }
0x4d9: {  	s5 =	simm.s32 $0x2009;
	v44 =	vld.idx.msk [tilespmem:v39+s23+$0x0], $0xffff  }
0x4da: {  	v45 =	vor.u32 s5, v0;
	v46 =	vadd.f32 v4, v10  }
0x4db: {  	s3 =	simm.s32 $0x200A;
	v4 =	vld.idx.msk [tilespmem:v41+s23+$0x0], $0xffff  }
0x4dc: {  	v47 =	vor.u32 s3, v0;
	v48 =	vadd.f32 v5, v46  }
0x4dd: {  	s4 =	simm.s32 $0x200B;
	v5 =	vld.idx.msk [tilespmem:v43+s23+$0x0], $0xffff  }
0x4de: {  	v49 =	vor.u32 s4, v0;
	v16 =	vadd.f32 v44, v48  }
0x4df: {  	s5 =	simm.s32 $0x200C;
	v50 =	vld.idx.msk [tilespmem:v45+s23+$0x0], $0xffff  }
0x4e0: {  	v51 =	vor.u32 s5, v0;
	v52 =	vadd.f32 v4, v16  }
0x4e1: {  	s3 =	simm.s32 $0x200D;
	v53 =	vld.idx.msk [tilespmem:v47+s23+$0x0], $0xffff  }
0x4e2: {  	v54 =	vor.u32 s3, v0;
	v55 =	vadd.f32 v5, v52  }
0x4e3: {  	s4 =	simm.s32 $0x200E;
	v56 =	vld.idx.msk [tilespmem:v49+s23+$0x0], $0xffff  }
0x4e4: {  	v4 =	vor.u32 s4, v0;
	v22 =	vadd.f32 v50, v55  }
0x4e5: {  	s5 =	simm.s32 $0x200F;
	v57 =	vld.idx.msk [tilespmem:v51+s23+$0x0], $0xffff  }
0x4e6: {  	v5 =	vor.u32 s5, v0;
	v25 =	vadd.f32 v53, v22  }
0x4e7: {  	v58 =	vld.idx.msk [tilespmem:v54+s23+$0x0], $0xffff  }
0x4e8: {  	v28 =	vadd.f32 v56, v25  }
0x4e9: {  	v59 =	vld.idx.msk [tilespmem:v4+s23+$0x0], $0xffff  }
0x4ea: {  	v29 =	vadd.f32 v57, v28  }
0x4eb: {  	v60 =	vld.idx.msk [tilespmem:v5+s23+$0x0], $0xffff  }
0x4ec: {  	v30 =	vadd.f32 v58, v29;
	_ =	sdelay $0x1  }
0x4ed: {  	v31 =	vadd.f32 v59, v30;
	_ =	sdelay $0x1  }
0x4ee: {  	v32 =	vadd.f32 v60, v31;
	_ =	sdelay $0x1  }
0x4ef: {  	(xrf2) =	vadd.scan.msk.f32 $0xffff, v32;
	_ =	sdelay $0x9  }
0x4f0: {  	v61, _, _ =	vpop (xrf2)  }
0x4f1: {  	s0 =	sadd.f32 s0, s29;
	v62 =	vsub.f32 v61, v32;
	_ =	sdelay $0x1  }
0x4f2: {  	v63 =	vadd.f32 s0, v62  }
0x4f3: {  	(v2sf) =	vpush v61, $0xF  }
0x4f4: {  	v7 =	vadd.f32 v63, v7  }
0x4f5: {  	v12 =	vadd.f32 v63, v40  }
0x4f6: {  	v14 =	vadd.f32 v63, v42;
	[tilespmem:v1+s23+$0x0] =	vst.idx.msk $0xffff, v7  }
0x4f7: {  	v1 =	vadd.f32 v63, v10;
	[tilespmem:v2+s23+$0x0] =	vst.idx.msk $0xffff, v12  }
0x4f8: {  	v2 =	vadd.f32 v63, v46;
	[tilespmem:v3+s23+$0x0] =	vst.idx.msk $0xffff, v14  }
0x4f9: {  	v3 =	vadd.f32 v63, v48;
	[tilespmem:v6+s23+$0x0] =	vst.idx.msk $0xffff, v1  }
0x4fa: {  	v1 =	vadd.f32 v63, v16;
	[tilespmem:v8+s23+$0x0] =	vst.idx.msk $0xffff, v2  }
0x4fb: {  	v2 =	vadd.f32 v63, v52;
	[tilespmem:v37+s23+$0x0] =	vst.idx.msk $0xffff, v3  }
0x4fc: {  	v3 =	vadd.f32 v63, v55;
	[tilespmem:v39+s23+$0x0] =	vst.idx.msk $0xffff, v1  }
0x4fd: {  	v1 =	vadd.f32 v63, v22;
	[tilespmem:v41+s23+$0x0] =	vst.idx.msk $0xffff, v2  }
0x4fe: {  	v2 =	vadd.f32 v63, v25;
	[tilespmem:v43+s23+$0x0] =	vst.idx.msk $0xffff, v3  }
0x4ff: {  	v3 =	vadd.f32 v63, v28;
	[tilespmem:v45+s23+$0x0] =	vst.idx.msk $0xffff, v1  }
0x500: {  	v1 =	vadd.f32 v63, v29;
	[tilespmem:v47+s23+$0x0] =	vst.idx.msk $0xffff, v2  }
0x501: {  	s3 =	simm.s32 $0x2100;
	v8 =	vadd.f32 v63, v30;
	[tilespmem:v49+s23+$0x0] =	vst.idx.msk $0xffff, v3  }
0x502: {  	s4 =	simm.s32 $0x2101;
	s5 =	simm.s32 $0x2102;
	v7 =	vadd.f32 v63, v32;
	s1 =	spop (v2sf);
	v3 =	vor.u32 s3, v0;
	[tilespmem:v51+s23+$0x0] =	vst.idx.msk $0xffff, v1  }
0x503: {  	s31 =	simm.s32 $0x220F;
	s30 =	simm.s32 $0x210F;
	v6 =	vadd.f32 v63, v31;
	s29 =	sadd.f32 s1, s0;
	v2 =	vor.u32 s5, v0;
	v1 =	vor.u32 s4, v0;
	[tilespmem:v54+s23+$0x0] =	vst.idx.msk $0xffff, v8  }
.LBB2_16:
0x504: {  	p0 =	sne.s32 s31, $0x3F0F  }
0x505: {  	s1 =	sadd.s32 $0xFFFFFFF4, s30;
	[tilespmem:v4+s23+$0x0] =	vst.idx.msk $0xffff, v6;
	s0 =	smov.u32 s31;
	s31 =	sadd.s32 $0x100, s31  }
0x506: {  	v6 =	vor.u32 s1, v0;
	[tilespmem:v5+s23+$0x0] =	vst.idx.msk $0xffff, v7  }
0x507: {  	s1 =	sadd.s32 $0xFFFFFFF5, s30;
	v9 =	vld.idx.msk [tilespmem:v3+s23+$0x0], $0xffff  }
0x508: {  	v7 =	vor.u32 s1, v0;
	v4 =	vld.idx.msk [tilespmem:v1+s23+$0x0], $0xffff  }
0x509: {  	s1 =	sadd.s32 $0xFFFFFFF6, s30;
	v5 =	vld.idx.msk [tilespmem:v2+s23+$0x0], $0xffff  }
0x50a: {  	v8 =	vor.u32 s1, v0  }
0x50b: {  	s1 =	sadd.s32 $0xFFFFFFF7, s30;
	v10 =	vld.idx.msk [tilespmem:v6+s23+$0x0], $0xffff  }
0x50c: {  	v11 =	vor.u32 s1, v0  }
0x50d: {  	s1 =	sadd.s32 $0xFFFFFFF8, s30;
	v12 =	vld.idx.msk [tilespmem:v7+s23+$0x0], $0xffff  }
0x50e: {  	v13 =	vor.u32 s1, v0;
	v14 =	vadd.f32 v4, v9  }
0x50f: {  	s1 =	sadd.s32 $0xFFFFFFF9, s30;
	v4 =	vld.idx.msk [tilespmem:v8+s23+$0x0], $0xffff  }
0x510: {  	v15 =	vor.u32 s1, v0;
	v16 =	vadd.f32 v5, v14  }
0x511: {  	s1 =	sadd.s32 $0xFFFFFFFA, s30;
	v5 =	vld.idx.msk [tilespmem:v11+s23+$0x0], $0xffff  }
0x512: {  	v17 =	vor.u32 s1, v0;
	v10 =	vadd.f32 v10, v16  }
0x513: {  	s1 =	sadd.s32 $0xFFFFFFFB, s30;
	v18 =	vld.idx.msk [tilespmem:v13+s23+$0x0], $0xffff  }
0x514: {  	v19 =	vor.u32 s1, v0;
	v12 =	vadd.f32 v12, v10  }
0x515: {  	s1 =	sadd.s32 $0xFFFFFFFC, s30;
	v20 =	vld.idx.msk [tilespmem:v15+s23+$0x0], $0xffff  }
0x516: {  	v21 =	vor.u32 s1, v0;
	v22 =	vadd.f32 v4, v12  }
0x517: {  	s1 =	sadd.s32 $0xFFFFFFFD, s30;
	v23 =	vld.idx.msk [tilespmem:v17+s23+$0x0], $0xffff  }
0x518: {  	v24 =	vor.u32 s1, v0;
	v25 =	vadd.f32 v5, v22  }
0x519: {  	s1 =	sadd.s32 $0xFFFFFFFE, s30;
	v26 =	vld.idx.msk [tilespmem:v19+s23+$0x0], $0xffff  }
0x51a: {  	v27 =	vor.u32 s1, v0;
	v18 =	vadd.f32 v18, v25  }
0x51b: {  	s1 =	sadd.s32 $0xFFFFFFFF, s30;
	v28 =	vld.idx.msk [tilespmem:v21+s23+$0x0], $0xffff  }
0x51c: {  	v4 =	vor.u32 s1, v0;
	v20 =	vadd.f32 v20, v18  }
0x51d: {  	v29 =	vld.idx.msk [tilespmem:v24+s23+$0x0], $0xffff  }
0x51e: {  	v5 =	vor.u32 s30, v0;
	s30 =	smov.u32 s0;
	v23 =	vadd.f32 v23, v20  }
0x51f: {  	v30 =	vld.idx.msk [tilespmem:v27+s23+$0x0], $0xffff  }
0x520: {  	v26 =	vadd.f32 v26, v23  }
0x521: {  	v31 =	vld.idx.msk [tilespmem:v4+s23+$0x0], $0xffff  }
0x522: {  	v28 =	vadd.f32 v28, v26  }
0x523: {  	v32 =	vld.idx.msk [tilespmem:v5+s23+$0x0], $0xffff  }
0x524: {  	v29 =	vadd.f32 v29, v28;
	_ =	sdelay $0x1  }
0x525: {  	v30 =	vadd.f32 v30, v29;
	_ =	sdelay $0x1  }
0x526: {  	v31 =	vadd.f32 v31, v30;
	_ =	sdelay $0x1  }
0x527: {  	v32 =	vadd.f32 v32, v31;
	_ =	sdelay $0x1  }
0x528: {  	(xrf2) =	vadd.scan.msk.f32 $0xffff, v32;
	_ =	sdelay $0x9  }
0x529: {  	v33, _, _ =	vpop (xrf2)  }
0x52a: {  	v34 =	vsub.f32 v33, v32;
	(v2sf) =	vpush v33, $0xF;
	_ =	sdelay $0x1  }
0x52b: {  	v33 =	vadd.f32 s29, v34;
	_ =	sdelay $0x1  }
0x52c: {  	v9 =	vadd.f32 v33, v9;
	v14 =	vadd.f32 v33, v14  }
0x52d: {  	v16 =	vadd.f32 v33, v16;
	v10 =	vadd.f32 v33, v10  }
0x52e: {  	[tilespmem:v3+s23+$0x0] =	vst.idx.msk $0xffff, v9;
	v3 =	vadd.f32 v33, v12;
	v9 =	vadd.f32 v33, v22  }
0x52f: {  	v12 =	vadd.f32 v33, v18;
	[tilespmem:v1+s23+$0x0] =	vst.idx.msk $0xffff, v14;
	v1 =	vadd.f32 v33, v25  }
0x530: {  	v14 =	vadd.f32 v33, v23;
	[tilespmem:v2+s23+$0x0] =	vst.idx.msk $0xffff, v16;
	v2 =	vadd.f32 v33, v20  }
0x531: {  	v16 =	vadd.f32 v33, v28;
	[tilespmem:v6+s23+$0x0] =	vst.idx.msk $0xffff, v10;
	v10 =	vadd.f32 v33, v26  }
0x532: {  	v18 =	vadd.f32 v33, v29;
	v20 =	vadd.f32 v33, v30;
	[tilespmem:v7+s23+$0x0] =	vst.idx.msk $0xffff, v3  }
0x533: {  	v6 =	vadd.f32 v33, v31;
	v7 =	vadd.f32 v33, v32;
	[tilespmem:v8+s23+$0x0] =	vst.idx.msk $0xffff, v9  }
0x534: {  	[tilespmem:v11+s23+$0x0] =	vst.idx.msk $0xffff, v1  }
0x535: {  	[tilespmem:v13+s23+$0x0] =	vst.idx.msk $0xffff, v12  }
0x536: {  	[tilespmem:v15+s23+$0x0] =	vst.idx.msk $0xffff, v2  }
.Ltmp7:
0x537: {  	[tilespmem:v17+s23+$0x0] =	vst.idx.msk $0xffff, v14;
	s0 =	spop (v2sf);
	(pc) =	sbr.rel @p0 .LBB2_16-.Ltmp7, $4  }
0x538: {  	s1 =	sadd.s32 $0xFFFFFFF1, s30;
	s3 =	sadd.s32 $0xFFFFFFF2, s30;
	[tilespmem:v19+s23+$0x0] =	vst.idx.msk $0xffff, v10;
	s29 =	sadd.f32 s0, s29  }
0x539: {  	v3 =	vor.u32 s1, v0;
	v1 =	vor.u32 s3, v0;
	[tilespmem:v21+s23+$0x0] =	vst.idx.msk $0xffff, v16  }
0x53a: {  	s0 =	sadd.s32 $0xFFFFFFF3, s30;
	[tilespmem:v24+s23+$0x0] =	vst.idx.msk $0xffff, v18  }
0x53b: {  	v2 =	vor.u32 s0, v0;
	[tilespmem:v27+s23+$0x0] =	vst.idx.msk $0xffff, v20  }
0x53c: {  	_ =	sdelay $0x3  }
0x53d: {  	[tilespmem:v4+s23+$0x0] =	vst.idx.msk $0xffff, v6  }
0x53e: {  	s0 =	sadd.s32 $0xFFFFFFF4, s30;
	[tilespmem:v5+s23+$0x0] =	vst.idx.msk $0xffff, v7  }
0x53f: {  	v4 =	vor.u32 s0, v0;
	v5 =	vld.idx.msk [tilespmem:v3+s23+$0x0], $0xffff  }
0x540: {  	s4 =	sadd.s32 $0xFFFFFFF5, s30;
	v6 =	vld.idx.msk [tilespmem:v1+s23+$0x0], $0xffff  }
0x541: {  	v7 =	vor.u32 s4, v0  }
0x542: {  	s5 =	sadd.s32 $0xFFFFFFF6, s30;
	v8 =	vld.idx.msk [tilespmem:v2+s23+$0x0], $0xffff  }
0x543: {  	v9 =	vor.u32 s5, v0  }
0x544: {  	s1 =	sadd.s32 $0xFFFFFFF7, s30;
	v10 =	vld.idx.msk [tilespmem:v4+s23+$0x0], $0xffff  }
0x545: {  	v11 =	vor.u32 s1, v0;
	v6 =	vadd.f32 v6, v5  }
0x546: {  	s3 =	sadd.s32 $0xFFFFFFF8, s30;
	v12 =	vld.idx.msk [tilespmem:v7+s23+$0x0], $0xffff  }
0x547: {  	v13 =	vor.u32 s3, v0;
	v8 =	vadd.f32 v8, v6  }
0x548: {  	s4 =	sadd.s32 $0xFFFFFFF9, s30;
	v14 =	vld.idx.msk [tilespmem:v9+s23+$0x0], $0xffff  }
0x549: {  	v15 =	vor.u32 s4, v0;
	v10 =	vadd.f32 v10, v8  }
0x54a: {  	s5 =	sadd.s32 $0xFFFFFFFA, s30;
	v16 =	vld.idx.msk [tilespmem:v11+s23+$0x0], $0xffff  }
0x54b: {  	v17 =	vor.u32 s5, v0;
	v12 =	vadd.f32 v12, v10  }
0x54c: {  	s1 =	sadd.s32 $0xFFFFFFFB, s30;
	v18 =	vld.idx.msk [tilespmem:v13+s23+$0x0], $0xffff  }
0x54d: {  	v19 =	vor.u32 s1, v0;
	v14 =	vadd.f32 v14, v12  }
0x54e: {  	s3 =	sadd.s32 $0xFFFFFFFC, s30;
	v20 =	vld.idx.msk [tilespmem:v15+s23+$0x0], $0xffff  }
0x54f: {  	v21 =	vor.u32 s3, v0;
	v16 =	vadd.f32 v16, v14  }
0x550: {  	s4 =	sadd.s32 $0xFFFFFFFD, s30;
	v22 =	vld.idx.msk [tilespmem:v17+s23+$0x0], $0xffff  }
0x551: {  	v23 =	vor.u32 s4, v0;
	v18 =	vadd.f32 v18, v16  }
0x552: {  	s5 =	sadd.s32 $0xFFFFFFFE, s30;
	v24 =	vld.idx.msk [tilespmem:v19+s23+$0x0], $0xffff  }
0x553: {  	v25 =	vor.u32 s5, v0;
	v20 =	vadd.f32 v20, v18  }
0x554: {  	s1 =	sadd.s32 $0xFFFFFFFF, s30;
	v26 =	vld.idx.msk [tilespmem:v21+s23+$0x0], $0xffff  }
0x555: {  	v27 =	vor.u32 s1, v0;
	v22 =	vadd.f32 v22, v20  }
0x556: {  	v28 =	vld.idx.msk [tilespmem:v23+s23+$0x0], $0xffff  }
0x557: {  	v29 =	vor.u32 s30, v0;
	v24 =	vadd.f32 v24, v22  }
0x558: {  	v30 =	vld.idx.msk [tilespmem:v25+s23+$0x0], $0xffff  }
0x559: {  	v26 =	vadd.f32 v26, v24  }
0x55a: {  	v31 =	vld.idx.msk [tilespmem:v27+s23+$0x0], $0xffff  }
0x55b: {  	v28 =	vadd.f32 v28, v26  }
0x55c: {  	v32 =	vld.idx.msk [tilespmem:v29+s23+$0x0], $0xffff  }
0x55d: {  	v30 =	vadd.f32 v30, v28;
	_ =	sdelay $0x1  }
0x55e: {  	v31 =	vadd.f32 v31, v30;
	_ =	sdelay $0x1  }
0x55f: {  	v32 =	vadd.f32 v32, v31;
	_ =	sdelay $0x1  }
0x560: {  	(xrf2) =	vadd.scan.msk.f32 $0xffff, v32;
	_ =	sdelay $0x9  }
0x561: {  	v33, _, _ =	vpop (xrf2)  }
0x562: {  	v34 =	vsub.f32 v33, v32;
	_ =	sdelay $0x1  }
0x563: {  	v34 =	vadd.f32 s29, v34;
	_ =	sdelay $0x1  }
0x564: {  	v5 =	vadd.f32 v34, v5  }
0x565: {  	(v2sf) =	vpush v33, $0xF;
	v6 =	vadd.f32 v34, v6  }
0x566: {  	v8 =	vadd.f32 v34, v8;
	[tilespmem:v3+s23+$0x0] =	vst.idx.msk $0xffff, v5  }
0x567: {  	v3 =	vadd.f32 v34, v10;
	[tilespmem:v1+s23+$0x0] =	vst.idx.msk $0xffff, v6  }
0x568: {  	v1 =	vadd.f32 v34, v12;
	[tilespmem:v2+s23+$0x0] =	vst.idx.msk $0xffff, v8  }
0x569: {  	v2 =	vadd.f32 v34, v14;
	[tilespmem:v4+s23+$0x0] =	vst.idx.msk $0xffff, v3  }
0x56a: {  	v3 =	vadd.f32 v34, v16;
	[tilespmem:v7+s23+$0x0] =	vst.idx.msk $0xffff, v1  }
0x56b: {  	v1 =	vadd.f32 v34, v18;
	[tilespmem:v9+s23+$0x0] =	vst.idx.msk $0xffff, v2  }
0x56c: {  	v2 =	vadd.f32 v34, v20;
	[tilespmem:v11+s23+$0x0] =	vst.idx.msk $0xffff, v3  }
0x56d: {  	v3 =	vadd.f32 v34, v22;
	[tilespmem:v13+s23+$0x0] =	vst.idx.msk $0xffff, v1  }
0x56e: {  	v1 =	vadd.f32 v34, v24;
	[tilespmem:v15+s23+$0x0] =	vst.idx.msk $0xffff, v2  }
0x56f: {  	v2 =	vadd.f32 v34, v26;
	[tilespmem:v17+s23+$0x0] =	vst.idx.msk $0xffff, v3  }
0x570: {  	v3 =	vadd.f32 v34, v28;
	[tilespmem:v19+s23+$0x0] =	vst.idx.msk $0xffff, v1  }
0x571: {  	v1 =	vadd.f32 v34, v30;
	[tilespmem:v21+s23+$0x0] =	vst.idx.msk $0xffff, v2  }
0x572: {  	v2 =	vadd.f32 v34, v31;
	[tilespmem:v23+s23+$0x0] =	vst.idx.msk $0xffff, v3  }
0x573: {  	v3 =	vadd.f32 v34, v32;
	[tilespmem:v25+s23+$0x0] =	vst.idx.msk $0xffff, v1  }
0x574: {  	s3 =	simm.s32 $0x0;
	s1 =	spop (v2sf);
	[tilespmem:v27+s23+$0x0] =	vst.idx.msk $0xffff, v2  }
0x575: {  	s1 =	simm.s32 $0x1;
	v1 =	vor.u32 s3, v0;
	[tilespmem:v29+s23+$0x0] =	vst.idx.msk $0xffff, v3  }
0x576: {  	v2 =	vor.u32 s1, v0;
	[hbm4b:s11+s20] =	stream.strided.scatter [tilespmem:s23], [sflag:$0x4], $0x4000, s21, s20, $0x38;
	[tilespmem:$0x8000] =	vst v63  }
0x577: {  	s4 =	simm.s32 $0x2;
	_ =	swait.ge [sflag:s22], $0x4000  }
0x578: {  	v3 =	vor.u32 s4, v0;
	[sflag:s22] =	ssyncset.done $0x0  }
0x579: {  	s5 =	simm.s32 $0x3;
	[sflag:s22] =	ssyncadd.s32 $0xFFFFC000  }
0x57a: {  	v6 =	vor.u32 s5, v0;
	v7 =	vld.idx.msk [tilespmem:v1+s2+$0x0], $0xffff  }
0x57b: {  	s1 =	simm.s32 $0x4;
	v4 =	vld.idx.msk [tilespmem:v2+s2+$0x0], $0xffff  }
0x57c: {  	v8 =	vor.u32 s1, v0  }
0x57d: {  	s3 =	simm.s32 $0x5;
	v5 =	vld.idx.msk [tilespmem:v3+s2+$0x0], $0xffff  }
0x57e: {  	v37 =	vor.u32 s3, v0  }
0x57f: {  	s4 =	simm.s32 $0x6;
	v38 =	vld.idx.msk [tilespmem:v6+s2+$0x0], $0xffff  }
0x580: {  	v39 =	vor.u32 s4, v0;
	v40 =	vadd.f32 v4, v7  }
0x581: {  	s5 =	simm.s32 $0x7;
	v4 =	vld.idx.msk [tilespmem:v8+s2+$0x0], $0xffff  }
0x582: {  	v41 =	vor.u32 s5, v0;
	v42 =	vadd.f32 v5, v40  }
0x583: {  	s1 =	simm.s32 $0x8;
	v5 =	vld.idx.msk [tilespmem:v37+s2+$0x0], $0xffff  }
0x584: {  	v43 =	vor.u32 s1, v0;
	v10 =	vadd.f32 v38, v42  }
0x585: {  	s3 =	simm.s32 $0x9;
	v44 =	vld.idx.msk [tilespmem:v39+s2+$0x0], $0xffff  }
0x586: {  	v45 =	vor.u32 s3, v0;
	v46 =	vadd.f32 v4, v10  }
0x587: {  	s4 =	simm.s32 $0xA;
	v4 =	vld.idx.msk [tilespmem:v41+s2+$0x0], $0xffff  }
0x588: {  	v47 =	vor.u32 s4, v0;
	v48 =	vadd.f32 v5, v46  }
0x589: {  	s5 =	simm.s32 $0xB;
	v5 =	vld.idx.msk [tilespmem:v43+s2+$0x0], $0xffff  }
0x58a: {  	v49 =	vor.u32 s5, v0;
	v16 =	vadd.f32 v44, v48  }
0x58b: {  	s1 =	simm.s32 $0xC;
	v50 =	vld.idx.msk [tilespmem:v45+s2+$0x0], $0xffff  }
0x58c: {  	v51 =	vor.u32 s1, v0;
	v52 =	vadd.f32 v4, v16  }
0x58d: {  	s3 =	simm.s32 $0xD;
	v53 =	vld.idx.msk [tilespmem:v47+s2+$0x0], $0xffff  }
0x58e: {  	v54 =	vor.u32 s3, v0;
	v55 =	vadd.f32 v5, v52  }
0x58f: {  	s4 =	simm.s32 $0xE;
	v56 =	vld.idx.msk [tilespmem:v49+s2+$0x0], $0xffff  }
0x590: {  	v4 =	vor.u32 s4, v0;
	v22 =	vadd.f32 v50, v55  }
0x591: {  	s5 =	simm.s32 $0xF;
	v57 =	vld.idx.msk [tilespmem:v51+s2+$0x0], $0xffff  }
0x592: {  	v5 =	vor.u32 s5, v0;
	v25 =	vadd.f32 v53, v22  }
0x593: {  	v58 =	vld.idx.msk [tilespmem:v54+s2+$0x0], $0xffff  }
0x594: {  	v28 =	vadd.f32 v56, v25  }
0x595: {  	v59 =	vld.idx.msk [tilespmem:v4+s2+$0x0], $0xffff  }
0x596: {  	v29 =	vadd.f32 v57, v28  }
0x597: {  	v60 =	vld.idx.msk [tilespmem:v5+s2+$0x0], $0xffff  }
0x598: {  	v30 =	vadd.f32 v58, v29;
	_ =	sdelay $0x1  }
0x599: {  	v31 =	vadd.f32 v59, v30;
	_ =	sdelay $0x1  }
0x59a: {  	v32 =	vadd.f32 v60, v31;
	_ =	sdelay $0x1  }
0x59b: {  	(xrf2) =	vadd.scan.msk.f32 $0xffff, v32;
	_ =	sdelay $0x9  }
0x59c: {  	v61, _, _ =	vpop (xrf2)  }
0x59d: {  	v62 =	vsub.f32 v61, v32  }
0x59e: {  	s0 =	simm.f32 $0.0e+00  }
0x59f: {  	v63 =	vadd.f32 s0, v62  }
0x5a0: {  	(v2sf) =	vpush v61, $0xF  }
0x5a1: {  	v7 =	vadd.f32 v63, v7  }
0x5a2: {  	v12 =	vadd.f32 v63, v40  }
0x5a3: {  	v14 =	vadd.f32 v63, v42;
	[tilespmem:v1+s2+$0x0] =	vst.idx.msk $0xffff, v7  }
0x5a4: {  	v1 =	vadd.f32 v63, v10;
	[tilespmem:v2+s2+$0x0] =	vst.idx.msk $0xffff, v12  }
0x5a5: {  	v2 =	vadd.f32 v63, v46;
	[tilespmem:v3+s2+$0x0] =	vst.idx.msk $0xffff, v14  }
0x5a6: {  	v3 =	vadd.f32 v63, v48;
	[tilespmem:v6+s2+$0x0] =	vst.idx.msk $0xffff, v1  }
0x5a7: {  	v1 =	vadd.f32 v63, v16;
	[tilespmem:v8+s2+$0x0] =	vst.idx.msk $0xffff, v2  }
0x5a8: {  	v2 =	vadd.f32 v63, v52;
	[tilespmem:v37+s2+$0x0] =	vst.idx.msk $0xffff, v3  }
0x5a9: {  	v3 =	vadd.f32 v63, v55;
	[tilespmem:v39+s2+$0x0] =	vst.idx.msk $0xffff, v1  }
0x5aa: {  	v1 =	vadd.f32 v63, v22;
	[tilespmem:v41+s2+$0x0] =	vst.idx.msk $0xffff, v2  }
0x5ab: {  	v2 =	vadd.f32 v63, v25;
	[tilespmem:v43+s2+$0x0] =	vst.idx.msk $0xffff, v3  }
0x5ac: {  	v3 =	vadd.f32 v63, v28;
	[tilespmem:v45+s2+$0x0] =	vst.idx.msk $0xffff, v1  }
0x5ad: {  	v1 =	vadd.f32 v63, v29;
	[tilespmem:v47+s2+$0x0] =	vst.idx.msk $0xffff, v2  }
0x5ae: {  	s3 =	simm.s32 $0x100;
	v8 =	vadd.f32 v63, v30;
	[tilespmem:v49+s2+$0x0] =	vst.idx.msk $0xffff, v3  }
0x5af: {  	s4 =	simm.s32 $0x101;
	s5 =	simm.s32 $0x102;
	v7 =	vadd.f32 v63, v32;
	s1 =	spop (v2sf);
	v3 =	vor.u32 s3, v0;
	[tilespmem:v51+s2+$0x0] =	vst.idx.msk $0xffff, v1  }
0x5b0: {  	s31 =	simm.s32 $0x20F;
	s30 =	simm.s32 $0x10F;
	v6 =	vadd.f32 v63, v31;
	s29 =	sadd.f32 s1, s0;
	v2 =	vor.u32 s5, v0;
	v1 =	vor.u32 s4, v0;
	[tilespmem:v54+s2+$0x0] =	vst.idx.msk $0xffff, v8  }
.LBB2_18:
0x5b1: {  	p0 =	sne.s32 s31, $0x1F0F  }
0x5b2: {  	s1 =	sadd.s32 $0xFFFFFFF4, s30;
	[tilespmem:v4+s2+$0x0] =	vst.idx.msk $0xffff, v6;
	s0 =	smov.u32 s31;
	s31 =	sadd.s32 $0x100, s31  }
0x5b3: {  	v6 =	vor.u32 s1, v0;
	[tilespmem:v5+s2+$0x0] =	vst.idx.msk $0xffff, v7  }
0x5b4: {  	s1 =	sadd.s32 $0xFFFFFFF5, s30;
	v9 =	vld.idx.msk [tilespmem:v3+s2+$0x0], $0xffff  }
0x5b5: {  	v7 =	vor.u32 s1, v0;
	v4 =	vld.idx.msk [tilespmem:v1+s2+$0x0], $0xffff  }
0x5b6: {  	s1 =	sadd.s32 $0xFFFFFFF6, s30;
	v5 =	vld.idx.msk [tilespmem:v2+s2+$0x0], $0xffff  }
0x5b7: {  	v8 =	vor.u32 s1, v0  }
0x5b8: {  	s1 =	sadd.s32 $0xFFFFFFF7, s30;
	v10 =	vld.idx.msk [tilespmem:v6+s2+$0x0], $0xffff  }
0x5b9: {  	v11 =	vor.u32 s1, v0  }
0x5ba: {  	s1 =	sadd.s32 $0xFFFFFFF8, s30;
	v12 =	vld.idx.msk [tilespmem:v7+s2+$0x0], $0xffff  }
0x5bb: {  	v13 =	vor.u32 s1, v0;
	v14 =	vadd.f32 v4, v9  }
0x5bc: {  	s1 =	sadd.s32 $0xFFFFFFF9, s30;
	v4 =	vld.idx.msk [tilespmem:v8+s2+$0x0], $0xffff  }
0x5bd: {  	v15 =	vor.u32 s1, v0;
	v16 =	vadd.f32 v5, v14  }
0x5be: {  	s1 =	sadd.s32 $0xFFFFFFFA, s30;
	v5 =	vld.idx.msk [tilespmem:v11+s2+$0x0], $0xffff  }
0x5bf: {  	v17 =	vor.u32 s1, v0;
	v10 =	vadd.f32 v10, v16  }
0x5c0: {  	s1 =	sadd.s32 $0xFFFFFFFB, s30;
	v18 =	vld.idx.msk [tilespmem:v13+s2+$0x0], $0xffff  }
0x5c1: {  	v19 =	vor.u32 s1, v0;
	v12 =	vadd.f32 v12, v10  }
0x5c2: {  	s1 =	sadd.s32 $0xFFFFFFFC, s30;
	v20 =	vld.idx.msk [tilespmem:v15+s2+$0x0], $0xffff  }
0x5c3: {  	v21 =	vor.u32 s1, v0;
	v22 =	vadd.f32 v4, v12  }
0x5c4: {  	s1 =	sadd.s32 $0xFFFFFFFD, s30;
	v23 =	vld.idx.msk [tilespmem:v17+s2+$0x0], $0xffff  }
0x5c5: {  	v24 =	vor.u32 s1, v0;
	v25 =	vadd.f32 v5, v22  }
0x5c6: {  	s1 =	sadd.s32 $0xFFFFFFFE, s30;
	v26 =	vld.idx.msk [tilespmem:v19+s2+$0x0], $0xffff  }
0x5c7: {  	v27 =	vor.u32 s1, v0;
	v18 =	vadd.f32 v18, v25  }
0x5c8: {  	s1 =	sadd.s32 $0xFFFFFFFF, s30;
	v28 =	vld.idx.msk [tilespmem:v21+s2+$0x0], $0xffff  }
0x5c9: {  	v4 =	vor.u32 s1, v0;
	v20 =	vadd.f32 v20, v18  }
0x5ca: {  	v29 =	vld.idx.msk [tilespmem:v24+s2+$0x0], $0xffff  }
0x5cb: {  	v5 =	vor.u32 s30, v0;
	s30 =	smov.u32 s0;
	v23 =	vadd.f32 v23, v20  }
0x5cc: {  	v30 =	vld.idx.msk [tilespmem:v27+s2+$0x0], $0xffff  }
0x5cd: {  	v26 =	vadd.f32 v26, v23  }
0x5ce: {  	v31 =	vld.idx.msk [tilespmem:v4+s2+$0x0], $0xffff  }
0x5cf: {  	v28 =	vadd.f32 v28, v26  }
0x5d0: {  	v32 =	vld.idx.msk [tilespmem:v5+s2+$0x0], $0xffff  }
0x5d1: {  	v29 =	vadd.f32 v29, v28;
	_ =	sdelay $0x1  }
0x5d2: {  	v30 =	vadd.f32 v30, v29;
	_ =	sdelay $0x1  }
0x5d3: {  	v31 =	vadd.f32 v31, v30;
	_ =	sdelay $0x1  }
0x5d4: {  	v32 =	vadd.f32 v32, v31;
	_ =	sdelay $0x1  }
0x5d5: {  	(xrf2) =	vadd.scan.msk.f32 $0xffff, v32;
	_ =	sdelay $0x9  }
0x5d6: {  	v33, _, _ =	vpop (xrf2)  }
0x5d7: {  	v34 =	vsub.f32 v33, v32;
	(v2sf) =	vpush v33, $0xF;
	_ =	sdelay $0x1  }
0x5d8: {  	v33 =	vadd.f32 s29, v34;
	_ =	sdelay $0x1  }
0x5d9: {  	v9 =	vadd.f32 v33, v9;
	v14 =	vadd.f32 v33, v14  }
0x5da: {  	v16 =	vadd.f32 v33, v16;
	v10 =	vadd.f32 v33, v10  }
0x5db: {  	[tilespmem:v3+s2+$0x0] =	vst.idx.msk $0xffff, v9;
	v3 =	vadd.f32 v33, v12;
	v9 =	vadd.f32 v33, v22  }
0x5dc: {  	v12 =	vadd.f32 v33, v18;
	[tilespmem:v1+s2+$0x0] =	vst.idx.msk $0xffff, v14;
	v1 =	vadd.f32 v33, v25  }
0x5dd: {  	v14 =	vadd.f32 v33, v23;
	[tilespmem:v2+s2+$0x0] =	vst.idx.msk $0xffff, v16;
	v2 =	vadd.f32 v33, v20  }
0x5de: {  	v16 =	vadd.f32 v33, v28;
	[tilespmem:v6+s2+$0x0] =	vst.idx.msk $0xffff, v10;
	v10 =	vadd.f32 v33, v26  }
0x5df: {  	v18 =	vadd.f32 v33, v29;
	v20 =	vadd.f32 v33, v30;
	[tilespmem:v7+s2+$0x0] =	vst.idx.msk $0xffff, v3  }
0x5e0: {  	v6 =	vadd.f32 v33, v31;
	v7 =	vadd.f32 v33, v32;
	[tilespmem:v8+s2+$0x0] =	vst.idx.msk $0xffff, v9  }
0x5e1: {  	[tilespmem:v11+s2+$0x0] =	vst.idx.msk $0xffff, v1  }
0x5e2: {  	[tilespmem:v13+s2+$0x0] =	vst.idx.msk $0xffff, v12  }
0x5e3: {  	[tilespmem:v15+s2+$0x0] =	vst.idx.msk $0xffff, v2  }
.Ltmp8:
0x5e4: {  	[tilespmem:v17+s2+$0x0] =	vst.idx.msk $0xffff, v14;
	s0 =	spop (v2sf);
	(pc) =	sbr.rel @p0 .LBB2_18-.Ltmp8, $4  }
0x5e5: {  	s1 =	sadd.s32 $0xFFFFFFF1, s30;
	s3 =	sadd.s32 $0xFFFFFFF2, s30;
	[tilespmem:v19+s2+$0x0] =	vst.idx.msk $0xffff, v10;
	s29 =	sadd.f32 s0, s29  }
0x5e6: {  	v3 =	vor.u32 s1, v0;
	v1 =	vor.u32 s3, v0;
	[tilespmem:v21+s2+$0x0] =	vst.idx.msk $0xffff, v16  }
0x5e7: {  	s0 =	sadd.s32 $0xFFFFFFF3, s30;
	[tilespmem:v24+s2+$0x0] =	vst.idx.msk $0xffff, v18  }
0x5e8: {  	v2 =	vor.u32 s0, v0;
	[tilespmem:v27+s2+$0x0] =	vst.idx.msk $0xffff, v20  }
0x5e9: {  	_ =	sdelay $0x3  }
0x5ea: {  	[tilespmem:v4+s2+$0x0] =	vst.idx.msk $0xffff, v6  }
0x5eb: {  	s0 =	sadd.s32 $0xFFFFFFF4, s30;
	[tilespmem:v5+s2+$0x0] =	vst.idx.msk $0xffff, v7  }
0x5ec: {  	v4 =	vor.u32 s0, v0;
	v5 =	vld.idx.msk [tilespmem:v3+s2+$0x0], $0xffff  }
0x5ed: {  	s5 =	sadd.s32 $0xFFFFFFF5, s30;
	v6 =	vld.idx.msk [tilespmem:v1+s2+$0x0], $0xffff  }
0x5ee: {  	v7 =	vor.u32 s5, v0  }
0x5ef: {  	s1 =	sadd.s32 $0xFFFFFFF6, s30;
	v8 =	vld.idx.msk [tilespmem:v2+s2+$0x0], $0xffff  }
0x5f0: {  	v9 =	vor.u32 s1, v0  }
0x5f1: {  	s3 =	sadd.s32 $0xFFFFFFF7, s30;
	v10 =	vld.idx.msk [tilespmem:v4+s2+$0x0], $0xffff  }
0x5f2: {  	v11 =	vor.u32 s3, v0;
	v6 =	vadd.f32 v6, v5  }
0x5f3: {  	s4 =	sadd.s32 $0xFFFFFFF8, s30;
	v12 =	vld.idx.msk [tilespmem:v7+s2+$0x0], $0xffff  }
0x5f4: {  	v13 =	vor.u32 s4, v0;
	v8 =	vadd.f32 v8, v6  }
0x5f5: {  	s5 =	sadd.s32 $0xFFFFFFF9, s30;
	v14 =	vld.idx.msk [tilespmem:v9+s2+$0x0], $0xffff  }
0x5f6: {  	v15 =	vor.u32 s5, v0;
	v10 =	vadd.f32 v10, v8  }
0x5f7: {  	s1 =	sadd.s32 $0xFFFFFFFA, s30;
	v16 =	vld.idx.msk [tilespmem:v11+s2+$0x0], $0xffff  }
0x5f8: {  	v17 =	vor.u32 s1, v0;
	v12 =	vadd.f32 v12, v10  }
0x5f9: {  	s3 =	sadd.s32 $0xFFFFFFFB, s30;
	v18 =	vld.idx.msk [tilespmem:v13+s2+$0x0], $0xffff  }
0x5fa: {  	v19 =	vor.u32 s3, v0;
	v14 =	vadd.f32 v14, v12  }
0x5fb: {  	s4 =	sadd.s32 $0xFFFFFFFC, s30;
	v20 =	vld.idx.msk [tilespmem:v15+s2+$0x0], $0xffff  }
0x5fc: {  	v21 =	vor.u32 s4, v0;
	v16 =	vadd.f32 v16, v14  }
0x5fd: {  	s5 =	sadd.s32 $0xFFFFFFFD, s30;
	v22 =	vld.idx.msk [tilespmem:v17+s2+$0x0], $0xffff  }
0x5fe: {  	v23 =	vor.u32 s5, v0;
	v18 =	vadd.f32 v18, v16  }
0x5ff: {  	s1 =	sadd.s32 $0xFFFFFFFE, s30;
	v24 =	vld.idx.msk [tilespmem:v19+s2+$0x0], $0xffff  }
0x600: {  	v25 =	vor.u32 s1, v0;
	v20 =	vadd.f32 v20, v18  }
0x601: {  	s3 =	sadd.s32 $0xFFFFFFFF, s30;
	v26 =	vld.idx.msk [tilespmem:v21+s2+$0x0], $0xffff  }
0x602: {  	v27 =	vor.u32 s3, v0;
	v22 =	vadd.f32 v22, v20  }
0x603: {  	v28 =	vld.idx.msk [tilespmem:v23+s2+$0x0], $0xffff  }
0x604: {  	v29 =	vor.u32 s30, v0;
	v24 =	vadd.f32 v24, v22  }
0x605: {  	v30 =	vld.idx.msk [tilespmem:v25+s2+$0x0], $0xffff  }
0x606: {  	v26 =	vadd.f32 v26, v24  }
0x607: {  	v31 =	vld.idx.msk [tilespmem:v27+s2+$0x0], $0xffff  }
0x608: {  	v28 =	vadd.f32 v28, v26  }
0x609: {  	v32 =	vld.idx.msk [tilespmem:v29+s2+$0x0], $0xffff  }
0x60a: {  	v30 =	vadd.f32 v30, v28;
	_ =	sdelay $0x1  }
0x60b: {  	v31 =	vadd.f32 v31, v30;
	_ =	sdelay $0x1  }
0x60c: {  	v32 =	vadd.f32 v32, v31;
	_ =	sdelay $0x1  }
0x60d: {  	(xrf2) =	vadd.scan.msk.f32 $0xffff, v32;
	_ =	sdelay $0x9  }
0x60e: {  	v33, _, _ =	vpop (xrf2)  }
0x60f: {  	v34 =	vsub.f32 v33, v32;
	_ =	sdelay $0x1  }
0x610: {  	v34 =	vadd.f32 s29, v34;
	_ =	sdelay $0x1  }
0x611: {  	v5 =	vadd.f32 v34, v5  }
0x612: {  	v6 =	vadd.f32 v34, v6  }
0x613: {  	(v2sf) =	vpush v33, $0xF;
	v8 =	vadd.f32 v34, v8;
	[tilespmem:v3+s2+$0x0] =	vst.idx.msk $0xffff, v5  }
0x614: {  	v3 =	vadd.f32 v34, v10;
	[tilespmem:v1+s2+$0x0] =	vst.idx.msk $0xffff, v6  }
0x615: {  	v1 =	vadd.f32 v34, v12;
	[tilespmem:v2+s2+$0x0] =	vst.idx.msk $0xffff, v8  }
0x616: {  	v2 =	vadd.f32 v34, v14;
	[tilespmem:v4+s2+$0x0] =	vst.idx.msk $0xffff, v3  }
0x617: {  	v3 =	vadd.f32 v34, v16;
	[tilespmem:v7+s2+$0x0] =	vst.idx.msk $0xffff, v1  }
0x618: {  	v1 =	vadd.f32 v34, v18;
	[tilespmem:v9+s2+$0x0] =	vst.idx.msk $0xffff, v2  }
0x619: {  	v2 =	vadd.f32 v34, v20;
	[tilespmem:v11+s2+$0x0] =	vst.idx.msk $0xffff, v3  }
0x61a: {  	v3 =	vadd.f32 v34, v22;
	[tilespmem:v13+s2+$0x0] =	vst.idx.msk $0xffff, v1  }
0x61b: {  	v1 =	vadd.f32 v34, v24;
	[tilespmem:v15+s2+$0x0] =	vst.idx.msk $0xffff, v2  }
0x61c: {  	v2 =	vadd.f32 v34, v26;
	[tilespmem:v17+s2+$0x0] =	vst.idx.msk $0xffff, v3  }
0x61d: {  	v3 =	vadd.f32 v34, v28;
	[tilespmem:v19+s2+$0x0] =	vst.idx.msk $0xffff, v1  }
0x61e: {  	v1 =	vadd.f32 v34, v30;
	[tilespmem:v21+s2+$0x0] =	vst.idx.msk $0xffff, v2  }
0x61f: {  	v2 =	vadd.f32 v34, v31;
	[tilespmem:v23+s2+$0x0] =	vst.idx.msk $0xffff, v3  }
0x620: {  	v3 =	vadd.f32 v34, v32;
	[tilespmem:v25+s2+$0x0] =	vst.idx.msk $0xffff, v1  }
0x621: {  	s1 =	simm.s32 $0x2000;
	[tilespmem:v27+s2+$0x0] =	vst.idx.msk $0xffff, v2  }
0x622: {  	s3 =	simm.s32 $0x2001;
	s0 =	spop (v2sf);
	v1 =	vor.u32 s1, v0;
	[tilespmem:v29+s2+$0x0] =	vst.idx.msk $0xffff, v3  }
0x623: {  	v2 =	vor.u32 s3, v0;
	_ =	swait.ge [sflag:s26], $0x4000  }
0x624: {  	s4 =	simm.s32 $0x2002;
	[sflag:s26] =	ssyncset.done $0x0  }
0x625: {  	s5 =	simm.s32 $0x2003;
	v3 =	vor.u32 s4, v0;
	[sflag:s26] =	ssyncadd.s32 $0xFFFFC000  }
0x626: {  	[tilespmem:s23], [sflag:$0x2] =	stream.strided.gather [hbm4b:s12+s20], $0x4000, s21, s20, $0x38;
	[tilespmem:$0x8000] =	vst v63  }
0x627: {  	v6 =	vor.u32 s5, v0;
	v7 =	vld.idx.msk [tilespmem:v1+s2+$0x0], $0xffff  }
0x628: {  	s3 =	simm.s32 $0x2004;
	v4 =	vld.idx.msk [tilespmem:v2+s2+$0x0], $0xffff  }
0x629: {  	v8 =	vor.u32 s3, v0  }
0x62a: {  	s4 =	simm.s32 $0x2005;
	v5 =	vld.idx.msk [tilespmem:v3+s2+$0x0], $0xffff  }
0x62b: {  	v37 =	vor.u32 s4, v0  }
0x62c: {  	s5 =	simm.s32 $0x2006;
	v38 =	vld.idx.msk [tilespmem:v6+s2+$0x0], $0xffff  }
0x62d: {  	v39 =	vor.u32 s5, v0;
	v40 =	vadd.f32 v4, v7  }
0x62e: {  	s3 =	simm.s32 $0x2007;
	v4 =	vld.idx.msk [tilespmem:v8+s2+$0x0], $0xffff  }
0x62f: {  	v41 =	vor.u32 s3, v0;
	v42 =	vadd.f32 v5, v40  }
0x630: {  	s4 =	simm.s32 $0x2008;
	v5 =	vld.idx.msk [tilespmem:v37+s2+$0x0], $0xffff  }
0x631: {  	v43 =	vor.u32 s4, v0;
	v10 =	vadd.f32 v38, v42  }
0x632: {  	s5 =	simm.s32 $0x2009;
	v44 =	vld.idx.msk [tilespmem:v39+s2+$0x0], $0xffff  }
0x633: {  	v45 =	vor.u32 s5, v0;
	v46 =	vadd.f32 v4, v10  }
0x634: {  	s3 =	simm.s32 $0x200A;
	v4 =	vld.idx.msk [tilespmem:v41+s2+$0x0], $0xffff  }
0x635: {  	v47 =	vor.u32 s3, v0;
	v48 =	vadd.f32 v5, v46  }
0x636: {  	s4 =	simm.s32 $0x200B;
	v5 =	vld.idx.msk [tilespmem:v43+s2+$0x0], $0xffff  }
0x637: {  	v49 =	vor.u32 s4, v0;
	v16 =	vadd.f32 v44, v48  }
0x638: {  	s5 =	simm.s32 $0x200C;
	v50 =	vld.idx.msk [tilespmem:v45+s2+$0x0], $0xffff  }
0x639: {  	v51 =	vor.u32 s5, v0;
	v52 =	vadd.f32 v4, v16  }
0x63a: {  	s3 =	simm.s32 $0x200D;
	v53 =	vld.idx.msk [tilespmem:v47+s2+$0x0], $0xffff  }
0x63b: {  	v54 =	vor.u32 s3, v0;
	v55 =	vadd.f32 v5, v52  }
0x63c: {  	s4 =	simm.s32 $0x200E;
	v56 =	vld.idx.msk [tilespmem:v49+s2+$0x0], $0xffff  }
0x63d: {  	v4 =	vor.u32 s4, v0;
	v22 =	vadd.f32 v50, v55  }
0x63e: {  	s5 =	simm.s32 $0x200F;
	v57 =	vld.idx.msk [tilespmem:v51+s2+$0x0], $0xffff  }
0x63f: {  	v5 =	vor.u32 s5, v0;
	v25 =	vadd.f32 v53, v22  }
0x640: {  	v58 =	vld.idx.msk [tilespmem:v54+s2+$0x0], $0xffff  }
0x641: {  	v28 =	vadd.f32 v56, v25  }
0x642: {  	v59 =	vld.idx.msk [tilespmem:v4+s2+$0x0], $0xffff  }
0x643: {  	v29 =	vadd.f32 v57, v28  }
0x644: {  	v60 =	vld.idx.msk [tilespmem:v5+s2+$0x0], $0xffff  }
0x645: {  	v30 =	vadd.f32 v58, v29;
	_ =	sdelay $0x1  }
0x646: {  	v31 =	vadd.f32 v59, v30;
	_ =	sdelay $0x1  }
0x647: {  	v32 =	vadd.f32 v60, v31;
	_ =	sdelay $0x1  }
0x648: {  	(xrf2) =	vadd.scan.msk.f32 $0xffff, v32;
	_ =	sdelay $0x9  }
0x649: {  	v61, _, _ =	vpop (xrf2)  }
0x64a: {  	s0 =	sadd.f32 s0, s29;
	v62 =	vsub.f32 v61, v32;
	_ =	sdelay $0x1  }
0x64b: {  	v63 =	vadd.f32 s0, v62  }
0x64c: {  	(v2sf) =	vpush v61, $0xF  }
0x64d: {  	v7 =	vadd.f32 v63, v7  }
0x64e: {  	v12 =	vadd.f32 v63, v40  }
0x64f: {  	v14 =	vadd.f32 v63, v42;
	[tilespmem:v1+s2+$0x0] =	vst.idx.msk $0xffff, v7  }
0x650: {  	v1 =	vadd.f32 v63, v10;
	[tilespmem:v2+s2+$0x0] =	vst.idx.msk $0xffff, v12  }
0x651: {  	v2 =	vadd.f32 v63, v46;
	[tilespmem:v3+s2+$0x0] =	vst.idx.msk $0xffff, v14  }
0x652: {  	v3 =	vadd.f32 v63, v48;
	[tilespmem:v6+s2+$0x0] =	vst.idx.msk $0xffff, v1  }
0x653: {  	v1 =	vadd.f32 v63, v16;
	[tilespmem:v8+s2+$0x0] =	vst.idx.msk $0xffff, v2  }
0x654: {  	v2 =	vadd.f32 v63, v52;
	[tilespmem:v37+s2+$0x0] =	vst.idx.msk $0xffff, v3  }
0x655: {  	v3 =	vadd.f32 v63, v55;
	[tilespmem:v39+s2+$0x0] =	vst.idx.msk $0xffff, v1  }
0x656: {  	v1 =	vadd.f32 v63, v22;
	[tilespmem:v41+s2+$0x0] =	vst.idx.msk $0xffff, v2  }
0x657: {  	v2 =	vadd.f32 v63, v25;
	[tilespmem:v43+s2+$0x0] =	vst.idx.msk $0xffff, v3  }
0x658: {  	v3 =	vadd.f32 v63, v28;
	[tilespmem:v45+s2+$0x0] =	vst.idx.msk $0xffff, v1  }
0x659: {  	v1 =	vadd.f32 v63, v29;
	[tilespmem:v47+s2+$0x0] =	vst.idx.msk $0xffff, v2  }
0x65a: {  	s3 =	simm.s32 $0x2100;
	v8 =	vadd.f32 v63, v30;
	[tilespmem:v49+s2+$0x0] =	vst.idx.msk $0xffff, v3  }
0x65b: {  	s4 =	simm.s32 $0x2101;
	s5 =	simm.s32 $0x2102;
	v7 =	vadd.f32 v63, v32;
	s1 =	spop (v2sf);
	v3 =	vor.u32 s3, v0;
	[tilespmem:v51+s2+$0x0] =	vst.idx.msk $0xffff, v1  }
0x65c: {  	s31 =	simm.s32 $0x220F;
	s30 =	simm.s32 $0x210F;
	v6 =	vadd.f32 v63, v31;
	s29 =	sadd.f32 s1, s0;
	v2 =	vor.u32 s5, v0;
	v1 =	vor.u32 s4, v0;
	[tilespmem:v54+s2+$0x0] =	vst.idx.msk $0xffff, v8  }
.LBB2_20:
0x65d: {  	p0 =	sne.s32 s31, $0x3F0F  }
0x65e: {  	s1 =	sadd.s32 $0xFFFFFFF4, s30;
	[tilespmem:v4+s2+$0x0] =	vst.idx.msk $0xffff, v6;
	s0 =	smov.u32 s31;
	s31 =	sadd.s32 $0x100, s31  }
0x65f: {  	v6 =	vor.u32 s1, v0;
	[tilespmem:v5+s2+$0x0] =	vst.idx.msk $0xffff, v7  }
0x660: {  	s1 =	sadd.s32 $0xFFFFFFF5, s30;
	v9 =	vld.idx.msk [tilespmem:v3+s2+$0x0], $0xffff  }
0x661: {  	v7 =	vor.u32 s1, v0;
	v4 =	vld.idx.msk [tilespmem:v1+s2+$0x0], $0xffff  }
0x662: {  	s1 =	sadd.s32 $0xFFFFFFF6, s30;
	v5 =	vld.idx.msk [tilespmem:v2+s2+$0x0], $0xffff  }
0x663: {  	v8 =	vor.u32 s1, v0  }
0x664: {  	s1 =	sadd.s32 $0xFFFFFFF7, s30;
	v10 =	vld.idx.msk [tilespmem:v6+s2+$0x0], $0xffff  }
0x665: {  	v11 =	vor.u32 s1, v0  }
0x666: {  	s1 =	sadd.s32 $0xFFFFFFF8, s30;
	v12 =	vld.idx.msk [tilespmem:v7+s2+$0x0], $0xffff  }
0x667: {  	v13 =	vor.u32 s1, v0;
	v14 =	vadd.f32 v4, v9  }
0x668: {  	s1 =	sadd.s32 $0xFFFFFFF9, s30;
	v4 =	vld.idx.msk [tilespmem:v8+s2+$0x0], $0xffff  }
0x669: {  	v15 =	vor.u32 s1, v0;
	v16 =	vadd.f32 v5, v14  }
0x66a: {  	s1 =	sadd.s32 $0xFFFFFFFA, s30;
	v5 =	vld.idx.msk [tilespmem:v11+s2+$0x0], $0xffff  }
0x66b: {  	v17 =	vor.u32 s1, v0;
	v10 =	vadd.f32 v10, v16  }
0x66c: {  	s1 =	sadd.s32 $0xFFFFFFFB, s30;
	v18 =	vld.idx.msk [tilespmem:v13+s2+$0x0], $0xffff  }
0x66d: {  	v19 =	vor.u32 s1, v0;
	v12 =	vadd.f32 v12, v10  }
0x66e: {  	s1 =	sadd.s32 $0xFFFFFFFC, s30;
	v20 =	vld.idx.msk [tilespmem:v15+s2+$0x0], $0xffff  }
0x66f: {  	v21 =	vor.u32 s1, v0;
	v22 =	vadd.f32 v4, v12  }
0x670: {  	s1 =	sadd.s32 $0xFFFFFFFD, s30;
	v23 =	vld.idx.msk [tilespmem:v17+s2+$0x0], $0xffff  }
0x671: {  	v24 =	vor.u32 s1, v0;
	v25 =	vadd.f32 v5, v22  }
0x672: {  	s1 =	sadd.s32 $0xFFFFFFFE, s30;
	v26 =	vld.idx.msk [tilespmem:v19+s2+$0x0], $0xffff  }
0x673: {  	v27 =	vor.u32 s1, v0;
	v18 =	vadd.f32 v18, v25  }
0x674: {  	s1 =	sadd.s32 $0xFFFFFFFF, s30;
	v28 =	vld.idx.msk [tilespmem:v21+s2+$0x0], $0xffff  }
0x675: {  	v4 =	vor.u32 s1, v0;
	v20 =	vadd.f32 v20, v18  }
0x676: {  	v29 =	vld.idx.msk [tilespmem:v24+s2+$0x0], $0xffff  }
0x677: {  	v5 =	vor.u32 s30, v0;
	s30 =	smov.u32 s0;
	v23 =	vadd.f32 v23, v20  }
0x678: {  	v30 =	vld.idx.msk [tilespmem:v27+s2+$0x0], $0xffff  }
0x679: {  	v26 =	vadd.f32 v26, v23  }
0x67a: {  	v31 =	vld.idx.msk [tilespmem:v4+s2+$0x0], $0xffff  }
0x67b: {  	v28 =	vadd.f32 v28, v26  }
0x67c: {  	v32 =	vld.idx.msk [tilespmem:v5+s2+$0x0], $0xffff  }
0x67d: {  	v29 =	vadd.f32 v29, v28;
	_ =	sdelay $0x1  }
0x67e: {  	v30 =	vadd.f32 v30, v29;
	_ =	sdelay $0x1  }
0x67f: {  	v31 =	vadd.f32 v31, v30;
	_ =	sdelay $0x1  }
0x680: {  	v32 =	vadd.f32 v32, v31;
	_ =	sdelay $0x1  }
0x681: {  	(xrf2) =	vadd.scan.msk.f32 $0xffff, v32;
	_ =	sdelay $0x9  }
0x682: {  	v33, _, _ =	vpop (xrf2)  }
0x683: {  	v34 =	vsub.f32 v33, v32;
	(v2sf) =	vpush v33, $0xF;
	_ =	sdelay $0x1  }
0x684: {  	v33 =	vadd.f32 s29, v34;
	_ =	sdelay $0x1  }
0x685: {  	v9 =	vadd.f32 v33, v9;
	v14 =	vadd.f32 v33, v14  }
0x686: {  	v16 =	vadd.f32 v33, v16;
	v10 =	vadd.f32 v33, v10  }
0x687: {  	[tilespmem:v3+s2+$0x0] =	vst.idx.msk $0xffff, v9;
	v3 =	vadd.f32 v33, v12;
	v9 =	vadd.f32 v33, v22  }
0x688: {  	v12 =	vadd.f32 v33, v18;
	[tilespmem:v1+s2+$0x0] =	vst.idx.msk $0xffff, v14;
	v1 =	vadd.f32 v33, v25  }
0x689: {  	v14 =	vadd.f32 v33, v23;
	[tilespmem:v2+s2+$0x0] =	vst.idx.msk $0xffff, v16;
	v2 =	vadd.f32 v33, v20  }
0x68a: {  	v16 =	vadd.f32 v33, v28;
	[tilespmem:v6+s2+$0x0] =	vst.idx.msk $0xffff, v10;
	v10 =	vadd.f32 v33, v26  }
0x68b: {  	v18 =	vadd.f32 v33, v29;
	v20 =	vadd.f32 v33, v30;
	[tilespmem:v7+s2+$0x0] =	vst.idx.msk $0xffff, v3  }
0x68c: {  	v6 =	vadd.f32 v33, v31;
	v7 =	vadd.f32 v33, v32;
	[tilespmem:v8+s2+$0x0] =	vst.idx.msk $0xffff, v9  }
0x68d: {  	[tilespmem:v11+s2+$0x0] =	vst.idx.msk $0xffff, v1  }
0x68e: {  	[tilespmem:v13+s2+$0x0] =	vst.idx.msk $0xffff, v12  }
0x68f: {  	[tilespmem:v15+s2+$0x0] =	vst.idx.msk $0xffff, v2  }
.Ltmp9:
0x690: {  	[tilespmem:v17+s2+$0x0] =	vst.idx.msk $0xffff, v14;
	s0 =	spop (v2sf);
	(pc) =	sbr.rel @p0 .LBB2_20-.Ltmp9, $4  }
0x691: {  	s1 =	sadd.s32 $0xFFFFFFF1, s30;
	s3 =	sadd.s32 $0xFFFFFFF2, s30;
	[tilespmem:v19+s2+$0x0] =	vst.idx.msk $0xffff, v10;
	s29 =	sadd.f32 s0, s29  }
0x692: {  	v3 =	vor.u32 s1, v0;
	v1 =	vor.u32 s3, v0;
	[tilespmem:v21+s2+$0x0] =	vst.idx.msk $0xffff, v16  }
0x693: {  	s0 =	sadd.s32 $0xFFFFFFF3, s30;
	[tilespmem:v24+s2+$0x0] =	vst.idx.msk $0xffff, v18  }
0x694: {  	v2 =	vor.u32 s0, v0;
	[tilespmem:v27+s2+$0x0] =	vst.idx.msk $0xffff, v20  }
0x695: {  	_ =	sdelay $0x3  }
0x696: {  	[tilespmem:v4+s2+$0x0] =	vst.idx.msk $0xffff, v6  }
0x697: {  	s0 =	sadd.s32 $0xFFFFFFF4, s30;
	[tilespmem:v5+s2+$0x0] =	vst.idx.msk $0xffff, v7  }
0x698: {  	v4 =	vor.u32 s0, v0;
	v5 =	vld.idx.msk [tilespmem:v3+s2+$0x0], $0xffff  }
0x699: {  	s5 =	sadd.s32 $0xFFFFFFF5, s30;
	v6 =	vld.idx.msk [tilespmem:v1+s2+$0x0], $0xffff  }
0x69a: {  	v7 =	vor.u32 s5, v0  }
0x69b: {  	s1 =	sadd.s32 $0xFFFFFFF6, s30;
	v8 =	vld.idx.msk [tilespmem:v2+s2+$0x0], $0xffff  }
0x69c: {  	v9 =	vor.u32 s1, v0  }
0x69d: {  	s3 =	sadd.s32 $0xFFFFFFF7, s30;
	v10 =	vld.idx.msk [tilespmem:v4+s2+$0x0], $0xffff  }
0x69e: {  	v11 =	vor.u32 s3, v0;
	v6 =	vadd.f32 v6, v5  }
0x69f: {  	s4 =	sadd.s32 $0xFFFFFFF8, s30;
	v12 =	vld.idx.msk [tilespmem:v7+s2+$0x0], $0xffff  }
0x6a0: {  	v13 =	vor.u32 s4, v0;
	v8 =	vadd.f32 v8, v6  }
0x6a1: {  	s5 =	sadd.s32 $0xFFFFFFF9, s30;
	v14 =	vld.idx.msk [tilespmem:v9+s2+$0x0], $0xffff  }
0x6a2: {  	v15 =	vor.u32 s5, v0;
	v10 =	vadd.f32 v10, v8  }
0x6a3: {  	s1 =	sadd.s32 $0xFFFFFFFA, s30;
	v16 =	vld.idx.msk [tilespmem:v11+s2+$0x0], $0xffff  }
0x6a4: {  	v17 =	vor.u32 s1, v0;
	v12 =	vadd.f32 v12, v10  }
0x6a5: {  	s3 =	sadd.s32 $0xFFFFFFFB, s30;
	v18 =	vld.idx.msk [tilespmem:v13+s2+$0x0], $0xffff  }
0x6a6: {  	v19 =	vor.u32 s3, v0;
	v14 =	vadd.f32 v14, v12  }
0x6a7: {  	s4 =	sadd.s32 $0xFFFFFFFC, s30;
	v20 =	vld.idx.msk [tilespmem:v15+s2+$0x0], $0xffff  }
0x6a8: {  	v21 =	vor.u32 s4, v0;
	v16 =	vadd.f32 v16, v14  }
0x6a9: {  	s5 =	sadd.s32 $0xFFFFFFFD, s30;
	v22 =	vld.idx.msk [tilespmem:v17+s2+$0x0], $0xffff  }
0x6aa: {  	v23 =	vor.u32 s5, v0;
	v18 =	vadd.f32 v18, v16  }
0x6ab: {  	s1 =	sadd.s32 $0xFFFFFFFE, s30;
	v24 =	vld.idx.msk [tilespmem:v19+s2+$0x0], $0xffff  }
0x6ac: {  	v25 =	vor.u32 s1, v0;
	v20 =	vadd.f32 v20, v18  }
0x6ad: {  	s3 =	sadd.s32 $0xFFFFFFFF, s30;
	v26 =	vld.idx.msk [tilespmem:v21+s2+$0x0], $0xffff  }
0x6ae: {  	v27 =	vor.u32 s3, v0;
	v22 =	vadd.f32 v22, v20  }
0x6af: {  	v28 =	vld.idx.msk [tilespmem:v23+s2+$0x0], $0xffff  }
0x6b0: {  	v29 =	vor.u32 s30, v0;
	v24 =	vadd.f32 v24, v22  }
0x6b1: {  	v30 =	vld.idx.msk [tilespmem:v25+s2+$0x0], $0xffff  }
0x6b2: {  	v26 =	vadd.f32 v26, v24  }
0x6b3: {  	v31 =	vld.idx.msk [tilespmem:v27+s2+$0x0], $0xffff  }
0x6b4: {  	v28 =	vadd.f32 v28, v26  }
0x6b5: {  	v32 =	vld.idx.msk [tilespmem:v29+s2+$0x0], $0xffff  }
0x6b6: {  	v30 =	vadd.f32 v30, v28;
	_ =	sdelay $0x1  }
0x6b7: {  	v31 =	vadd.f32 v31, v30;
	_ =	sdelay $0x1  }
0x6b8: {  	v32 =	vadd.f32 v32, v31;
	_ =	sdelay $0x1  }
0x6b9: {  	(xrf2) =	vadd.scan.msk.f32 $0xffff, v32;
	_ =	sdelay $0x9  }
0x6ba: {  	v33, _, _ =	vpop (xrf2)  }
0x6bb: {  	v34 =	vsub.f32 v33, v32;
	_ =	sdelay $0x1  }
0x6bc: {  	v34 =	vadd.f32 s29, v34;
	_ =	sdelay $0x1  }
0x6bd: {  	v5 =	vadd.f32 v34, v5  }
0x6be: {  	v6 =	vadd.f32 v34, v6  }
0x6bf: {  	(v2sf) =	vpush v33, $0xF;
	v8 =	vadd.f32 v34, v8;
	[tilespmem:v3+s2+$0x0] =	vst.idx.msk $0xffff, v5  }
0x6c0: {  	v3 =	vadd.f32 v34, v10;
	[tilespmem:v1+s2+$0x0] =	vst.idx.msk $0xffff, v6  }
0x6c1: {  	v1 =	vadd.f32 v34, v12;
	[tilespmem:v2+s2+$0x0] =	vst.idx.msk $0xffff, v8  }
0x6c2: {  	v2 =	vadd.f32 v34, v14;
	[tilespmem:v4+s2+$0x0] =	vst.idx.msk $0xffff, v3  }
0x6c3: {  	v3 =	vadd.f32 v34, v16;
	[tilespmem:v7+s2+$0x0] =	vst.idx.msk $0xffff, v1  }
0x6c4: {  	v1 =	vadd.f32 v34, v18;
	[tilespmem:v9+s2+$0x0] =	vst.idx.msk $0xffff, v2  }
0x6c5: {  	v2 =	vadd.f32 v34, v20;
	[tilespmem:v11+s2+$0x0] =	vst.idx.msk $0xffff, v3  }
0x6c6: {  	v3 =	vadd.f32 v34, v22;
	[tilespmem:v13+s2+$0x0] =	vst.idx.msk $0xffff, v1  }
0x6c7: {  	v1 =	vadd.f32 v34, v24;
	[tilespmem:v15+s2+$0x0] =	vst.idx.msk $0xffff, v2  }
0x6c8: {  	v2 =	vadd.f32 v34, v26;
	[tilespmem:v17+s2+$0x0] =	vst.idx.msk $0xffff, v3  }
0x6c9: {  	v3 =	vadd.f32 v34, v28;
	[tilespmem:v19+s2+$0x0] =	vst.idx.msk $0xffff, v1  }
0x6ca: {  	v1 =	vadd.f32 v34, v30;
	[tilespmem:v21+s2+$0x0] =	vst.idx.msk $0xffff, v2  }
0x6cb: {  	v2 =	vadd.f32 v34, v31;
	[tilespmem:v23+s2+$0x0] =	vst.idx.msk $0xffff, v3  }
0x6cc: {  	v3 =	vadd.f32 v34, v32;
	[tilespmem:v25+s2+$0x0] =	vst.idx.msk $0xffff, v1  }
0x6cd: {  	s1 =	simm.s32 $0x0;
	[tilespmem:v27+s2+$0x0] =	vst.idx.msk $0xffff, v2  }
0x6ce: {  	s3 =	simm.s32 $0x1;
	s0 =	spop (v2sf);
	v1 =	vor.u32 s1, v0;
	[tilespmem:v29+s2+$0x0] =	vst.idx.msk $0xffff, v3  }
0x6cf: {  	v2 =	vor.u32 s3, v0;
	[hbm4b:s13+s20] =	stream.strided.scatter [tilespmem:s2], [sflag:$0x3], $0x4000, s21, s20, $0x38;
	[tilespmem:$0x8000] =	vst v63  }
0x6d0: {  	s4 =	simm.s32 $0x2;
	_ =	swait.ge [sflag:s24], $0x4000  }
0x6d1: {  	v3 =	vor.u32 s4, v0;
	[sflag:s24] =	ssyncset.done $0x0  }
0x6d2: {  	s5 =	simm.s32 $0x3;
	[sflag:s24] =	ssyncadd.s32 $0xFFFFC000  }
0x6d3: {  	v6 =	vor.u32 s5, v0;
	v7 =	vld.idx.msk [tilespmem:v1+s23+$0x0], $0xffff  }
0x6d4: {  	s3 =	simm.s32 $0x4;
	v4 =	vld.idx.msk [tilespmem:v2+s23+$0x0], $0xffff  }
0x6d5: {  	v8 =	vor.u32 s3, v0  }
0x6d6: {  	s4 =	simm.s32 $0x5;
	v5 =	vld.idx.msk [tilespmem:v3+s23+$0x0], $0xffff  }
0x6d7: {  	v37 =	vor.u32 s4, v0  }
0x6d8: {  	s5 =	simm.s32 $0x6;
	v38 =	vld.idx.msk [tilespmem:v6+s23+$0x0], $0xffff  }
0x6d9: {  	v39 =	vor.u32 s5, v0;
	v40 =	vadd.f32 v4, v7  }
0x6da: {  	s3 =	simm.s32 $0x7;
	v4 =	vld.idx.msk [tilespmem:v8+s23+$0x0], $0xffff  }
0x6db: {  	v41 =	vor.u32 s3, v0;
	v42 =	vadd.f32 v5, v40  }
0x6dc: {  	s4 =	simm.s32 $0x8;
	v5 =	vld.idx.msk [tilespmem:v37+s23+$0x0], $0xffff  }
0x6dd: {  	v43 =	vor.u32 s4, v0;
	v10 =	vadd.f32 v38, v42  }
0x6de: {  	s5 =	simm.s32 $0x9;
	v44 =	vld.idx.msk [tilespmem:v39+s23+$0x0], $0xffff  }
0x6df: {  	v45 =	vor.u32 s5, v0;
	v46 =	vadd.f32 v4, v10  }
0x6e0: {  	s3 =	simm.s32 $0xA;
	v4 =	vld.idx.msk [tilespmem:v41+s23+$0x0], $0xffff  }
0x6e1: {  	v47 =	vor.u32 s3, v0;
	v48 =	vadd.f32 v5, v46  }
0x6e2: {  	s4 =	simm.s32 $0xB;
	v5 =	vld.idx.msk [tilespmem:v43+s23+$0x0], $0xffff  }
0x6e3: {  	v49 =	vor.u32 s4, v0;
	v16 =	vadd.f32 v44, v48  }
0x6e4: {  	s5 =	simm.s32 $0xC;
	v50 =	vld.idx.msk [tilespmem:v45+s23+$0x0], $0xffff  }
0x6e5: {  	v51 =	vor.u32 s5, v0;
	v52 =	vadd.f32 v4, v16  }
0x6e6: {  	s3 =	simm.s32 $0xD;
	v53 =	vld.idx.msk [tilespmem:v47+s23+$0x0], $0xffff  }
0x6e7: {  	v54 =	vor.u32 s3, v0;
	v55 =	vadd.f32 v5, v52  }
0x6e8: {  	s4 =	simm.s32 $0xE;
	v56 =	vld.idx.msk [tilespmem:v49+s23+$0x0], $0xffff  }
0x6e9: {  	v4 =	vor.u32 s4, v0;
	v22 =	vadd.f32 v50, v55  }
0x6ea: {  	s5 =	simm.s32 $0xF;
	v57 =	vld.idx.msk [tilespmem:v51+s23+$0x0], $0xffff  }
0x6eb: {  	v5 =	vor.u32 s5, v0;
	v25 =	vadd.f32 v53, v22  }
0x6ec: {  	v58 =	vld.idx.msk [tilespmem:v54+s23+$0x0], $0xffff  }
0x6ed: {  	v28 =	vadd.f32 v56, v25  }
0x6ee: {  	v59 =	vld.idx.msk [tilespmem:v4+s23+$0x0], $0xffff  }
0x6ef: {  	v29 =	vadd.f32 v57, v28  }
0x6f0: {  	v60 =	vld.idx.msk [tilespmem:v5+s23+$0x0], $0xffff  }
0x6f1: {  	v30 =	vadd.f32 v58, v29;
	_ =	sdelay $0x1  }
0x6f2: {  	v31 =	vadd.f32 v59, v30;
	_ =	sdelay $0x1  }
0x6f3: {  	v32 =	vadd.f32 v60, v31;
	_ =	sdelay $0x1  }
0x6f4: {  	(xrf2) =	vadd.scan.msk.f32 $0xffff, v32;
	_ =	sdelay $0x9  }
0x6f5: {  	v61, _, _ =	vpop (xrf2)  }
0x6f6: {  	s0 =	sadd.f32 s0, s29;
	v62 =	vsub.f32 v61, v32;
	_ =	sdelay $0x1  }
0x6f7: {  	v63 =	vadd.f32 s0, v62  }
0x6f8: {  	(v2sf) =	vpush v61, $0xF  }
0x6f9: {  	v7 =	vadd.f32 v63, v7  }
0x6fa: {  	v12 =	vadd.f32 v63, v40  }
0x6fb: {  	v14 =	vadd.f32 v63, v42;
	[tilespmem:v1+s23+$0x0] =	vst.idx.msk $0xffff, v7  }
0x6fc: {  	v1 =	vadd.f32 v63, v10;
	[tilespmem:v2+s23+$0x0] =	vst.idx.msk $0xffff, v12  }
0x6fd: {  	v2 =	vadd.f32 v63, v46;
	[tilespmem:v3+s23+$0x0] =	vst.idx.msk $0xffff, v14  }
0x6fe: {  	v3 =	vadd.f32 v63, v48;
	[tilespmem:v6+s23+$0x0] =	vst.idx.msk $0xffff, v1  }
0x6ff: {  	v1 =	vadd.f32 v63, v16;
	[tilespmem:v8+s23+$0x0] =	vst.idx.msk $0xffff, v2  }
0x700: {  	v2 =	vadd.f32 v63, v52;
	[tilespmem:v37+s23+$0x0] =	vst.idx.msk $0xffff, v3  }
0x701: {  	v3 =	vadd.f32 v63, v55;
	[tilespmem:v39+s23+$0x0] =	vst.idx.msk $0xffff, v1  }
0x702: {  	v1 =	vadd.f32 v63, v22;
	[tilespmem:v41+s23+$0x0] =	vst.idx.msk $0xffff, v2  }
0x703: {  	v2 =	vadd.f32 v63, v25;
	[tilespmem:v43+s23+$0x0] =	vst.idx.msk $0xffff, v3  }
0x704: {  	v3 =	vadd.f32 v63, v28;
	[tilespmem:v45+s23+$0x0] =	vst.idx.msk $0xffff, v1  }
0x705: {  	v1 =	vadd.f32 v63, v29;
	[tilespmem:v47+s23+$0x0] =	vst.idx.msk $0xffff, v2  }
0x706: {  	s3 =	simm.s32 $0x100;
	v8 =	vadd.f32 v63, v30;
	[tilespmem:v49+s23+$0x0] =	vst.idx.msk $0xffff, v3  }
0x707: {  	s4 =	simm.s32 $0x101;
	s5 =	simm.s32 $0x102;
	v7 =	vadd.f32 v63, v32;
	s1 =	spop (v2sf);
	v3 =	vor.u32 s3, v0;
	[tilespmem:v51+s23+$0x0] =	vst.idx.msk $0xffff, v1  }
0x708: {  	s31 =	simm.s32 $0x20F;
	s30 =	simm.s32 $0x10F;
	v6 =	vadd.f32 v63, v31;
	s29 =	sadd.f32 s1, s0;
	v2 =	vor.u32 s5, v0;
	v1 =	vor.u32 s4, v0;
	[tilespmem:v54+s23+$0x0] =	vst.idx.msk $0xffff, v8  }
.LBB2_22:
0x709: {  	p0 =	sne.s32 s31, $0x1F0F  }
0x70a: {  	s1 =	sadd.s32 $0xFFFFFFF4, s30;
	[tilespmem:v4+s23+$0x0] =	vst.idx.msk $0xffff, v6;
	s0 =	smov.u32 s31;
	s31 =	sadd.s32 $0x100, s31  }
0x70b: {  	v6 =	vor.u32 s1, v0;
	[tilespmem:v5+s23+$0x0] =	vst.idx.msk $0xffff, v7  }
0x70c: {  	s1 =	sadd.s32 $0xFFFFFFF5, s30;
	v9 =	vld.idx.msk [tilespmem:v3+s23+$0x0], $0xffff  }
0x70d: {  	v7 =	vor.u32 s1, v0;
	v4 =	vld.idx.msk [tilespmem:v1+s23+$0x0], $0xffff  }
0x70e: {  	s1 =	sadd.s32 $0xFFFFFFF6, s30;
	v5 =	vld.idx.msk [tilespmem:v2+s23+$0x0], $0xffff  }
0x70f: {  	v8 =	vor.u32 s1, v0  }
0x710: {  	s1 =	sadd.s32 $0xFFFFFFF7, s30;
	v10 =	vld.idx.msk [tilespmem:v6+s23+$0x0], $0xffff  }
0x711: {  	v11 =	vor.u32 s1, v0  }
0x712: {  	s1 =	sadd.s32 $0xFFFFFFF8, s30;
	v12 =	vld.idx.msk [tilespmem:v7+s23+$0x0], $0xffff  }
0x713: {  	v13 =	vor.u32 s1, v0;
	v14 =	vadd.f32 v4, v9  }
0x714: {  	s1 =	sadd.s32 $0xFFFFFFF9, s30;
	v4 =	vld.idx.msk [tilespmem:v8+s23+$0x0], $0xffff  }
0x715: {  	v15 =	vor.u32 s1, v0;
	v16 =	vadd.f32 v5, v14  }
0x716: {  	s1 =	sadd.s32 $0xFFFFFFFA, s30;
	v5 =	vld.idx.msk [tilespmem:v11+s23+$0x0], $0xffff  }
0x717: {  	v17 =	vor.u32 s1, v0;
	v10 =	vadd.f32 v10, v16  }
0x718: {  	s1 =	sadd.s32 $0xFFFFFFFB, s30;
	v18 =	vld.idx.msk [tilespmem:v13+s23+$0x0], $0xffff  }
0x719: {  	v19 =	vor.u32 s1, v0;
	v12 =	vadd.f32 v12, v10  }
0x71a: {  	s1 =	sadd.s32 $0xFFFFFFFC, s30;
	v20 =	vld.idx.msk [tilespmem:v15+s23+$0x0], $0xffff  }
0x71b: {  	v21 =	vor.u32 s1, v0;
	v22 =	vadd.f32 v4, v12  }
0x71c: {  	s1 =	sadd.s32 $0xFFFFFFFD, s30;
	v23 =	vld.idx.msk [tilespmem:v17+s23+$0x0], $0xffff  }
0x71d: {  	v24 =	vor.u32 s1, v0;
	v25 =	vadd.f32 v5, v22  }
0x71e: {  	s1 =	sadd.s32 $0xFFFFFFFE, s30;
	v26 =	vld.idx.msk [tilespmem:v19+s23+$0x0], $0xffff  }
0x71f: {  	v27 =	vor.u32 s1, v0;
	v18 =	vadd.f32 v18, v25  }
0x720: {  	s1 =	sadd.s32 $0xFFFFFFFF, s30;
	v28 =	vld.idx.msk [tilespmem:v21+s23+$0x0], $0xffff  }
0x721: {  	v4 =	vor.u32 s1, v0;
	v20 =	vadd.f32 v20, v18  }
0x722: {  	v29 =	vld.idx.msk [tilespmem:v24+s23+$0x0], $0xffff  }
0x723: {  	v5 =	vor.u32 s30, v0;
	s30 =	smov.u32 s0;
	v23 =	vadd.f32 v23, v20  }
0x724: {  	v30 =	vld.idx.msk [tilespmem:v27+s23+$0x0], $0xffff  }
0x725: {  	v26 =	vadd.f32 v26, v23  }
0x726: {  	v31 =	vld.idx.msk [tilespmem:v4+s23+$0x0], $0xffff  }
0x727: {  	v28 =	vadd.f32 v28, v26  }
0x728: {  	v32 =	vld.idx.msk [tilespmem:v5+s23+$0x0], $0xffff  }
0x729: {  	v29 =	vadd.f32 v29, v28;
	_ =	sdelay $0x1  }
0x72a: {  	v30 =	vadd.f32 v30, v29;
	_ =	sdelay $0x1  }
0x72b: {  	v31 =	vadd.f32 v31, v30;
	_ =	sdelay $0x1  }
0x72c: {  	v32 =	vadd.f32 v32, v31;
	_ =	sdelay $0x1  }
0x72d: {  	(xrf2) =	vadd.scan.msk.f32 $0xffff, v32;
	_ =	sdelay $0x9  }
0x72e: {  	v33, _, _ =	vpop (xrf2)  }
0x72f: {  	v34 =	vsub.f32 v33, v32;
	(v2sf) =	vpush v33, $0xF;
	_ =	sdelay $0x1  }
0x730: {  	v33 =	vadd.f32 s29, v34;
	_ =	sdelay $0x1  }
0x731: {  	v9 =	vadd.f32 v33, v9;
	v14 =	vadd.f32 v33, v14  }
0x732: {  	v16 =	vadd.f32 v33, v16;
	v10 =	vadd.f32 v33, v10  }
0x733: {  	[tilespmem:v3+s23+$0x0] =	vst.idx.msk $0xffff, v9;
	v3 =	vadd.f32 v33, v12;
	v9 =	vadd.f32 v33, v22  }
0x734: {  	v12 =	vadd.f32 v33, v18;
	[tilespmem:v1+s23+$0x0] =	vst.idx.msk $0xffff, v14;
	v1 =	vadd.f32 v33, v25  }
0x735: {  	v14 =	vadd.f32 v33, v23;
	[tilespmem:v2+s23+$0x0] =	vst.idx.msk $0xffff, v16;
	v2 =	vadd.f32 v33, v20  }
0x736: {  	v16 =	vadd.f32 v33, v28;
	[tilespmem:v6+s23+$0x0] =	vst.idx.msk $0xffff, v10;
	v10 =	vadd.f32 v33, v26  }
0x737: {  	v18 =	vadd.f32 v33, v29;
	v20 =	vadd.f32 v33, v30;
	[tilespmem:v7+s23+$0x0] =	vst.idx.msk $0xffff, v3  }
0x738: {  	v6 =	vadd.f32 v33, v31;
	v7 =	vadd.f32 v33, v32;
	[tilespmem:v8+s23+$0x0] =	vst.idx.msk $0xffff, v9  }
0x739: {  	[tilespmem:v11+s23+$0x0] =	vst.idx.msk $0xffff, v1  }
0x73a: {  	[tilespmem:v13+s23+$0x0] =	vst.idx.msk $0xffff, v12  }
0x73b: {  	[tilespmem:v15+s23+$0x0] =	vst.idx.msk $0xffff, v2  }
.Ltmp10:
0x73c: {  	[tilespmem:v17+s23+$0x0] =	vst.idx.msk $0xffff, v14;
	s0 =	spop (v2sf);
	(pc) =	sbr.rel @p0 .LBB2_22-.Ltmp10, $4  }
0x73d: {  	s1 =	sadd.s32 $0xFFFFFFF1, s30;
	s3 =	sadd.s32 $0xFFFFFFF2, s30;
	[tilespmem:v19+s23+$0x0] =	vst.idx.msk $0xffff, v10;
	s29 =	sadd.f32 s0, s29  }
0x73e: {  	v3 =	vor.u32 s1, v0;
	v1 =	vor.u32 s3, v0;
	[tilespmem:v21+s23+$0x0] =	vst.idx.msk $0xffff, v16  }
0x73f: {  	s0 =	sadd.s32 $0xFFFFFFF3, s30;
	[tilespmem:v24+s23+$0x0] =	vst.idx.msk $0xffff, v18  }
0x740: {  	v2 =	vor.u32 s0, v0;
	[tilespmem:v27+s23+$0x0] =	vst.idx.msk $0xffff, v20  }
0x741: {  	_ =	sdelay $0x3  }
0x742: {  	[tilespmem:v4+s23+$0x0] =	vst.idx.msk $0xffff, v6  }
0x743: {  	s0 =	sadd.s32 $0xFFFFFFF4, s30;
	[tilespmem:v5+s23+$0x0] =	vst.idx.msk $0xffff, v7  }
0x744: {  	v4 =	vor.u32 s0, v0;
	v5 =	vld.idx.msk [tilespmem:v3+s23+$0x0], $0xffff  }
0x745: {  	s5 =	sadd.s32 $0xFFFFFFF5, s30;
	v6 =	vld.idx.msk [tilespmem:v1+s23+$0x0], $0xffff  }
0x746: {  	v7 =	vor.u32 s5, v0  }
0x747: {  	s1 =	sadd.s32 $0xFFFFFFF6, s30;
	v8 =	vld.idx.msk [tilespmem:v2+s23+$0x0], $0xffff  }
0x748: {  	v9 =	vor.u32 s1, v0  }
0x749: {  	s3 =	sadd.s32 $0xFFFFFFF7, s30;
	v10 =	vld.idx.msk [tilespmem:v4+s23+$0x0], $0xffff  }
0x74a: {  	v11 =	vor.u32 s3, v0;
	v6 =	vadd.f32 v6, v5  }
0x74b: {  	s4 =	sadd.s32 $0xFFFFFFF8, s30;
	v12 =	vld.idx.msk [tilespmem:v7+s23+$0x0], $0xffff  }
0x74c: {  	v13 =	vor.u32 s4, v0;
	v8 =	vadd.f32 v8, v6  }
0x74d: {  	s5 =	sadd.s32 $0xFFFFFFF9, s30;
	v14 =	vld.idx.msk [tilespmem:v9+s23+$0x0], $0xffff  }
0x74e: {  	v15 =	vor.u32 s5, v0;
	v10 =	vadd.f32 v10, v8  }
0x74f: {  	s1 =	sadd.s32 $0xFFFFFFFA, s30;
	v16 =	vld.idx.msk [tilespmem:v11+s23+$0x0], $0xffff  }
0x750: {  	v17 =	vor.u32 s1, v0;
	v12 =	vadd.f32 v12, v10  }
0x751: {  	s3 =	sadd.s32 $0xFFFFFFFB, s30;
	v18 =	vld.idx.msk [tilespmem:v13+s23+$0x0], $0xffff  }
0x752: {  	v19 =	vor.u32 s3, v0;
	v14 =	vadd.f32 v14, v12  }
0x753: {  	s4 =	sadd.s32 $0xFFFFFFFC, s30;
	v20 =	vld.idx.msk [tilespmem:v15+s23+$0x0], $0xffff  }
0x754: {  	v21 =	vor.u32 s4, v0;
	v16 =	vadd.f32 v16, v14  }
0x755: {  	s5 =	sadd.s32 $0xFFFFFFFD, s30;
	v22 =	vld.idx.msk [tilespmem:v17+s23+$0x0], $0xffff  }
0x756: {  	v23 =	vor.u32 s5, v0;
	v18 =	vadd.f32 v18, v16  }
0x757: {  	s1 =	sadd.s32 $0xFFFFFFFE, s30;
	v24 =	vld.idx.msk [tilespmem:v19+s23+$0x0], $0xffff  }
0x758: {  	v25 =	vor.u32 s1, v0;
	v20 =	vadd.f32 v20, v18  }
0x759: {  	s3 =	sadd.s32 $0xFFFFFFFF, s30;
	v26 =	vld.idx.msk [tilespmem:v21+s23+$0x0], $0xffff  }
0x75a: {  	v27 =	vor.u32 s3, v0;
	v22 =	vadd.f32 v22, v20  }
0x75b: {  	v28 =	vld.idx.msk [tilespmem:v23+s23+$0x0], $0xffff  }
0x75c: {  	v29 =	vor.u32 s30, v0;
	v24 =	vadd.f32 v24, v22  }
0x75d: {  	v30 =	vld.idx.msk [tilespmem:v25+s23+$0x0], $0xffff  }
0x75e: {  	v26 =	vadd.f32 v26, v24  }
0x75f: {  	v31 =	vld.idx.msk [tilespmem:v27+s23+$0x0], $0xffff  }
0x760: {  	v28 =	vadd.f32 v28, v26  }
0x761: {  	v32 =	vld.idx.msk [tilespmem:v29+s23+$0x0], $0xffff  }
0x762: {  	v30 =	vadd.f32 v30, v28;
	_ =	sdelay $0x1  }
0x763: {  	v31 =	vadd.f32 v31, v30;
	_ =	sdelay $0x1  }
0x764: {  	v32 =	vadd.f32 v32, v31;
	_ =	sdelay $0x1  }
0x765: {  	(xrf2) =	vadd.scan.msk.f32 $0xffff, v32;
	_ =	sdelay $0x9  }
0x766: {  	v33, _, _ =	vpop (xrf2)  }
0x767: {  	v34 =	vsub.f32 v33, v32;
	_ =	sdelay $0x1  }
0x768: {  	v34 =	vadd.f32 s29, v34;
	_ =	sdelay $0x1  }
0x769: {  	v5 =	vadd.f32 v34, v5  }
0x76a: {  	v6 =	vadd.f32 v34, v6  }
0x76b: {  	(v2sf) =	vpush v33, $0xF;
	v8 =	vadd.f32 v34, v8;
	[tilespmem:v3+s23+$0x0] =	vst.idx.msk $0xffff, v5  }
0x76c: {  	v3 =	vadd.f32 v34, v10;
	[tilespmem:v1+s23+$0x0] =	vst.idx.msk $0xffff, v6  }
0x76d: {  	v1 =	vadd.f32 v34, v12;
	[tilespmem:v2+s23+$0x0] =	vst.idx.msk $0xffff, v8  }
0x76e: {  	v2 =	vadd.f32 v34, v14;
	[tilespmem:v4+s23+$0x0] =	vst.idx.msk $0xffff, v3  }
0x76f: {  	v3 =	vadd.f32 v34, v16;
	[tilespmem:v7+s23+$0x0] =	vst.idx.msk $0xffff, v1  }
0x770: {  	v1 =	vadd.f32 v34, v18;
	[tilespmem:v9+s23+$0x0] =	vst.idx.msk $0xffff, v2  }
0x771: {  	v2 =	vadd.f32 v34, v20;
	[tilespmem:v11+s23+$0x0] =	vst.idx.msk $0xffff, v3  }
0x772: {  	v3 =	vadd.f32 v34, v22;
	[tilespmem:v13+s23+$0x0] =	vst.idx.msk $0xffff, v1  }
0x773: {  	v1 =	vadd.f32 v34, v24;
	[tilespmem:v15+s23+$0x0] =	vst.idx.msk $0xffff, v2  }
0x774: {  	v2 =	vadd.f32 v34, v26;
	[tilespmem:v17+s23+$0x0] =	vst.idx.msk $0xffff, v3  }
0x775: {  	v3 =	vadd.f32 v34, v28;
	[tilespmem:v19+s23+$0x0] =	vst.idx.msk $0xffff, v1  }
0x776: {  	v1 =	vadd.f32 v34, v30;
	[tilespmem:v21+s23+$0x0] =	vst.idx.msk $0xffff, v2  }
0x777: {  	v2 =	vadd.f32 v34, v31;
	[tilespmem:v23+s23+$0x0] =	vst.idx.msk $0xffff, v3  }
0x778: {  	v3 =	vadd.f32 v34, v32;
	[tilespmem:v25+s23+$0x0] =	vst.idx.msk $0xffff, v1  }
0x779: {  	s1 =	simm.s32 $0x2000;
	[tilespmem:v27+s23+$0x0] =	vst.idx.msk $0xffff, v2  }
0x77a: {  	s3 =	simm.s32 $0x2001;
	s0 =	spop (v2sf);
	v1 =	vor.u32 s1, v0;
	[tilespmem:v29+s23+$0x0] =	vst.idx.msk $0xffff, v3  }
0x77b: {  	v2 =	vor.u32 s3, v0;
	_ =	swait.ge [sflag:s25], $0x4000  }
0x77c: {  	s4 =	simm.s32 $0x2002;
	[sflag:s25] =	ssyncset.done $0x0  }
0x77d: {  	s5 =	simm.s32 $0x2003;
	v3 =	vor.u32 s4, v0;
	[sflag:s25] =	ssyncadd.s32 $0xFFFFC000  }
0x77e: {  	[tilespmem:s2], [sflag:$0x1] =	stream.strided.gather [hbm4b:s14+s20], $0x4000, s21, s20, $0x38;
	[tilespmem:$0x8000] =	vst v63  }
0x77f: {  	v6 =	vor.u32 s5, v0;
	v7 =	vld.idx.msk [tilespmem:v1+s23+$0x0], $0xffff  }
0x780: {  	s3 =	simm.s32 $0x2004;
	v4 =	vld.idx.msk [tilespmem:v2+s23+$0x0], $0xffff  }
0x781: {  	v8 =	vor.u32 s3, v0  }
0x782: {  	s4 =	simm.s32 $0x2005;
	v5 =	vld.idx.msk [tilespmem:v3+s23+$0x0], $0xffff  }
0x783: {  	v37 =	vor.u32 s4, v0  }
0x784: {  	s5 =	simm.s32 $0x2006;
	v38 =	vld.idx.msk [tilespmem:v6+s23+$0x0], $0xffff  }
0x785: {  	v39 =	vor.u32 s5, v0;
	v40 =	vadd.f32 v4, v7  }
0x786: {  	s3 =	simm.s32 $0x2007;
	v4 =	vld.idx.msk [tilespmem:v8+s23+$0x0], $0xffff  }
0x787: {  	v41 =	vor.u32 s3, v0;
	v42 =	vadd.f32 v5, v40  }
0x788: {  	s4 =	simm.s32 $0x2008;
	v5 =	vld.idx.msk [tilespmem:v37+s23+$0x0], $0xffff  }
0x789: {  	v43 =	vor.u32 s4, v0;
	v10 =	vadd.f32 v38, v42  }
0x78a: {  	s5 =	simm.s32 $0x2009;
	v44 =	vld.idx.msk [tilespmem:v39+s23+$0x0], $0xffff  }
0x78b: {  	v45 =	vor.u32 s5, v0;
	v46 =	vadd.f32 v4, v10  }
0x78c: {  	s3 =	simm.s32 $0x200A;
	v4 =	vld.idx.msk [tilespmem:v41+s23+$0x0], $0xffff  }
0x78d: {  	v47 =	vor.u32 s3, v0;
	v48 =	vadd.f32 v5, v46  }
0x78e: {  	s4 =	simm.s32 $0x200B;
	v5 =	vld.idx.msk [tilespmem:v43+s23+$0x0], $0xffff  }
0x78f: {  	v49 =	vor.u32 s4, v0;
	v16 =	vadd.f32 v44, v48  }
0x790: {  	s5 =	simm.s32 $0x200C;
	v50 =	vld.idx.msk [tilespmem:v45+s23+$0x0], $0xffff  }
0x791: {  	v51 =	vor.u32 s5, v0;
	v52 =	vadd.f32 v4, v16  }
0x792: {  	s3 =	simm.s32 $0x200D;
	v53 =	vld.idx.msk [tilespmem:v47+s23+$0x0], $0xffff  }
0x793: {  	v54 =	vor.u32 s3, v0;
	v55 =	vadd.f32 v5, v52  }
0x794: {  	s4 =	simm.s32 $0x200E;
	v56 =	vld.idx.msk [tilespmem:v49+s23+$0x0], $0xffff  }
0x795: {  	v4 =	vor.u32 s4, v0;
	v22 =	vadd.f32 v50, v55  }
0x796: {  	s5 =	simm.s32 $0x200F;
	v57 =	vld.idx.msk [tilespmem:v51+s23+$0x0], $0xffff  }
0x797: {  	v5 =	vor.u32 s5, v0;
	v25 =	vadd.f32 v53, v22  }
0x798: {  	v58 =	vld.idx.msk [tilespmem:v54+s23+$0x0], $0xffff  }
0x799: {  	v28 =	vadd.f32 v56, v25  }
0x79a: {  	v59 =	vld.idx.msk [tilespmem:v4+s23+$0x0], $0xffff  }
0x79b: {  	v29 =	vadd.f32 v57, v28  }
0x79c: {  	v60 =	vld.idx.msk [tilespmem:v5+s23+$0x0], $0xffff  }
0x79d: {  	v30 =	vadd.f32 v58, v29;
	_ =	sdelay $0x1  }
0x79e: {  	v31 =	vadd.f32 v59, v30;
	_ =	sdelay $0x1  }
0x79f: {  	v32 =	vadd.f32 v60, v31;
	_ =	sdelay $0x1  }
0x7a0: {  	(xrf2) =	vadd.scan.msk.f32 $0xffff, v32;
	_ =	sdelay $0x9  }
0x7a1: {  	v61, _, _ =	vpop (xrf2)  }
0x7a2: {  	s0 =	sadd.f32 s0, s29;
	v62 =	vsub.f32 v61, v32;
	_ =	sdelay $0x1  }
0x7a3: {  	v63 =	vadd.f32 s0, v62  }
0x7a4: {  	(v2sf) =	vpush v61, $0xF  }
0x7a5: {  	v7 =	vadd.f32 v63, v7  }
0x7a6: {  	v12 =	vadd.f32 v63, v40  }
0x7a7: {  	v14 =	vadd.f32 v63, v42;
	[tilespmem:v1+s23+$0x0] =	vst.idx.msk $0xffff, v7  }
0x7a8: {  	v1 =	vadd.f32 v63, v10;
	[tilespmem:v2+s23+$0x0] =	vst.idx.msk $0xffff, v12  }
0x7a9: {  	v2 =	vadd.f32 v63, v46;
	[tilespmem:v3+s23+$0x0] =	vst.idx.msk $0xffff, v14  }
0x7aa: {  	v3 =	vadd.f32 v63, v48;
	[tilespmem:v6+s23+$0x0] =	vst.idx.msk $0xffff, v1  }
0x7ab: {  	v1 =	vadd.f32 v63, v16;
	[tilespmem:v8+s23+$0x0] =	vst.idx.msk $0xffff, v2  }
0x7ac: {  	v2 =	vadd.f32 v63, v52;
	[tilespmem:v37+s23+$0x0] =	vst.idx.msk $0xffff, v3  }
0x7ad: {  	v3 =	vadd.f32 v63, v55;
	[tilespmem:v39+s23+$0x0] =	vst.idx.msk $0xffff, v1  }
0x7ae: {  	v1 =	vadd.f32 v63, v22;
	[tilespmem:v41+s23+$0x0] =	vst.idx.msk $0xffff, v2  }
0x7af: {  	v2 =	vadd.f32 v63, v25;
	[tilespmem:v43+s23+$0x0] =	vst.idx.msk $0xffff, v3  }
0x7b0: {  	v3 =	vadd.f32 v63, v28;
	[tilespmem:v45+s23+$0x0] =	vst.idx.msk $0xffff, v1  }
0x7b1: {  	v1 =	vadd.f32 v63, v29;
	[tilespmem:v47+s23+$0x0] =	vst.idx.msk $0xffff, v2  }
0x7b2: {  	s3 =	simm.s32 $0x2100;
	v8 =	vadd.f32 v63, v30;
	[tilespmem:v49+s23+$0x0] =	vst.idx.msk $0xffff, v3  }
0x7b3: {  	s4 =	simm.s32 $0x2101;
	s5 =	simm.s32 $0x2102;
	v7 =	vadd.f32 v63, v32;
	s1 =	spop (v2sf);
	v3 =	vor.u32 s3, v0;
	[tilespmem:v51+s23+$0x0] =	vst.idx.msk $0xffff, v1  }
0x7b4: {  	s31 =	simm.s32 $0x220F;
	s30 =	simm.s32 $0x210F;
	v6 =	vadd.f32 v63, v31;
	s29 =	sadd.f32 s1, s0;
	v2 =	vor.u32 s5, v0;
	v1 =	vor.u32 s4, v0;
	[tilespmem:v54+s23+$0x0] =	vst.idx.msk $0xffff, v8  }
.LBB2_24:
0x7b5: {  	p0 =	sne.s32 s31, $0x3F0F  }
0x7b6: {  	s1 =	sadd.s32 $0xFFFFFFF4, s30;
	[tilespmem:v4+s23+$0x0] =	vst.idx.msk $0xffff, v6;
	s0 =	smov.u32 s31;
	s31 =	sadd.s32 $0x100, s31  }
0x7b7: {  	v6 =	vor.u32 s1, v0;
	[tilespmem:v5+s23+$0x0] =	vst.idx.msk $0xffff, v7  }
0x7b8: {  	s1 =	sadd.s32 $0xFFFFFFF5, s30;
	v9 =	vld.idx.msk [tilespmem:v3+s23+$0x0], $0xffff  }
0x7b9: {  	v7 =	vor.u32 s1, v0;
	v4 =	vld.idx.msk [tilespmem:v1+s23+$0x0], $0xffff  }
0x7ba: {  	s1 =	sadd.s32 $0xFFFFFFF6, s30;
	v5 =	vld.idx.msk [tilespmem:v2+s23+$0x0], $0xffff  }
0x7bb: {  	v8 =	vor.u32 s1, v0  }
0x7bc: {  	s1 =	sadd.s32 $0xFFFFFFF7, s30;
	v10 =	vld.idx.msk [tilespmem:v6+s23+$0x0], $0xffff  }
0x7bd: {  	v11 =	vor.u32 s1, v0  }
0x7be: {  	s1 =	sadd.s32 $0xFFFFFFF8, s30;
	v12 =	vld.idx.msk [tilespmem:v7+s23+$0x0], $0xffff  }
0x7bf: {  	v13 =	vor.u32 s1, v0;
	v14 =	vadd.f32 v4, v9  }
0x7c0: {  	s1 =	sadd.s32 $0xFFFFFFF9, s30;
	v4 =	vld.idx.msk [tilespmem:v8+s23+$0x0], $0xffff  }
0x7c1: {  	v15 =	vor.u32 s1, v0;
	v16 =	vadd.f32 v5, v14  }
0x7c2: {  	s1 =	sadd.s32 $0xFFFFFFFA, s30;
	v5 =	vld.idx.msk [tilespmem:v11+s23+$0x0], $0xffff  }
0x7c3: {  	v17 =	vor.u32 s1, v0;
	v10 =	vadd.f32 v10, v16  }
0x7c4: {  	s1 =	sadd.s32 $0xFFFFFFFB, s30;
	v18 =	vld.idx.msk [tilespmem:v13+s23+$0x0], $0xffff  }
0x7c5: {  	v19 =	vor.u32 s1, v0;
	v12 =	vadd.f32 v12, v10  }
0x7c6: {  	s1 =	sadd.s32 $0xFFFFFFFC, s30;
	v20 =	vld.idx.msk [tilespmem:v15+s23+$0x0], $0xffff  }
0x7c7: {  	v21 =	vor.u32 s1, v0;
	v22 =	vadd.f32 v4, v12  }
0x7c8: {  	s1 =	sadd.s32 $0xFFFFFFFD, s30;
	v23 =	vld.idx.msk [tilespmem:v17+s23+$0x0], $0xffff  }
0x7c9: {  	v24 =	vor.u32 s1, v0;
	v25 =	vadd.f32 v5, v22  }
0x7ca: {  	s1 =	sadd.s32 $0xFFFFFFFE, s30;
	v26 =	vld.idx.msk [tilespmem:v19+s23+$0x0], $0xffff  }
0x7cb: {  	v27 =	vor.u32 s1, v0;
	v18 =	vadd.f32 v18, v25  }
0x7cc: {  	s1 =	sadd.s32 $0xFFFFFFFF, s30;
	v28 =	vld.idx.msk [tilespmem:v21+s23+$0x0], $0xffff  }
0x7cd: {  	v4 =	vor.u32 s1, v0;
	v20 =	vadd.f32 v20, v18  }
0x7ce: {  	v29 =	vld.idx.msk [tilespmem:v24+s23+$0x0], $0xffff  }
0x7cf: {  	v5 =	vor.u32 s30, v0;
	s30 =	smov.u32 s0;
	v23 =	vadd.f32 v23, v20  }
0x7d0: {  	v30 =	vld.idx.msk [tilespmem:v27+s23+$0x0], $0xffff  }
0x7d1: {  	v26 =	vadd.f32 v26, v23  }
0x7d2: {  	v31 =	vld.idx.msk [tilespmem:v4+s23+$0x0], $0xffff  }
0x7d3: {  	v28 =	vadd.f32 v28, v26  }
0x7d4: {  	v32 =	vld.idx.msk [tilespmem:v5+s23+$0x0], $0xffff  }
0x7d5: {  	v29 =	vadd.f32 v29, v28;
	_ =	sdelay $0x1  }
0x7d6: {  	v30 =	vadd.f32 v30, v29;
	_ =	sdelay $0x1  }
0x7d7: {  	v31 =	vadd.f32 v31, v30;
	_ =	sdelay $0x1  }
0x7d8: {  	v32 =	vadd.f32 v32, v31;
	_ =	sdelay $0x1  }
0x7d9: {  	(xrf2) =	vadd.scan.msk.f32 $0xffff, v32;
	_ =	sdelay $0x9  }
0x7da: {  	v33, _, _ =	vpop (xrf2)  }
0x7db: {  	v34 =	vsub.f32 v33, v32;
	(v2sf) =	vpush v33, $0xF;
	_ =	sdelay $0x1  }
0x7dc: {  	v33 =	vadd.f32 s29, v34;
	_ =	sdelay $0x1  }
0x7dd: {  	v9 =	vadd.f32 v33, v9;
	v14 =	vadd.f32 v33, v14  }
0x7de: {  	v16 =	vadd.f32 v33, v16;
	v10 =	vadd.f32 v33, v10  }
0x7df: {  	[tilespmem:v3+s23+$0x0] =	vst.idx.msk $0xffff, v9;
	v3 =	vadd.f32 v33, v12;
	v9 =	vadd.f32 v33, v22  }
0x7e0: {  	v12 =	vadd.f32 v33, v18;
	[tilespmem:v1+s23+$0x0] =	vst.idx.msk $0xffff, v14;
	v1 =	vadd.f32 v33, v25  }
0x7e1: {  	v14 =	vadd.f32 v33, v23;
	[tilespmem:v2+s23+$0x0] =	vst.idx.msk $0xffff, v16;
	v2 =	vadd.f32 v33, v20  }
0x7e2: {  	v16 =	vadd.f32 v33, v28;
	[tilespmem:v6+s23+$0x0] =	vst.idx.msk $0xffff, v10;
	v10 =	vadd.f32 v33, v26  }
0x7e3: {  	v18 =	vadd.f32 v33, v29;
	v20 =	vadd.f32 v33, v30;
	[tilespmem:v7+s23+$0x0] =	vst.idx.msk $0xffff, v3  }
0x7e4: {  	v6 =	vadd.f32 v33, v31;
	v7 =	vadd.f32 v33, v32;
	[tilespmem:v8+s23+$0x0] =	vst.idx.msk $0xffff, v9  }
0x7e5: {  	[tilespmem:v11+s23+$0x0] =	vst.idx.msk $0xffff, v1  }
0x7e6: {  	[tilespmem:v13+s23+$0x0] =	vst.idx.msk $0xffff, v12  }
0x7e7: {  	[tilespmem:v15+s23+$0x0] =	vst.idx.msk $0xffff, v2  }
.Ltmp11:
0x7e8: {  	[tilespmem:v17+s23+$0x0] =	vst.idx.msk $0xffff, v14;
	s0 =	spop (v2sf);
	(pc) =	sbr.rel @p0 .LBB2_24-.Ltmp11, $4  }
0x7e9: {  	s1 =	sadd.s32 $0xFFFFFFF1, s30;
	s3 =	sadd.s32 $0xFFFFFFF2, s30;
	[tilespmem:v19+s23+$0x0] =	vst.idx.msk $0xffff, v10;
	s29 =	sadd.f32 s0, s29  }
0x7ea: {  	v3 =	vor.u32 s1, v0;
	v1 =	vor.u32 s3, v0;
	[tilespmem:v21+s23+$0x0] =	vst.idx.msk $0xffff, v16  }
0x7eb: {  	s0 =	sadd.s32 $0xFFFFFFF3, s30;
	[tilespmem:v24+s23+$0x0] =	vst.idx.msk $0xffff, v18  }
0x7ec: {  	v2 =	vor.u32 s0, v0;
	[tilespmem:v27+s23+$0x0] =	vst.idx.msk $0xffff, v20  }
0x7ed: {  	_ =	sdelay $0x3  }
0x7ee: {  	[tilespmem:v4+s23+$0x0] =	vst.idx.msk $0xffff, v6  }
0x7ef: {  	s0 =	sadd.s32 $0xFFFFFFF4, s30;
	[tilespmem:v5+s23+$0x0] =	vst.idx.msk $0xffff, v7  }
0x7f0: {  	v4 =	vor.u32 s0, v0;
	v5 =	vld.idx.msk [tilespmem:v3+s23+$0x0], $0xffff  }
0x7f1: {  	s4 =	sadd.s32 $0xFFFFFFF5, s30;
	v6 =	vld.idx.msk [tilespmem:v1+s23+$0x0], $0xffff  }
0x7f2: {  	v7 =	vor.u32 s4, v0  }
0x7f3: {  	s5 =	sadd.s32 $0xFFFFFFF6, s30;
	v8 =	vld.idx.msk [tilespmem:v2+s23+$0x0], $0xffff  }
0x7f4: {  	v9 =	vor.u32 s5, v0  }
0x7f5: {  	s1 =	sadd.s32 $0xFFFFFFF7, s30;
	v10 =	vld.idx.msk [tilespmem:v4+s23+$0x0], $0xffff  }
0x7f6: {  	v11 =	vor.u32 s1, v0;
	v6 =	vadd.f32 v6, v5  }
0x7f7: {  	s3 =	sadd.s32 $0xFFFFFFF8, s30;
	v12 =	vld.idx.msk [tilespmem:v7+s23+$0x0], $0xffff  }
0x7f8: {  	v13 =	vor.u32 s3, v0;
	v8 =	vadd.f32 v8, v6  }
0x7f9: {  	s4 =	sadd.s32 $0xFFFFFFF9, s30;
	v14 =	vld.idx.msk [tilespmem:v9+s23+$0x0], $0xffff  }
0x7fa: {  	v15 =	vor.u32 s4, v0;
	v10 =	vadd.f32 v10, v8  }
0x7fb: {  	s5 =	sadd.s32 $0xFFFFFFFA, s30;
	v16 =	vld.idx.msk [tilespmem:v11+s23+$0x0], $0xffff  }
0x7fc: {  	v17 =	vor.u32 s5, v0;
	v12 =	vadd.f32 v12, v10  }
0x7fd: {  	s1 =	sadd.s32 $0xFFFFFFFB, s30;
	v18 =	vld.idx.msk [tilespmem:v13+s23+$0x0], $0xffff  }
0x7fe: {  	v19 =	vor.u32 s1, v0;
	v14 =	vadd.f32 v14, v12  }
0x7ff: {  	s3 =	sadd.s32 $0xFFFFFFFC, s30;
	v20 =	vld.idx.msk [tilespmem:v15+s23+$0x0], $0xffff  }
0x800: {  	v21 =	vor.u32 s3, v0;
	v16 =	vadd.f32 v16, v14  }
0x801: {  	s4 =	sadd.s32 $0xFFFFFFFD, s30;
	v22 =	vld.idx.msk [tilespmem:v17+s23+$0x0], $0xffff  }
0x802: {  	v23 =	vor.u32 s4, v0;
	v18 =	vadd.f32 v18, v16  }
0x803: {  	s5 =	sadd.s32 $0xFFFFFFFE, s30;
	v24 =	vld.idx.msk [tilespmem:v19+s23+$0x0], $0xffff  }
0x804: {  	v25 =	vor.u32 s5, v0;
	v20 =	vadd.f32 v20, v18  }
0x805: {  	s1 =	sadd.s32 $0xFFFFFFFF, s30;
	v26 =	vld.idx.msk [tilespmem:v21+s23+$0x0], $0xffff  }
0x806: {  	v27 =	vor.u32 s1, v0;
	v22 =	vadd.f32 v22, v20  }
0x807: {  	v28 =	vld.idx.msk [tilespmem:v23+s23+$0x0], $0xffff  }
0x808: {  	v29 =	vor.u32 s30, v0;
	v24 =	vadd.f32 v24, v22  }
0x809: {  	v30 =	vld.idx.msk [tilespmem:v25+s23+$0x0], $0xffff  }
0x80a: {  	v26 =	vadd.f32 v26, v24  }
0x80b: {  	v31 =	vld.idx.msk [tilespmem:v27+s23+$0x0], $0xffff  }
0x80c: {  	v28 =	vadd.f32 v28, v26  }
0x80d: {  	v32 =	vld.idx.msk [tilespmem:v29+s23+$0x0], $0xffff  }
0x80e: {  	v30 =	vadd.f32 v30, v28;
	_ =	sdelay $0x1  }
0x80f: {  	v31 =	vadd.f32 v31, v30;
	_ =	sdelay $0x1  }
0x810: {  	v32 =	vadd.f32 v32, v31;
	_ =	sdelay $0x1  }
0x811: {  	(xrf2) =	vadd.scan.msk.f32 $0xffff, v32;
	_ =	sdelay $0x9  }
0x812: {  	v33, _, _ =	vpop (xrf2)  }
0x813: {  	v34 =	vsub.f32 v33, v32;
	_ =	sdelay $0x1  }
0x814: {  	v34 =	vadd.f32 s29, v34;
	_ =	sdelay $0x1  }
0x815: {  	v5 =	vadd.f32 v34, v5  }
0x816: {  	(v2sf) =	vpush v33, $0xF;
	v6 =	vadd.f32 v34, v6  }
0x817: {  	v8 =	vadd.f32 v34, v8;
	[tilespmem:v3+s23+$0x0] =	vst.idx.msk $0xffff, v5  }
0x818: {  	v3 =	vadd.f32 v34, v10;
	[tilespmem:v1+s23+$0x0] =	vst.idx.msk $0xffff, v6  }
0x819: {  	v1 =	vadd.f32 v34, v12;
	[tilespmem:v2+s23+$0x0] =	vst.idx.msk $0xffff, v8  }
0x81a: {  	v2 =	vadd.f32 v34, v14;
	[tilespmem:v4+s23+$0x0] =	vst.idx.msk $0xffff, v3  }
0x81b: {  	v3 =	vadd.f32 v34, v16;
	[tilespmem:v7+s23+$0x0] =	vst.idx.msk $0xffff, v1  }
0x81c: {  	v1 =	vadd.f32 v34, v18;
	[tilespmem:v9+s23+$0x0] =	vst.idx.msk $0xffff, v2  }
0x81d: {  	v2 =	vadd.f32 v34, v20;
	[tilespmem:v11+s23+$0x0] =	vst.idx.msk $0xffff, v3  }
0x81e: {  	v3 =	vadd.f32 v34, v22;
	[tilespmem:v13+s23+$0x0] =	vst.idx.msk $0xffff, v1  }
0x81f: {  	v1 =	vadd.f32 v34, v24;
	[tilespmem:v15+s23+$0x0] =	vst.idx.msk $0xffff, v2  }
0x820: {  	v2 =	vadd.f32 v34, v26;
	[tilespmem:v17+s23+$0x0] =	vst.idx.msk $0xffff, v3  }
0x821: {  	v3 =	vadd.f32 v34, v28;
	[tilespmem:v19+s23+$0x0] =	vst.idx.msk $0xffff, v1  }
0x822: {  	v1 =	vadd.f32 v34, v30;
	[tilespmem:v21+s23+$0x0] =	vst.idx.msk $0xffff, v2  }
0x823: {  	v2 =	vadd.f32 v34, v31;
	[tilespmem:v23+s23+$0x0] =	vst.idx.msk $0xffff, v3  }
0x824: {  	v3 =	vadd.f32 v34, v32;
	[tilespmem:v25+s23+$0x0] =	vst.idx.msk $0xffff, v1  }
0x825: {  	s3 =	simm.s32 $0x0;
	s1 =	spop (v2sf);
	[tilespmem:v27+s23+$0x0] =	vst.idx.msk $0xffff, v2  }
0x826: {  	s1 =	simm.s32 $0x1;
	v1 =	vor.u32 s3, v0;
	[tilespmem:v29+s23+$0x0] =	vst.idx.msk $0xffff, v3  }
0x827: {  	v2 =	vor.u32 s1, v0;
	[hbm4b:s15+s20] =	stream.strided.scatter [tilespmem:s23], [sflag:$0x4], $0x4000, s21, s20, $0x38;
	[tilespmem:$0x8000] =	vst v63  }
0x828: {  	s4 =	simm.s32 $0x2;
	_ =	swait.ge [sflag:s22], $0x4000  }
0x829: {  	v3 =	vor.u32 s4, v0;
	[sflag:s22] =	ssyncset.done $0x0  }
0x82a: {  	s5 =	simm.s32 $0x3;
	[sflag:s22] =	ssyncadd.s32 $0xFFFFC000  }
0x82b: {  	v6 =	vor.u32 s5, v0;
	v7 =	vld.idx.msk [tilespmem:v1+s2+$0x0], $0xffff  }
0x82c: {  	s1 =	simm.s32 $0x4;
	v4 =	vld.idx.msk [tilespmem:v2+s2+$0x0], $0xffff  }
0x82d: {  	v8 =	vor.u32 s1, v0  }
0x82e: {  	s3 =	simm.s32 $0x5;
	v5 =	vld.idx.msk [tilespmem:v3+s2+$0x0], $0xffff  }
0x82f: {  	v37 =	vor.u32 s3, v0  }
0x830: {  	s4 =	simm.s32 $0x6;
	v38 =	vld.idx.msk [tilespmem:v6+s2+$0x0], $0xffff  }
0x831: {  	v39 =	vor.u32 s4, v0;
	v40 =	vadd.f32 v4, v7  }
0x832: {  	s5 =	simm.s32 $0x7;
	v4 =	vld.idx.msk [tilespmem:v8+s2+$0x0], $0xffff  }
0x833: {  	v41 =	vor.u32 s5, v0;
	v42 =	vadd.f32 v5, v40  }
0x834: {  	s1 =	simm.s32 $0x8;
	v5 =	vld.idx.msk [tilespmem:v37+s2+$0x0], $0xffff  }
0x835: {  	v43 =	vor.u32 s1, v0;
	v10 =	vadd.f32 v38, v42  }
0x836: {  	s3 =	simm.s32 $0x9;
	v44 =	vld.idx.msk [tilespmem:v39+s2+$0x0], $0xffff  }
0x837: {  	v45 =	vor.u32 s3, v0;
	v46 =	vadd.f32 v4, v10  }
0x838: {  	s4 =	simm.s32 $0xA;
	v4 =	vld.idx.msk [tilespmem:v41+s2+$0x0], $0xffff  }
0x839: {  	v47 =	vor.u32 s4, v0;
	v48 =	vadd.f32 v5, v46  }
0x83a: {  	s5 =	simm.s32 $0xB;
	v5 =	vld.idx.msk [tilespmem:v43+s2+$0x0], $0xffff  }
0x83b: {  	v49 =	vor.u32 s5, v0;
	v16 =	vadd.f32 v44, v48  }
0x83c: {  	s1 =	simm.s32 $0xC;
	v50 =	vld.idx.msk [tilespmem:v45+s2+$0x0], $0xffff  }
0x83d: {  	v51 =	vor.u32 s1, v0;
	v52 =	vadd.f32 v4, v16  }
0x83e: {  	s3 =	simm.s32 $0xD;
	v53 =	vld.idx.msk [tilespmem:v47+s2+$0x0], $0xffff  }
0x83f: {  	v54 =	vor.u32 s3, v0;
	v55 =	vadd.f32 v5, v52  }
0x840: {  	s4 =	simm.s32 $0xE;
	v56 =	vld.idx.msk [tilespmem:v49+s2+$0x0], $0xffff  }
0x841: {  	v4 =	vor.u32 s4, v0;
	v22 =	vadd.f32 v50, v55  }
0x842: {  	s5 =	simm.s32 $0xF;
	v57 =	vld.idx.msk [tilespmem:v51+s2+$0x0], $0xffff  }
0x843: {  	v5 =	vor.u32 s5, v0;
	v25 =	vadd.f32 v53, v22  }
0x844: {  	v58 =	vld.idx.msk [tilespmem:v54+s2+$0x0], $0xffff  }
0x845: {  	v28 =	vadd.f32 v56, v25  }
0x846: {  	v59 =	vld.idx.msk [tilespmem:v4+s2+$0x0], $0xffff  }
0x847: {  	v29 =	vadd.f32 v57, v28  }
0x848: {  	v60 =	vld.idx.msk [tilespmem:v5+s2+$0x0], $0xffff  }
0x849: {  	v30 =	vadd.f32 v58, v29;
	_ =	sdelay $0x1  }
0x84a: {  	v31 =	vadd.f32 v59, v30;
	_ =	sdelay $0x1  }
0x84b: {  	v32 =	vadd.f32 v60, v31;
	_ =	sdelay $0x1  }
0x84c: {  	(xrf2) =	vadd.scan.msk.f32 $0xffff, v32;
	_ =	sdelay $0x9  }
0x84d: {  	v61, _, _ =	vpop (xrf2)  }
0x84e: {  	v62 =	vsub.f32 v61, v32  }
0x84f: {  	s0 =	simm.f32 $0.0e+00  }
0x850: {  	v63 =	vadd.f32 s0, v62  }
0x851: {  	(v2sf) =	vpush v61, $0xF  }
0x852: {  	v7 =	vadd.f32 v63, v7  }
0x853: {  	v12 =	vadd.f32 v63, v40  }
0x854: {  	v14 =	vadd.f32 v63, v42;
	[tilespmem:v1+s2+$0x0] =	vst.idx.msk $0xffff, v7  }
0x855: {  	v1 =	vadd.f32 v63, v10;
	[tilespmem:v2+s2+$0x0] =	vst.idx.msk $0xffff, v12  }
0x856: {  	v2 =	vadd.f32 v63, v46;
	[tilespmem:v3+s2+$0x0] =	vst.idx.msk $0xffff, v14  }
0x857: {  	v3 =	vadd.f32 v63, v48;
	[tilespmem:v6+s2+$0x0] =	vst.idx.msk $0xffff, v1  }
0x858: {  	v1 =	vadd.f32 v63, v16;
	[tilespmem:v8+s2+$0x0] =	vst.idx.msk $0xffff, v2  }
0x859: {  	v2 =	vadd.f32 v63, v52;
	[tilespmem:v37+s2+$0x0] =	vst.idx.msk $0xffff, v3  }
0x85a: {  	v3 =	vadd.f32 v63, v55;
	[tilespmem:v39+s2+$0x0] =	vst.idx.msk $0xffff, v1  }
0x85b: {  	v1 =	vadd.f32 v63, v22;
	[tilespmem:v41+s2+$0x0] =	vst.idx.msk $0xffff, v2  }
0x85c: {  	v2 =	vadd.f32 v63, v25;
	[tilespmem:v43+s2+$0x0] =	vst.idx.msk $0xffff, v3  }
0x85d: {  	v3 =	vadd.f32 v63, v28;
	[tilespmem:v45+s2+$0x0] =	vst.idx.msk $0xffff, v1  }
0x85e: {  	v1 =	vadd.f32 v63, v29;
	[tilespmem:v47+s2+$0x0] =	vst.idx.msk $0xffff, v2  }
0x85f: {  	s3 =	simm.s32 $0x100;
	v8 =	vadd.f32 v63, v30;
	[tilespmem:v49+s2+$0x0] =	vst.idx.msk $0xffff, v3  }
0x860: {  	s4 =	simm.s32 $0x101;
	s5 =	simm.s32 $0x102;
	v7 =	vadd.f32 v63, v32;
	s1 =	spop (v2sf);
	v3 =	vor.u32 s3, v0;
	[tilespmem:v51+s2+$0x0] =	vst.idx.msk $0xffff, v1  }
0x861: {  	s31 =	simm.s32 $0x20F;
	s30 =	simm.s32 $0x10F;
	v6 =	vadd.f32 v63, v31;
	s29 =	sadd.f32 s1, s0;
	v2 =	vor.u32 s5, v0;
	v1 =	vor.u32 s4, v0;
	[tilespmem:v54+s2+$0x0] =	vst.idx.msk $0xffff, v8  }
.LBB2_26:
0x862: {  	p0 =	sne.s32 s31, $0x1F0F  }
0x863: {  	s1 =	sadd.s32 $0xFFFFFFF4, s30;
	[tilespmem:v4+s2+$0x0] =	vst.idx.msk $0xffff, v6;
	s0 =	smov.u32 s31;
	s31 =	sadd.s32 $0x100, s31  }
0x864: {  	v6 =	vor.u32 s1, v0;
	[tilespmem:v5+s2+$0x0] =	vst.idx.msk $0xffff, v7  }
0x865: {  	s1 =	sadd.s32 $0xFFFFFFF5, s30;
	v9 =	vld.idx.msk [tilespmem:v3+s2+$0x0], $0xffff  }
0x866: {  	v7 =	vor.u32 s1, v0;
	v4 =	vld.idx.msk [tilespmem:v1+s2+$0x0], $0xffff  }
0x867: {  	s1 =	sadd.s32 $0xFFFFFFF6, s30;
	v5 =	vld.idx.msk [tilespmem:v2+s2+$0x0], $0xffff  }
0x868: {  	v8 =	vor.u32 s1, v0  }
0x869: {  	s1 =	sadd.s32 $0xFFFFFFF7, s30;
	v10 =	vld.idx.msk [tilespmem:v6+s2+$0x0], $0xffff  }
0x86a: {  	v11 =	vor.u32 s1, v0  }
0x86b: {  	s1 =	sadd.s32 $0xFFFFFFF8, s30;
	v12 =	vld.idx.msk [tilespmem:v7+s2+$0x0], $0xffff  }
0x86c: {  	v13 =	vor.u32 s1, v0;
	v14 =	vadd.f32 v4, v9  }
0x86d: {  	s1 =	sadd.s32 $0xFFFFFFF9, s30;
	v4 =	vld.idx.msk [tilespmem:v8+s2+$0x0], $0xffff  }
0x86e: {  	v15 =	vor.u32 s1, v0;
	v16 =	vadd.f32 v5, v14  }
0x86f: {  	s1 =	sadd.s32 $0xFFFFFFFA, s30;
	v5 =	vld.idx.msk [tilespmem:v11+s2+$0x0], $0xffff  }
0x870: {  	v17 =	vor.u32 s1, v0;
	v10 =	vadd.f32 v10, v16  }
0x871: {  	s1 =	sadd.s32 $0xFFFFFFFB, s30;
	v18 =	vld.idx.msk [tilespmem:v13+s2+$0x0], $0xffff  }
0x872: {  	v19 =	vor.u32 s1, v0;
	v12 =	vadd.f32 v12, v10  }
0x873: {  	s1 =	sadd.s32 $0xFFFFFFFC, s30;
	v20 =	vld.idx.msk [tilespmem:v15+s2+$0x0], $0xffff  }
0x874: {  	v21 =	vor.u32 s1, v0;
	v22 =	vadd.f32 v4, v12  }
0x875: {  	s1 =	sadd.s32 $0xFFFFFFFD, s30;
	v23 =	vld.idx.msk [tilespmem:v17+s2+$0x0], $0xffff  }
0x876: {  	v24 =	vor.u32 s1, v0;
	v25 =	vadd.f32 v5, v22  }
0x877: {  	s1 =	sadd.s32 $0xFFFFFFFE, s30;
	v26 =	vld.idx.msk [tilespmem:v19+s2+$0x0], $0xffff  }
0x878: {  	v27 =	vor.u32 s1, v0;
	v18 =	vadd.f32 v18, v25  }
0x879: {  	s1 =	sadd.s32 $0xFFFFFFFF, s30;
	v28 =	vld.idx.msk [tilespmem:v21+s2+$0x0], $0xffff  }
0x87a: {  	v4 =	vor.u32 s1, v0;
	v20 =	vadd.f32 v20, v18  }
0x87b: {  	v29 =	vld.idx.msk [tilespmem:v24+s2+$0x0], $0xffff  }
0x87c: {  	v5 =	vor.u32 s30, v0;
	s30 =	smov.u32 s0;
	v23 =	vadd.f32 v23, v20  }
0x87d: {  	v30 =	vld.idx.msk [tilespmem:v27+s2+$0x0], $0xffff  }
0x87e: {  	v26 =	vadd.f32 v26, v23  }
0x87f: {  	v31 =	vld.idx.msk [tilespmem:v4+s2+$0x0], $0xffff  }
0x880: {  	v28 =	vadd.f32 v28, v26  }
0x881: {  	v32 =	vld.idx.msk [tilespmem:v5+s2+$0x0], $0xffff  }
0x882: {  	v29 =	vadd.f32 v29, v28;
	_ =	sdelay $0x1  }
0x883: {  	v30 =	vadd.f32 v30, v29;
	_ =	sdelay $0x1  }
0x884: {  	v31 =	vadd.f32 v31, v30;
	_ =	sdelay $0x1  }
0x885: {  	v32 =	vadd.f32 v32, v31;
	_ =	sdelay $0x1  }
0x886: {  	(xrf2) =	vadd.scan.msk.f32 $0xffff, v32;
	_ =	sdelay $0x9  }
0x887: {  	v33, _, _ =	vpop (xrf2)  }
0x888: {  	v34 =	vsub.f32 v33, v32;
	(v2sf) =	vpush v33, $0xF;
	_ =	sdelay $0x1  }
0x889: {  	v33 =	vadd.f32 s29, v34;
	_ =	sdelay $0x1  }
0x88a: {  	v9 =	vadd.f32 v33, v9;
	v14 =	vadd.f32 v33, v14  }
0x88b: {  	v16 =	vadd.f32 v33, v16;
	v10 =	vadd.f32 v33, v10  }
0x88c: {  	[tilespmem:v3+s2+$0x0] =	vst.idx.msk $0xffff, v9;
	v3 =	vadd.f32 v33, v12;
	v9 =	vadd.f32 v33, v22  }
0x88d: {  	v12 =	vadd.f32 v33, v18;
	[tilespmem:v1+s2+$0x0] =	vst.idx.msk $0xffff, v14;
	v1 =	vadd.f32 v33, v25  }
0x88e: {  	v14 =	vadd.f32 v33, v23;
	[tilespmem:v2+s2+$0x0] =	vst.idx.msk $0xffff, v16;
	v2 =	vadd.f32 v33, v20  }
0x88f: {  	v16 =	vadd.f32 v33, v28;
	[tilespmem:v6+s2+$0x0] =	vst.idx.msk $0xffff, v10;
	v10 =	vadd.f32 v33, v26  }
0x890: {  	v18 =	vadd.f32 v33, v29;
	v20 =	vadd.f32 v33, v30;
	[tilespmem:v7+s2+$0x0] =	vst.idx.msk $0xffff, v3  }
0x891: {  	v6 =	vadd.f32 v33, v31;
	v7 =	vadd.f32 v33, v32;
	[tilespmem:v8+s2+$0x0] =	vst.idx.msk $0xffff, v9  }
0x892: {  	[tilespmem:v11+s2+$0x0] =	vst.idx.msk $0xffff, v1  }
0x893: {  	[tilespmem:v13+s2+$0x0] =	vst.idx.msk $0xffff, v12  }
0x894: {  	[tilespmem:v15+s2+$0x0] =	vst.idx.msk $0xffff, v2  }
.Ltmp12:
0x895: {  	[tilespmem:v17+s2+$0x0] =	vst.idx.msk $0xffff, v14;
	s0 =	spop (v2sf);
	(pc) =	sbr.rel @p0 .LBB2_26-.Ltmp12, $4  }
0x896: {  	s1 =	sadd.s32 $0xFFFFFFF1, s30;
	s3 =	sadd.s32 $0xFFFFFFF2, s30;
	[tilespmem:v19+s2+$0x0] =	vst.idx.msk $0xffff, v10;
	s29 =	sadd.f32 s0, s29  }
0x897: {  	v3 =	vor.u32 s1, v0;
	v1 =	vor.u32 s3, v0;
	[tilespmem:v21+s2+$0x0] =	vst.idx.msk $0xffff, v16  }
0x898: {  	s0 =	sadd.s32 $0xFFFFFFF3, s30;
	[tilespmem:v24+s2+$0x0] =	vst.idx.msk $0xffff, v18  }
0x899: {  	v2 =	vor.u32 s0, v0;
	[tilespmem:v27+s2+$0x0] =	vst.idx.msk $0xffff, v20  }
0x89a: {  	_ =	sdelay $0x3  }
0x89b: {  	[tilespmem:v4+s2+$0x0] =	vst.idx.msk $0xffff, v6  }
0x89c: {  	s0 =	sadd.s32 $0xFFFFFFF4, s30;
	[tilespmem:v5+s2+$0x0] =	vst.idx.msk $0xffff, v7  }
0x89d: {  	v4 =	vor.u32 s0, v0;
	v5 =	vld.idx.msk [tilespmem:v3+s2+$0x0], $0xffff  }
0x89e: {  	s5 =	sadd.s32 $0xFFFFFFF5, s30;
	v6 =	vld.idx.msk [tilespmem:v1+s2+$0x0], $0xffff  }
0x89f: {  	v7 =	vor.u32 s5, v0  }
0x8a0: {  	s1 =	sadd.s32 $0xFFFFFFF6, s30;
	v8 =	vld.idx.msk [tilespmem:v2+s2+$0x0], $0xffff  }
0x8a1: {  	v9 =	vor.u32 s1, v0  }
0x8a2: {  	s3 =	sadd.s32 $0xFFFFFFF7, s30;
	v10 =	vld.idx.msk [tilespmem:v4+s2+$0x0], $0xffff  }
0x8a3: {  	v11 =	vor.u32 s3, v0;
	v6 =	vadd.f32 v6, v5  }
0x8a4: {  	s4 =	sadd.s32 $0xFFFFFFF8, s30;
	v12 =	vld.idx.msk [tilespmem:v7+s2+$0x0], $0xffff  }
0x8a5: {  	v13 =	vor.u32 s4, v0;
	v8 =	vadd.f32 v8, v6  }
0x8a6: {  	s5 =	sadd.s32 $0xFFFFFFF9, s30;
	v14 =	vld.idx.msk [tilespmem:v9+s2+$0x0], $0xffff  }
0x8a7: {  	v15 =	vor.u32 s5, v0;
	v10 =	vadd.f32 v10, v8  }
0x8a8: {  	s1 =	sadd.s32 $0xFFFFFFFA, s30;
	v16 =	vld.idx.msk [tilespmem:v11+s2+$0x0], $0xffff  }
0x8a9: {  	v17 =	vor.u32 s1, v0;
	v12 =	vadd.f32 v12, v10  }
0x8aa: {  	s3 =	sadd.s32 $0xFFFFFFFB, s30;
	v18 =	vld.idx.msk [tilespmem:v13+s2+$0x0], $0xffff  }
0x8ab: {  	v19 =	vor.u32 s3, v0;
	v14 =	vadd.f32 v14, v12  }
0x8ac: {  	s4 =	sadd.s32 $0xFFFFFFFC, s30;
	v20 =	vld.idx.msk [tilespmem:v15+s2+$0x0], $0xffff  }
0x8ad: {  	v21 =	vor.u32 s4, v0;
	v16 =	vadd.f32 v16, v14  }
0x8ae: {  	s5 =	sadd.s32 $0xFFFFFFFD, s30;
	v22 =	vld.idx.msk [tilespmem:v17+s2+$0x0], $0xffff  }
0x8af: {  	v23 =	vor.u32 s5, v0;
	v18 =	vadd.f32 v18, v16  }
0x8b0: {  	s1 =	sadd.s32 $0xFFFFFFFE, s30;
	v24 =	vld.idx.msk [tilespmem:v19+s2+$0x0], $0xffff  }
0x8b1: {  	v25 =	vor.u32 s1, v0;
	v20 =	vadd.f32 v20, v18  }
0x8b2: {  	s3 =	sadd.s32 $0xFFFFFFFF, s30;
	v26 =	vld.idx.msk [tilespmem:v21+s2+$0x0], $0xffff  }
0x8b3: {  	v27 =	vor.u32 s3, v0;
	v22 =	vadd.f32 v22, v20  }
0x8b4: {  	v28 =	vld.idx.msk [tilespmem:v23+s2+$0x0], $0xffff  }
0x8b5: {  	v29 =	vor.u32 s30, v0;
	v24 =	vadd.f32 v24, v22  }
0x8b6: {  	v30 =	vld.idx.msk [tilespmem:v25+s2+$0x0], $0xffff  }
0x8b7: {  	v26 =	vadd.f32 v26, v24  }
0x8b8: {  	v31 =	vld.idx.msk [tilespmem:v27+s2+$0x0], $0xffff  }
0x8b9: {  	v28 =	vadd.f32 v28, v26  }
0x8ba: {  	v32 =	vld.idx.msk [tilespmem:v29+s2+$0x0], $0xffff  }
0x8bb: {  	v30 =	vadd.f32 v30, v28;
	_ =	sdelay $0x1  }
0x8bc: {  	v31 =	vadd.f32 v31, v30;
	_ =	sdelay $0x1  }
0x8bd: {  	v32 =	vadd.f32 v32, v31;
	_ =	sdelay $0x1  }
0x8be: {  	(xrf2) =	vadd.scan.msk.f32 $0xffff, v32;
	_ =	sdelay $0x9  }
0x8bf: {  	v33, _, _ =	vpop (xrf2)  }
0x8c0: {  	v34 =	vsub.f32 v33, v32;
	_ =	sdelay $0x1  }
0x8c1: {  	v34 =	vadd.f32 s29, v34;
	_ =	sdelay $0x1  }
0x8c2: {  	v5 =	vadd.f32 v34, v5  }
0x8c3: {  	v6 =	vadd.f32 v34, v6  }
0x8c4: {  	(v2sf) =	vpush v33, $0xF;
	v8 =	vadd.f32 v34, v8;
	[tilespmem:v3+s2+$0x0] =	vst.idx.msk $0xffff, v5  }
0x8c5: {  	v3 =	vadd.f32 v34, v10;
	[tilespmem:v1+s2+$0x0] =	vst.idx.msk $0xffff, v6  }
0x8c6: {  	v1 =	vadd.f32 v34, v12;
	[tilespmem:v2+s2+$0x0] =	vst.idx.msk $0xffff, v8  }
0x8c7: {  	v2 =	vadd.f32 v34, v14;
	[tilespmem:v4+s2+$0x0] =	vst.idx.msk $0xffff, v3  }
0x8c8: {  	v3 =	vadd.f32 v34, v16;
	[tilespmem:v7+s2+$0x0] =	vst.idx.msk $0xffff, v1  }
0x8c9: {  	v1 =	vadd.f32 v34, v18;
	[tilespmem:v9+s2+$0x0] =	vst.idx.msk $0xffff, v2  }
0x8ca: {  	v2 =	vadd.f32 v34, v20;
	[tilespmem:v11+s2+$0x0] =	vst.idx.msk $0xffff, v3  }
0x8cb: {  	v3 =	vadd.f32 v34, v22;
	[tilespmem:v13+s2+$0x0] =	vst.idx.msk $0xffff, v1  }
0x8cc: {  	v1 =	vadd.f32 v34, v24;
	[tilespmem:v15+s2+$0x0] =	vst.idx.msk $0xffff, v2  }
0x8cd: {  	v2 =	vadd.f32 v34, v26;
	[tilespmem:v17+s2+$0x0] =	vst.idx.msk $0xffff, v3  }
0x8ce: {  	v3 =	vadd.f32 v34, v28;
	[tilespmem:v19+s2+$0x0] =	vst.idx.msk $0xffff, v1  }
0x8cf: {  	v1 =	vadd.f32 v34, v30;
	[tilespmem:v21+s2+$0x0] =	vst.idx.msk $0xffff, v2  }
0x8d0: {  	v2 =	vadd.f32 v34, v31;
	[tilespmem:v23+s2+$0x0] =	vst.idx.msk $0xffff, v3  }
0x8d1: {  	v3 =	vadd.f32 v34, v32;
	[tilespmem:v25+s2+$0x0] =	vst.idx.msk $0xffff, v1  }
0x8d2: {  	s1 =	simm.s32 $0x2000;
	[tilespmem:v27+s2+$0x0] =	vst.idx.msk $0xffff, v2  }
0x8d3: {  	s3 =	simm.s32 $0x2001;
	s0 =	spop (v2sf);
	v1 =	vor.u32 s1, v0;
	[tilespmem:v29+s2+$0x0] =	vst.idx.msk $0xffff, v3  }
0x8d4: {  	v2 =	vor.u32 s3, v0;
	_ =	swait.ge [sflag:s26], $0x4000  }
0x8d5: {  	s4 =	simm.s32 $0x2002;
	[sflag:s26] =	ssyncset.done $0x0  }
0x8d6: {  	s5 =	simm.s32 $0x2003;
	v3 =	vor.u32 s4, v0;
	[sflag:s26] =	ssyncadd.s32 $0xFFFFC000  }
0x8d7: {  	[tilespmem:s23], [sflag:$0x2] =	stream.strided.gather [hbm4b:s16+s20], $0x4000, s21, s20, $0x38;
	[tilespmem:$0x8000] =	vst v63  }
0x8d8: {  	v6 =	vor.u32 s5, v0;
	v7 =	vld.idx.msk [tilespmem:v1+s2+$0x0], $0xffff  }
0x8d9: {  	s3 =	simm.s32 $0x2004;
	v4 =	vld.idx.msk [tilespmem:v2+s2+$0x0], $0xffff  }
0x8da: {  	v8 =	vor.u32 s3, v0  }
0x8db: {  	s4 =	simm.s32 $0x2005;
	v5 =	vld.idx.msk [tilespmem:v3+s2+$0x0], $0xffff  }
0x8dc: {  	v37 =	vor.u32 s4, v0  }
0x8dd: {  	s5 =	simm.s32 $0x2006;
	v38 =	vld.idx.msk [tilespmem:v6+s2+$0x0], $0xffff  }
0x8de: {  	v39 =	vor.u32 s5, v0;
	v40 =	vadd.f32 v4, v7  }
0x8df: {  	s3 =	simm.s32 $0x2007;
	v4 =	vld.idx.msk [tilespmem:v8+s2+$0x0], $0xffff  }
0x8e0: {  	v41 =	vor.u32 s3, v0;
	v42 =	vadd.f32 v5, v40  }
0x8e1: {  	s4 =	simm.s32 $0x2008;
	v5 =	vld.idx.msk [tilespmem:v37+s2+$0x0], $0xffff  }
0x8e2: {  	v43 =	vor.u32 s4, v0;
	v10 =	vadd.f32 v38, v42  }
0x8e3: {  	s5 =	simm.s32 $0x2009;
	v44 =	vld.idx.msk [tilespmem:v39+s2+$0x0], $0xffff  }
0x8e4: {  	v45 =	vor.u32 s5, v0;
	v46 =	vadd.f32 v4, v10  }
0x8e5: {  	s3 =	simm.s32 $0x200A;
	v4 =	vld.idx.msk [tilespmem:v41+s2+$0x0], $0xffff  }
0x8e6: {  	v47 =	vor.u32 s3, v0;
	v48 =	vadd.f32 v5, v46  }
0x8e7: {  	s4 =	simm.s32 $0x200B;
	v5 =	vld.idx.msk [tilespmem:v43+s2+$0x0], $0xffff  }
0x8e8: {  	v49 =	vor.u32 s4, v0;
	v16 =	vadd.f32 v44, v48  }
0x8e9: {  	s5 =	simm.s32 $0x200C;
	v50 =	vld.idx.msk [tilespmem:v45+s2+$0x0], $0xffff  }
0x8ea: {  	v51 =	vor.u32 s5, v0;
	v52 =	vadd.f32 v4, v16  }
0x8eb: {  	s3 =	simm.s32 $0x200D;
	v53 =	vld.idx.msk [tilespmem:v47+s2+$0x0], $0xffff  }
0x8ec: {  	v54 =	vor.u32 s3, v0;
	v55 =	vadd.f32 v5, v52  }
0x8ed: {  	s4 =	simm.s32 $0x200E;
	v56 =	vld.idx.msk [tilespmem:v49+s2+$0x0], $0xffff  }
0x8ee: {  	v4 =	vor.u32 s4, v0;
	v22 =	vadd.f32 v50, v55  }
0x8ef: {  	s5 =	simm.s32 $0x200F;
	v57 =	vld.idx.msk [tilespmem:v51+s2+$0x0], $0xffff  }
0x8f0: {  	v5 =	vor.u32 s5, v0;
	v25 =	vadd.f32 v53, v22  }
0x8f1: {  	v58 =	vld.idx.msk [tilespmem:v54+s2+$0x0], $0xffff  }
0x8f2: {  	v28 =	vadd.f32 v56, v25  }
0x8f3: {  	v59 =	vld.idx.msk [tilespmem:v4+s2+$0x0], $0xffff  }
0x8f4: {  	v29 =	vadd.f32 v57, v28  }
0x8f5: {  	v60 =	vld.idx.msk [tilespmem:v5+s2+$0x0], $0xffff  }
0x8f6: {  	v30 =	vadd.f32 v58, v29;
	_ =	sdelay $0x1  }
0x8f7: {  	v31 =	vadd.f32 v59, v30;
	_ =	sdelay $0x1  }
0x8f8: {  	v32 =	vadd.f32 v60, v31;
	_ =	sdelay $0x1  }
0x8f9: {  	(xrf2) =	vadd.scan.msk.f32 $0xffff, v32;
	_ =	sdelay $0x9  }
0x8fa: {  	v61, _, _ =	vpop (xrf2)  }
0x8fb: {  	s0 =	sadd.f32 s0, s29;
	v62 =	vsub.f32 v61, v32;
	_ =	sdelay $0x1  }
0x8fc: {  	v63 =	vadd.f32 s0, v62  }
0x8fd: {  	(v2sf) =	vpush v61, $0xF  }
0x8fe: {  	v7 =	vadd.f32 v63, v7  }
0x8ff: {  	v12 =	vadd.f32 v63, v40  }
0x900: {  	v14 =	vadd.f32 v63, v42;
	[tilespmem:v1+s2+$0x0] =	vst.idx.msk $0xffff, v7  }
0x901: {  	v1 =	vadd.f32 v63, v10;
	[tilespmem:v2+s2+$0x0] =	vst.idx.msk $0xffff, v12  }
0x902: {  	v2 =	vadd.f32 v63, v46;
	[tilespmem:v3+s2+$0x0] =	vst.idx.msk $0xffff, v14  }
0x903: {  	v3 =	vadd.f32 v63, v48;
	[tilespmem:v6+s2+$0x0] =	vst.idx.msk $0xffff, v1  }
0x904: {  	v1 =	vadd.f32 v63, v16;
	[tilespmem:v8+s2+$0x0] =	vst.idx.msk $0xffff, v2  }
0x905: {  	v2 =	vadd.f32 v63, v52;
	[tilespmem:v37+s2+$0x0] =	vst.idx.msk $0xffff, v3  }
0x906: {  	v3 =	vadd.f32 v63, v55;
	[tilespmem:v39+s2+$0x0] =	vst.idx.msk $0xffff, v1  }
0x907: {  	v1 =	vadd.f32 v63, v22;
	[tilespmem:v41+s2+$0x0] =	vst.idx.msk $0xffff, v2  }
0x908: {  	v2 =	vadd.f32 v63, v25;
	[tilespmem:v43+s2+$0x0] =	vst.idx.msk $0xffff, v3  }
0x909: {  	v3 =	vadd.f32 v63, v28;
	[tilespmem:v45+s2+$0x0] =	vst.idx.msk $0xffff, v1  }
0x90a: {  	v1 =	vadd.f32 v63, v29;
	[tilespmem:v47+s2+$0x0] =	vst.idx.msk $0xffff, v2  }
0x90b: {  	s3 =	simm.s32 $0x2100;
	v8 =	vadd.f32 v63, v30;
	[tilespmem:v49+s2+$0x0] =	vst.idx.msk $0xffff, v3  }
0x90c: {  	s4 =	simm.s32 $0x2101;
	s5 =	simm.s32 $0x2102;
	v7 =	vadd.f32 v63, v32;
	s1 =	spop (v2sf);
	v3 =	vor.u32 s3, v0;
	[tilespmem:v51+s2+$0x0] =	vst.idx.msk $0xffff, v1  }
0x90d: {  	s31 =	simm.s32 $0x220F;
	s30 =	simm.s32 $0x210F;
	v6 =	vadd.f32 v63, v31;
	s29 =	sadd.f32 s1, s0;
	v2 =	vor.u32 s5, v0;
	v1 =	vor.u32 s4, v0;
	[tilespmem:v54+s2+$0x0] =	vst.idx.msk $0xffff, v8  }
.LBB2_28:
0x90e: {  	p0 =	sne.s32 s31, $0x3F0F  }
0x90f: {  	s1 =	sadd.s32 $0xFFFFFFF4, s30;
	[tilespmem:v4+s2+$0x0] =	vst.idx.msk $0xffff, v6;
	s0 =	smov.u32 s31;
	s31 =	sadd.s32 $0x100, s31  }
0x910: {  	v6 =	vor.u32 s1, v0;
	[tilespmem:v5+s2+$0x0] =	vst.idx.msk $0xffff, v7  }
0x911: {  	s1 =	sadd.s32 $0xFFFFFFF5, s30;
	v9 =	vld.idx.msk [tilespmem:v3+s2+$0x0], $0xffff  }
0x912: {  	v7 =	vor.u32 s1, v0;
	v4 =	vld.idx.msk [tilespmem:v1+s2+$0x0], $0xffff  }
0x913: {  	s1 =	sadd.s32 $0xFFFFFFF6, s30;
	v5 =	vld.idx.msk [tilespmem:v2+s2+$0x0], $0xffff  }
0x914: {  	v8 =	vor.u32 s1, v0  }
0x915: {  	s1 =	sadd.s32 $0xFFFFFFF7, s30;
	v10 =	vld.idx.msk [tilespmem:v6+s2+$0x0], $0xffff  }
0x916: {  	v11 =	vor.u32 s1, v0  }
0x917: {  	s1 =	sadd.s32 $0xFFFFFFF8, s30;
	v12 =	vld.idx.msk [tilespmem:v7+s2+$0x0], $0xffff  }
0x918: {  	v13 =	vor.u32 s1, v0;
	v14 =	vadd.f32 v4, v9  }
0x919: {  	s1 =	sadd.s32 $0xFFFFFFF9, s30;
	v4 =	vld.idx.msk [tilespmem:v8+s2+$0x0], $0xffff  }
0x91a: {  	v15 =	vor.u32 s1, v0;
	v16 =	vadd.f32 v5, v14  }
0x91b: {  	s1 =	sadd.s32 $0xFFFFFFFA, s30;
	v5 =	vld.idx.msk [tilespmem:v11+s2+$0x0], $0xffff  }
0x91c: {  	v17 =	vor.u32 s1, v0;
	v10 =	vadd.f32 v10, v16  }
0x91d: {  	s1 =	sadd.s32 $0xFFFFFFFB, s30;
	v18 =	vld.idx.msk [tilespmem:v13+s2+$0x0], $0xffff  }
0x91e: {  	v19 =	vor.u32 s1, v0;
	v12 =	vadd.f32 v12, v10  }
0x91f: {  	s1 =	sadd.s32 $0xFFFFFFFC, s30;
	v20 =	vld.idx.msk [tilespmem:v15+s2+$0x0], $0xffff  }
0x920: {  	v21 =	vor.u32 s1, v0;
	v22 =	vadd.f32 v4, v12  }
0x921: {  	s1 =	sadd.s32 $0xFFFFFFFD, s30;
	v23 =	vld.idx.msk [tilespmem:v17+s2+$0x0], $0xffff  }
0x922: {  	v24 =	vor.u32 s1, v0;
	v25 =	vadd.f32 v5, v22  }
0x923: {  	s1 =	sadd.s32 $0xFFFFFFFE, s30;
	v26 =	vld.idx.msk [tilespmem:v19+s2+$0x0], $0xffff  }
0x924: {  	v27 =	vor.u32 s1, v0;
	v18 =	vadd.f32 v18, v25  }
0x925: {  	s1 =	sadd.s32 $0xFFFFFFFF, s30;
	v28 =	vld.idx.msk [tilespmem:v21+s2+$0x0], $0xffff  }
0x926: {  	v4 =	vor.u32 s1, v0;
	v20 =	vadd.f32 v20, v18  }
0x927: {  	v29 =	vld.idx.msk [tilespmem:v24+s2+$0x0], $0xffff  }
0x928: {  	v5 =	vor.u32 s30, v0;
	s30 =	smov.u32 s0;
	v23 =	vadd.f32 v23, v20  }
0x929: {  	v30 =	vld.idx.msk [tilespmem:v27+s2+$0x0], $0xffff  }
0x92a: {  	v26 =	vadd.f32 v26, v23  }
0x92b: {  	v31 =	vld.idx.msk [tilespmem:v4+s2+$0x0], $0xffff  }
0x92c: {  	v28 =	vadd.f32 v28, v26  }
0x92d: {  	v32 =	vld.idx.msk [tilespmem:v5+s2+$0x0], $0xffff  }
0x92e: {  	v29 =	vadd.f32 v29, v28;
	_ =	sdelay $0x1  }
0x92f: {  	v30 =	vadd.f32 v30, v29;
	_ =	sdelay $0x1  }
0x930: {  	v31 =	vadd.f32 v31, v30;
	_ =	sdelay $0x1  }
0x931: {  	v32 =	vadd.f32 v32, v31;
	_ =	sdelay $0x1  }
0x932: {  	(xrf2) =	vadd.scan.msk.f32 $0xffff, v32;
	_ =	sdelay $0x9  }
0x933: {  	v33, _, _ =	vpop (xrf2)  }
0x934: {  	v34 =	vsub.f32 v33, v32;
	(v2sf) =	vpush v33, $0xF;
	_ =	sdelay $0x1  }
0x935: {  	v33 =	vadd.f32 s29, v34;
	_ =	sdelay $0x1  }
0x936: {  	v9 =	vadd.f32 v33, v9;
	v14 =	vadd.f32 v33, v14  }
0x937: {  	v16 =	vadd.f32 v33, v16;
	v10 =	vadd.f32 v33, v10  }
0x938: {  	[tilespmem:v3+s2+$0x0] =	vst.idx.msk $0xffff, v9;
	v3 =	vadd.f32 v33, v12;
	v9 =	vadd.f32 v33, v22  }
0x939: {  	v12 =	vadd.f32 v33, v18;
	[tilespmem:v1+s2+$0x0] =	vst.idx.msk $0xffff, v14;
	v1 =	vadd.f32 v33, v25  }
0x93a: {  	v14 =	vadd.f32 v33, v23;
	[tilespmem:v2+s2+$0x0] =	vst.idx.msk $0xffff, v16;
	v2 =	vadd.f32 v33, v20  }
0x93b: {  	v16 =	vadd.f32 v33, v28;
	[tilespmem:v6+s2+$0x0] =	vst.idx.msk $0xffff, v10;
	v10 =	vadd.f32 v33, v26  }
0x93c: {  	v18 =	vadd.f32 v33, v29;
	v20 =	vadd.f32 v33, v30;
	[tilespmem:v7+s2+$0x0] =	vst.idx.msk $0xffff, v3  }
0x93d: {  	v6 =	vadd.f32 v33, v31;
	v7 =	vadd.f32 v33, v32;
	[tilespmem:v8+s2+$0x0] =	vst.idx.msk $0xffff, v9  }
0x93e: {  	[tilespmem:v11+s2+$0x0] =	vst.idx.msk $0xffff, v1  }
0x93f: {  	[tilespmem:v13+s2+$0x0] =	vst.idx.msk $0xffff, v12  }
0x940: {  	[tilespmem:v15+s2+$0x0] =	vst.idx.msk $0xffff, v2  }
.Ltmp13:
0x941: {  	[tilespmem:v17+s2+$0x0] =	vst.idx.msk $0xffff, v14;
	s0 =	spop (v2sf);
	(pc) =	sbr.rel @p0 .LBB2_28-.Ltmp13, $4  }
0x942: {  	s1 =	sadd.s32 $0xFFFFFFF1, s30;
	s3 =	sadd.s32 $0xFFFFFFF2, s30;
	[tilespmem:v19+s2+$0x0] =	vst.idx.msk $0xffff, v10;
	s29 =	sadd.f32 s0, s29  }
0x943: {  	v3 =	vor.u32 s1, v0;
	v1 =	vor.u32 s3, v0;
	[tilespmem:v21+s2+$0x0] =	vst.idx.msk $0xffff, v16  }
0x944: {  	s0 =	sadd.s32 $0xFFFFFFF3, s30;
	[tilespmem:v24+s2+$0x0] =	vst.idx.msk $0xffff, v18  }
0x945: {  	v2 =	vor.u32 s0, v0;
	[tilespmem:v27+s2+$0x0] =	vst.idx.msk $0xffff, v20  }
0x946: {  	_ =	sdelay $0x3  }
0x947: {  	[tilespmem:v4+s2+$0x0] =	vst.idx.msk $0xffff, v6  }
0x948: {  	s0 =	sadd.s32 $0xFFFFFFF4, s30;
	[tilespmem:v5+s2+$0x0] =	vst.idx.msk $0xffff, v7  }
0x949: {  	v4 =	vor.u32 s0, v0;
	v5 =	vld.idx.msk [tilespmem:v3+s2+$0x0], $0xffff  }
0x94a: {  	s5 =	sadd.s32 $0xFFFFFFF5, s30;
	v6 =	vld.idx.msk [tilespmem:v1+s2+$0x0], $0xffff  }
0x94b: {  	v7 =	vor.u32 s5, v0  }
0x94c: {  	s1 =	sadd.s32 $0xFFFFFFF6, s30;
	v8 =	vld.idx.msk [tilespmem:v2+s2+$0x0], $0xffff  }
0x94d: {  	v9 =	vor.u32 s1, v0  }
0x94e: {  	s3 =	sadd.s32 $0xFFFFFFF7, s30;
	v10 =	vld.idx.msk [tilespmem:v4+s2+$0x0], $0xffff  }
0x94f: {  	v11 =	vor.u32 s3, v0;
	v6 =	vadd.f32 v6, v5  }
0x950: {  	s4 =	sadd.s32 $0xFFFFFFF8, s30;
	v12 =	vld.idx.msk [tilespmem:v7+s2+$0x0], $0xffff  }
0x951: {  	v13 =	vor.u32 s4, v0;
	v8 =	vadd.f32 v8, v6  }
0x952: {  	s5 =	sadd.s32 $0xFFFFFFF9, s30;
	v14 =	vld.idx.msk [tilespmem:v9+s2+$0x0], $0xffff  }
0x953: {  	v15 =	vor.u32 s5, v0;
	v10 =	vadd.f32 v10, v8  }
0x954: {  	s1 =	sadd.s32 $0xFFFFFFFA, s30;
	v16 =	vld.idx.msk [tilespmem:v11+s2+$0x0], $0xffff  }
0x955: {  	v17 =	vor.u32 s1, v0;
	v12 =	vadd.f32 v12, v10  }
0x956: {  	s3 =	sadd.s32 $0xFFFFFFFB, s30;
	v18 =	vld.idx.msk [tilespmem:v13+s2+$0x0], $0xffff  }
0x957: {  	v19 =	vor.u32 s3, v0;
	v14 =	vadd.f32 v14, v12  }
0x958: {  	s4 =	sadd.s32 $0xFFFFFFFC, s30;
	v20 =	vld.idx.msk [tilespmem:v15+s2+$0x0], $0xffff  }
0x959: {  	v21 =	vor.u32 s4, v0;
	v16 =	vadd.f32 v16, v14  }
0x95a: {  	s5 =	sadd.s32 $0xFFFFFFFD, s30;
	v22 =	vld.idx.msk [tilespmem:v17+s2+$0x0], $0xffff  }
0x95b: {  	v23 =	vor.u32 s5, v0;
	v18 =	vadd.f32 v18, v16  }
0x95c: {  	s1 =	sadd.s32 $0xFFFFFFFE, s30;
	v24 =	vld.idx.msk [tilespmem:v19+s2+$0x0], $0xffff  }
0x95d: {  	v25 =	vor.u32 s1, v0;
	v20 =	vadd.f32 v20, v18  }
0x95e: {  	s3 =	sadd.s32 $0xFFFFFFFF, s30;
	v26 =	vld.idx.msk [tilespmem:v21+s2+$0x0], $0xffff  }
0x95f: {  	v27 =	vor.u32 s3, v0;
	v22 =	vadd.f32 v22, v20  }
0x960: {  	v28 =	vld.idx.msk [tilespmem:v23+s2+$0x0], $0xffff  }
0x961: {  	v29 =	vor.u32 s30, v0;
	v24 =	vadd.f32 v24, v22  }
0x962: {  	v30 =	vld.idx.msk [tilespmem:v25+s2+$0x0], $0xffff  }
0x963: {  	v26 =	vadd.f32 v26, v24  }
0x964: {  	v31 =	vld.idx.msk [tilespmem:v27+s2+$0x0], $0xffff  }
0x965: {  	v28 =	vadd.f32 v28, v26  }
0x966: {  	v32 =	vld.idx.msk [tilespmem:v29+s2+$0x0], $0xffff  }
0x967: {  	v30 =	vadd.f32 v30, v28;
	_ =	sdelay $0x1  }
0x968: {  	v31 =	vadd.f32 v31, v30;
	_ =	sdelay $0x1  }
0x969: {  	v32 =	vadd.f32 v32, v31;
	_ =	sdelay $0x1  }
0x96a: {  	(xrf2) =	vadd.scan.msk.f32 $0xffff, v32;
	_ =	sdelay $0x9  }
0x96b: {  	v33, _, _ =	vpop (xrf2)  }
0x96c: {  	v34 =	vsub.f32 v33, v32;
	_ =	sdelay $0x1  }
0x96d: {  	v34 =	vadd.f32 s29, v34;
	_ =	sdelay $0x1  }
0x96e: {  	v5 =	vadd.f32 v34, v5  }
0x96f: {  	v6 =	vadd.f32 v34, v6  }
0x970: {  	(v2sf) =	vpush v33, $0xF;
	v8 =	vadd.f32 v34, v8;
	[tilespmem:v3+s2+$0x0] =	vst.idx.msk $0xffff, v5  }
0x971: {  	v3 =	vadd.f32 v34, v10;
	[tilespmem:v1+s2+$0x0] =	vst.idx.msk $0xffff, v6  }
0x972: {  	v1 =	vadd.f32 v34, v12;
	[tilespmem:v2+s2+$0x0] =	vst.idx.msk $0xffff, v8  }
0x973: {  	v2 =	vadd.f32 v34, v14;
	[tilespmem:v4+s2+$0x0] =	vst.idx.msk $0xffff, v3  }
0x974: {  	v3 =	vadd.f32 v34, v16;
	[tilespmem:v7+s2+$0x0] =	vst.idx.msk $0xffff, v1  }
0x975: {  	v1 =	vadd.f32 v34, v18;
	[tilespmem:v9+s2+$0x0] =	vst.idx.msk $0xffff, v2  }
0x976: {  	v2 =	vadd.f32 v34, v20;
	[tilespmem:v11+s2+$0x0] =	vst.idx.msk $0xffff, v3  }
0x977: {  	v3 =	vadd.f32 v34, v22;
	[tilespmem:v13+s2+$0x0] =	vst.idx.msk $0xffff, v1  }
0x978: {  	v1 =	vadd.f32 v34, v24;
	[tilespmem:v15+s2+$0x0] =	vst.idx.msk $0xffff, v2  }
0x979: {  	v2 =	vadd.f32 v34, v26;
	[tilespmem:v17+s2+$0x0] =	vst.idx.msk $0xffff, v3  }
0x97a: {  	v3 =	vadd.f32 v34, v28;
	[tilespmem:v19+s2+$0x0] =	vst.idx.msk $0xffff, v1  }
0x97b: {  	v1 =	vadd.f32 v34, v30;
	[tilespmem:v21+s2+$0x0] =	vst.idx.msk $0xffff, v2  }
0x97c: {  	v2 =	vadd.f32 v34, v31;
	[tilespmem:v23+s2+$0x0] =	vst.idx.msk $0xffff, v3  }
0x97d: {  	v3 =	vadd.f32 v34, v32;
	[tilespmem:v25+s2+$0x0] =	vst.idx.msk $0xffff, v1  }
0x97e: {  	s1 =	simm.s32 $0x0;
	[tilespmem:v27+s2+$0x0] =	vst.idx.msk $0xffff, v2  }
0x97f: {  	s3 =	simm.s32 $0x1;
	s0 =	spop (v2sf);
	v1 =	vor.u32 s1, v0;
	[tilespmem:v29+s2+$0x0] =	vst.idx.msk $0xffff, v3  }
0x980: {  	v2 =	vor.u32 s3, v0;
	[hbm4b:s17+s20] =	stream.strided.scatter [tilespmem:s2], [sflag:$0x3], $0x4000, s21, s20, $0x38;
	[tilespmem:$0x8000] =	vst v63  }
0x981: {  	s4 =	simm.s32 $0x2;
	_ =	swait.ge [sflag:s24], $0x4000  }
0x982: {  	v3 =	vor.u32 s4, v0;
	[sflag:s24] =	ssyncset.done $0x0  }
0x983: {  	s5 =	simm.s32 $0x3;
	[sflag:s24] =	ssyncadd.s32 $0xFFFFC000  }
0x984: {  	v6 =	vor.u32 s5, v0;
	v7 =	vld.idx.msk [tilespmem:v1+s23+$0x0], $0xffff  }
0x985: {  	s3 =	simm.s32 $0x4;
	v4 =	vld.idx.msk [tilespmem:v2+s23+$0x0], $0xffff  }
0x986: {  	v8 =	vor.u32 s3, v0  }
0x987: {  	s4 =	simm.s32 $0x5;
	v5 =	vld.idx.msk [tilespmem:v3+s23+$0x0], $0xffff  }
0x988: {  	v37 =	vor.u32 s4, v0  }
0x989: {  	s5 =	simm.s32 $0x6;
	v38 =	vld.idx.msk [tilespmem:v6+s23+$0x0], $0xffff  }
0x98a: {  	v39 =	vor.u32 s5, v0;
	v40 =	vadd.f32 v4, v7  }
0x98b: {  	s3 =	simm.s32 $0x7;
	v4 =	vld.idx.msk [tilespmem:v8+s23+$0x0], $0xffff  }
0x98c: {  	v41 =	vor.u32 s3, v0;
	v42 =	vadd.f32 v5, v40  }
0x98d: {  	s4 =	simm.s32 $0x8;
	v5 =	vld.idx.msk [tilespmem:v37+s23+$0x0], $0xffff  }
0x98e: {  	v43 =	vor.u32 s4, v0;
	v10 =	vadd.f32 v38, v42  }
0x98f: {  	s5 =	simm.s32 $0x9;
	v44 =	vld.idx.msk [tilespmem:v39+s23+$0x0], $0xffff  }
0x990: {  	v45 =	vor.u32 s5, v0;
	v46 =	vadd.f32 v4, v10  }
0x991: {  	s3 =	simm.s32 $0xA;
	v4 =	vld.idx.msk [tilespmem:v41+s23+$0x0], $0xffff  }
0x992: {  	v47 =	vor.u32 s3, v0;
	v48 =	vadd.f32 v5, v46  }
0x993: {  	s4 =	simm.s32 $0xB;
	v5 =	vld.idx.msk [tilespmem:v43+s23+$0x0], $0xffff  }
0x994: {  	v49 =	vor.u32 s4, v0;
	v16 =	vadd.f32 v44, v48  }
0x995: {  	s5 =	simm.s32 $0xC;
	v50 =	vld.idx.msk [tilespmem:v45+s23+$0x0], $0xffff  }
0x996: {  	v51 =	vor.u32 s5, v0;
	v52 =	vadd.f32 v4, v16  }
0x997: {  	s3 =	simm.s32 $0xD;
	v53 =	vld.idx.msk [tilespmem:v47+s23+$0x0], $0xffff  }
0x998: {  	v54 =	vor.u32 s3, v0;
	v55 =	vadd.f32 v5, v52  }
0x999: {  	s4 =	simm.s32 $0xE;
	v56 =	vld.idx.msk [tilespmem:v49+s23+$0x0], $0xffff  }
0x99a: {  	v4 =	vor.u32 s4, v0;
	v22 =	vadd.f32 v50, v55  }
0x99b: {  	s5 =	simm.s32 $0xF;
	v57 =	vld.idx.msk [tilespmem:v51+s23+$0x0], $0xffff  }
0x99c: {  	v5 =	vor.u32 s5, v0;
	v25 =	vadd.f32 v53, v22  }
0x99d: {  	v58 =	vld.idx.msk [tilespmem:v54+s23+$0x0], $0xffff  }
0x99e: {  	v28 =	vadd.f32 v56, v25  }
0x99f: {  	v59 =	vld.idx.msk [tilespmem:v4+s23+$0x0], $0xffff  }
0x9a0: {  	v29 =	vadd.f32 v57, v28  }
0x9a1: {  	v60 =	vld.idx.msk [tilespmem:v5+s23+$0x0], $0xffff  }
0x9a2: {  	v30 =	vadd.f32 v58, v29;
	_ =	sdelay $0x1  }
0x9a3: {  	v31 =	vadd.f32 v59, v30;
	_ =	sdelay $0x1  }
0x9a4: {  	v32 =	vadd.f32 v60, v31;
	_ =	sdelay $0x1  }
0x9a5: {  	(xrf2) =	vadd.scan.msk.f32 $0xffff, v32;
	_ =	sdelay $0x9  }
0x9a6: {  	v61, _, _ =	vpop (xrf2)  }
0x9a7: {  	s0 =	sadd.f32 s0, s29;
	v62 =	vsub.f32 v61, v32;
	_ =	sdelay $0x1  }
0x9a8: {  	v63 =	vadd.f32 s0, v62  }
0x9a9: {  	(v2sf) =	vpush v61, $0xF  }
0x9aa: {  	v7 =	vadd.f32 v63, v7  }
0x9ab: {  	v12 =	vadd.f32 v63, v40  }
0x9ac: {  	v14 =	vadd.f32 v63, v42;
	[tilespmem:v1+s23+$0x0] =	vst.idx.msk $0xffff, v7  }
0x9ad: {  	v1 =	vadd.f32 v63, v10;
	[tilespmem:v2+s23+$0x0] =	vst.idx.msk $0xffff, v12  }
0x9ae: {  	v2 =	vadd.f32 v63, v46;
	[tilespmem:v3+s23+$0x0] =	vst.idx.msk $0xffff, v14  }
0x9af: {  	v3 =	vadd.f32 v63, v48;
	[tilespmem:v6+s23+$0x0] =	vst.idx.msk $0xffff, v1  }
0x9b0: {  	v1 =	vadd.f32 v63, v16;
	[tilespmem:v8+s23+$0x0] =	vst.idx.msk $0xffff, v2  }
0x9b1: {  	v2 =	vadd.f32 v63, v52;
	[tilespmem:v37+s23+$0x0] =	vst.idx.msk $0xffff, v3  }
0x9b2: {  	v3 =	vadd.f32 v63, v55;
	[tilespmem:v39+s23+$0x0] =	vst.idx.msk $0xffff, v1  }
0x9b3: {  	v1 =	vadd.f32 v63, v22;
	[tilespmem:v41+s23+$0x0] =	vst.idx.msk $0xffff, v2  }
0x9b4: {  	v2 =	vadd.f32 v63, v25;
	[tilespmem:v43+s23+$0x0] =	vst.idx.msk $0xffff, v3  }
0x9b5: {  	v3 =	vadd.f32 v63, v28;
	[tilespmem:v45+s23+$0x0] =	vst.idx.msk $0xffff, v1  }
0x9b6: {  	v1 =	vadd.f32 v63, v29;
	[tilespmem:v47+s23+$0x0] =	vst.idx.msk $0xffff, v2  }
0x9b7: {  	s3 =	simm.s32 $0x100;
	v8 =	vadd.f32 v63, v30;
	[tilespmem:v49+s23+$0x0] =	vst.idx.msk $0xffff, v3  }
0x9b8: {  	s4 =	simm.s32 $0x101;
	s5 =	simm.s32 $0x102;
	v7 =	vadd.f32 v63, v32;
	s1 =	spop (v2sf);
	v3 =	vor.u32 s3, v0;
	[tilespmem:v51+s23+$0x0] =	vst.idx.msk $0xffff, v1  }
0x9b9: {  	s31 =	simm.s32 $0x20F;
	s30 =	simm.s32 $0x10F;
	v6 =	vadd.f32 v63, v31;
	s29 =	sadd.f32 s1, s0;
	v2 =	vor.u32 s5, v0;
	v1 =	vor.u32 s4, v0;
	[tilespmem:v54+s23+$0x0] =	vst.idx.msk $0xffff, v8  }
.LBB2_30:
0x9ba: {  	p0 =	sne.s32 s31, $0x1F0F  }
0x9bb: {  	s1 =	sadd.s32 $0xFFFFFFF4, s30;
	[tilespmem:v4+s23+$0x0] =	vst.idx.msk $0xffff, v6;
	s0 =	smov.u32 s31;
	s31 =	sadd.s32 $0x100, s31  }
0x9bc: {  	v6 =	vor.u32 s1, v0;
	[tilespmem:v5+s23+$0x0] =	vst.idx.msk $0xffff, v7  }
0x9bd: {  	s1 =	sadd.s32 $0xFFFFFFF5, s30;
	v9 =	vld.idx.msk [tilespmem:v3+s23+$0x0], $0xffff  }
0x9be: {  	v7 =	vor.u32 s1, v0;
	v4 =	vld.idx.msk [tilespmem:v1+s23+$0x0], $0xffff  }
0x9bf: {  	s1 =	sadd.s32 $0xFFFFFFF6, s30;
	v5 =	vld.idx.msk [tilespmem:v2+s23+$0x0], $0xffff  }
0x9c0: {  	v8 =	vor.u32 s1, v0  }
0x9c1: {  	s1 =	sadd.s32 $0xFFFFFFF7, s30;
	v10 =	vld.idx.msk [tilespmem:v6+s23+$0x0], $0xffff  }
0x9c2: {  	v11 =	vor.u32 s1, v0  }
0x9c3: {  	s1 =	sadd.s32 $0xFFFFFFF8, s30;
	v12 =	vld.idx.msk [tilespmem:v7+s23+$0x0], $0xffff  }
0x9c4: {  	v13 =	vor.u32 s1, v0;
	v14 =	vadd.f32 v4, v9  }
0x9c5: {  	s1 =	sadd.s32 $0xFFFFFFF9, s30;
	v4 =	vld.idx.msk [tilespmem:v8+s23+$0x0], $0xffff  }
0x9c6: {  	v15 =	vor.u32 s1, v0;
	v16 =	vadd.f32 v5, v14  }
0x9c7: {  	s1 =	sadd.s32 $0xFFFFFFFA, s30;
	v5 =	vld.idx.msk [tilespmem:v11+s23+$0x0], $0xffff  }
0x9c8: {  	v17 =	vor.u32 s1, v0;
	v10 =	vadd.f32 v10, v16  }
0x9c9: {  	s1 =	sadd.s32 $0xFFFFFFFB, s30;
	v18 =	vld.idx.msk [tilespmem:v13+s23+$0x0], $0xffff  }
0x9ca: {  	v19 =	vor.u32 s1, v0;
	v12 =	vadd.f32 v12, v10  }
0x9cb: {  	s1 =	sadd.s32 $0xFFFFFFFC, s30;
	v20 =	vld.idx.msk [tilespmem:v15+s23+$0x0], $0xffff  }
0x9cc: {  	v21 =	vor.u32 s1, v0;
	v22 =	vadd.f32 v4, v12  }
0x9cd: {  	s1 =	sadd.s32 $0xFFFFFFFD, s30;
	v23 =	vld.idx.msk [tilespmem:v17+s23+$0x0], $0xffff  }
0x9ce: {  	v24 =	vor.u32 s1, v0;
	v25 =	vadd.f32 v5, v22  }
0x9cf: {  	s1 =	sadd.s32 $0xFFFFFFFE, s30;
	v26 =	vld.idx.msk [tilespmem:v19+s23+$0x0], $0xffff  }
0x9d0: {  	v27 =	vor.u32 s1, v0;
	v18 =	vadd.f32 v18, v25  }
0x9d1: {  	s1 =	sadd.s32 $0xFFFFFFFF, s30;
	v28 =	vld.idx.msk [tilespmem:v21+s23+$0x0], $0xffff  }
0x9d2: {  	v4 =	vor.u32 s1, v0;
	v20 =	vadd.f32 v20, v18  }
0x9d3: {  	v29 =	vld.idx.msk [tilespmem:v24+s23+$0x0], $0xffff  }
0x9d4: {  	v5 =	vor.u32 s30, v0;
	s30 =	smov.u32 s0;
	v23 =	vadd.f32 v23, v20  }
0x9d5: {  	v30 =	vld.idx.msk [tilespmem:v27+s23+$0x0], $0xffff  }
0x9d6: {  	v26 =	vadd.f32 v26, v23  }
0x9d7: {  	v31 =	vld.idx.msk [tilespmem:v4+s23+$0x0], $0xffff  }
0x9d8: {  	v28 =	vadd.f32 v28, v26  }
0x9d9: {  	v32 =	vld.idx.msk [tilespmem:v5+s23+$0x0], $0xffff  }
0x9da: {  	v29 =	vadd.f32 v29, v28;
	_ =	sdelay $0x1  }
0x9db: {  	v30 =	vadd.f32 v30, v29;
	_ =	sdelay $0x1  }
0x9dc: {  	v31 =	vadd.f32 v31, v30;
	_ =	sdelay $0x1  }
0x9dd: {  	v32 =	vadd.f32 v32, v31;
	_ =	sdelay $0x1  }
0x9de: {  	(xrf2) =	vadd.scan.msk.f32 $0xffff, v32;
	_ =	sdelay $0x9  }
0x9df: {  	v33, _, _ =	vpop (xrf2)  }
0x9e0: {  	v34 =	vsub.f32 v33, v32;
	(v2sf) =	vpush v33, $0xF;
	_ =	sdelay $0x1  }
0x9e1: {  	v33 =	vadd.f32 s29, v34;
	_ =	sdelay $0x1  }
0x9e2: {  	v9 =	vadd.f32 v33, v9;
	v14 =	vadd.f32 v33, v14  }
0x9e3: {  	v16 =	vadd.f32 v33, v16;
	v10 =	vadd.f32 v33, v10  }
0x9e4: {  	[tilespmem:v3+s23+$0x0] =	vst.idx.msk $0xffff, v9;
	v3 =	vadd.f32 v33, v12;
	v9 =	vadd.f32 v33, v22  }
0x9e5: {  	v12 =	vadd.f32 v33, v18;
	[tilespmem:v1+s23+$0x0] =	vst.idx.msk $0xffff, v14;
	v1 =	vadd.f32 v33, v25  }
0x9e6: {  	v14 =	vadd.f32 v33, v23;
	[tilespmem:v2+s23+$0x0] =	vst.idx.msk $0xffff, v16;
	v2 =	vadd.f32 v33, v20  }
0x9e7: {  	v16 =	vadd.f32 v33, v28;
	[tilespmem:v6+s23+$0x0] =	vst.idx.msk $0xffff, v10;
	v10 =	vadd.f32 v33, v26  }
0x9e8: {  	v18 =	vadd.f32 v33, v29;
	v20 =	vadd.f32 v33, v30;
	[tilespmem:v7+s23+$0x0] =	vst.idx.msk $0xffff, v3  }
0x9e9: {  	v6 =	vadd.f32 v33, v31;
	v7 =	vadd.f32 v33, v32;
	[tilespmem:v8+s23+$0x0] =	vst.idx.msk $0xffff, v9  }
0x9ea: {  	[tilespmem:v11+s23+$0x0] =	vst.idx.msk $0xffff, v1  }
0x9eb: {  	[tilespmem:v13+s23+$0x0] =	vst.idx.msk $0xffff, v12  }
0x9ec: {  	[tilespmem:v15+s23+$0x0] =	vst.idx.msk $0xffff, v2  }
.Ltmp14:
0x9ed: {  	[tilespmem:v17+s23+$0x0] =	vst.idx.msk $0xffff, v14;
	s0 =	spop (v2sf);
	(pc) =	sbr.rel @p0 .LBB2_30-.Ltmp14, $4  }
0x9ee: {  	s1 =	sadd.s32 $0xFFFFFFF1, s30;
	s3 =	sadd.s32 $0xFFFFFFF2, s30;
	[tilespmem:v19+s23+$0x0] =	vst.idx.msk $0xffff, v10;
	s29 =	sadd.f32 s0, s29  }
0x9ef: {  	v3 =	vor.u32 s1, v0;
	v1 =	vor.u32 s3, v0;
	[tilespmem:v21+s23+$0x0] =	vst.idx.msk $0xffff, v16  }
0x9f0: {  	s0 =	sadd.s32 $0xFFFFFFF3, s30;
	[tilespmem:v24+s23+$0x0] =	vst.idx.msk $0xffff, v18  }
0x9f1: {  	v2 =	vor.u32 s0, v0;
	[tilespmem:v27+s23+$0x0] =	vst.idx.msk $0xffff, v20  }
0x9f2: {  	_ =	sdelay $0x3  }
0x9f3: {  	[tilespmem:v4+s23+$0x0] =	vst.idx.msk $0xffff, v6  }
0x9f4: {  	s0 =	sadd.s32 $0xFFFFFFF4, s30;
	[tilespmem:v5+s23+$0x0] =	vst.idx.msk $0xffff, v7  }
0x9f5: {  	v4 =	vor.u32 s0, v0;
	v5 =	vld.idx.msk [tilespmem:v3+s23+$0x0], $0xffff  }
0x9f6: {  	s1 =	sadd.s32 $0xFFFFFFF5, s30;
	v6 =	vld.idx.msk [tilespmem:v1+s23+$0x0], $0xffff  }
0x9f7: {  	v7 =	vor.u32 s1, v0  }
0x9f8: {  	s3 =	sadd.s32 $0xFFFFFFF6, s30;
	v8 =	vld.idx.msk [tilespmem:v2+s23+$0x0], $0xffff  }
0x9f9: {  	v9 =	vor.u32 s3, v0  }
0x9fa: {  	s4 =	sadd.s32 $0xFFFFFFF7, s30;
	v10 =	vld.idx.msk [tilespmem:v4+s23+$0x0], $0xffff  }
0x9fb: {  	v11 =	vor.u32 s4, v0;
	v6 =	vadd.f32 v6, v5  }
0x9fc: {  	s5 =	sadd.s32 $0xFFFFFFF8, s30;
	v12 =	vld.idx.msk [tilespmem:v7+s23+$0x0], $0xffff  }
0x9fd: {  	v13 =	vor.u32 s5, v0;
	v8 =	vadd.f32 v8, v6  }
0x9fe: {  	s1 =	sadd.s32 $0xFFFFFFF9, s30;
	v14 =	vld.idx.msk [tilespmem:v9+s23+$0x0], $0xffff  }
0x9ff: {  	v15 =	vor.u32 s1, v0;
	v10 =	vadd.f32 v10, v8  }
0xa00: {  	s3 =	sadd.s32 $0xFFFFFFFA, s30;
	v16 =	vld.idx.msk [tilespmem:v11+s23+$0x0], $0xffff  }
0xa01: {  	v17 =	vor.u32 s3, v0;
	v12 =	vadd.f32 v12, v10  }
0xa02: {  	s4 =	sadd.s32 $0xFFFFFFFB, s30;
	v18 =	vld.idx.msk [tilespmem:v13+s23+$0x0], $0xffff  }
0xa03: {  	v19 =	vor.u32 s4, v0;
	v14 =	vadd.f32 v14, v12  }
0xa04: {  	s5 =	sadd.s32 $0xFFFFFFFC, s30;
	v20 =	vld.idx.msk [tilespmem:v15+s23+$0x0], $0xffff  }
0xa05: {  	v21 =	vor.u32 s5, v0;
	v16 =	vadd.f32 v16, v14  }
0xa06: {  	s1 =	sadd.s32 $0xFFFFFFFD, s30;
	v22 =	vld.idx.msk [tilespmem:v17+s23+$0x0], $0xffff  }
0xa07: {  	v23 =	vor.u32 s1, v0;
	v18 =	vadd.f32 v18, v16  }
0xa08: {  	s3 =	sadd.s32 $0xFFFFFFFE, s30;
	v24 =	vld.idx.msk [tilespmem:v19+s23+$0x0], $0xffff  }
0xa09: {  	v25 =	vor.u32 s3, v0;
	v20 =	vadd.f32 v20, v18  }
0xa0a: {  	s4 =	sadd.s32 $0xFFFFFFFF, s30;
	v26 =	vld.idx.msk [tilespmem:v21+s23+$0x0], $0xffff  }
0xa0b: {  	v27 =	vor.u32 s4, v0;
	v22 =	vadd.f32 v22, v20  }
0xa0c: {  	v28 =	vld.idx.msk [tilespmem:v23+s23+$0x0], $0xffff  }
0xa0d: {  	v29 =	vor.u32 s30, v0;
	v24 =	vadd.f32 v24, v22  }
0xa0e: {  	v30 =	vld.idx.msk [tilespmem:v25+s23+$0x0], $0xffff  }
0xa0f: {  	v26 =	vadd.f32 v26, v24  }
0xa10: {  	v31 =	vld.idx.msk [tilespmem:v27+s23+$0x0], $0xffff  }
0xa11: {  	v28 =	vadd.f32 v28, v26  }
0xa12: {  	v32 =	vld.idx.msk [tilespmem:v29+s23+$0x0], $0xffff  }
0xa13: {  	v30 =	vadd.f32 v30, v28;
	_ =	sdelay $0x1  }
0xa14: {  	v31 =	vadd.f32 v31, v30;
	_ =	sdelay $0x1  }
0xa15: {  	v32 =	vadd.f32 v32, v31;
	_ =	sdelay $0x1  }
0xa16: {  	(xrf2) =	vadd.scan.msk.f32 $0xffff, v32;
	_ =	sdelay $0x9  }
0xa17: {  	v33, _, _ =	vpop (xrf2)  }
0xa18: {  	v34 =	vsub.f32 v33, v32;
	_ =	sdelay $0x1  }
0xa19: {  	v34 =	vadd.f32 s29, v34;
	_ =	sdelay $0x1  }
0xa1a: {  	v5 =	vadd.f32 v34, v5  }
0xa1b: {  	v6 =	vadd.f32 v34, v6  }
0xa1c: {  	v8 =	vadd.f32 v34, v8;
	[tilespmem:v3+s23+$0x0] =	vst.idx.msk $0xffff, v5  }
0xa1d: {  	v3 =	vadd.f32 v34, v10;
	[tilespmem:v1+s23+$0x0] =	vst.idx.msk $0xffff, v6  }
0xa1e: {  	v1 =	vadd.f32 v34, v12;
	[tilespmem:v2+s23+$0x0] =	vst.idx.msk $0xffff, v8  }
0xa1f: {  	v2 =	vadd.f32 v34, v14;
	[tilespmem:v4+s23+$0x0] =	vst.idx.msk $0xffff, v3  }
0xa20: {  	v3 =	vadd.f32 v34, v16;
	[tilespmem:v7+s23+$0x0] =	vst.idx.msk $0xffff, v1  }
0xa21: {  	v1 =	vadd.f32 v34, v18;
	[tilespmem:v9+s23+$0x0] =	vst.idx.msk $0xffff, v2  }
0xa22: {  	v2 =	vadd.f32 v34, v20;
	[tilespmem:v11+s23+$0x0] =	vst.idx.msk $0xffff, v3  }
0xa23: {  	v3 =	vadd.f32 v34, v22;
	[tilespmem:v13+s23+$0x0] =	vst.idx.msk $0xffff, v1  }
0xa24: {  	v1 =	vadd.f32 v34, v24;
	[tilespmem:v15+s23+$0x0] =	vst.idx.msk $0xffff, v2  }
0xa25: {  	v2 =	vadd.f32 v34, v26;
	[tilespmem:v17+s23+$0x0] =	vst.idx.msk $0xffff, v3  }
0xa26: {  	s5 =	simm.s32 $0x2000;
	v3 =	vadd.f32 v34, v28;
	[tilespmem:v19+s23+$0x0] =	vst.idx.msk $0xffff, v1  }
0xa27: {  	s1 =	simm.s32 $0x2001;
	v1 =	vadd.f32 v34, v30;
	[tilespmem:v21+s23+$0x0] =	vst.idx.msk $0xffff, v2;
	v2 =	vor.u32 s5, v0  }
0xa28: {  	v4 =	vadd.f32 v34, v31;
	[tilespmem:v23+s23+$0x0] =	vst.idx.msk $0xffff, v3;
	v3 =	vor.u32 s1, v0  }
0xa29: {  	s3 =	simm.s32 $0x2002;
	v5 =	vadd.f32 v34, v32;
	[tilespmem:v25+s23+$0x0] =	vst.idx.msk $0xffff, v1  }
0xa2a: {  	v1 =	vor.u32 s3, v0;
	[tilespmem:v27+s23+$0x0] =	vst.idx.msk $0xffff, v4  }
0xa2b: {  	s4 =	simm.s32 $0x2003;
	[tilespmem:v29+s23+$0x0] =	vst.idx.msk $0xffff, v5  }
0xa2c: {  	v6 =	vor.u32 s4, v0;
	v7 =	vld.idx.msk [tilespmem:v2+s23+$0x0], $0xffff  }
0xa2d: {  	s5 =	simm.s32 $0x2004;
	v4 =	vld.idx.msk [tilespmem:v3+s23+$0x0], $0xffff  }
0xa2e: {  	v8 =	vor.u32 s5, v0  }
0xa2f: {  	s1 =	simm.s32 $0x2005;
	v5 =	vld.idx.msk [tilespmem:v1+s23+$0x0], $0xffff  }
0xa30: {  	v39 =	vor.u32 s1, v0  }
0xa31: {  	s3 =	simm.s32 $0x2006;
	v40 =	vld.idx.msk [tilespmem:v6+s23+$0x0], $0xffff  }
0xa32: {  	v41 =	vor.u32 s3, v0;
	v42 =	vadd.f32 v4, v7  }
0xa33: {  	s4 =	simm.s32 $0x2007;
	v4 =	vld.idx.msk [tilespmem:v8+s23+$0x0], $0xffff  }
0xa34: {  	v43 =	vor.u32 s4, v0;
	v44 =	vadd.f32 v5, v42  }
0xa35: {  	s5 =	simm.s32 $0x2008;
	v5 =	vld.idx.msk [tilespmem:v39+s23+$0x0], $0xffff  }
0xa36: {  	v45 =	vor.u32 s5, v0;
	v10 =	vadd.f32 v40, v44  }
0xa37: {  	s1 =	simm.s32 $0x2009;
	v46 =	vld.idx.msk [tilespmem:v41+s23+$0x0], $0xffff  }
0xa38: {  	v47 =	vor.u32 s1, v0;
	v48 =	vadd.f32 v4, v10  }
0xa39: {  	s3 =	simm.s32 $0x200A;
	v4 =	vld.idx.msk [tilespmem:v43+s23+$0x0], $0xffff  }
0xa3a: {  	v49 =	vor.u32 s3, v0;
	v50 =	vadd.f32 v5, v48  }
0xa3b: {  	s4 =	simm.s32 $0x200B;
	v5 =	vld.idx.msk [tilespmem:v45+s23+$0x0], $0xffff  }
0xa3c: {  	v51 =	vor.u32 s4, v0;
	v16 =	vadd.f32 v46, v50  }
0xa3d: {  	s5 =	simm.s32 $0x200C;
	v52 =	vld.idx.msk [tilespmem:v47+s23+$0x0], $0xffff  }
0xa3e: {  	v53 =	vor.u32 s5, v0;
	v54 =	vadd.f32 v4, v16  }
0xa3f: {  	s1 =	simm.s32 $0x200D;
	v25 =	vld.idx.msk [tilespmem:v49+s23+$0x0], $0xffff  }
0xa40: {  	v55 =	vor.u32 s1, v0;
	v56 =	vadd.f32 v5, v54  }
0xa41: {  	s3 =	simm.s32 $0x200E;
	v57 =	vld.idx.msk [tilespmem:v51+s23+$0x0], $0xffff  }
0xa42: {  	v4 =	vor.u32 s3, v0;
	v22 =	vadd.f32 v52, v56  }
0xa43: {  	s4 =	simm.s32 $0x200F;
	v29 =	vld.idx.msk [tilespmem:v53+s23+$0x0], $0xffff  }
0xa44: {  	v5 =	vor.u32 s4, v0;
	v25 =	vadd.f32 v25, v22  }
0xa45: {  	v58 =	vld.idx.msk [tilespmem:v55+s23+$0x0], $0xffff  }
0xa46: {  	v28 =	vadd.f32 v57, v25  }
0xa47: {  	v59 =	vld.idx.msk [tilespmem:v4+s23+$0x0], $0xffff  }
0xa48: {  	v29 =	vadd.f32 v29, v28  }
0xa49: {  	v60 =	vld.idx.msk [tilespmem:v5+s23+$0x0], $0xffff  }
0xa4a: {  	v30 =	vadd.f32 v58, v29  }
0xa4b: {  	(v2sf) =	vpush v33, $0xF  }
0xa4c: {  	v31 =	vadd.f32 v59, v30;
	_ =	sdelay $0x1  }
0xa4d: {  	v32 =	vadd.f32 v60, v31;
	_ =	sdelay $0x1  }
0xa4e: {  	(xrf2) =	vadd.scan.msk.f32 $0xffff, v32;
	_ =	sdelay $0x9  }
0xa4f: {  	s5 =	spop (v2sf);
	v61, _, _ =	vpop (xrf2)  }
0xa50: {  	s0 =	sadd.f32 s5, s29;
	v62 =	vsub.f32 v61, v32;
	_ =	sdelay $0x1  }
0xa51: {  	v63 =	vadd.f32 s0, v62  }
0xa52: {  	(v2sf) =	vpush v61, $0xF  }
0xa53: {  	v7 =	vadd.f32 v63, v7  }
0xa54: {  	v12 =	vadd.f32 v63, v42  }
0xa55: {  	v14 =	vadd.f32 v63, v44;
	[tilespmem:v2+s23+$0x0] =	vst.idx.msk $0xffff, v7  }
0xa56: {  	v2 =	vadd.f32 v63, v10;
	[tilespmem:v3+s23+$0x0] =	vst.idx.msk $0xffff, v12  }
0xa57: {  	v3 =	vadd.f32 v63, v48;
	[tilespmem:v1+s23+$0x0] =	vst.idx.msk $0xffff, v14  }
0xa58: {  	v1 =	vadd.f32 v63, v50;
	[tilespmem:v6+s23+$0x0] =	vst.idx.msk $0xffff, v2  }
0xa59: {  	v2 =	vadd.f32 v63, v16;
	[tilespmem:v8+s23+$0x0] =	vst.idx.msk $0xffff, v3  }
0xa5a: {  	v3 =	vadd.f32 v63, v54;
	[tilespmem:v39+s23+$0x0] =	vst.idx.msk $0xffff, v1  }
0xa5b: {  	v1 =	vadd.f32 v63, v56;
	[tilespmem:v41+s23+$0x0] =	vst.idx.msk $0xffff, v2  }
0xa5c: {  	v2 =	vadd.f32 v63, v22;
	[tilespmem:v43+s23+$0x0] =	vst.idx.msk $0xffff, v3  }
0xa5d: {  	v3 =	vadd.f32 v63, v25;
	[tilespmem:v45+s23+$0x0] =	vst.idx.msk $0xffff, v1  }
0xa5e: {  	v1 =	vadd.f32 v63, v28;
	[tilespmem:v47+s23+$0x0] =	vst.idx.msk $0xffff, v2  }
0xa5f: {  	v2 =	vadd.f32 v63, v29;
	[tilespmem:v49+s23+$0x0] =	vst.idx.msk $0xffff, v3  }
0xa60: {  	s3 =	simm.s32 $0x2100;
	v8 =	vadd.f32 v63, v30;
	[tilespmem:v51+s23+$0x0] =	vst.idx.msk $0xffff, v1  }
0xa61: {  	s5 =	simm.s32 $0x2102;
	s4 =	simm.s32 $0x2101;
	v7 =	vadd.f32 v63, v32;
	s1 =	spop (v2sf);
	v3 =	vor.u32 s3, v0;
	[tilespmem:v53+s23+$0x0] =	vst.idx.msk $0xffff, v2  }
0xa62: {  	s31 =	simm.s32 $0x220F;
	s30 =	simm.s32 $0x210F;
	v6 =	vadd.f32 v63, v31;
	s29 =	sadd.f32 s1, s0;
	v1 =	vor.u32 s4, v0;
	v2 =	vor.u32 s5, v0;
	[tilespmem:v55+s23+$0x0] =	vst.idx.msk $0xffff, v8  }
.LBB2_32:
0xa63: {  	p0 =	sne.s32 s31, $0x3F0F  }
0xa64: {  	s1 =	sadd.s32 $0xFFFFFFF4, s30;
	[tilespmem:v4+s23+$0x0] =	vst.idx.msk $0xffff, v6;
	s0 =	smov.u32 s31;
	s31 =	sadd.s32 $0x100, s31  }
0xa65: {  	v6 =	vor.u32 s1, v0;
	[tilespmem:v5+s23+$0x0] =	vst.idx.msk $0xffff, v7  }
0xa66: {  	s1 =	sadd.s32 $0xFFFFFFF5, s30;
	v9 =	vld.idx.msk [tilespmem:v3+s23+$0x0], $0xffff  }
0xa67: {  	v7 =	vor.u32 s1, v0;
	v4 =	vld.idx.msk [tilespmem:v1+s23+$0x0], $0xffff  }
0xa68: {  	s1 =	sadd.s32 $0xFFFFFFF6, s30;
	v5 =	vld.idx.msk [tilespmem:v2+s23+$0x0], $0xffff  }
0xa69: {  	v8 =	vor.u32 s1, v0  }
0xa6a: {  	s1 =	sadd.s32 $0xFFFFFFF7, s30;
	v10 =	vld.idx.msk [tilespmem:v6+s23+$0x0], $0xffff  }
0xa6b: {  	v11 =	vor.u32 s1, v0  }
0xa6c: {  	s1 =	sadd.s32 $0xFFFFFFF8, s30;
	v12 =	vld.idx.msk [tilespmem:v7+s23+$0x0], $0xffff  }
0xa6d: {  	v13 =	vor.u32 s1, v0;
	v14 =	vadd.f32 v4, v9  }
0xa6e: {  	s1 =	sadd.s32 $0xFFFFFFF9, s30;
	v4 =	vld.idx.msk [tilespmem:v8+s23+$0x0], $0xffff  }
0xa6f: {  	v15 =	vor.u32 s1, v0;
	v16 =	vadd.f32 v5, v14  }
0xa70: {  	s1 =	sadd.s32 $0xFFFFFFFA, s30;
	v5 =	vld.idx.msk [tilespmem:v11+s23+$0x0], $0xffff  }
0xa71: {  	v17 =	vor.u32 s1, v0;
	v10 =	vadd.f32 v10, v16  }
0xa72: {  	s1 =	sadd.s32 $0xFFFFFFFB, s30;
	v18 =	vld.idx.msk [tilespmem:v13+s23+$0x0], $0xffff  }
0xa73: {  	v19 =	vor.u32 s1, v0;
	v12 =	vadd.f32 v12, v10  }
0xa74: {  	s1 =	sadd.s32 $0xFFFFFFFC, s30;
	v20 =	vld.idx.msk [tilespmem:v15+s23+$0x0], $0xffff  }
0xa75: {  	v21 =	vor.u32 s1, v0;
	v22 =	vadd.f32 v4, v12  }
0xa76: {  	s1 =	sadd.s32 $0xFFFFFFFD, s30;
	v23 =	vld.idx.msk [tilespmem:v17+s23+$0x0], $0xffff  }
0xa77: {  	v24 =	vor.u32 s1, v0;
	v25 =	vadd.f32 v5, v22  }
0xa78: {  	s1 =	sadd.s32 $0xFFFFFFFE, s30;
	v26 =	vld.idx.msk [tilespmem:v19+s23+$0x0], $0xffff  }
0xa79: {  	v27 =	vor.u32 s1, v0;
	v18 =	vadd.f32 v18, v25  }
0xa7a: {  	s1 =	sadd.s32 $0xFFFFFFFF, s30;
	v28 =	vld.idx.msk [tilespmem:v21+s23+$0x0], $0xffff  }
0xa7b: {  	v4 =	vor.u32 s1, v0;
	v20 =	vadd.f32 v20, v18  }
0xa7c: {  	v29 =	vld.idx.msk [tilespmem:v24+s23+$0x0], $0xffff  }
0xa7d: {  	v5 =	vor.u32 s30, v0;
	s30 =	smov.u32 s0;
	v23 =	vadd.f32 v23, v20  }
0xa7e: {  	v30 =	vld.idx.msk [tilespmem:v27+s23+$0x0], $0xffff  }
0xa7f: {  	v26 =	vadd.f32 v26, v23  }
0xa80: {  	v31 =	vld.idx.msk [tilespmem:v4+s23+$0x0], $0xffff  }
0xa81: {  	v28 =	vadd.f32 v28, v26  }
0xa82: {  	v32 =	vld.idx.msk [tilespmem:v5+s23+$0x0], $0xffff  }
0xa83: {  	v29 =	vadd.f32 v29, v28;
	_ =	sdelay $0x1  }
0xa84: {  	v30 =	vadd.f32 v30, v29;
	_ =	sdelay $0x1  }
0xa85: {  	v31 =	vadd.f32 v31, v30;
	_ =	sdelay $0x1  }
0xa86: {  	v32 =	vadd.f32 v32, v31;
	_ =	sdelay $0x1  }
0xa87: {  	(xrf2) =	vadd.scan.msk.f32 $0xffff, v32;
	_ =	sdelay $0x9  }
0xa88: {  	v33, _, _ =	vpop (xrf2)  }
0xa89: {  	v34 =	vsub.f32 v33, v32;
	(v2sf) =	vpush v33, $0xF;
	_ =	sdelay $0x1  }
0xa8a: {  	v33 =	vadd.f32 s29, v34;
	_ =	sdelay $0x1  }
0xa8b: {  	v9 =	vadd.f32 v33, v9;
	v14 =	vadd.f32 v33, v14  }
0xa8c: {  	v16 =	vadd.f32 v33, v16;
	v10 =	vadd.f32 v33, v10  }
0xa8d: {  	[tilespmem:v3+s23+$0x0] =	vst.idx.msk $0xffff, v9;
	v3 =	vadd.f32 v33, v12;
	v9 =	vadd.f32 v33, v22  }
0xa8e: {  	v12 =	vadd.f32 v33, v18;
	[tilespmem:v1+s23+$0x0] =	vst.idx.msk $0xffff, v14;
	v1 =	vadd.f32 v33, v25  }
0xa8f: {  	v14 =	vadd.f32 v33, v23;
	[tilespmem:v2+s23+$0x0] =	vst.idx.msk $0xffff, v16;
	v2 =	vadd.f32 v33, v20  }
0xa90: {  	v16 =	vadd.f32 v33, v28;
	[tilespmem:v6+s23+$0x0] =	vst.idx.msk $0xffff, v10;
	v10 =	vadd.f32 v33, v26  }
0xa91: {  	v18 =	vadd.f32 v33, v29;
	v20 =	vadd.f32 v33, v30;
	[tilespmem:v7+s23+$0x0] =	vst.idx.msk $0xffff, v3  }
0xa92: {  	v6 =	vadd.f32 v33, v31;
	v7 =	vadd.f32 v33, v32;
	[tilespmem:v8+s23+$0x0] =	vst.idx.msk $0xffff, v9  }
0xa93: {  	[tilespmem:v11+s23+$0x0] =	vst.idx.msk $0xffff, v1  }
0xa94: {  	[tilespmem:v13+s23+$0x0] =	vst.idx.msk $0xffff, v12  }
0xa95: {  	[tilespmem:v15+s23+$0x0] =	vst.idx.msk $0xffff, v2  }
.Ltmp15:
0xa96: {  	[tilespmem:v17+s23+$0x0] =	vst.idx.msk $0xffff, v14;
	s0 =	spop (v2sf);
	(pc) =	sbr.rel @p0 .LBB2_32-.Ltmp15, $4  }
0xa97: {  	s1 =	sadd.s32 $0xFFFFFFF1, s30;
	s3 =	sadd.s32 $0xFFFFFFF2, s30;
	[tilespmem:v19+s23+$0x0] =	vst.idx.msk $0xffff, v10;
	s29 =	sadd.f32 s0, s29  }
0xa98: {  	v3 =	vor.u32 s1, v0;
	v1 =	vor.u32 s3, v0;
	[tilespmem:v21+s23+$0x0] =	vst.idx.msk $0xffff, v16  }
0xa99: {  	s0 =	sadd.s32 $0xFFFFFFF3, s30;
	[tilespmem:v24+s23+$0x0] =	vst.idx.msk $0xffff, v18  }
0xa9a: {  	v2 =	vor.u32 s0, v0;
	[tilespmem:v27+s23+$0x0] =	vst.idx.msk $0xffff, v20  }
0xa9b: {  	_ =	sdelay $0x3  }
0xa9c: {  	[tilespmem:v4+s23+$0x0] =	vst.idx.msk $0xffff, v6  }
0xa9d: {  	s0 =	sadd.s32 $0xFFFFFFF4, s30;
	[tilespmem:v5+s23+$0x0] =	vst.idx.msk $0xffff, v7  }
0xa9e: {  	v62 =	vor.u32 s0, v0;
	v5 =	vld.idx.msk [tilespmem:v3+s23+$0x0], $0xffff  }
0xa9f: {  	s5 =	sadd.s32 $0xFFFFFFF5, s30;
	v6 =	vld.idx.msk [tilespmem:v1+s23+$0x0], $0xffff  }
0xaa0: {  	v63 =	vor.u32 s5, v0  }
0xaa1: {  	s31 =	sadd.s32 $0xFFFFFFF6, s30;
	v8 =	vld.idx.msk [tilespmem:v2+s23+$0x0], $0xffff  }
0xaa2: {  	v9 =	vor.u32 s31, v0  }
0xaa3: {  	s1 =	sadd.s32 $0xFFFFFFF7, s30;
	v10 =	vld.idx.msk [tilespmem:v62+s23+$0x0], $0xffff  }
0xaa4: {  	v11 =	vor.u32 s1, v0;
	v6 =	vadd.f32 v6, v5  }
0xaa5: {  	s3 =	sadd.s32 $0xFFFFFFF8, s30;
	v12 =	vld.idx.msk [tilespmem:v63+s23+$0x0], $0xffff  }
0xaa6: {  	v13 =	vor.u32 s3, v0;
	v8 =	vadd.f32 v8, v6  }
0xaa7: {  	s4 =	sadd.s32 $0xFFFFFFF9, s30;
	v14 =	vld.idx.msk [tilespmem:v9+s23+$0x0], $0xffff  }
0xaa8: {  	v15 =	vor.u32 s4, v0;
	v10 =	vadd.f32 v10, v8  }
0xaa9: {  	s5 =	sadd.s32 $0xFFFFFFFA, s30;
	v16 =	vld.idx.msk [tilespmem:v11+s23+$0x0], $0xffff  }
0xaaa: {  	v17 =	vor.u32 s5, v0;
	v12 =	vadd.f32 v12, v10  }
0xaab: {  	s31 =	sadd.s32 $0xFFFFFFFB, s30;
	v18 =	vld.idx.msk [tilespmem:v13+s23+$0x0], $0xffff  }
0xaac: {  	v19 =	vor.u32 s31, v0;
	v14 =	vadd.f32 v14, v12  }
0xaad: {  	s1 =	sadd.s32 $0xFFFFFFFC, s30;
	v20 =	vld.idx.msk [tilespmem:v15+s23+$0x0], $0xffff  }
0xaae: {  	v21 =	vor.u32 s1, v0;
	v16 =	vadd.f32 v16, v14  }
0xaaf: {  	s3 =	sadd.s32 $0xFFFFFFFD, s30;
	v22 =	vld.idx.msk [tilespmem:v17+s23+$0x0], $0xffff  }
0xab0: {  	v23 =	vor.u32 s3, v0;
	v18 =	vadd.f32 v18, v16  }
0xab1: {  	s4 =	sadd.s32 $0xFFFFFFFE, s30;
	v24 =	vld.idx.msk [tilespmem:v19+s23+$0x0], $0xffff  }
0xab2: {  	v25 =	vor.u32 s4, v0;
	v20 =	vadd.f32 v20, v18  }
0xab3: {  	s5 =	sadd.s32 $0xFFFFFFFF, s30;
	v26 =	vld.idx.msk [tilespmem:v21+s23+$0x0], $0xffff  }
0xab4: {  	v27 =	vor.u32 s5, v0;
	v22 =	vadd.f32 v22, v20  }
0xab5: {  	v28 =	vld.idx.msk [tilespmem:v23+s23+$0x0], $0xffff  }
0xab6: {  	v29 =	vor.u32 s30, v0;
	v24 =	vadd.f32 v24, v22  }
0xab7: {  	v30 =	vld.idx.msk [tilespmem:v25+s23+$0x0], $0xffff  }
0xab8: {  	v26 =	vadd.f32 v26, v24  }
0xab9: {  	v31 =	vld.idx.msk [tilespmem:v27+s23+$0x0], $0xffff  }
0xaba: {  	v28 =	vadd.f32 v28, v26  }
0xabb: {  	v32 =	vld.idx.msk [tilespmem:v29+s23+$0x0], $0xffff  }
0xabc: {  	v30 =	vadd.f32 v30, v28;
	_ =	sdelay $0x1  }
0xabd: {  	v31 =	vadd.f32 v31, v30;
	_ =	sdelay $0x1  }
0xabe: {  	v32 =	vadd.f32 v32, v31;
	_ =	sdelay $0x1  }
0xabf: {  	(xrf2) =	vadd.scan.msk.f32 $0xffff, v32;
	_ =	sdelay $0x9  }
0xac0: {  	v33, _, _ =	vpop (xrf2)  }
0xac1: {  	v34 =	vsub.f32 v33, v32;
	_ =	sdelay $0x1  }
0xac2: {  	v34 =	vadd.f32 s29, v34;
	_ =	sdelay $0x1  }
0xac3: {  	v5 =	vadd.f32 v34, v5  }
0xac4: {  	v6 =	vadd.f32 v34, v6  }
0xac5: {  	(v2sf) =	vpush v33, $0xF;
	v8 =	vadd.f32 v34, v8;
	[tilespmem:v3+s23+$0x0] =	vst.idx.msk $0xffff, v5  }
0xac6: {  	v3 =	vadd.f32 v34, v10;
	[tilespmem:v1+s23+$0x0] =	vst.idx.msk $0xffff, v6  }
0xac7: {  	v1 =	vadd.f32 v34, v12;
	[tilespmem:v2+s23+$0x0] =	vst.idx.msk $0xffff, v8  }
0xac8: {  	v2 =	vadd.f32 v34, v14;
	[tilespmem:v62+s23+$0x0] =	vst.idx.msk $0xffff, v3  }
0xac9: {  	v3 =	vadd.f32 v34, v16;
	[tilespmem:v63+s23+$0x0] =	vst.idx.msk $0xffff, v1  }
0xaca: {  	v1 =	vadd.f32 v34, v18;
	[tilespmem:v9+s23+$0x0] =	vst.idx.msk $0xffff, v2  }
0xacb: {  	v2 =	vadd.f32 v34, v20;
	[tilespmem:v11+s23+$0x0] =	vst.idx.msk $0xffff, v3  }
0xacc: {  	v3 =	vadd.f32 v34, v22;
	[tilespmem:v13+s23+$0x0] =	vst.idx.msk $0xffff, v1  }
0xacd: {  	v1 =	vadd.f32 v34, v24;
	[tilespmem:v15+s23+$0x0] =	vst.idx.msk $0xffff, v2  }
0xace: {  	v2 =	vadd.f32 v34, v26;
	[tilespmem:v17+s23+$0x0] =	vst.idx.msk $0xffff, v3  }
0xacf: {  	v3 =	vadd.f32 v34, v28;
	[tilespmem:v19+s23+$0x0] =	vst.idx.msk $0xffff, v1  }
0xad0: {  	v1 =	vadd.f32 v34, v30;
	[tilespmem:v21+s23+$0x0] =	vst.idx.msk $0xffff, v2  }
0xad1: {  	v2 =	vadd.f32 v34, v31;
	[tilespmem:v23+s23+$0x0] =	vst.idx.msk $0xffff, v3  }
0xad2: {  	v3 =	vadd.f32 v34, v32;
	[tilespmem:v25+s23+$0x0] =	vst.idx.msk $0xffff, v1  }
0xad3: {  	[tilespmem:v27+s23+$0x0] =	vst.idx.msk $0xffff, v2  }
0xad4: {  	s28 =	sadd.s32 $0x1, s28;
	s31 =	spop (v2sf);
	[tilespmem:v29+s23+$0x0] =	vst.idx.msk $0xffff, v3  }
0xad5: {  	[hbm4b:s18+s20] =	stream.strided.scatter [tilespmem:s23], [sflag:$0x4], $0x4000, s21, s20, $0x38;
	[tilespmem:$0x8000] =	vst v63  }
0xad6: {  	p0 =	sne.s32 s28, s19;
	_ =	swait.ge [sflag:s25], $0x4000  }
.Ltmp16:
0xad7: {  	[sflag:s25] =	ssyncset.done $0x0;
	(pc) =	sbr.rel @p0 .LBB2_1-.Ltmp16, $4  }
0xad8: {  	[sflag:s25] =	ssyncadd.s32 $0xFFFFC000  }
0xad9: {  	_ =	swait.ge [sflag:s26], $0x4000  }
0xada: {  	[sflag:s26] =	ssyncset.done $0x0  }
0xadb: {  	[sflag:s26] =	ssyncadd.s32 $0xFFFFC000  }
0xadc: {  	_ =	sfence.sel $0x180000  }
0xadd: {  	[bflag:$0x0] =	sbarrier.arrive $0xFFFF  }
0xade: {  	_ =	strace $0x90000047  }
0xadf: {  	s0 =	stileid.u32;
	[bflag:$0x2] =	sbarrier.arrive $0xFFFF  }
0xae0: {  	p0 =	sne.s32 s0, $0x0;
	s0 =	rddreg [dreg:$0x2]  }
0xae1: {  	s0 =	sadd.s32 @!p0 $0x100000, s0  }
0xae2: {  	[sflag:s0] =	ssyncadd.tile.s32 @!p0 $0x1;
	_ =	shalt  }
.Lfunc_end2:
_tile_overlayer_lowered:
.L_overlay_start_2:
0xae3: {  	(tag) =	ssettag $0x2  }
0xae4: {  	s0 =	rddreg [dreg:$0x0];
	s2 =	stileid.u32  }
0xae5: {  	s1 =	rddreg [dreg:$0x1];
	p0 =	sne.s32 s2, $0x0  }
0xae6: {  	s3 =	rddreg [dreg:$0x2];
	[bflag:$0x3] =	sbarrier.arrive $0xFFFF;
	s2 =	simm.s32 @!p0 $0x1C05  }
0xae7: {  	[timem:s3], [sflag:s2] =	dma.local @!p0 [hbm:s0], s1  }
0xae8: {  	s0 =	simm.s32 @!p0 $0x5  }
0xae9: {  	_ =	swait.ge @!p0 [sflag:s0], s1  }
0xaea: {  	s1 =	ssub.s32 @!p0 $0x0, s1;
	[sflag:s0] =	ssyncset.done @!p0 $0x0  }
0xaeb: {  	[sflag:s0] =	ssyncadd.s32 @!p0 s1  }
0xaec: {  	[bflag:$0x3] =	sbarrier.arrive $0xFFFF  }
0xaed: {  	_ =	shalt  }

</sc_bundles>
